<compile_context>
chip_gen: v7x
topology: tpu7x:2x2x1
jax: 0.10.2.dev20260603
libtpu: 0.0.44.dev20260713+nightly
codegen_flags: <defaults>
</compile_context>

<pallas_src>
import functools

import jax
import jax.numpy as jnp
from jax import lax
from jax.experimental import pallas as pl
from jax.experimental.pallas import tpu as pltpu
from jax.experimental.pallas import tpu_sc as plsc

_N = 10000
_E = 640000
_D = 128
_H = 64
_NP = 10240

_NC = 2
_NS = 16
_CHUNK = 128
_CPW0 = 240
_CPW1 = 80
_CPP = _CPW0 + _CPW1
_EROWS = 5376
_RPS = _NP // _NS

_BR = 512




_NBUF = 4
_LEAD = 2


def _make_edge_pass_body(with_count):
    def _edge_pass_body(htab, row2d, col2d, zrows, zcnt, *rest):
        if with_count:
            (out, out_cnt, idx_r, idx_c, r0, r1, r2, r3, acc, cnt,
             g0, g1, g2, g3, s0, s1, s2, s3) = rest
        else:
            (out, idx_r, idx_c, r0, r1, r2, r3, acc,
             g0, g1, g2, g3, s0, s1, s2, s3) = rest
        rows = [r0, r1, r2, r3]
        gsems = [g0, g1, g2, g3]
        ssems = [s0, s1, s2, s3]
        c = lax.axis_index("c")
        s = lax.axis_index("s")
        base = s * _CPP + c * _CPW0
        nh = jnp.where(c == 0, _CPW0 // 2, _CPW1 // 2)
        ones16 = jnp.full((16,), 1.0, jnp.float32)

        pltpu.sync_copy(zrows, acc.at[pl.ds(s * _RPS, _RPS)])
        if with_count:
            pltpu.sync_copy(zcnt, cnt)

        for h in range(2):
            pltpu.sync_copy(row2d.at[pl.ds(base + h * nh, _CPW0 // 2)], idx_r)
            pltpu.sync_copy(col2d.at[pl.ds(base + h * nh, _CPW0 // 2)], idx_c)
            if h == 0:
                plsc.subcore_barrier()

            for b in range(_LEAD):
                pltpu.async_copy(htab.at[idx_r.at[b]], rows[b], gsems[b])

            def body(i, carry):
                j0 = _NBUF * i
                for b in range(_NBUF):
                    j = j0 + b
                    pltpu.make_async_copy(htab.at[idx_r.at[j]], rows[b],
                                          gsems[b]).wait()
                    pltpu.async_copy(rows[b], acc.at[idx_c.at[j]], ssems[b],
                                     add=True)
                    if with_count:
                        for k in range(_CHUNK // 16):
                            v = idx_c[j, pl.ds(k * 16, 16)]
                            plsc.addupdate_scatter(cnt, [v], ones16)
                    ba = (b + _LEAD) % _NBUF

                    @pl.when(j + _LEAD - _NBUF >= 0)
                    def _():
                        pltpu.make_async_copy(
                            rows[ba], acc.at[idx_c.at[j + _LEAD - _NBUF]],
                            ssems[ba]).wait()

                    @pl.when(j + _LEAD < nh)
                    def _():
                        pltpu.async_copy(htab.at[idx_r.at[j + _LEAD]],
                                         rows[ba], gsems[ba])

                return carry

            lax.fori_loop(0, nh // _NBUF, body, 0, unroll=False)

            for k in range(_LEAD):
                b = _NBUF - _LEAD + k
                pltpu.make_async_copy(rows[b],
                                      acc.at[idx_c.at[nh - _LEAD + k]],
                                      ssems[b]).wait()

        plsc.subcore_barrier()
        pltpu.sync_copy(acc.at[pl.ds(s * _RPS, _RPS)],
                        out.at[c, pl.ds(s * _RPS, _RPS)])
        if with_count:
            pltpu.sync_copy(cnt, out_cnt.at[c, s])

    return _edge_pass_body


@functools.lru_cache(maxsize=None)
def _get_edge_pass(with_count):
    mesh = plsc.VectorSubcoreMesh(core_axis_name="c", subcore_axis_name="s",
                                  num_cores=_NC, num_subcores=_NS)
    out_type = [jax.ShapeDtypeStruct((_NC, _NP, _H), jnp.float32)]
    scratch = [
        pltpu.VMEM((_CPW0 // 2, _CHUNK), jnp.int32),
        pltpu.VMEM((_CPW0 // 2, _CHUNK), jnp.int32),
        pltpu.VMEM((_CHUNK, _H), jnp.float32),
        pltpu.VMEM((_CHUNK, _H), jnp.float32),
        pltpu.VMEM((_CHUNK, _H), jnp.float32),
        pltpu.VMEM((_CHUNK, _H), jnp.float32),
        pltpu.VMEM_SHARED((_NP, _H), jnp.float32),
    ]
    if with_count:
        out_type.append(jax.ShapeDtypeStruct((_NC, _NS, _NP), jnp.float32))
        scratch.append(pltpu.VMEM((_NP,), jnp.float32))
    scratch += [pltpu.SemaphoreType.DMA] * 8
    return pl.kernel(
        _make_edge_pass_body(with_count),
        out_type=tuple(out_type),
        mesh=mesh,
        scratch_types=scratch,
        compiler_params=pltpu.CompilerParams(use_tc_tiling_on_sc=False,
                                             needs_layout_passes=False),
    )


def _embed_body(x_ref, w_ref, b_ref, o_ref):
    o_ref[...] = jnp.dot(x_ref[...], w_ref[...],
                         preferred_element_type=jnp.float32) + b_ref[...]


_embed = pl.pallas_call(
    _embed_body,
    grid=(_NP // _BR,),
    in_specs=[
        pl.BlockSpec((_BR, _D), lambda i: (i, 0)),
        pl.BlockSpec((_D, _H), lambda i: (0, 0)),
        pl.BlockSpec((1, _H), lambda i: (0, 0)),
    ],
    out_specs=pl.BlockSpec((_BR, _H), lambda i: (i, 0)),
    out_shape=jax.ShapeDtypeStruct((_NP, _H), jnp.float32),
)


def _new_h(he_ref, p_ref, pc_ref, wma_ref, wmb_ref, bm_ref, wua_ref, wub_ref,
           bu_ref, g_ref, be_ref):
    h = he_ref[...]
    G = p_ref[0] + p_ref[1]
    cnt = jnp.sum(pc_ref[...], axis=(0, 1))[:, None]
    cntc = jnp.maximum(cnt, 1.0)
    aggr = (jnp.dot(G, wma_ref[...], preferred_element_type=jnp.float32)
            + cnt * jnp.dot(h, wmb_ref[...], preferred_element_type=jnp.float32)
            + cnt * bm_ref[...]) / cntc
    upd = (jnp.dot(h, wua_ref[...], preferred_element_type=jnp.float32)
           + jnp.dot(aggr, wub_ref[...], preferred_element_type=jnp.float32)
           + bu_ref[...])
    y = h + upd
    mu = jnp.mean(y, axis=1, keepdims=True)
    var = jnp.mean((y - mu) ** 2, axis=1, keepdims=True)
    return (y - mu) * lax.rsqrt(var + 1e-5) * g_ref[...] + be_ref[...]


def _layer_body(he_ref, p_ref, pc_ref, wma_ref, wmb_ref, bm_ref, wua_ref,
                wub_ref, bu_ref, g_ref, be_ref, o_ref):
    o_ref[...] = _new_h(he_ref, p_ref, pc_ref, wma_ref, wmb_ref, bm_ref,
                        wua_ref, wub_ref, bu_ref, g_ref, be_ref)


def _final_body(he_ref, p_ref, pc_ref, wma_ref, wmb_ref, bm_ref, wua_ref,
                wub_ref, bu_ref, g_ref, be_ref, wo1_ref, bo1_ref, wo2_ref,
                bo2_ref, o_ref):
    hn = _new_h(he_ref, p_ref, pc_ref, wma_ref, wmb_ref, bm_ref, wua_ref,
                wub_ref, bu_ref, g_ref, be_ref)
    z = jnp.dot(hn, wo1_ref[...], preferred_element_type=jnp.float32) \
        + bo1_ref[...]
    z = 0.5 * z * (1.0 + lax.erf(z * 0.7071067811865476))
    z = jnp.dot(z, wo2_ref[...], preferred_element_type=jnp.float32) \
        + bo2_ref[...]
    o_ref[...] = 1.0 / (1.0 + jnp.exp(-z))


_layer_specs = [
    pl.BlockSpec((_BR, _H), lambda i: (i, 0)),
    pl.BlockSpec((_NC, _BR, _H), lambda i: (0, i, 0)),
    pl.BlockSpec((_NC, _NS, _BR), lambda i: (0, 0, i)),
    pl.BlockSpec((_H, _H), lambda i: (0, 0)),
    pl.BlockSpec((_H, _H), lambda i: (0, 0)),
    pl.BlockSpec((1, _H), lambda i: (0, 0)),
    pl.BlockSpec((_H, _H), lambda i: (0, 0)),
    pl.BlockSpec((_H, _H), lambda i: (0, 0)),
    pl.BlockSpec((1, _H), lambda i: (0, 0)),
    pl.BlockSpec((1, _H), lambda i: (0, 0)),
    pl.BlockSpec((1, _H), lambda i: (0, 0)),
]

_layer = pl.pallas_call(
    _layer_body,
    grid=(_NP // _BR,),
    in_specs=_layer_specs,
    out_specs=pl.BlockSpec((_BR, _H), lambda i: (i, 0)),
    out_shape=jax.ShapeDtypeStruct((_NP, _H), jnp.float32),
)

_final = pl.pallas_call(
    _final_body,
    grid=(_NP // _BR,),
    in_specs=_layer_specs + [
        pl.BlockSpec((_H, _H // 2), lambda i: (0, 0)),
        pl.BlockSpec((1, _H // 2), lambda i: (0, 0)),
        pl.BlockSpec((_H // 2, 1), lambda i: (0, 0)),
        pl.BlockSpec((1, 1), lambda i: (0, 0)),
    ],
    out_specs=pl.BlockSpec((_BR, 1), lambda i: (i, 0)),
    out_shape=jax.ShapeDtypeStruct((_NP, 1), jnp.float32),
)


def kernel(x, edge_index, W_in, b_in, W_msg0, b_msg0, W_upd0, b_upd0, g0, be0,
           W_msg1, b_msg1, W_upd1, b_upd1, g1, be1, W_o1, b_o1, W_o2, b_o2):
    row = edge_index[0]
    col = edge_index[1]
    pad = jnp.full((_EROWS * _CHUNK - _E,), _N, jnp.int32)
    row2d = jnp.concatenate([row, pad]).reshape(_EROWS, _CHUNK)
    col2d = jnp.concatenate([col, pad]).reshape(_EROWS, _CHUNK)
    xp = jnp.zeros((_NP, _D), jnp.float32).at[:_N].set(x)
    zrows = jnp.zeros((_RPS, _H), jnp.float32)
    zcnt = jnp.zeros((_NP,), jnp.float32)

    h0e = _embed(xp, W_in, b_in.reshape(1, _H))
    p0, pc = _get_edge_pass(True)(h0e, row2d, col2d, zrows, zcnt)
    h1e = _layer(h0e, p0, pc,
                 W_msg0[:_H], W_msg0[_H:], b_msg0.reshape(1, _H),
                 W_upd0[:_H], W_upd0[_H:], b_upd0.reshape(1, _H),
                 g0.reshape(1, _H), be0.reshape(1, _H))
    (p1,) = _get_edge_pass(False)(h1e, row2d, col2d, zrows, zcnt)
    out = _final(h1e, p1, pc,
                 W_msg1[:_H], W_msg1[_H:], b_msg1.reshape(1, _H),
                 W_upd1[:_H], W_upd1[_H:], b_upd1.reshape(1, _H),
                 g1.reshape(1, _H), be1.reshape(1, _H),
                 W_o1, b_o1.reshape(1, _H // 2), W_o2, b_o2.reshape(1, 1))
    return out[:_N, 0]

# --- scband reference (transcript-rebuilt; emitter-appended) ---
"""Pipeline reference for scband-reaction-center-predictor-80290118631443 (READ-ONLY COPY).

The authoritative reference and input builder live on the scoring server;
editing this copy changes nothing except your own understanding.
"""

import jax, jax.numpy as jnp
import numpy as np

N = 10000
E = 640000
D = 128
H = 64


def setup_inputs(seed: int = 0):
    key = jax.random.key(seed)
    ks = jax.random.split(key, 12)
    def w(k, shape, fan_in):
        return (jax.random.normal(k, shape, dtype=jnp.float32) / np.sqrt(fan_in)).astype(jnp.float32)
    inp = {}
    inp["x"] = jax.random.normal(ks[0], (N, D), dtype=jnp.float32)
    inp["edge_index"] = jax.random.randint(ks[1], (2, E), 0, N, dtype=jnp.int32)
    inp["W_in"] = w(ks[2], (D, H), D)
    inp["b_in"] = jnp.zeros((H,), jnp.float32)
    inp["W_msg0"] = w(ks[3], (2 * H, H), 2 * H)
    inp["b_msg0"] = jnp.zeros((H,), jnp.float32)
    inp["W_upd0"] = w(ks[4], (2 * H, H), 2 * H)
    inp["b_upd0"] = jnp.zeros((H,), jnp.float32)
    inp["g0"] = jnp.ones((H,), jnp.float32)
    inp["be0"] = jnp.zeros((H,), jnp.float32)
    inp["W_msg1"] = w(ks[5], (2 * H, H), 2 * H)
    inp["b_msg1"] = jnp.zeros((H,), jnp.float32)
    inp["W_upd1"] = w(ks[6], (2 * H, H), 2 * H)
    inp["b_upd1"] = jnp.zeros((H,), jnp.float32)
    inp["g1"] = jnp.ones((H,), jnp.float32)
    inp["be1"] = jnp.zeros((H,), jnp.float32)
    inp["W_o1"] = w(ks[7], (H, H // 2), H)
    inp["b_o1"] = jnp.zeros((H // 2,), jnp.float32)
    inp["W_o2"] = w(ks[8], (H // 2, 1), H // 2)
    inp["b_o2"] = jnp.zeros((1,), jnp.float32)
    return inp


def _layer_norm(x, g, b, eps=1e-5):
    mu = jnp.mean(x, axis=-1, keepdims=True)
    var = jnp.var(x, axis=-1, keepdims=True)
    return (x - mu) / jnp.sqrt(var + eps) * g + b


def reference(x, edge_index, W_in, b_in, W_msg0, b_msg0, W_upd0, b_upd0, g0, be0, W_msg1, b_msg1, W_upd1, b_upd1, g1, be1, W_o1, b_o1, W_o2, b_o2):
    h = x @ W_in + b_in
    row = edge_index[0]
    col = edge_index[1]
    layers = ((W_msg0, b_msg0, W_upd0, b_upd0, g0, be0),
              (W_msg1, b_msg1, W_upd1, b_upd1, g1, be1))
    for (W_msg, b_msg, W_upd, b_upd, g, be) in layers:
        msg = jnp.concatenate([h[row], h[col]], axis=-1) @ W_msg + b_msg
        aggr = jax.ops.segment_sum(msg, col, num_segments=h.shape[0])
        count = jax.ops.segment_sum(jnp.ones((col.shape[0], 1), jnp.float32), col, num_segments=h.shape[0])
        aggr = aggr / jnp.maximum(count, 1.0)
        upd = jnp.concatenate([h, aggr], axis=-1) @ W_upd + b_upd
        h = _layer_norm(h + upd, g, be)
    out = jax.nn.gelu(h @ W_o1 + b_o1, approximate=False) @ W_o2 + b_o2
    return jax.nn.sigmoid(out)[:, 0]

if __name__ == "__main__":
    import jax
    _d = setup_inputs()
    print(jax.jit(kernel)(*tuple(_d.values())))

</pallas_src>

<mosaic_0001>
#map = affine_map<(d0, d1) -> (0, 0)>
#map1 = affine_map<(d0, d1) -> (0)>
#map2 = affine_map<(d0, d1) -> (0, 0, 0)>
module attributes {stable_mosaic.version = 14 : i64} {
  func.func @_edge_pass_body(%arg0: i32, %arg1: i32, %arg2: memref<10240x64xf32, #tpu.memory_space<hbm>>, %arg3: memref<5376x128xi32, #tpu.memory_space<hbm>>, %arg4: memref<5376x128xi32, #tpu.memory_space<hbm>>, %arg5: memref<640x64xf32, #tpu.memory_space<hbm>>, %arg6: memref<10240xf32, #tpu.memory_space<hbm>>, %arg7: memref<2x10240x64xf32, #tpu.memory_space<hbm>>, %arg8: memref<2x16x10240xf32, #tpu.memory_space<hbm>>, %arg9: memref<120x128xi32, #tpu.memory_space<vmem>>, %arg10: memref<120x128xi32, #tpu.memory_space<vmem>>, %arg11: memref<128x64xf32, #tpu.memory_space<vmem>>, %arg12: memref<128x64xf32, #tpu.memory_space<vmem>>, %arg13: memref<128x64xf32, #tpu.memory_space<vmem>>, %arg14: memref<128x64xf32, #tpu.memory_space<vmem>>, %arg15: memref<10240x64xf32, #tpu.memory_space<vmem_shared>>, %arg16: memref<10240xf32, #tpu.memory_space<vmem>>, %arg17: memref<!tpu.dma_semaphore, #tpu.memory_space<semaphore_mem>>, %arg18: memref<!tpu.dma_semaphore, #tpu.memory_space<semaphore_mem>>, %arg19: memref<!tpu.dma_semaphore, #tpu.memory_space<semaphore_mem>>, %arg20: memref<!tpu.dma_semaphore, #tpu.memory_space<semaphore_mem>>, %arg21: memref<!tpu.dma_semaphore, #tpu.memory_space<semaphore_mem>>, %arg22: memref<!tpu.dma_semaphore, #tpu.memory_space<semaphore_mem>>, %arg23: memref<!tpu.dma_semaphore, #tpu.memory_space<semaphore_mem>>, %arg24: memref<!tpu.dma_semaphore, #tpu.memory_space<semaphore_mem>>) attributes {dimension_semantics = [#tpu.dimension_semantics<core_parallel>, #tpu.dimension_semantics<subcore_parallel>], iteration_bounds = array<i64: 2, 16>, scalar_prefetch = 0 : i64, scratch_operands = 16 : i64, tpu.core_type = #tpu.core_type<sc_vector_subcore>, window_params = [{transform_indices = #map}, {transform_indices = #map}, {transform_indices = #map}, {transform_indices = #map}, {transform_indices = #map1}, {transform_indices = #map2}, {transform_indices = #map2}]} {
    %mul3A = arith.constant 320 : i32
    %mul3A_0 = arith.muli %arg1, %mul3A : i32
    %mul3A_1 = arith.constant 240 : i32
    %mul3A_2 = arith.muli %arg0, %mul3A_1 : i32
    %add3A = arith.addi %mul3A_0, %mul3A_2 : i32
    %eq3A = arith.constant 0 : i32
    %eq3A_3 = arith.cmpi eq, %arg0, %eq3A : i32
    %jit3A = arith.constant 120 : i32
    %jit3A_4 = arith.constant 40 : i32
    %select_n3A = arith.select %eq3A_3, %jit3A, %jit3A_4 : i32
    %broadcast_in_dim3A = arith.constant 1.000000e+00 : f32
    %broadcast_in_dim3A_5 = vector.broadcast %broadcast_in_dim3A : f32 to vector<16xf32>
    %mul3A_6 = arith.constant 640 : i32
    %mul3A_7 = arith.muli %arg1, %mul3A_6 : i32
    "tpu.region"() ({
      %run_scoped3A = tpu.sem_alloc : memref<!tpu.dma_semaphore, #tpu.memory_space<semaphore_mem>>
      %dma_start3A_152 = arith.constant 0 : i32
      %dma_start3A_153 = tpu.memref_slice %arg15[%mul3A_7, %dma_start3A_152] : memref<10240x64xf32, #tpu.memory_space<vmem_shared>> -> memref<640x64xf32, #tpu.memory_space<vmem_shared>>
      tpu.enqueue_dma source(%arg5 : memref<640x64xf32, #tpu.memory_space<hbm>>) target(%dma_start3A_153 : memref<640x64xf32, #tpu.memory_space<vmem_shared>>) target_semaphore(%run_scoped3A : memref<!tpu.dma_semaphore, #tpu.memory_space<semaphore_mem>>)
      %dma_wait3A_154 = arith.constant 0 : i32
      %dma_wait3A_155 = tpu.memref_slice %arg15[%mul3A_7, %dma_wait3A_154] : memref<10240x64xf32, #tpu.memory_space<vmem_shared>> -> memref<640x64xf32, #tpu.memory_space<vmem_shared>>
      tpu.wait_dma2 semaphore(%run_scoped3A : memref<!tpu.dma_semaphore, #tpu.memory_space<semaphore_mem>>) src(%arg5 : memref<640x64xf32, #tpu.memory_space<hbm>>) dst(%dma_wait3A_155 : memref<640x64xf32, #tpu.memory_space<vmem_shared>>)
      tpu.yield
    }) : () -> ()
    "tpu.region"() ({
      %run_scoped3A = tpu.sem_alloc : memref<!tpu.dma_semaphore, #tpu.memory_space<semaphore_mem>>
      tpu.enqueue_dma source(%arg6 : memref<10240xf32, #tpu.memory_space<hbm>>) target(%arg16 : memref<10240xf32, #tpu.memory_space<vmem>>) target_semaphore(%run_scoped3A : memref<!tpu.dma_semaphore, #tpu.memory_space<semaphore_mem>>)
      tpu.wait_dma2 semaphore(%run_scoped3A : memref<!tpu.dma_semaphore, #tpu.memory_space<semaphore_mem>>) src(%arg6 : memref<10240xf32, #tpu.memory_space<hbm>>) dst(%arg16 : memref<10240xf32, #tpu.memory_space<vmem>>)
      tpu.yield
    }) : () -> ()
    %mul3A_8 = arith.constant 0 : i32
    %mul3A_9 = arith.muli %mul3A_8, %select_n3A : i32
    %add3A_10 = arith.addi %add3A, %mul3A_9 : i32
    "tpu.region"() ({
      %run_scoped3A = tpu.sem_alloc : memref<!tpu.dma_semaphore, #tpu.memory_space<semaphore_mem>>
      %dma_start3A_152 = arith.constant 0 : i32
      %dma_start3A_153 = tpu.memref_slice %arg3[%add3A_10, %dma_start3A_152] : memref<5376x128xi32, #tpu.memory_space<hbm>> -> memref<120x128xi32, #tpu.memory_space<hbm>>
      %dma_start3A_154 = arith.constant 0 : i32
      %dma_start3A_155 = tpu.memref_slice %arg3[%add3A_10, %dma_start3A_154] : memref<5376x128xi32, #tpu.memory_space<hbm>> -> memref<120x128xi32, #tpu.memory_space<hbm>>
      tpu.enqueue_dma source(%dma_start3A_155 : memref<120x128xi32, #tpu.memory_space<hbm>>) target(%arg9 : memref<120x128xi32, #tpu.memory_space<vmem>>) target_semaphore(%run_scoped3A : memref<!tpu.dma_semaphore, #tpu.memory_space<semaphore_mem>>)
      %dma_wait3A_156 = arith.constant 0 : i32
      %dma_wait3A_157 = tpu.memref_slice %arg3[%add3A_10, %dma_wait3A_156] : memref<5376x128xi32, #tpu.memory_space<hbm>> -> memref<120x128xi32, #tpu.memory_space<hbm>>
      %dma_wait3A_158 = arith.constant 0 : i32
      %dma_wait3A_159 = tpu.memref_slice %arg3[%add3A_10, %dma_wait3A_158] : memref<5376x128xi32, #tpu.memory_space<hbm>> -> memref<120x128xi32, #tpu.memory_space<hbm>>
      tpu.wait_dma2 semaphore(%run_scoped3A : memref<!tpu.dma_semaphore, #tpu.memory_space<semaphore_mem>>) src(%dma_wait3A_159 : memref<120x128xi32, #tpu.memory_space<hbm>>) dst(%arg9 : memref<120x128xi32, #tpu.memory_space<vmem>>)
      tpu.yield
    }) : () -> ()
    %mul3A_11 = arith.constant 0 : i32
    %mul3A_12 = arith.muli %mul3A_11, %select_n3A : i32
    %add3A_13 = arith.addi %add3A, %mul3A_12 : i32
    "tpu.region"() ({
      %run_scoped3A = tpu.sem_alloc : memref<!tpu.dma_semaphore, #tpu.memory_space<semaphore_mem>>
      %dma_start3A_152 = arith.constant 0 : i32
      %dma_start3A_153 = tpu.memref_slice %arg4[%add3A_13, %dma_start3A_152] : memref<5376x128xi32, #tpu.memory_space<hbm>> -> memref<120x128xi32, #tpu.memory_space<hbm>>
      %dma_start3A_154 = arith.constant 0 : i32
      %dma_start3A_155 = tpu.memref_slice %arg4[%add3A_13, %dma_start3A_154] : memref<5376x128xi32, #tpu.memory_space<hbm>> -> memref<120x128xi32, #tpu.memory_space<hbm>>
      tpu.enqueue_dma source(%dma_start3A_155 : memref<120x128xi32, #tpu.memory_space<hbm>>) target(%arg10 : memref<120x128xi32, #tpu.memory_space<vmem>>) target_semaphore(%run_scoped3A : memref<!tpu.dma_semaphore, #tpu.memory_space<semaphore_mem>>)
      %dma_wait3A_156 = arith.constant 0 : i32
      %dma_wait3A_157 = tpu.memref_slice %arg4[%add3A_13, %dma_wait3A_156] : memref<5376x128xi32, #tpu.memory_space<hbm>> -> memref<120x128xi32, #tpu.memory_space<hbm>>
      %dma_wait3A_158 = arith.constant 0 : i32
      %dma_wait3A_159 = tpu.memref_slice %arg4[%add3A_13, %dma_wait3A_158] : memref<5376x128xi32, #tpu.memory_space<hbm>> -> memref<120x128xi32, #tpu.memory_space<hbm>>
      tpu.wait_dma2 semaphore(%run_scoped3A : memref<!tpu.dma_semaphore, #tpu.memory_space<semaphore_mem>>) src(%dma_wait3A_159 : memref<120x128xi32, #tpu.memory_space<hbm>>) dst(%arg10 : memref<120x128xi32, #tpu.memory_space<vmem>>)
      tpu.yield
    }) : () -> ()
    %barrier3A = arith.constant 0 : index
    tpu.barrier barrier_id(%barrier3A)
    %dma_start3A = arith.constant 0 : i32
    %dma_start3A_14 = arith.constant 0 : i32
    %dma_start3A_15 = tpu.memref_slice %arg9[%dma_start3A, %dma_start3A_14] : memref<120x128xi32, #tpu.memory_space<vmem>> -> memref<1x128xi32, #tpu.memory_space<vmem>>
    %dma_start3A_16 = tpu.memref_squeeze %dma_start3A_15 : memref<1x128xi32, #tpu.memory_space<vmem>> -> memref<128xi32, #tpu.memory_space<vmem>>
    %dma_start3A_17 = arith.constant 0 : i32
    %dma_start3A_18 = arith.constant 0 : i32
    %dma_start3A_19 = tpu.memref_slice %arg2[%dma_start3A_17, %dma_start3A_18] : memref<10240x64xf32, #tpu.memory_space<hbm>> -> memref<10240x64xf32, #tpu.memory_space<hbm>>
    tpu.enqueue_indirect_dma source(%dma_start3A_19 : memref<10240x64xf32, #tpu.memory_space<hbm>>) target(%arg11 : memref<128x64xf32, #tpu.memory_space<vmem>>) offsets(%dma_start3A_16 : memref<128xi32, #tpu.memory_space<vmem>>) semaphore(%arg17 : memref<!tpu.dma_semaphore, #tpu.memory_space<semaphore_mem>>)
    %dma_start3A_20 = arith.constant 1 : i32
    %dma_start3A_21 = arith.constant 0 : i32
    %dma_start3A_22 = tpu.memref_slice %arg9[%dma_start3A_20, %dma_start3A_21] : memref<120x128xi32, #tpu.memory_space<vmem>> -> memref<1x128xi32, #tpu.memory_space<vmem>>
    %dma_start3A_23 = tpu.memref_squeeze %dma_start3A_22 : memref<1x128xi32, #tpu.memory_space<vmem>> -> memref<128xi32, #tpu.memory_space<vmem>>
    %dma_start3A_24 = arith.constant 0 : i32
    %dma_start3A_25 = arith.constant 0 : i32
    %dma_start3A_26 = tpu.memref_slice %arg2[%dma_start3A_24, %dma_start3A_25] : memref<10240x64xf32, #tpu.memory_space<hbm>> -> memref<10240x64xf32, #tpu.memory_space<hbm>>
    tpu.enqueue_indirect_dma source(%dma_start3A_26 : memref<10240x64xf32, #tpu.memory_space<hbm>>) target(%arg12 : memref<128x64xf32, #tpu.memory_space<vmem>>) offsets(%dma_start3A_23 : memref<128xi32, #tpu.memory_space<vmem>>) semaphore(%arg18 : memref<!tpu.dma_semaphore, #tpu.memory_space<semaphore_mem>>)
    %jit3A_27 = arith.constant 4 : i32
    %div3A = arith.divsi %select_n3A, %jit3A_27 : i32
    %sign3A = arith.constant 0 : i32
    %sign3A_28 = arith.cmpi sgt, %select_n3A, %sign3A : i32
    %sign3A_29 = arith.extui %sign3A_28 : i1 to i32
    %sign3A_30 = arith.constant 0 : i32
    %sign3A_31 = arith.cmpi slt, %select_n3A, %sign3A_30 : i32
    %sign3A_32 = arith.extui %sign3A_31 : i1 to i32
    %sign3A_33 = arith.subi %sign3A_29, %sign3A_32 : i32
    %sign3A_34 = arith.constant 0 : i32
    %sign3A_35 = arith.cmpi sgt, %jit3A_27, %sign3A_34 : i32
    %sign3A_36 = arith.extui %sign3A_35 : i1 to i32
    %sign3A_37 = arith.constant 0 : i32
    %sign3A_38 = arith.cmpi slt, %jit3A_27, %sign3A_37 : i32
    %sign3A_39 = arith.extui %sign3A_38 : i1 to i32
    %sign3A_40 = arith.subi %sign3A_36, %sign3A_39 : i32
    %ne3A = arith.cmpi ne, %sign3A_33, %sign3A_40 : i32
    %rem3A = arith.remsi %select_n3A, %jit3A_27 : i32
    %ne3A_41 = arith.constant 0 : i32
    %ne3A_42 = arith.cmpi ne, %rem3A, %ne3A_41 : i32
    %and3A = arith.andi %ne3A, %ne3A_42 : i1
    %sub3A = arith.constant 1 : i32
    %sub3A_43 = arith.subi %div3A, %sub3A : i32
    %select_n3A_44 = arith.select %and3A, %sub3A_43, %div3A : i32
    %while3A = arith.constant 0 : i32
    %while3A_45 = arith.constant 0 : i32
    %while3A_46 = arith.subi %select_n3A_44, %while3A_45 : i32
    %while3A_47 = arith.addi %while3A_45, %while3A_46 : i32
    %while3A_48 = arith.constant 1 : i32
    %while3A_49 = arith.divsi %while3A_46, %while3A_48 : i32
    %while3A_50 = arith.muli %while3A_49, %while3A_48 : i32
    %while3A_51 = arith.addi %while3A_45, %while3A_50 : i32
    %while3A_52 = arith.constant 1 : i32
    scf.for %while3A_152 = %while3A_45 to %while3A_51 step %while3A_52  : i32 {
      %mul3A_153 = arith.constant 4 : i32
      %mul3A_154 = arith.muli %mul3A_153, %while3A_152 : i32
      %add3A_155 = arith.constant 0 : i32
      %add3A_156 = arith.addi %mul3A_154, %add3A_155 : i32
      %dma_wait3A_157 = arith.constant 0 : i32
      %dma_wait3A_158 = tpu.memref_slice %arg9[%add3A_156, %dma_wait3A_157] : memref<120x128xi32, #tpu.memory_space<vmem>> -> memref<1x128xi32, #tpu.memory_space<vmem>>
      %dma_wait3A_159 = tpu.memref_squeeze %dma_wait3A_158 : memref<1x128xi32, #tpu.memory_space<vmem>> -> memref<128xi32, #tpu.memory_space<vmem>>
      %dma_wait3A_160 = arith.constant 0 : i32
      %dma_wait3A_161 = arith.constant 0 : i32
      %dma_wait3A_162 = tpu.memref_slice %arg2[%dma_wait3A_160, %dma_wait3A_161] : memref<10240x64xf32, #tpu.memory_space<hbm>> -> memref<10240x64xf32, #tpu.memory_space<hbm>>
      tpu.wait_indirect_dma semaphore(%arg17 : memref<!tpu.dma_semaphore, #tpu.memory_space<semaphore_mem>>) src(%dma_wait3A_162 : memref<10240x64xf32, #tpu.memory_space<hbm>>) dst(%arg11 : memref<128x64xf32, #tpu.memory_space<vmem>>)
      %dma_start3A_163 = arith.constant 0 : i32
      %dma_start3A_164 = tpu.memref_slice %arg10[%add3A_156, %dma_start3A_163] : memref<120x128xi32, #tpu.memory_space<vmem>> -> memref<1x128xi32, #tpu.memory_space<vmem>>
      %dma_start3A_165 = tpu.memref_squeeze %dma_start3A_164 : memref<1x128xi32, #tpu.memory_space<vmem>> -> memref<128xi32, #tpu.memory_space<vmem>>
      %dma_start3A_166 = arith.constant 0 : i32
      %dma_start3A_167 = arith.constant 0 : i32
      %dma_start3A_168 = tpu.memref_slice %arg15[%dma_start3A_166, %dma_start3A_167] : memref<10240x64xf32, #tpu.memory_space<vmem_shared>> -> memref<10240x64xf32, #tpu.memory_space<vmem_shared>>
      tpu.enqueue_indirect_dma source(%arg11 : memref<128x64xf32, #tpu.memory_space<vmem>>) target(%dma_start3A_168 : memref<10240x64xf32, #tpu.memory_space<vmem_shared>>) offsets(%dma_start3A_165 : memref<128xi32, #tpu.memory_space<vmem>>) semaphore(%arg21 : memref<!tpu.dma_semaphore, #tpu.memory_space<semaphore_mem>>) {add = true}
      %get3A = arith.index_cast %add3A_156 : i32 to index
      %get3A_169 = arith.constant 0 : index
      %get3A_170 = tpu.vector_load %arg10[%get3A, %get3A_169] {strides = array<i32>} : memref<120x128xi32, #tpu.memory_space<vmem>>, vector<16xi32>,
      tpu.vector_store_idx %arg16[%get3A_170], %broadcast_in_dim3A_5 {add = true} : memref<10240xf32, #tpu.memory_space<vmem>>[vector<16xi32>], vector<16xf32>,
      %get3A_171 = arith.index_cast %add3A_156 : i32 to index
      %get3A_172 = arith.constant 16 : index
      %get3A_173 = tpu.vector_load %arg10[%get3A_171, %get3A_172] {strides = array<i32>} : memref<120x128xi32, #tpu.memory_space<vmem>>, vector<16xi32>,
      tpu.vector_store_idx %arg16[%get3A_173], %broadcast_in_dim3A_5 {add = true} : memref<10240xf32, #tpu.memory_space<vmem>>[vector<16xi32>], vector<16xf32>,
      %get3A_174 = arith.index_cast %add3A_156 : i32 to index
      %get3A_175 = arith.constant 32 : index
      %get3A_176 = tpu.vector_load %arg10[%get3A_174, %get3A_175] {strides = array<i32>} : memref<120x128xi32, #tpu.memory_space<vmem>>, vector<16xi32>,
      tpu.vector_store_idx %arg16[%get3A_176], %broadcast_in_dim3A_5 {add = true} : memref<10240xf32, #tpu.memory_space<vmem>>[vector<16xi32>], vector<16xf32>,
      %get3A_177 = arith.index_cast %add3A_156 : i32 to index
      %get3A_178 = arith.constant 48 : index
      %get3A_179 = tpu.vector_load %arg10[%get3A_177, %get3A_178] {strides = array<i32>} : memref<120x128xi32, #tpu.memory_space<vmem>>, vector<16xi32>,
      tpu.vector_store_idx %arg16[%get3A_179], %broadcast_in_dim3A_5 {add = true} : memref<10240xf32, #tpu.memory_space<vmem>>[vector<16xi32>], vector<16xf32>,
      %get3A_180 = arith.index_cast %add3A_156 : i32 to index
      %get3A_181 = arith.constant 64 : index
      %get3A_182 = tpu.vector_load %arg10[%get3A_180, %get3A_181] {strides = array<i32>} : memref<120x128xi32, #tpu.memory_space<vmem>>, vector<16xi32>,
      tpu.vector_store_idx %arg16[%get3A_182], %broadcast_in_dim3A_5 {add = true} : memref<10240xf32, #tpu.memory_space<vmem>>[vector<16xi32>], vector<16xf32>,
      %get3A_183 = arith.index_cast %add3A_156 : i32 to index
      %get3A_184 = arith.constant 80 : index
      %get3A_185 = tpu.vector_load %arg10[%get3A_183, %get3A_184] {strides = array<i32>} : memref<120x128xi32, #tpu.memory_space<vmem>>, vector<16xi32>,
      tpu.vector_store_idx %arg16[%get3A_185], %broadcast_in_dim3A_5 {add = true} : memref<10240xf32, #tpu.memory_space<vmem>>[vector<16xi32>], vector<16xf32>,
      %get3A_186 = arith.index_cast %add3A_156 : i32 to index
      %get3A_187 = arith.constant 96 : index
      %get3A_188 = tpu.vector_load %arg10[%get3A_186, %get3A_187] {strides = array<i32>} : memref<120x128xi32, #tpu.memory_space<vmem>>, vector<16xi32>,
      tpu.vector_store_idx %arg16[%get3A_188], %broadcast_in_dim3A_5 {add = true} : memref<10240xf32, #tpu.memory_space<vmem>>[vector<16xi32>], vector<16xf32>,
      %get3A_189 = arith.index_cast %add3A_156 : i32 to index
      %get3A_190 = arith.constant 112 : index
      %get3A_191 = tpu.vector_load %arg10[%get3A_189, %get3A_190] {strides = array<i32>} : memref<120x128xi32, #tpu.memory_space<vmem>>, vector<16xi32>,
      tpu.vector_store_idx %arg16[%get3A_191], %broadcast_in_dim3A_5 {add = true} : memref<10240xf32, #tpu.memory_space<vmem>>[vector<16xi32>], vector<16xf32>,
      %add3A_192 = arith.constant 2 : i32
      %add3A_193 = arith.addi %add3A_156, %add3A_192 : i32
      %sub3A_194 = arith.constant 4 : i32
      %sub3A_195 = arith.subi %add3A_193, %sub3A_194 : i32
      %ge3A = arith.constant 0 : i32
      %ge3A_196 = arith.cmpi sge, %sub3A_195, %ge3A : i32
      %convert_element_type3A = arith.extui %ge3A_196 : i1 to i32
      %cond3A = arith.constant 0 : i32
      %cond3A_197 = arith.cmpi ne, %convert_element_type3A, %cond3A : i32
      scf.if %cond3A_197 {
        %add3A_362 = arith.constant 2 : i32
        %add3A_363 = arith.addi %add3A_156, %add3A_362 : i32
        %sub3A_364 = arith.constant 4 : i32
        %sub3A_365 = arith.subi %add3A_363, %sub3A_364 : i32
        %dma_wait3A_366 = arith.constant 0 : i32
        %dma_wait3A_367 = tpu.memref_slice %arg10[%sub3A_365, %dma_wait3A_366] : memref<120x128xi32, #tpu.memory_space<vmem>> -> memref<1x128xi32, #tpu.memory_space<vmem>>
        %dma_wait3A_368 = tpu.memref_squeeze %dma_wait3A_367 : memref<1x128xi32, #tpu.memory_space<vmem>> -> memref<128xi32, #tpu.memory_space<vmem>>
        %dma_wait3A_369 = arith.constant 0 : i32
        %dma_wait3A_370 = arith.constant 0 : i32
        %dma_wait3A_371 = tpu.memref_slice %arg15[%dma_wait3A_369, %dma_wait3A_370] : memref<10240x64xf32, #tpu.memory_space<vmem_shared>> -> memref<10240x64xf32, #tpu.memory_space<vmem_shared>>
        tpu.wait_indirect_dma semaphore(%arg23 : memref<!tpu.dma_semaphore, #tpu.memory_space<semaphore_mem>>) src(%arg13 : memref<128x64xf32, #tpu.memory_space<vmem>>) dst(%dma_wait3A_371 : memref<10240x64xf32, #tpu.memory_space<vmem_shared>>)
      } else {
      }
      %add3A_198 = arith.constant 2 : i32
      %add3A_199 = arith.addi %add3A_156, %add3A_198 : i32
      %lt3A = arith.cmpi slt, %add3A_199, %select_n3A : i32
      %convert_element_type3A_200 = arith.extui %lt3A : i1 to i32
      %cond3A_201 = arith.constant 0 : i32
      %cond3A_202 = arith.cmpi ne, %convert_element_type3A_200, %cond3A_201 : i32
      scf.if %cond3A_202 {
        %add3A_362 = arith.constant 2 : i32
        %add3A_363 = arith.addi %add3A_156, %add3A_362 : i32
        %dma_start3A_364 = arith.constant 0 : i32
        %dma_start3A_365 = tpu.memref_slice %arg9[%add3A_363, %dma_start3A_364] : memref<120x128xi32, #tpu.memory_space<vmem>> -> memref<1x128xi32, #tpu.memory_space<vmem>>
        %dma_start3A_366 = tpu.memref_squeeze %dma_start3A_365 : memref<1x128xi32, #tpu.memory_space<vmem>> -> memref<128xi32, #tpu.memory_space<vmem>>
        %dma_start3A_367 = arith.constant 0 : i32
        %dma_start3A_368 = arith.constant 0 : i32
        %dma_start3A_369 = tpu.memref_slice %arg2[%dma_start3A_367, %dma_start3A_368] : memref<10240x64xf32, #tpu.memory_space<hbm>> -> memref<10240x64xf32, #tpu.memory_space<hbm>>
        tpu.enqueue_indirect_dma source(%dma_start3A_369 : memref<10240x64xf32, #tpu.memory_space<hbm>>) target(%arg13 : memref<128x64xf32, #tpu.memory_space<vmem>>) offsets(%dma_start3A_366 : memref<128xi32, #tpu.memory_space<vmem>>) semaphore(%arg19 : memref<!tpu.dma_semaphore, #tpu.memory_space<semaphore_mem>>)
      } else {
      }
      %add3A_203 = arith.constant 1 : i32
      %add3A_204 = arith.addi %mul3A_154, %add3A_203 : i32
      %dma_wait3A_205 = arith.constant 0 : i32
      %dma_wait3A_206 = tpu.memref_slice %arg9[%add3A_204, %dma_wait3A_205] : memref<120x128xi32, #tpu.memory_space<vmem>> -> memref<1x128xi32, #tpu.memory_space<vmem>>
      %dma_wait3A_207 = tpu.memref_squeeze %dma_wait3A_206 : memref<1x128xi32, #tpu.memory_space<vmem>> -> memref<128xi32, #tpu.memory_space<vmem>>
      %dma_wait3A_208 = arith.constant 0 : i32
      %dma_wait3A_209 = arith.constant 0 : i32
      %dma_wait3A_210 = tpu.memref_slice %arg2[%dma_wait3A_208, %dma_wait3A_209] : memref<10240x64xf32, #tpu.memory_space<hbm>> -> memref<10240x64xf32, #tpu.memory_space<hbm>>
      tpu.wait_indirect_dma semaphore(%arg18 : memref<!tpu.dma_semaphore, #tpu.memory_space<semaphore_mem>>) src(%dma_wait3A_210 : memref<10240x64xf32, #tpu.memory_space<hbm>>) dst(%arg12 : memref<128x64xf32, #tpu.memory_space<vmem>>)
      %dma_start3A_211 = arith.constant 0 : i32
      %dma_start3A_212 = tpu.memref_slice %arg10[%add3A_204, %dma_start3A_211] : memref<120x128xi32, #tpu.memory_space<vmem>> -> memref<1x128xi32, #tpu.memory_space<vmem>>
      %dma_start3A_213 = tpu.memref_squeeze %dma_start3A_212 : memref<1x128xi32, #tpu.memory_space<vmem>> -> memref<128xi32, #tpu.memory_space<vmem>>
      %dma_start3A_214 = arith.constant 0 : i32
      %dma_start3A_215 = arith.constant 0 : i32
      %dma_start3A_216 = tpu.memref_slice %arg15[%dma_start3A_214, %dma_start3A_215] : memref<10240x64xf32, #tpu.memory_space<vmem_shared>> -> memref<10240x64xf32, #tpu.memory_space<vmem_shared>>
      tpu.enqueue_indirect_dma source(%arg12 : memref<128x64xf32, #tpu.memory_space<vmem>>) target(%dma_start3A_216 : memref<10240x64xf32, #tpu.memory_space<vmem_shared>>) offsets(%dma_start3A_213 : memref<128xi32, #tpu.memory_space<vmem>>) semaphore(%arg22 : memref<!tpu.dma_semaphore, #tpu.memory_space<semaphore_mem>>) {add = true}
      %get3A_217 = arith.index_cast %add3A_204 : i32 to index
      %get3A_218 = arith.constant 0 : index
      %get3A_219 = tpu.vector_load %arg10[%get3A_217, %get3A_218] {strides = array<i32>} : memref<120x128xi32, #tpu.memory_space<vmem>>, vector<16xi32>,
      tpu.vector_store_idx %arg16[%get3A_219], %broadcast_in_dim3A_5 {add = true} : memref<10240xf32, #tpu.memory_space<vmem>>[vector<16xi32>], vector<16xf32>,
      %get3A_220 = arith.index_cast %add3A_204 : i32 to index
      %get3A_221 = arith.constant 16 : index
      %get3A_222 = tpu.vector_load %arg10[%get3A_220, %get3A_221] {strides = array<i32>} : memref<120x128xi32, #tpu.memory_space<vmem>>, vector<16xi32>,
      tpu.vector_store_idx %arg16[%get3A_222], %broadcast_in_dim3A_5 {add = true} : memref<10240xf32, #tpu.memory_space<vmem>>[vector<16xi32>], vector<16xf32>,
      %get3A_223 = arith.index_cast %add3A_204 : i32 to index
      %get3A_224 = arith.constant 32 : index
      %get3A_225 = tpu.vector_load %arg10[%get3A_223, %get3A_224] {strides = array<i32>} : memref<120x128xi32, #tpu.memory_space<vmem>>, vector<16xi32>,
      tpu.vector_store_idx %arg16[%get3A_225], %broadcast_in_dim3A_5 {add = true} : memref<10240xf32, #tpu.memory_space<vmem>>[vector<16xi32>], vector<16xf32>,
      %get3A_226 = arith.index_cast %add3A_204 : i32 to index
      %get3A_227 = arith.constant 48 : index
      %get3A_228 = tpu.vector_load %arg10[%get3A_226, %get3A_227] {strides = array<i32>} : memref<120x128xi32, #tpu.memory_space<vmem>>, vector<16xi32>,
      tpu.vector_store_idx %arg16[%get3A_228], %broadcast_in_dim3A_5 {add = true} : memref<10240xf32, #tpu.memory_space<vmem>>[vector<16xi32>], vector<16xf32>,
      %get3A_229 = arith.index_cast %add3A_204 : i32 to index
      %get3A_230 = arith.constant 64 : index
      %get3A_231 = tpu.vector_load %arg10[%get3A_229, %get3A_230] {strides = array<i32>} : memref<120x128xi32, #tpu.memory_space<vmem>>, vector<16xi32>,
      tpu.vector_store_idx %arg16[%get3A_231], %broadcast_in_dim3A_5 {add = true} : memref<10240xf32, #tpu.memory_space<vmem>>[vector<16xi32>], vector<16xf32>,
      %get3A_232 = arith.index_cast %add3A_204 : i32 to index
      %get3A_233 = arith.constant 80 : index
      %get3A_234 = tpu.vector_load %arg10[%get3A_232, %get3A_233] {strides = array<i32>} : memref<120x128xi32, #tpu.memory_space<vmem>>, vector<16xi32>,
      tpu.vector_store_idx %arg16[%get3A_234], %broadcast_in_dim3A_5 {add = true} : memref<10240xf32, #tpu.memory_space<vmem>>[vector<16xi32>], vector<16xf32>,
      %get3A_235 = arith.index_cast %add3A_204 : i32 to index
      %get3A_236 = arith.constant 96 : index
      %get3A_237 = tpu.vector_load %arg10[%get3A_235, %get3A_236] {strides = array<i32>} : memref<120x128xi32, #tpu.memory_space<vmem>>, vector<16xi32>,
      tpu.vector_store_idx %arg16[%get3A_237], %broadcast_in_dim3A_5 {add = true} : memref<10240xf32, #tpu.memory_space<vmem>>[vector<16xi32>], vector<16xf32>,
      %get3A_238 = arith.index_cast %add3A_204 : i32 to index
      %get3A_239 = arith.constant 112 : index
      %get3A_240 = tpu.vector_load %arg10[%get3A_238, %get3A_239] {strides = array<i32>} : memref<120x128xi32, #tpu.memory_space<vmem>>, vector<16xi32>,
      tpu.vector_store_idx %arg16[%get3A_240], %broadcast_in_dim3A_5 {add = true} : memref<10240xf32, #tpu.memory_space<vmem>>[vector<16xi32>], vector<16xf32>,
      %add3A_241 = arith.constant 2 : i32
      %add3A_242 = arith.addi %add3A_204, %add3A_241 : i32
      %sub3A_243 = arith.constant 4 : i32
      %sub3A_244 = arith.subi %add3A_242, %sub3A_243 : i32
      %ge3A_245 = arith.constant 0 : i32
      %ge3A_246 = arith.cmpi sge, %sub3A_244, %ge3A_245 : i32
      %convert_element_type3A_247 = arith.extui %ge3A_246 : i1 to i32
      %cond3A_248 = arith.constant 0 : i32
      %cond3A_249 = arith.cmpi ne, %convert_element_type3A_247, %cond3A_248 : i32
      scf.if %cond3A_249 {
        %add3A_362 = arith.constant 2 : i32
        %add3A_363 = arith.addi %add3A_204, %add3A_362 : i32
        %sub3A_364 = arith.constant 4 : i32
        %sub3A_365 = arith.subi %add3A_363, %sub3A_364 : i32
        %dma_wait3A_366 = arith.constant 0 : i32
        %dma_wait3A_367 = tpu.memref_slice %arg10[%sub3A_365, %dma_wait3A_366] : memref<120x128xi32, #tpu.memory_space<vmem>> -> memref<1x128xi32, #tpu.memory_space<vmem>>
        %dma_wait3A_368 = tpu.memref_squeeze %dma_wait3A_367 : memref<1x128xi32, #tpu.memory_space<vmem>> -> memref<128xi32, #tpu.memory_space<vmem>>
        %dma_wait3A_369 = arith.constant 0 : i32
        %dma_wait3A_370 = arith.constant 0 : i32
        %dma_wait3A_371 = tpu.memref_slice %arg15[%dma_wait3A_369, %dma_wait3A_370] : memref<10240x64xf32, #tpu.memory_space<vmem_shared>> -> memref<10240x64xf32, #tpu.memory_space<vmem_shared>>
        tpu.wait_indirect_dma semaphore(%arg24 : memref<!tpu.dma_semaphore, #tpu.memory_space<semaphore_mem>>) src(%arg14 : memref<128x64xf32, #tpu.memory_space<vmem>>) dst(%dma_wait3A_371 : memref<10240x64xf32, #tpu.memory_space<vmem_shared>>)
      } else {
      }
      %add3A_250 = arith.constant 2 : i32
      %add3A_251 = arith.addi %add3A_204, %add3A_250 : i32
      %lt3A_252 = arith.cmpi slt, %add3A_251, %select_n3A : i32
      %convert_element_type3A_253 = arith.extui %lt3A_252 : i1 to i32
      %cond3A_254 = arith.constant 0 : i32
      %cond3A_255 = arith.cmpi ne, %convert_element_type3A_253, %cond3A_254 : i32
      scf.if %cond3A_255 {
        %add3A_362 = arith.constant 2 : i32
        %add3A_363 = arith.addi %add3A_204, %add3A_362 : i32
        %dma_start3A_364 = arith.constant 0 : i32
        %dma_start3A_365 = tpu.memref_slice %arg9[%add3A_363, %dma_start3A_364] : memref<120x128xi32, #tpu.memory_space<vmem>> -> memref<1x128xi32, #tpu.memory_space<vmem>>
        %dma_start3A_366 = tpu.memref_squeeze %dma_start3A_365 : memref<1x128xi32, #tpu.memory_space<vmem>> -> memref<128xi32, #tpu.memory_space<vmem>>
        %dma_start3A_367 = arith.constant 0 : i32
        %dma_start3A_368 = arith.constant 0 : i32
        %dma_start3A_369 = tpu.memref_slice %arg2[%dma_start3A_367, %dma_start3A_368] : memref<10240x64xf32, #tpu.memory_space<hbm>> -> memref<10240x64xf32, #tpu.memory_space<hbm>>
        tpu.enqueue_indirect_dma source(%dma_start3A_369 : memref<10240x64xf32, #tpu.memory_space<hbm>>) target(%arg14 : memref<128x64xf32, #tpu.memory_space<vmem>>) offsets(%dma_start3A_366 : memref<128xi32, #tpu.memory_space<vmem>>) semaphore(%arg20 : memref<!tpu.dma_semaphore, #tpu.memory_space<semaphore_mem>>)
      } else {
      }
      %add3A_256 = arith.constant 2 : i32
      %add3A_257 = arith.addi %mul3A_154, %add3A_256 : i32
      %dma_wait3A_258 = arith.constant 0 : i32
      %dma_wait3A_259 = tpu.memref_slice %arg9[%add3A_257, %dma_wait3A_258] : memref<120x128xi32, #tpu.memory_space<vmem>> -> memref<1x128xi32, #tpu.memory_space<vmem>>
      %dma_wait3A_260 = tpu.memref_squeeze %dma_wait3A_259 : memref<1x128xi32, #tpu.memory_space<vmem>> -> memref<128xi32, #tpu.memory_space<vmem>>
      %dma_wait3A_261 = arith.constant 0 : i32
      %dma_wait3A_262 = arith.constant 0 : i32
      %dma_wait3A_263 = tpu.memref_slice %arg2[%dma_wait3A_261, %dma_wait3A_262] : memref<10240x64xf32, #tpu.memory_space<hbm>> -> memref<10240x64xf32, #tpu.memory_space<hbm>>
      tpu.wait_indirect_dma semaphore(%arg19 : memref<!tpu.dma_semaphore, #tpu.memory_space<semaphore_mem>>) src(%dma_wait3A_263 : memref<10240x64xf32, #tpu.memory_space<hbm>>) dst(%arg13 : memref<128x64xf32, #tpu.memory_space<vmem>>)
      %dma_start3A_264 = arith.constant 0 : i32
      %dma_start3A_265 = tpu.memref_slice %arg10[%add3A_257, %dma_start3A_264] : memref<120x128xi32, #tpu.memory_space<vmem>> -> memref<1x128xi32, #tpu.memory_space<vmem>>
      %dma_start3A_266 = tpu.memref_squeeze %dma_start3A_265 : memref<1x128xi32, #tpu.memory_space<vmem>> -> memref<128xi32, #tpu.memory_space<vmem>>
      %dma_start3A_267 = arith.constant 0 : i32
      %dma_start3A_268 = arith.constant 0 : i32
      %dma_start3A_269 = tpu.memref_slice %arg15[%dma_start3A_267, %dma_start3A_268] : memref<10240x64xf32, #tpu.memory_space<vmem_shared>> -> memref<10240x64xf32, #tpu.memory_space<vmem_shared>>
      tpu.enqueue_indirect_dma source(%arg13 : memref<128x64xf32, #tpu.memory_space<vmem>>) target(%dma_start3A_269 : memref<10240x64xf32, #tpu.memory_space<vmem_shared>>) offsets(%dma_start3A_266 : memref<128xi32, #tpu.memory_space<vmem>>) semaphore(%arg23 : memref<!tpu.dma_semaphore, #tpu.memory_space<semaphore_mem>>) {add = true}
      %get3A_270 = arith.index_cast %add3A_257 : i32 to index
      %get3A_271 = arith.constant 0 : index
      %get3A_272 = tpu.vector_load %arg10[%get3A_270, %get3A_271] {strides = array<i32>} : memref<120x128xi32, #tpu.memory_space<vmem>>, vector<16xi32>,
      tpu.vector_store_idx %arg16[%get3A_272], %broadcast_in_dim3A_5 {add = true} : memref<10240xf32, #tpu.memory_space<vmem>>[vector<16xi32>], vector<16xf32>,
      %get3A_273 = arith.index_cast %add3A_257 : i32 to index
      %get3A_274 = arith.constant 16 : index
      %get3A_275 = tpu.vector_load %arg10[%get3A_273, %get3A_274] {strides = array<i32>} : memref<120x128xi32, #tpu.memory_space<vmem>>, vector<16xi32>,
      tpu.vector_store_idx %arg16[%get3A_275], %broadcast_in_dim3A_5 {add = true} : memref<10240xf32, #tpu.memory_space<vmem>>[vector<16xi32>], vector<16xf32>,
      %get3A_276 = arith.index_cast %add3A_257 : i32 to index
      %get3A_277 = arith.constant 32 : index
      %get3A_278 = tpu.vector_load %arg10[%get3A_276, %get3A_277] {strides = array<i32>} : memref<120x128xi32, #tpu.memory_space<vmem>>, vector<16xi32>,
      tpu.vector_store_idx %arg16[%get3A_278], %broadcast_in_dim3A_5 {add = true} : memref<10240xf32, #tpu.memory_space<vmem>>[vector<16xi32>], vector<16xf32>,
      %get3A_279 = arith.index_cast %add3A_257 : i32 to index
      %get3A_280 = arith.constant 48 : index
      %get3A_281 = tpu.vector_load %arg10[%get3A_279, %get3A_280] {strides = array<i32>} : memref<120x128xi32, #tpu.memory_space<vmem>>, vector<16xi32>,
      tpu.vector_store_idx %arg16[%get3A_281], %broadcast_in_dim3A_5 {add = true} : memref<10240xf32, #tpu.memory_space<vmem>>[vector<16xi32>], vector<16xf32>,
      %get3A_282 = arith.index_cast %add3A_257 : i32 to index
      %get3A_283 = arith.constant 64 : index
      %get3A_284 = tpu.vector_load %arg10[%get3A_282, %get3A_283] {strides = array<i32>} : memref<120x128xi32, #tpu.memory_space<vmem>>, vector<16xi32>,
      tpu.vector_store_idx %arg16[%get3A_284], %broadcast_in_dim3A_5 {add = true} : memref<10240xf32, #tpu.memory_space<vmem>>[vector<16xi32>], vector<16xf32>,
      %get3A_285 = arith.index_cast %add3A_257 : i32 to index
      %get3A_286 = arith.constant 80 : index
      %get3A_287 = tpu.vector_load %arg10[%get3A_285, %get3A_286] {strides = array<i32>} : memref<120x128xi32, #tpu.memory_space<vmem>>, vector<16xi32>,
      tpu.vector_store_idx %arg16[%get3A_287], %broadcast_in_dim3A_5 {add = true} : memref<10240xf32, #tpu.memory_space<vmem>>[vector<16xi32>], vector<16xf32>,
      %get3A_288 = arith.index_cast %add3A_257 : i32 to index
      %get3A_289 = arith.constant 96 : index
      %get3A_290 = tpu.vector_load %arg10[%get3A_288, %get3A_289] {strides = array<i32>} : memref<120x128xi32, #tpu.memory_space<vmem>>, vector<16xi32>,
      tpu.vector_store_idx %arg16[%get3A_290], %broadcast_in_dim3A_5 {add = true} : memref<10240xf32, #tpu.memory_space<vmem>>[vector<16xi32>], vector<16xf32>,
      %get3A_291 = arith.index_cast %add3A_257 : i32 to index
      %get3A_292 = arith.constant 112 : index
      %get3A_293 = tpu.vector_load %arg10[%get3A_291, %get3A_292] {strides = array<i32>} : memref<120x128xi32, #tpu.memory_space<vmem>>, vector<16xi32>,
      tpu.vector_store_idx %arg16[%get3A_293], %broadcast_in_dim3A_5 {add = true} : memref<10240xf32, #tpu.memory_space<vmem>>[vector<16xi32>], vector<16xf32>,
      %add3A_294 = arith.constant 2 : i32
      %add3A_295 = arith.addi %add3A_257, %add3A_294 : i32
      %sub3A_296 = arith.constant 4 : i32
      %sub3A_297 = arith.subi %add3A_295, %sub3A_296 : i32
      %ge3A_298 = arith.constant 0 : i32
      %ge3A_299 = arith.cmpi sge, %sub3A_297, %ge3A_298 : i32
      %convert_element_type3A_300 = arith.extui %ge3A_299 : i1 to i32
      %cond3A_301 = arith.constant 0 : i32
      %cond3A_302 = arith.cmpi ne, %convert_element_type3A_300, %cond3A_301 : i32
      scf.if %cond3A_302 {
        %add3A_362 = arith.constant 2 : i32
        %add3A_363 = arith.addi %add3A_257, %add3A_362 : i32
        %sub3A_364 = arith.constant 4 : i32
        %sub3A_365 = arith.subi %add3A_363, %sub3A_364 : i32
        %dma_wait3A_366 = arith.constant 0 : i32
        %dma_wait3A_367 = tpu.memref_slice %arg10[%sub3A_365, %dma_wait3A_366] : memref<120x128xi32, #tpu.memory_space<vmem>> -> memref<1x128xi32, #tpu.memory_space<vmem>>
        %dma_wait3A_368 = tpu.memref_squeeze %dma_wait3A_367 : memref<1x128xi32, #tpu.memory_space<vmem>> -> memref<128xi32, #tpu.memory_space<vmem>>
        %dma_wait3A_369 = arith.constant 0 : i32
        %dma_wait3A_370 = arith.constant 0 : i32
        %dma_wait3A_371 = tpu.memref_slice %arg15[%dma_wait3A_369, %dma_wait3A_370] : memref<10240x64xf32, #tpu.memory_space<vmem_shared>> -> memref<10240x64xf32, #tpu.memory_space<vmem_shared>>
        tpu.wait_indirect_dma semaphore(%arg21 : memref<!tpu.dma_semaphore, #tpu.memory_space<semaphore_mem>>) src(%arg11 : memref<128x64xf32, #tpu.memory_space<vmem>>) dst(%dma_wait3A_371 : memref<10240x64xf32, #tpu.memory_space<vmem_shared>>)
      } else {
      }
      %add3A_303 = arith.constant 2 : i32
      %add3A_304 = arith.addi %add3A_257, %add3A_303 : i32
      %lt3A_305 = arith.cmpi slt, %add3A_304, %select_n3A : i32
      %convert_element_type3A_306 = arith.extui %lt3A_305 : i1 to i32
      %cond3A_307 = arith.constant 0 : i32
      %cond3A_308 = arith.cmpi ne, %convert_element_type3A_306, %cond3A_307 : i32
      scf.if %cond3A_308 {
        %add3A_362 = arith.constant 2 : i32
        %add3A_363 = arith.addi %add3A_257, %add3A_362 : i32
        %dma_start3A_364 = arith.constant 0 : i32
        %dma_start3A_365 = tpu.memref_slice %arg9[%add3A_363, %dma_start3A_364] : memref<120x128xi32, #tpu.memory_space<vmem>> -> memref<1x128xi32, #tpu.memory_space<vmem>>
        %dma_start3A_366 = tpu.memref_squeeze %dma_start3A_365 : memref<1x128xi32, #tpu.memory_space<vmem>> -> memref<128xi32, #tpu.memory_space<vmem>>
        %dma_start3A_367 = arith.constant 0 : i32
        %dma_start3A_368 = arith.constant 0 : i32
        %dma_start3A_369 = tpu.memref_slice %arg2[%dma_start3A_367, %dma_start3A_368] : memref<10240x64xf32, #tpu.memory_space<hbm>> -> memref<10240x64xf32, #tpu.memory_space<hbm>>
        tpu.enqueue_indirect_dma source(%dma_start3A_369 : memref<10240x64xf32, #tpu.memory_space<hbm>>) target(%arg11 : memref<128x64xf32, #tpu.memory_space<vmem>>) offsets(%dma_start3A_366 : memref<128xi32, #tpu.memory_space<vmem>>) semaphore(%arg17 : memref<!tpu.dma_semaphore, #tpu.memory_space<semaphore_mem>>)
      } else {
      }
      %add3A_309 = arith.constant 3 : i32
      %add3A_310 = arith.addi %mul3A_154, %add3A_309 : i32
      %dma_wait3A_311 = arith.constant 0 : i32
      %dma_wait3A_312 = tpu.memref_slice %arg9[%add3A_310, %dma_wait3A_311] : memref<120x128xi32, #tpu.memory_space<vmem>> -> memref<1x128xi32, #tpu.memory_space<vmem>>
      %dma_wait3A_313 = tpu.memref_squeeze %dma_wait3A_312 : memref<1x128xi32, #tpu.memory_space<vmem>> -> memref<128xi32, #tpu.memory_space<vmem>>
      %dma_wait3A_314 = arith.constant 0 : i32
      %dma_wait3A_315 = arith.constant 0 : i32
      %dma_wait3A_316 = tpu.memref_slice %arg2[%dma_wait3A_314, %dma_wait3A_315] : memref<10240x64xf32, #tpu.memory_space<hbm>> -> memref<10240x64xf32, #tpu.memory_space<hbm>>
      tpu.wait_indirect_dma semaphore(%arg20 : memref<!tpu.dma_semaphore, #tpu.memory_space<semaphore_mem>>) src(%dma_wait3A_316 : memref<10240x64xf32, #tpu.memory_space<hbm>>) dst(%arg14 : memref<128x64xf32, #tpu.memory_space<vmem>>)
      %dma_start3A_317 = arith.constant 0 : i32
      %dma_start3A_318 = tpu.memref_slice %arg10[%add3A_310, %dma_start3A_317] : memref<120x128xi32, #tpu.memory_space<vmem>> -> memref<1x128xi32, #tpu.memory_space<vmem>>
      %dma_start3A_319 = tpu.memref_squeeze %dma_start3A_318 : memref<1x128xi32, #tpu.memory_space<vmem>> -> memref<128xi32, #tpu.memory_space<vmem>>
      %dma_start3A_320 = arith.constant 0 : i32
      %dma_start3A_321 = arith.constant 0 : i32
      %dma_start3A_322 = tpu.memref_slice %arg15[%dma_start3A_320, %dma_start3A_321] : memref<10240x64xf32, #tpu.memory_space<vmem_shared>> -> memref<10240x64xf32, #tpu.memory_space<vmem_shared>>
      tpu.enqueue_indirect_dma source(%arg14 : memref<128x64xf32, #tpu.memory_space<vmem>>) target(%dma_start3A_322 : memref<10240x64xf32, #tpu.memory_space<vmem_shared>>) offsets(%dma_start3A_319 : memref<128xi32, #tpu.memory_space<vmem>>) semaphore(%arg24 : memref<!tpu.dma_semaphore, #tpu.memory_space<semaphore_mem>>) {add = true}
      %get3A_323 = arith.index_cast %add3A_310 : i32 to index
      %get3A_324 = arith.constant 0 : index
      %get3A_325 = tpu.vector_load %arg10[%get3A_323, %get3A_324] {strides = array<i32>} : memref<120x128xi32, #tpu.memory_space<vmem>>, vector<16xi32>,
      tpu.vector_store_idx %arg16[%get3A_325], %broadcast_in_dim3A_5 {add = true} : memref<10240xf32, #tpu.memory_space<vmem>>[vector<16xi32>], vector<16xf32>,
      %get3A_326 = arith.index_cast %add3A_310 : i32 to index
      %get3A_327 = arith.constant 16 : index
      %get3A_328 = tpu.vector_load %arg10[%get3A_326, %get3A_327] {strides = array<i32>} : memref<120x128xi32, #tpu.memory_space<vmem>>, vector<16xi32>,
      tpu.vector_store_idx %arg16[%get3A_328], %broadcast_in_dim3A_5 {add = true} : memref<10240xf32, #tpu.memory_space<vmem>>[vector<16xi32>], vector<16xf32>,
      %get3A_329 = arith.index_cast %add3A_310 : i32 to index
      %get3A_330 = arith.constant 32 : index
      %get3A_331 = tpu.vector_load %arg10[%get3A_329, %get3A_330] {strides = array<i32>} : memref<120x128xi32, #tpu.memory_space<vmem>>, vector<16xi32>,
      tpu.vector_store_idx %arg16[%get3A_331], %broadcast_in_dim3A_5 {add = true} : memref<10240xf32, #tpu.memory_space<vmem>>[vector<16xi32>], vector<16xf32>,
      %get3A_332 = arith.index_cast %add3A_310 : i32 to index
      %get3A_333 = arith.constant 48 : index
      %get3A_334 = tpu.vector_load %arg10[%get3A_332, %get3A_333] {strides = array<i32>} : memref<120x128xi32, #tpu.memory_space<vmem>>, vector<16xi32>,
      tpu.vector_store_idx %arg16[%get3A_334], %broadcast_in_dim3A_5 {add = true} : memref<10240xf32, #tpu.memory_space<vmem>>[vector<16xi32>], vector<16xf32>,
      %get3A_335 = arith.index_cast %add3A_310 : i32 to index
      %get3A_336 = arith.constant 64 : index
      %get3A_337 = tpu.vector_load %arg10[%get3A_335, %get3A_336] {strides = array<i32>} : memref<120x128xi32, #tpu.memory_space<vmem>>, vector<16xi32>,
      tpu.vector_store_idx %arg16[%get3A_337], %broadcast_in_dim3A_5 {add = true} : memref<10240xf32, #tpu.memory_space<vmem>>[vector<16xi32>], vector<16xf32>,
      %get3A_338 = arith.index_cast %add3A_310 : i32 to index
      %get3A_339 = arith.constant 80 : index
      %get3A_340 = tpu.vector_load %arg10[%get3A_338, %get3A_339] {strides = array<i32>} : memref<120x128xi32, #tpu.memory_space<vmem>>, vector<16xi32>,
      tpu.vector_store_idx %arg16[%get3A_340], %broadcast_in_dim3A_5 {add = true} : memref<10240xf32, #tpu.memory_space<vmem>>[vector<16xi32>], vector<16xf32>,
      %get3A_341 = arith.index_cast %add3A_310 : i32 to index
      %get3A_342 = arith.constant 96 : index
      %get3A_343 = tpu.vector_load %arg10[%get3A_341, %get3A_342] {strides = array<i32>} : memref<120x128xi32, #tpu.memory_space<vmem>>, vector<16xi32>,
      tpu.vector_store_idx %arg16[%get3A_343], %broadcast_in_dim3A_5 {add = true} : memref<10240xf32, #tpu.memory_space<vmem>>[vector<16xi32>], vector<16xf32>,
      %get3A_344 = arith.index_cast %add3A_310 : i32 to index
      %get3A_345 = arith.constant 112 : index
      %get3A_346 = tpu.vector_load %arg10[%get3A_344, %get3A_345] {strides = array<i32>} : memref<120x128xi32, #tpu.memory_space<vmem>>, vector<16xi32>,
      tpu.vector_store_idx %arg16[%get3A_346], %broadcast_in_dim3A_5 {add = true} : memref<10240xf32, #tpu.memory_space<vmem>>[vector<16xi32>], vector<16xf32>,
      %add3A_347 = arith.constant 2 : i32
      %add3A_348 = arith.addi %add3A_310, %add3A_347 : i32
      %sub3A_349 = arith.constant 4 : i32
      %sub3A_350 = arith.subi %add3A_348, %sub3A_349 : i32
      %ge3A_351 = arith.constant 0 : i32
      %ge3A_352 = arith.cmpi sge, %sub3A_350, %ge3A_351 : i32
      %convert_element_type3A_353 = arith.extui %ge3A_352 : i1 to i32
      %cond3A_354 = arith.constant 0 : i32
      %cond3A_355 = arith.cmpi ne, %convert_element_type3A_353, %cond3A_354 : i32
      scf.if %cond3A_355 {
        %add3A_362 = arith.constant 2 : i32
        %add3A_363 = arith.addi %add3A_310, %add3A_362 : i32
        %sub3A_364 = arith.constant 4 : i32
        %sub3A_365 = arith.subi %add3A_363, %sub3A_364 : i32
        %dma_wait3A_366 = arith.constant 0 : i32
        %dma_wait3A_367 = tpu.memref_slice %arg10[%sub3A_365, %dma_wait3A_366] : memref<120x128xi32, #tpu.memory_space<vmem>> -> memref<1x128xi32, #tpu.memory_space<vmem>>
        %dma_wait3A_368 = tpu.memref_squeeze %dma_wait3A_367 : memref<1x128xi32, #tpu.memory_space<vmem>> -> memref<128xi32, #tpu.memory_space<vmem>>
        %dma_wait3A_369 = arith.constant 0 : i32
        %dma_wait3A_370 = arith.constant 0 : i32
        %dma_wait3A_371 = tpu.memref_slice %arg15[%dma_wait3A_369, %dma_wait3A_370] : memref<10240x64xf32, #tpu.memory_space<vmem_shared>> -> memref<10240x64xf32, #tpu.memory_space<vmem_shared>>
        tpu.wait_indirect_dma semaphore(%arg22 : memref<!tpu.dma_semaphore, #tpu.memory_space<semaphore_mem>>) src(%arg12 : memref<128x64xf32, #tpu.memory_space<vmem>>) dst(%dma_wait3A_371 : memref<10240x64xf32, #tpu.memory_space<vmem_shared>>)
      } else {
      }
      %add3A_356 = arith.constant 2 : i32
      %add3A_357 = arith.addi %add3A_310, %add3A_356 : i32
      %lt3A_358 = arith.cmpi slt, %add3A_357, %select_n3A : i32
      %convert_element_type3A_359 = arith.extui %lt3A_358 : i1 to i32
      %cond3A_360 = arith.constant 0 : i32
      %cond3A_361 = arith.cmpi ne, %convert_element_type3A_359, %cond3A_360 : i32
      scf.if %cond3A_361 {
        %add3A_362 = arith.constant 2 : i32
        %add3A_363 = arith.addi %add3A_310, %add3A_362 : i32
        %dma_start3A_364 = arith.constant 0 : i32
        %dma_start3A_365 = tpu.memref_slice %arg9[%add3A_363, %dma_start3A_364] : memref<120x128xi32, #tpu.memory_space<vmem>> -> memref<1x128xi32, #tpu.memory_space<vmem>>
        %dma_start3A_366 = tpu.memref_squeeze %dma_start3A_365 : memref<1x128xi32, #tpu.memory_space<vmem>> -> memref<128xi32, #tpu.memory_space<vmem>>
        %dma_start3A_367 = arith.constant 0 : i32
        %dma_start3A_368 = arith.constant 0 : i32
        %dma_start3A_369 = tpu.memref_slice %arg2[%dma_start3A_367, %dma_start3A_368] : memref<10240x64xf32, #tpu.memory_space<hbm>> -> memref<10240x64xf32, #tpu.memory_space<hbm>>
        tpu.enqueue_indirect_dma source(%dma_start3A_369 : memref<10240x64xf32, #tpu.memory_space<hbm>>) target(%arg12 : memref<128x64xf32, #tpu.memory_space<vmem>>) offsets(%dma_start3A_366 : memref<128xi32, #tpu.memory_space<vmem>>) semaphore(%arg18 : memref<!tpu.dma_semaphore, #tpu.memory_space<semaphore_mem>>)
      } else {
      }
    }
    %while3A_53 = arith.constant 1 : i32
    scf.for %while3A_152 = %while3A_51 to %while3A_47 step %while3A_53  : i32 {
      %mul3A_153 = arith.constant 4 : i32
      %mul3A_154 = arith.muli %mul3A_153, %while3A_152 : i32
      %add3A_155 = arith.constant 0 : i32
      %add3A_156 = arith.addi %mul3A_154, %add3A_155 : i32
      %dma_wait3A_157 = arith.constant 0 : i32
      %dma_wait3A_158 = tpu.memref_slice %arg9[%add3A_156, %dma_wait3A_157] : memref<120x128xi32, #tpu.memory_space<vmem>> -> memref<1x128xi32, #tpu.memory_space<vmem>>
      %dma_wait3A_159 = tpu.memref_squeeze %dma_wait3A_158 : memref<1x128xi32, #tpu.memory_space<vmem>> -> memref<128xi32, #tpu.memory_space<vmem>>
      %dma_wait3A_160 = arith.constant 0 : i32
      %dma_wait3A_161 = arith.constant 0 : i32
      %dma_wait3A_162 = tpu.memref_slice %arg2[%dma_wait3A_160, %dma_wait3A_161] : memref<10240x64xf32, #tpu.memory_space<hbm>> -> memref<10240x64xf32, #tpu.memory_space<hbm>>
      tpu.wait_indirect_dma semaphore(%arg17 : memref<!tpu.dma_semaphore, #tpu.memory_space<semaphore_mem>>) src(%dma_wait3A_162 : memref<10240x64xf32, #tpu.memory_space<hbm>>) dst(%arg11 : memref<128x64xf32, #tpu.memory_space<vmem>>)
      %dma_start3A_163 = arith.constant 0 : i32
      %dma_start3A_164 = tpu.memref_slice %arg10[%add3A_156, %dma_start3A_163] : memref<120x128xi32, #tpu.memory_space<vmem>> -> memref<1x128xi32, #tpu.memory_space<vmem>>
      %dma_start3A_165 = tpu.memref_squeeze %dma_start3A_164 : memref<1x128xi32, #tpu.memory_space<vmem>> -> memref<128xi32, #tpu.memory_space<vmem>>
      %dma_start3A_166 = arith.constant 0 : i32
      %dma_start3A_167 = arith.constant 0 : i32
      %dma_start3A_168 = tpu.memref_slice %arg15[%dma_start3A_166, %dma_start3A_167] : memref<10240x64xf32, #tpu.memory_space<vmem_shared>> -> memref<10240x64xf32, #tpu.memory_space<vmem_shared>>
      tpu.enqueue_indirect_dma source(%arg11 : memref<128x64xf32, #tpu.memory_space<vmem>>) target(%dma_start3A_168 : memref<10240x64xf32, #tpu.memory_space<vmem_shared>>) offsets(%dma_start3A_165 : memref<128xi32, #tpu.memory_space<vmem>>) semaphore(%arg21 : memref<!tpu.dma_semaphore, #tpu.memory_space<semaphore_mem>>) {add = true}
      %get3A = arith.index_cast %add3A_156 : i32 to index
      %get3A_169 = arith.constant 0 : index
      %get3A_170 = tpu.vector_load %arg10[%get3A, %get3A_169] {strides = array<i32>} : memref<120x128xi32, #tpu.memory_space<vmem>>, vector<16xi32>,
      tpu.vector_store_idx %arg16[%get3A_170], %broadcast_in_dim3A_5 {add = true} : memref<10240xf32, #tpu.memory_space<vmem>>[vector<16xi32>], vector<16xf32>,
      %get3A_171 = arith.index_cast %add3A_156 : i32 to index
      %get3A_172 = arith.constant 16 : index
      %get3A_173 = tpu.vector_load %arg10[%get3A_171, %get3A_172] {strides = array<i32>} : memref<120x128xi32, #tpu.memory_space<vmem>>, vector<16xi32>,
      tpu.vector_store_idx %arg16[%get3A_173], %broadcast_in_dim3A_5 {add = true} : memref<10240xf32, #tpu.memory_space<vmem>>[vector<16xi32>], vector<16xf32>,
      %get3A_174 = arith.index_cast %add3A_156 : i32 to index
      %get3A_175 = arith.constant 32 : index
      %get3A_176 = tpu.vector_load %arg10[%get3A_174, %get3A_175] {strides = array<i32>} : memref<120x128xi32, #tpu.memory_space<vmem>>, vector<16xi32>,
      tpu.vector_store_idx %arg16[%get3A_176], %broadcast_in_dim3A_5 {add = true} : memref<10240xf32, #tpu.memory_space<vmem>>[vector<16xi32>], vector<16xf32>,
      %get3A_177 = arith.index_cast %add3A_156 : i32 to index
      %get3A_178 = arith.constant 48 : index
      %get3A_179 = tpu.vector_load %arg10[%get3A_177, %get3A_178] {strides = array<i32>} : memref<120x128xi32, #tpu.memory_space<vmem>>, vector<16xi32>,
      tpu.vector_store_idx %arg16[%get3A_179], %broadcast_in_dim3A_5 {add = true} : memref<10240xf32, #tpu.memory_space<vmem>>[vector<16xi32>], vector<16xf32>,
      %get3A_180 = arith.index_cast %add3A_156 : i32 to index
      %get3A_181 = arith.constant 64 : index
      %get3A_182 = tpu.vector_load %arg10[%get3A_180, %get3A_181] {strides = array<i32>} : memref<120x128xi32, #tpu.memory_space<vmem>>, vector<16xi32>,
      tpu.vector_store_idx %arg16[%get3A_182], %broadcast_in_dim3A_5 {add = true} : memref<10240xf32, #tpu.memory_space<vmem>>[vector<16xi32>], vector<16xf32>,
      %get3A_183 = arith.index_cast %add3A_156 : i32 to index
      %get3A_184 = arith.constant 80 : index
      %get3A_185 = tpu.vector_load %arg10[%get3A_183, %get3A_184] {strides = array<i32>} : memref<120x128xi32, #tpu.memory_space<vmem>>, vector<16xi32>,
      tpu.vector_store_idx %arg16[%get3A_185], %broadcast_in_dim3A_5 {add = true} : memref<10240xf32, #tpu.memory_space<vmem>>[vector<16xi32>], vector<16xf32>,
      %get3A_186 = arith.index_cast %add3A_156 : i32 to index
      %get3A_187 = arith.constant 96 : index
      %get3A_188 = tpu.vector_load %arg10[%get3A_186, %get3A_187] {strides = array<i32>} : memref<120x128xi32, #tpu.memory_space<vmem>>, vector<16xi32>,
      tpu.vector_store_idx %arg16[%get3A_188], %broadcast_in_dim3A_5 {add = true} : memref<10240xf32, #tpu.memory_space<vmem>>[vector<16xi32>], vector<16xf32>,
      %get3A_189 = arith.index_cast %add3A_156 : i32 to index
      %get3A_190 = arith.constant 112 : index
      %get3A_191 = tpu.vector_load %arg10[%get3A_189, %get3A_190] {strides = array<i32>} : memref<120x128xi32, #tpu.memory_space<vmem>>, vector<16xi32>,
      tpu.vector_store_idx %arg16[%get3A_191], %broadcast_in_dim3A_5 {add = true} : memref<10240xf32, #tpu.memory_space<vmem>>[vector<16xi32>], vector<16xf32>,
      %add3A_192 = arith.constant 2 : i32
      %add3A_193 = arith.addi %add3A_156, %add3A_192 : i32
      %sub3A_194 = arith.constant 4 : i32
      %sub3A_195 = arith.subi %add3A_193, %sub3A_194 : i32
      %ge3A = arith.constant 0 : i32
      %ge3A_196 = arith.cmpi sge, %sub3A_195, %ge3A : i32
      %convert_element_type3A = arith.extui %ge3A_196 : i1 to i32
      %cond3A = arith.constant 0 : i32
      %cond3A_197 = arith.cmpi ne, %convert_element_type3A, %cond3A : i32
      scf.if %cond3A_197 {
        %add3A_362 = arith.constant 2 : i32
        %add3A_363 = arith.addi %add3A_156, %add3A_362 : i32
        %sub3A_364 = arith.constant 4 : i32
        %sub3A_365 = arith.subi %add3A_363, %sub3A_364 : i32
        %dma_wait3A_366 = arith.constant 0 : i32
        %dma_wait3A_367 = tpu.memref_slice %arg10[%sub3A_365, %dma_wait3A_366] : memref<120x128xi32, #tpu.memory_space<vmem>> -> memref<1x128xi32, #tpu.memory_space<vmem>>
        %dma_wait3A_368 = tpu.memref_squeeze %dma_wait3A_367 : memref<1x128xi32, #tpu.memory_space<vmem>> -> memref<128xi32, #tpu.memory_space<vmem>>
        %dma_wait3A_369 = arith.constant 0 : i32
        %dma_wait3A_370 = arith.constant 0 : i32
        %dma_wait3A_371 = tpu.memref_slice %arg15[%dma_wait3A_369, %dma_wait3A_370] : memref<10240x64xf32, #tpu.memory_space<vmem_shared>> -> memref<10240x64xf32, #tpu.memory_space<vmem_shared>>
        tpu.wait_indirect_dma semaphore(%arg23 : memref<!tpu.dma_semaphore, #tpu.memory_space<semaphore_mem>>) src(%arg13 : memref<128x64xf32, #tpu.memory_space<vmem>>) dst(%dma_wait3A_371 : memref<10240x64xf32, #tpu.memory_space<vmem_shared>>)
      } else {
      }
      %add3A_198 = arith.constant 2 : i32
      %add3A_199 = arith.addi %add3A_156, %add3A_198 : i32
      %lt3A = arith.cmpi slt, %add3A_199, %select_n3A : i32
      %convert_element_type3A_200 = arith.extui %lt3A : i1 to i32
      %cond3A_201 = arith.constant 0 : i32
      %cond3A_202 = arith.cmpi ne, %convert_element_type3A_200, %cond3A_201 : i32
      scf.if %cond3A_202 {
        %add3A_362 = arith.constant 2 : i32
        %add3A_363 = arith.addi %add3A_156, %add3A_362 : i32
        %dma_start3A_364 = arith.constant 0 : i32
        %dma_start3A_365 = tpu.memref_slice %arg9[%add3A_363, %dma_start3A_364] : memref<120x128xi32, #tpu.memory_space<vmem>> -> memref<1x128xi32, #tpu.memory_space<vmem>>
        %dma_start3A_366 = tpu.memref_squeeze %dma_start3A_365 : memref<1x128xi32, #tpu.memory_space<vmem>> -> memref<128xi32, #tpu.memory_space<vmem>>
        %dma_start3A_367 = arith.constant 0 : i32
        %dma_start3A_368 = arith.constant 0 : i32
        %dma_start3A_369 = tpu.memref_slice %arg2[%dma_start3A_367, %dma_start3A_368] : memref<10240x64xf32, #tpu.memory_space<hbm>> -> memref<10240x64xf32, #tpu.memory_space<hbm>>
        tpu.enqueue_indirect_dma source(%dma_start3A_369 : memref<10240x64xf32, #tpu.memory_space<hbm>>) target(%arg13 : memref<128x64xf32, #tpu.memory_space<vmem>>) offsets(%dma_start3A_366 : memref<128xi32, #tpu.memory_space<vmem>>) semaphore(%arg19 : memref<!tpu.dma_semaphore, #tpu.memory_space<semaphore_mem>>)
      } else {
      }
      %add3A_203 = arith.constant 1 : i32
      %add3A_204 = arith.addi %mul3A_154, %add3A_203 : i32
      %dma_wait3A_205 = arith.constant 0 : i32
      %dma_wait3A_206 = tpu.memref_slice %arg9[%add3A_204, %dma_wait3A_205] : memref<120x128xi32, #tpu.memory_space<vmem>> -> memref<1x128xi32, #tpu.memory_space<vmem>>
      %dma_wait3A_207 = tpu.memref_squeeze %dma_wait3A_206 : memref<1x128xi32, #tpu.memory_space<vmem>> -> memref<128xi32, #tpu.memory_space<vmem>>
      %dma_wait3A_208 = arith.constant 0 : i32
      %dma_wait3A_209 = arith.constant 0 : i32
      %dma_wait3A_210 = tpu.memref_slice %arg2[%dma_wait3A_208, %dma_wait3A_209] : memref<10240x64xf32, #tpu.memory_space<hbm>> -> memref<10240x64xf32, #tpu.memory_space<hbm>>
      tpu.wait_indirect_dma semaphore(%arg18 : memref<!tpu.dma_semaphore, #tpu.memory_space<semaphore_mem>>) src(%dma_wait3A_210 : memref<10240x64xf32, #tpu.memory_space<hbm>>) dst(%arg12 : memref<128x64xf32, #tpu.memory_space<vmem>>)
      %dma_start3A_211 = arith.constant 0 : i32
      %dma_start3A_212 = tpu.memref_slice %arg10[%add3A_204, %dma_start3A_211] : memref<120x128xi32, #tpu.memory_space<vmem>> -> memref<1x128xi32, #tpu.memory_space<vmem>>
      %dma_start3A_213 = tpu.memref_squeeze %dma_start3A_212 : memref<1x128xi32, #tpu.memory_space<vmem>> -> memref<128xi32, #tpu.memory_space<vmem>>
      %dma_start3A_214 = arith.constant 0 : i32
      %dma_start3A_215 = arith.constant 0 : i32
      %dma_start3A_216 = tpu.memref_slice %arg15[%dma_start3A_214, %dma_start3A_215] : memref<10240x64xf32, #tpu.memory_space<vmem_shared>> -> memref<10240x64xf32, #tpu.memory_space<vmem_shared>>
      tpu.enqueue_indirect_dma source(%arg12 : memref<128x64xf32, #tpu.memory_space<vmem>>) target(%dma_start3A_216 : memref<10240x64xf32, #tpu.memory_space<vmem_shared>>) offsets(%dma_start3A_213 : memref<128xi32, #tpu.memory_space<vmem>>) semaphore(%arg22 : memref<!tpu.dma_semaphore, #tpu.memory_space<semaphore_mem>>) {add = true}
      %get3A_217 = arith.index_cast %add3A_204 : i32 to index
      %get3A_218 = arith.constant 0 : index
      %get3A_219 = tpu.vector_load %arg10[%get3A_217, %get3A_218] {strides = array<i32>} : memref<120x128xi32, #tpu.memory_space<vmem>>, vector<16xi32>,
      tpu.vector_store_idx %arg16[%get3A_219], %broadcast_in_dim3A_5 {add = true} : memref<10240xf32, #tpu.memory_space<vmem>>[vector<16xi32>], vector<16xf32>,
      %get3A_220 = arith.index_cast %add3A_204 : i32 to index
      %get3A_221 = arith.constant 16 : index
      %get3A_222 = tpu.vector_load %arg10[%get3A_220, %get3A_221] {strides = array<i32>} : memref<120x128xi32, #tpu.memory_space<vmem>>, vector<16xi32>,
      tpu.vector_store_idx %arg16[%get3A_222], %broadcast_in_dim3A_5 {add = true} : memref<10240xf32, #tpu.memory_space<vmem>>[vector<16xi32>], vector<16xf32>,
      %get3A_223 = arith.index_cast %add3A_204 : i32 to index
      %get3A_224 = arith.constant 32 : index
      %get3A_225 = tpu.vector_load %arg10[%get3A_223, %get3A_224] {strides = array<i32>} : memref<120x128xi32, #tpu.memory_space<vmem>>, vector<16xi32>,
      tpu.vector_store_idx %arg16[%get3A_225], %broadcast_in_dim3A_5 {add = true} : memref<10240xf32, #tpu.memory_space<vmem>>[vector<16xi32>], vector<16xf32>,
      %get3A_226 = arith.index_cast %add3A_204 : i32 to index
      %get3A_227 = arith.constant 48 : index
      %get3A_228 = tpu.vector_load %arg10[%get3A_226, %get3A_227] {strides = array<i32>} : memref<120x128xi32, #tpu.memory_space<vmem>>, vector<16xi32>,
      tpu.vector_store_idx %arg16[%get3A_228], %broadcast_in_dim3A_5 {add = true} : memref<10240xf32, #tpu.memory_space<vmem>>[vector<16xi32>], vector<16xf32>,
      %get3A_229 = arith.index_cast %add3A_204 : i32 to index
      %get3A_230 = arith.constant 64 : index
      %get3A_231 = tpu.vector_load %arg10[%get3A_229, %get3A_230] {strides = array<i32>} : memref<120x128xi32, #tpu.memory_space<vmem>>, vector<16xi32>,
      tpu.vector_store_idx %arg16[%get3A_231], %broadcast_in_dim3A_5 {add = true} : memref<10240xf32, #tpu.memory_space<vmem>>[vector<16xi32>], vector<16xf32>,
      %get3A_232 = arith.index_cast %add3A_204 : i32 to index
      %get3A_233 = arith.constant 80 : index
      %get3A_234 = tpu.vector_load %arg10[%get3A_232, %get3A_233] {strides = array<i32>} : memref<120x128xi32, #tpu.memory_space<vmem>>, vector<16xi32>,
      tpu.vector_store_idx %arg16[%get3A_234], %broadcast_in_dim3A_5 {add = true} : memref<10240xf32, #tpu.memory_space<vmem>>[vector<16xi32>], vector<16xf32>,
      %get3A_235 = arith.index_cast %add3A_204 : i32 to index
      %get3A_236 = arith.constant 96 : index
      %get3A_237 = tpu.vector_load %arg10[%get3A_235, %get3A_236] {strides = array<i32>} : memref<120x128xi32, #tpu.memory_space<vmem>>, vector<16xi32>,
      tpu.vector_store_idx %arg16[%get3A_237], %broadcast_in_dim3A_5 {add = true} : memref<10240xf32, #tpu.memory_space<vmem>>[vector<16xi32>], vector<16xf32>,
      %get3A_238 = arith.index_cast %add3A_204 : i32 to index
      %get3A_239 = arith.constant 112 : index
      %get3A_240 = tpu.vector_load %arg10[%get3A_238, %get3A_239] {strides = array<i32>} : memref<120x128xi32, #tpu.memory_space<vmem>>, vector<16xi32>,
      tpu.vector_store_idx %arg16[%get3A_240], %broadcast_in_dim3A_5 {add = true} : memref<10240xf32, #tpu.memory_space<vmem>>[vector<16xi32>], vector<16xf32>,
      %add3A_241 = arith.constant 2 : i32
      %add3A_242 = arith.addi %add3A_204, %add3A_241 : i32
      %sub3A_243 = arith.constant 4 : i32
      %sub3A_244 = arith.subi %add3A_242, %sub3A_243 : i32
      %ge3A_245 = arith.constant 0 : i32
      %ge3A_246 = arith.cmpi sge, %sub3A_244, %ge3A_245 : i32
      %convert_element_type3A_247 = arith.extui %ge3A_246 : i1 to i32
      %cond3A_248 = arith.constant 0 : i32
      %cond3A_249 = arith.cmpi ne, %convert_element_type3A_247, %cond3A_248 : i32
      scf.if %cond3A_249 {
        %add3A_362 = arith.constant 2 : i32
        %add3A_363 = arith.addi %add3A_204, %add3A_362 : i32
        %sub3A_364 = arith.constant 4 : i32
        %sub3A_365 = arith.subi %add3A_363, %sub3A_364 : i32
        %dma_wait3A_366 = arith.constant 0 : i32
        %dma_wait3A_367 = tpu.memref_slice %arg10[%sub3A_365, %dma_wait3A_366] : memref<120x128xi32, #tpu.memory_space<vmem>> -> memref<1x128xi32, #tpu.memory_space<vmem>>
        %dma_wait3A_368 = tpu.memref_squeeze %dma_wait3A_367 : memref<1x128xi32, #tpu.memory_space<vmem>> -> memref<128xi32, #tpu.memory_space<vmem>>
        %dma_wait3A_369 = arith.constant 0 : i32
        %dma_wait3A_370 = arith.constant 0 : i32
        %dma_wait3A_371 = tpu.memref_slice %arg15[%dma_wait3A_369, %dma_wait3A_370] : memref<10240x64xf32, #tpu.memory_space<vmem_shared>> -> memref<10240x64xf32, #tpu.memory_space<vmem_shared>>
        tpu.wait_indirect_dma semaphore(%arg24 : memref<!tpu.dma_semaphore, #tpu.memory_space<semaphore_mem>>) src(%arg14 : memref<128x64xf32, #tpu.memory_space<vmem>>) dst(%dma_wait3A_371 : memref<10240x64xf32, #tpu.memory_space<vmem_shared>>)
      } else {
      }
      %add3A_250 = arith.constant 2 : i32
      %add3A_251 = arith.addi %add3A_204, %add3A_250 : i32
      %lt3A_252 = arith.cmpi slt, %add3A_251, %select_n3A : i32
      %convert_element_type3A_253 = arith.extui %lt3A_252 : i1 to i32
      %cond3A_254 = arith.constant 0 : i32
      %cond3A_255 = arith.cmpi ne, %convert_element_type3A_253, %cond3A_254 : i32
      scf.if %cond3A_255 {
        %add3A_362 = arith.constant 2 : i32
        %add3A_363 = arith.addi %add3A_204, %add3A_362 : i32
        %dma_start3A_364 = arith.constant 0 : i32
        %dma_start3A_365 = tpu.memref_slice %arg9[%add3A_363, %dma_start3A_364] : memref<120x128xi32, #tpu.memory_space<vmem>> -> memref<1x128xi32, #tpu.memory_space<vmem>>
        %dma_start3A_366 = tpu.memref_squeeze %dma_start3A_365 : memref<1x128xi32, #tpu.memory_space<vmem>> -> memref<128xi32, #tpu.memory_space<vmem>>
        %dma_start3A_367 = arith.constant 0 : i32
        %dma_start3A_368 = arith.constant 0 : i32
        %dma_start3A_369 = tpu.memref_slice %arg2[%dma_start3A_367, %dma_start3A_368] : memref<10240x64xf32, #tpu.memory_space<hbm>> -> memref<10240x64xf32, #tpu.memory_space<hbm>>
        tpu.enqueue_indirect_dma source(%dma_start3A_369 : memref<10240x64xf32, #tpu.memory_space<hbm>>) target(%arg14 : memref<128x64xf32, #tpu.memory_space<vmem>>) offsets(%dma_start3A_366 : memref<128xi32, #tpu.memory_space<vmem>>) semaphore(%arg20 : memref<!tpu.dma_semaphore, #tpu.memory_space<semaphore_mem>>)
      } else {
      }
      %add3A_256 = arith.constant 2 : i32
      %add3A_257 = arith.addi %mul3A_154, %add3A_256 : i32
      %dma_wait3A_258 = arith.constant 0 : i32
      %dma_wait3A_259 = tpu.memref_slice %arg9[%add3A_257, %dma_wait3A_258] : memref<120x128xi32, #tpu.memory_space<vmem>> -> memref<1x128xi32, #tpu.memory_space<vmem>>
      %dma_wait3A_260 = tpu.memref_squeeze %dma_wait3A_259 : memref<1x128xi32, #tpu.memory_space<vmem>> -> memref<128xi32, #tpu.memory_space<vmem>>
      %dma_wait3A_261 = arith.constant 0 : i32
      %dma_wait3A_262 = arith.constant 0 : i32
      %dma_wait3A_263 = tpu.memref_slice %arg2[%dma_wait3A_261, %dma_wait3A_262] : memref<10240x64xf32, #tpu.memory_space<hbm>> -> memref<10240x64xf32, #tpu.memory_space<hbm>>
      tpu.wait_indirect_dma semaphore(%arg19 : memref<!tpu.dma_semaphore, #tpu.memory_space<semaphore_mem>>) src(%dma_wait3A_263 : memref<10240x64xf32, #tpu.memory_space<hbm>>) dst(%arg13 : memref<128x64xf32, #tpu.memory_space<vmem>>)
      %dma_start3A_264 = arith.constant 0 : i32
      %dma_start3A_265 = tpu.memref_slice %arg10[%add3A_257, %dma_start3A_264] : memref<120x128xi32, #tpu.memory_space<vmem>> -> memref<1x128xi32, #tpu.memory_space<vmem>>
      %dma_start3A_266 = tpu.memref_squeeze %dma_start3A_265 : memref<1x128xi32, #tpu.memory_space<vmem>> -> memref<128xi32, #tpu.memory_space<vmem>>
      %dma_start3A_267 = arith.constant 0 : i32
      %dma_start3A_268 = arith.constant 0 : i32
      %dma_start3A_269 = tpu.memref_slice %arg15[%dma_start3A_267, %dma_start3A_268] : memref<10240x64xf32, #tpu.memory_space<vmem_shared>> -> memref<10240x64xf32, #tpu.memory_space<vmem_shared>>
      tpu.enqueue_indirect_dma source(%arg13 : memref<128x64xf32, #tpu.memory_space<vmem>>) target(%dma_start3A_269 : memref<10240x64xf32, #tpu.memory_space<vmem_shared>>) offsets(%dma_start3A_266 : memref<128xi32, #tpu.memory_space<vmem>>) semaphore(%arg23 : memref<!tpu.dma_semaphore, #tpu.memory_space<semaphore_mem>>) {add = true}
      %get3A_270 = arith.index_cast %add3A_257 : i32 to index
      %get3A_271 = arith.constant 0 : index
      %get3A_272 = tpu.vector_load %arg10[%get3A_270, %get3A_271] {strides = array<i32>} : memref<120x128xi32, #tpu.memory_space<vmem>>, vector<16xi32>,
      tpu.vector_store_idx %arg16[%get3A_272], %broadcast_in_dim3A_5 {add = true} : memref<10240xf32, #tpu.memory_space<vmem>>[vector<16xi32>], vector<16xf32>,
      %get3A_273 = arith.index_cast %add3A_257 : i32 to index
      %get3A_274 = arith.constant 16 : index
      %get3A_275 = tpu.vector_load %arg10[%get3A_273, %get3A_274] {strides = array<i32>} : memref<120x128xi32, #tpu.memory_space<vmem>>, vector<16xi32>,
      tpu.vector_store_idx %arg16[%get3A_275], %broadcast_in_dim3A_5 {add = true} : memref<10240xf32, #tpu.memory_space<vmem>>[vector<16xi32>], vector<16xf32>,
      %get3A_276 = arith.index_cast %add3A_257 : i32 to index
      %get3A_277 = arith.constant 32 : index
      %get3A_278 = tpu.vector_load %arg10[%get3A_276, %get3A_277] {strides = array<i32>} : memref<120x128xi32, #tpu.memory_space<vmem>>, vector<16xi32>,
      tpu.vector_store_idx %arg16[%get3A_278], %broadcast_in_dim3A_5 {add = true} : memref<10240xf32, #tpu.memory_space<vmem>>[vector<16xi32>], vector<16xf32>,
      %get3A_279 = arith.index_cast %add3A_257 : i32 to index
      %get3A_280 = arith.constant 48 : index
      %get3A_281 = tpu.vector_load %arg10[%get3A_279, %get3A_280] {strides = array<i32>} : memref<120x128xi32, #tpu.memory_space<vmem>>, vector<16xi32>,
      tpu.vector_store_idx %arg16[%get3A_281], %broadcast_in_dim3A_5 {add = true} : memref<10240xf32, #tpu.memory_space<vmem>>[vector<16xi32>], vector<16xf32>,
      %get3A_282 = arith.index_cast %add3A_257 : i32 to index
      %get3A_283 = arith.constant 64 : index
      %get3A_284 = tpu.vector_load %arg10[%get3A_282, %get3A_283] {strides = array<i32>} : memref<120x128xi32, #tpu.memory_space<vmem>>, vector<16xi32>,
      tpu.vector_store_idx %arg16[%get3A_284], %broadcast_in_dim3A_5 {add = true} : memref<10240xf32, #tpu.memory_space<vmem>>[vector<16xi32>], vector<16xf32>,
      %get3A_285 = arith.index_cast %add3A_257 : i32 to index
      %get3A_286 = arith.constant 80 : index
      %get3A_287 = tpu.vector_load %arg10[%get3A_285, %get3A_286] {strides = array<i32>} : memref<120x128xi32, #tpu.memory_space<vmem>>, vector<16xi32>,
      tpu.vector_store_idx %arg16[%get3A_287], %broadcast_in_dim3A_5 {add = true} : memref<10240xf32, #tpu.memory_space<vmem>>[vector<16xi32>], vector<16xf32>,
      %get3A_288 = arith.index_cast %add3A_257 : i32 to index
      %get3A_289 = arith.constant 96 : index
      %get3A_290 = tpu.vector_load %arg10[%get3A_288, %get3A_289] {strides = array<i32>} : memref<120x128xi32, #tpu.memory_space<vmem>>, vector<16xi32>,
      tpu.vector_store_idx %arg16[%get3A_290], %broadcast_in_dim3A_5 {add = true} : memref<10240xf32, #tpu.memory_space<vmem>>[vector<16xi32>], vector<16xf32>,
      %get3A_291 = arith.index_cast %add3A_257 : i32 to index
      %get3A_292 = arith.constant 112 : index
      %get3A_293 = tpu.vector_load %arg10[%get3A_291, %get3A_292] {strides = array<i32>} : memref<120x128xi32, #tpu.memory_space<vmem>>, vector<16xi32>,
      tpu.vector_store_idx %arg16[%get3A_293], %broadcast_in_dim3A_5 {add = true} : memref<10240xf32, #tpu.memory_space<vmem>>[vector<16xi32>], vector<16xf32>,
      %add3A_294 = arith.constant 2 : i32
      %add3A_295 = arith.addi %add3A_257, %add3A_294 : i32
      %sub3A_296 = arith.constant 4 : i32
      %sub3A_297 = arith.subi %add3A_295, %sub3A_296 : i32
      %ge3A_298 = arith.constant 0 : i32
      %ge3A_299 = arith.cmpi sge, %sub3A_297, %ge3A_298 : i32
      %convert_element_type3A_300 = arith.extui %ge3A_299 : i1 to i32
      %cond3A_301 = arith.constant 0 : i32
      %cond3A_302 = arith.cmpi ne, %convert_element_type3A_300, %cond3A_301 : i32
      scf.if %cond3A_302 {
        %add3A_362 = arith.constant 2 : i32
        %add3A_363 = arith.addi %add3A_257, %add3A_362 : i32
        %sub3A_364 = arith.constant 4 : i32
        %sub3A_365 = arith.subi %add3A_363, %sub3A_364 : i32
        %dma_wait3A_366 = arith.constant 0 : i32
        %dma_wait3A_367 = tpu.memref_slice %arg10[%sub3A_365, %dma_wait3A_366] : memref<120x128xi32, #tpu.memory_space<vmem>> -> memref<1x128xi32, #tpu.memory_space<vmem>>
        %dma_wait3A_368 = tpu.memref_squeeze %dma_wait3A_367 : memref<1x128xi32, #tpu.memory_space<vmem>> -> memref<128xi32, #tpu.memory_space<vmem>>
        %dma_wait3A_369 = arith.constant 0 : i32
        %dma_wait3A_370 = arith.constant 0 : i32
        %dma_wait3A_371 = tpu.memref_slice %arg15[%dma_wait3A_369, %dma_wait3A_370] : memref<10240x64xf32, #tpu.memory_space<vmem_shared>> -> memref<10240x64xf32, #tpu.memory_space<vmem_shared>>
        tpu.wait_indirect_dma semaphore(%arg21 : memref<!tpu.dma_semaphore, #tpu.memory_space<semaphore_mem>>) src(%arg11 : memref<128x64xf32, #tpu.memory_space<vmem>>) dst(%dma_wait3A_371 : memref<10240x64xf32, #tpu.memory_space<vmem_shared>>)
      } else {
      }
      %add3A_303 = arith.constant 2 : i32
      %add3A_304 = arith.addi %add3A_257, %add3A_303 : i32
      %lt3A_305 = arith.cmpi slt, %add3A_304, %select_n3A : i32
      %convert_element_type3A_306 = arith.extui %lt3A_305 : i1 to i32
      %cond3A_307 = arith.constant 0 : i32
      %cond3A_308 = arith.cmpi ne, %convert_element_type3A_306, %cond3A_307 : i32
      scf.if %cond3A_308 {
        %add3A_362 = arith.constant 2 : i32
        %add3A_363 = arith.addi %add3A_257, %add3A_362 : i32
        %dma_start3A_364 = arith.constant 0 : i32
        %dma_start3A_365 = tpu.memref_slice %arg9[%add3A_363, %dma_start3A_364] : memref<120x128xi32, #tpu.memory_space<vmem>> -> memref<1x128xi32, #tpu.memory_space<vmem>>
        %dma_start3A_366 = tpu.memref_squeeze %dma_start3A_365 : memref<1x128xi32, #tpu.memory_space<vmem>> -> memref<128xi32, #tpu.memory_space<vmem>>
        %dma_start3A_367 = arith.constant 0 : i32
        %dma_start3A_368 = arith.constant 0 : i32
        %dma_start3A_369 = tpu.memref_slice %arg2[%dma_start3A_367, %dma_start3A_368] : memref<10240x64xf32, #tpu.memory_space<hbm>> -> memref<10240x64xf32, #tpu.memory_space<hbm>>
        tpu.enqueue_indirect_dma source(%dma_start3A_369 : memref<10240x64xf32, #tpu.memory_space<hbm>>) target(%arg11 : memref<128x64xf32, #tpu.memory_space<vmem>>) offsets(%dma_start3A_366 : memref<128xi32, #tpu.memory_space<vmem>>) semaphore(%arg17 : memref<!tpu.dma_semaphore, #tpu.memory_space<semaphore_mem>>)
      } else {
      }
      %add3A_309 = arith.constant 3 : i32
      %add3A_310 = arith.addi %mul3A_154, %add3A_309 : i32
      %dma_wait3A_311 = arith.constant 0 : i32
      %dma_wait3A_312 = tpu.memref_slice %arg9[%add3A_310, %dma_wait3A_311] : memref<120x128xi32, #tpu.memory_space<vmem>> -> memref<1x128xi32, #tpu.memory_space<vmem>>
      %dma_wait3A_313 = tpu.memref_squeeze %dma_wait3A_312 : memref<1x128xi32, #tpu.memory_space<vmem>> -> memref<128xi32, #tpu.memory_space<vmem>>
      %dma_wait3A_314 = arith.constant 0 : i32
      %dma_wait3A_315 = arith.constant 0 : i32
      %dma_wait3A_316 = tpu.memref_slice %arg2[%dma_wait3A_314, %dma_wait3A_315] : memref<10240x64xf32, #tpu.memory_space<hbm>> -> memref<10240x64xf32, #tpu.memory_space<hbm>>
      tpu.wait_indirect_dma semaphore(%arg20 : memref<!tpu.dma_semaphore, #tpu.memory_space<semaphore_mem>>) src(%dma_wait3A_316 : memref<10240x64xf32, #tpu.memory_space<hbm>>) dst(%arg14 : memref<128x64xf32, #tpu.memory_space<vmem>>)
      %dma_start3A_317 = arith.constant 0 : i32
      %dma_start3A_318 = tpu.memref_slice %arg10[%add3A_310, %dma_start3A_317] : memref<120x128xi32, #tpu.memory_space<vmem>> -> memref<1x128xi32, #tpu.memory_space<vmem>>
      %dma_start3A_319 = tpu.memref_squeeze %dma_start3A_318 : memref<1x128xi32, #tpu.memory_space<vmem>> -> memref<128xi32, #tpu.memory_space<vmem>>
      %dma_start3A_320 = arith.constant 0 : i32
      %dma_start3A_321 = arith.constant 0 : i32
      %dma_start3A_322 = tpu.memref_slice %arg15[%dma_start3A_320, %dma_start3A_321] : memref<10240x64xf32, #tpu.memory_space<vmem_shared>> -> memref<10240x64xf32, #tpu.memory_space<vmem_shared>>
      tpu.enqueue_indirect_dma source(%arg14 : memref<128x64xf32, #tpu.memory_space<vmem>>) target(%dma_start3A_322 : memref<10240x64xf32, #tpu.memory_space<vmem_shared>>) offsets(%dma_start3A_319 : memref<128xi32, #tpu.memory_space<vmem>>) semaphore(%arg24 : memref<!tpu.dma_semaphore, #tpu.memory_space<semaphore_mem>>) {add = true}
      %get3A_323 = arith.index_cast %add3A_310 : i32 to index
      %get3A_324 = arith.constant 0 : index
      %get3A_325 = tpu.vector_load %arg10[%get3A_323, %get3A_324] {strides = array<i32>} : memref<120x128xi32, #tpu.memory_space<vmem>>, vector<16xi32>,
      tpu.vector_store_idx %arg16[%get3A_325], %broadcast_in_dim3A_5 {add = true} : memref<10240xf32, #tpu.memory_space<vmem>>[vector<16xi32>], vector<16xf32>,
      %get3A_326 = arith.index_cast %add3A_310 : i32 to index
      %get3A_327 = arith.constant 16 : index
      %get3A_328 = tpu.vector_load %arg10[%get3A_326, %get3A_327] {strides = array<i32>} : memref<120x128xi32, #tpu.memory_space<vmem>>, vector<16xi32>,
      tpu.vector_store_idx %arg16[%get3A_328], %broadcast_in_dim3A_5 {add = true} : memref<10240xf32, #tpu.memory_space<vmem>>[vector<16xi32>], vector<16xf32>,
      %get3A_329 = arith.index_cast %add3A_310 : i32 to index
      %get3A_330 = arith.constant 32 : index
      %get3A_331 = tpu.vector_load %arg10[%get3A_329, %get3A_330] {strides = array<i32>} : memref<120x128xi32, #tpu.memory_space<vmem>>, vector<16xi32>,
      tpu.vector_store_idx %arg16[%get3A_331], %broadcast_in_dim3A_5 {add = true} : memref<10240xf32, #tpu.memory_space<vmem>>[vector<16xi32>], vector<16xf32>,
      %get3A_332 = arith.index_cast %add3A_310 : i32 to index
      %get3A_333 = arith.constant 48 : index
      %get3A_334 = tpu.vector_load %arg10[%get3A_332, %get3A_333] {strides = array<i32>} : memref<120x128xi32, #tpu.memory_space<vmem>>, vector<16xi32>,
      tpu.vector_store_idx %arg16[%get3A_334], %broadcast_in_dim3A_5 {add = true} : memref<10240xf32, #tpu.memory_space<vmem>>[vector<16xi32>], vector<16xf32>,
      %get3A_335 = arith.index_cast %add3A_310 : i32 to index
      %get3A_336 = arith.constant 64 : index
      %get3A_337 = tpu.vector_load %arg10[%get3A_335, %get3A_336] {strides = array<i32>} : memref<120x128xi32, #tpu.memory_space<vmem>>, vector<16xi32>,
      tpu.vector_store_idx %arg16[%get3A_337], %broadcast_in_dim3A_5 {add = true} : memref<10240xf32, #tpu.memory_space<vmem>>[vector<16xi32>], vector<16xf32>,
      %get3A_338 = arith.index_cast %add3A_310 : i32 to index
      %get3A_339 = arith.constant 80 : index
      %get3A_340 = tpu.vector_load %arg10[%get3A_338, %get3A_339] {strides = array<i32>} : memref<120x128xi32, #tpu.memory_space<vmem>>, vector<16xi32>,
      tpu.vector_store_idx %arg16[%get3A_340], %broadcast_in_dim3A_5 {add = true} : memref<10240xf32, #tpu.memory_space<vmem>>[vector<16xi32>], vector<16xf32>,
      %get3A_341 = arith.index_cast %add3A_310 : i32 to index
      %get3A_342 = arith.constant 96 : index
      %get3A_343 = tpu.vector_load %arg10[%get3A_341, %get3A_342] {strides = array<i32>} : memref<120x128xi32, #tpu.memory_space<vmem>>, vector<16xi32>,
      tpu.vector_store_idx %arg16[%get3A_343], %broadcast_in_dim3A_5 {add = true} : memref<10240xf32, #tpu.memory_space<vmem>>[vector<16xi32>], vector<16xf32>,
      %get3A_344 = arith.index_cast %add3A_310 : i32 to index
      %get3A_345 = arith.constant 112 : index
      %get3A_346 = tpu.vector_load %arg10[%get3A_344, %get3A_345] {strides = array<i32>} : memref<120x128xi32, #tpu.memory_space<vmem>>, vector<16xi32>,
      tpu.vector_store_idx %arg16[%get3A_346], %broadcast_in_dim3A_5 {add = true} : memref<10240xf32, #tpu.memory_space<vmem>>[vector<16xi32>], vector<16xf32>,
      %add3A_347 = arith.constant 2 : i32
      %add3A_348 = arith.addi %add3A_310, %add3A_347 : i32
      %sub3A_349 = arith.constant 4 : i32
      %sub3A_350 = arith.subi %add3A_348, %sub3A_349 : i32
      %ge3A_351 = arith.constant 0 : i32
      %ge3A_352 = arith.cmpi sge, %sub3A_350, %ge3A_351 : i32
      %convert_element_type3A_353 = arith.extui %ge3A_352 : i1 to i32
      %cond3A_354 = arith.constant 0 : i32
      %cond3A_355 = arith.cmpi ne, %convert_element_type3A_353, %cond3A_354 : i32
      scf.if %cond3A_355 {
        %add3A_362 = arith.constant 2 : i32
        %add3A_363 = arith.addi %add3A_310, %add3A_362 : i32
        %sub3A_364 = arith.constant 4 : i32
        %sub3A_365 = arith.subi %add3A_363, %sub3A_364 : i32
        %dma_wait3A_366 = arith.constant 0 : i32
        %dma_wait3A_367 = tpu.memref_slice %arg10[%sub3A_365, %dma_wait3A_366] : memref<120x128xi32, #tpu.memory_space<vmem>> -> memref<1x128xi32, #tpu.memory_space<vmem>>
        %dma_wait3A_368 = tpu.memref_squeeze %dma_wait3A_367 : memref<1x128xi32, #tpu.memory_space<vmem>> -> memref<128xi32, #tpu.memory_space<vmem>>
        %dma_wait3A_369 = arith.constant 0 : i32
        %dma_wait3A_370 = arith.constant 0 : i32
        %dma_wait3A_371 = tpu.memref_slice %arg15[%dma_wait3A_369, %dma_wait3A_370] : memref<10240x64xf32, #tpu.memory_space<vmem_shared>> -> memref<10240x64xf32, #tpu.memory_space<vmem_shared>>
        tpu.wait_indirect_dma semaphore(%arg22 : memref<!tpu.dma_semaphore, #tpu.memory_space<semaphore_mem>>) src(%arg12 : memref<128x64xf32, #tpu.memory_space<vmem>>) dst(%dma_wait3A_371 : memref<10240x64xf32, #tpu.memory_space<vmem_shared>>)
      } else {
      }
      %add3A_356 = arith.constant 2 : i32
      %add3A_357 = arith.addi %add3A_310, %add3A_356 : i32
      %lt3A_358 = arith.cmpi slt, %add3A_357, %select_n3A : i32
      %convert_element_type3A_359 = arith.extui %lt3A_358 : i1 to i32
      %cond3A_360 = arith.constant 0 : i32
      %cond3A_361 = arith.cmpi ne, %convert_element_type3A_359, %cond3A_360 : i32
      scf.if %cond3A_361 {
        %add3A_362 = arith.constant 2 : i32
        %add3A_363 = arith.addi %add3A_310, %add3A_362 : i32
        %dma_start3A_364 = arith.constant 0 : i32
        %dma_start3A_365 = tpu.memref_slice %arg9[%add3A_363, %dma_start3A_364] : memref<120x128xi32, #tpu.memory_space<vmem>> -> memref<1x128xi32, #tpu.memory_space<vmem>>
        %dma_start3A_366 = tpu.memref_squeeze %dma_start3A_365 : memref<1x128xi32, #tpu.memory_space<vmem>> -> memref<128xi32, #tpu.memory_space<vmem>>
        %dma_start3A_367 = arith.constant 0 : i32
        %dma_start3A_368 = arith.constant 0 : i32
        %dma_start3A_369 = tpu.memref_slice %arg2[%dma_start3A_367, %dma_start3A_368] : memref<10240x64xf32, #tpu.memory_space<hbm>> -> memref<10240x64xf32, #tpu.memory_space<hbm>>
        tpu.enqueue_indirect_dma source(%dma_start3A_369 : memref<10240x64xf32, #tpu.memory_space<hbm>>) target(%arg12 : memref<128x64xf32, #tpu.memory_space<vmem>>) offsets(%dma_start3A_366 : memref<128xi32, #tpu.memory_space<vmem>>) semaphore(%arg18 : memref<!tpu.dma_semaphore, #tpu.memory_space<semaphore_mem>>)
      } else {
      }
    }
    %sub3A_54 = arith.constant 2 : i32
    %sub3A_55 = arith.subi %select_n3A, %sub3A_54 : i32
    %add3A_56 = arith.constant 0 : i32
    %add3A_57 = arith.addi %sub3A_55, %add3A_56 : i32
    %dma_wait3A = arith.constant 0 : i32
    %dma_wait3A_58 = tpu.memref_slice %arg10[%add3A_57, %dma_wait3A] : memref<120x128xi32, #tpu.memory_space<vmem>> -> memref<1x128xi32, #tpu.memory_space<vmem>>
    %dma_wait3A_59 = tpu.memref_squeeze %dma_wait3A_58 : memref<1x128xi32, #tpu.memory_space<vmem>> -> memref<128xi32, #tpu.memory_space<vmem>>
    %dma_wait3A_60 = arith.constant 0 : i32
    %dma_wait3A_61 = arith.constant 0 : i32
    %dma_wait3A_62 = tpu.memref_slice %arg15[%dma_wait3A_60, %dma_wait3A_61] : memref<10240x64xf32, #tpu.memory_space<vmem_shared>> -> memref<10240x64xf32, #tpu.memory_space<vmem_shared>>
    tpu.wait_indirect_dma semaphore(%arg23 : memref<!tpu.dma_semaphore, #tpu.memory_space<semaphore_mem>>) src(%arg13 : memref<128x64xf32, #tpu.memory_space<vmem>>) dst(%dma_wait3A_62 : memref<10240x64xf32, #tpu.memory_space<vmem_shared>>)
    %sub3A_63 = arith.constant 2 : i32
    %sub3A_64 = arith.subi %select_n3A, %sub3A_63 : i32
    %add3A_65 = arith.constant 1 : i32
    %add3A_66 = arith.addi %sub3A_64, %add3A_65 : i32
    %dma_wait3A_67 = arith.constant 0 : i32
    %dma_wait3A_68 = tpu.memref_slice %arg10[%add3A_66, %dma_wait3A_67] : memref<120x128xi32, #tpu.memory_space<vmem>> -> memref<1x128xi32, #tpu.memory_space<vmem>>
    %dma_wait3A_69 = tpu.memref_squeeze %dma_wait3A_68 : memref<1x128xi32, #tpu.memory_space<vmem>> -> memref<128xi32, #tpu.memory_space<vmem>>
    %dma_wait3A_70 = arith.constant 0 : i32
    %dma_wait3A_71 = arith.constant 0 : i32
    %dma_wait3A_72 = tpu.memref_slice %arg15[%dma_wait3A_70, %dma_wait3A_71] : memref<10240x64xf32, #tpu.memory_space<vmem_shared>> -> memref<10240x64xf32, #tpu.memory_space<vmem_shared>>
    tpu.wait_indirect_dma semaphore(%arg24 : memref<!tpu.dma_semaphore, #tpu.memory_space<semaphore_mem>>) src(%arg14 : memref<128x64xf32, #tpu.memory_space<vmem>>) dst(%dma_wait3A_72 : memref<10240x64xf32, #tpu.memory_space<vmem_shared>>)
    %mul3A_73 = arith.constant 1 : i32
    %mul3A_74 = arith.muli %mul3A_73, %select_n3A : i32
    %add3A_75 = arith.addi %add3A, %mul3A_74 : i32
    "tpu.region"() ({
      %run_scoped3A = tpu.sem_alloc : memref<!tpu.dma_semaphore, #tpu.memory_space<semaphore_mem>>
      %dma_start3A_152 = arith.constant 0 : i32
      %dma_start3A_153 = tpu.memref_slice %arg3[%add3A_75, %dma_start3A_152] : memref<5376x128xi32, #tpu.memory_space<hbm>> -> memref<120x128xi32, #tpu.memory_space<hbm>>
      %dma_start3A_154 = arith.constant 0 : i32
      %dma_start3A_155 = tpu.memref_slice %arg3[%add3A_75, %dma_start3A_154] : memref<5376x128xi32, #tpu.memory_space<hbm>> -> memref<120x128xi32, #tpu.memory_space<hbm>>
      tpu.enqueue_dma source(%dma_start3A_155 : memref<120x128xi32, #tpu.memory_space<hbm>>) target(%arg9 : memref<120x128xi32, #tpu.memory_space<vmem>>) target_semaphore(%run_scoped3A : memref<!tpu.dma_semaphore, #tpu.memory_space<semaphore_mem>>)
      %dma_wait3A_156 = arith.constant 0 : i32
      %dma_wait3A_157 = tpu.memref_slice %arg3[%add3A_75, %dma_wait3A_156] : memref<5376x128xi32, #tpu.memory_space<hbm>> -> memref<120x128xi32, #tpu.memory_space<hbm>>
      %dma_wait3A_158 = arith.constant 0 : i32
      %dma_wait3A_159 = tpu.memref_slice %arg3[%add3A_75, %dma_wait3A_158] : memref<5376x128xi32, #tpu.memory_space<hbm>> -> memref<120x128xi32, #tpu.memory_space<hbm>>
      tpu.wait_dma2 semaphore(%run_scoped3A : memref<!tpu.dma_semaphore, #tpu.memory_space<semaphore_mem>>) src(%dma_wait3A_159 : memref<120x128xi32, #tpu.memory_space<hbm>>) dst(%arg9 : memref<120x128xi32, #tpu.memory_space<vmem>>)
      tpu.yield
    }) : () -> ()
    %mul3A_76 = arith.constant 1 : i32
    %mul3A_77 = arith.muli %mul3A_76, %select_n3A : i32
    %add3A_78 = arith.addi %add3A, %mul3A_77 : i32
    "tpu.region"() ({
      %run_scoped3A = tpu.sem_alloc : memref<!tpu.dma_semaphore, #tpu.memory_space<semaphore_mem>>
      %dma_start3A_152 = arith.constant 0 : i32
      %dma_start3A_153 = tpu.memref_slice %arg4[%add3A_78, %dma_start3A_152] : memref<5376x128xi32, #tpu.memory_space<hbm>> -> memref<120x128xi32, #tpu.memory_space<hbm>>
      %dma_start3A_154 = arith.constant 0 : i32
      %dma_start3A_155 = tpu.memref_slice %arg4[%add3A_78, %dma_start3A_154] : memref<5376x128xi32, #tpu.memory_space<hbm>> -> memref<120x128xi32, #tpu.memory_space<hbm>>
      tpu.enqueue_dma source(%dma_start3A_155 : memref<120x128xi32, #tpu.memory_space<hbm>>) target(%arg10 : memref<120x128xi32, #tpu.memory_space<vmem>>) target_semaphore(%run_scoped3A : memref<!tpu.dma_semaphore, #tpu.memory_space<semaphore_mem>>)
      %dma_wait3A_156 = arith.constant 0 : i32
      %dma_wait3A_157 = tpu.memref_slice %arg4[%add3A_78, %dma_wait3A_156] : memref<5376x128xi32, #tpu.memory_space<hbm>> -> memref<120x128xi32, #tpu.memory_space<hbm>>
      %dma_wait3A_158 = arith.constant 0 : i32
      %dma_wait3A_159 = tpu.memref_slice %arg4[%add3A_78, %dma_wait3A_158] : memref<5376x128xi32, #tpu.memory_space<hbm>> -> memref<120x128xi32, #tpu.memory_space<hbm>>
      tpu.wait_dma2 semaphore(%run_scoped3A : memref<!tpu.dma_semaphore, #tpu.memory_space<semaphore_mem>>) src(%dma_wait3A_159 : memref<120x128xi32, #tpu.memory_space<hbm>>) dst(%arg10 : memref<120x128xi32, #tpu.memory_space<vmem>>)
      tpu.yield
    }) : () -> ()
    %dma_start3A_79 = arith.constant 0 : i32
    %dma_start3A_80 = arith.constant 0 : i32
    %dma_start3A_81 = tpu.memref_slice %arg9[%dma_start3A_79, %dma_start3A_80] : memref<120x128xi32, #tpu.memory_space<vmem>> -> memref<1x128xi32, #tpu.memory_space<vmem>>
    %dma_start3A_82 = tpu.memref_squeeze %dma_start3A_81 : memref<1x128xi32, #tpu.memory_space<vmem>> -> memref<128xi32, #tpu.memory_space<vmem>>
    %dma_start3A_83 = arith.constant 0 : i32
    %dma_start3A_84 = arith.constant 0 : i32
    %dma_start3A_85 = tpu.memref_slice %arg2[%dma_start3A_83, %dma_start3A_84] : memref<10240x64xf32, #tpu.memory_space<hbm>> -> memref<10240x64xf32, #tpu.memory_space<hbm>>
    tpu.enqueue_indirect_dma source(%dma_start3A_85 : memref<10240x64xf32, #tpu.memory_space<hbm>>) target(%arg11 : memref<128x64xf32, #tpu.memory_space<vmem>>) offsets(%dma_start3A_82 : memref<128xi32, #tpu.memory_space<vmem>>) semaphore(%arg17 : memref<!tpu.dma_semaphore, #tpu.memory_space<semaphore_mem>>)
    %dma_start3A_86 = arith.constant 1 : i32
    %dma_start3A_87 = arith.constant 0 : i32
    %dma_start3A_88 = tpu.memref_slice %arg9[%dma_start3A_86, %dma_start3A_87] : memref<120x128xi32, #tpu.memory_space<vmem>> -> memref<1x128xi32, #tpu.memory_space<vmem>>
    %dma_start3A_89 = tpu.memref_squeeze %dma_start3A_88 : memref<1x128xi32, #tpu.memory_space<vmem>> -> memref<128xi32, #tpu.memory_space<vmem>>
    %dma_start3A_90 = arith.constant 0 : i32
    %dma_start3A_91 = arith.constant 0 : i32
    %dma_start3A_92 = tpu.memref_slice %arg2[%dma_start3A_90, %dma_start3A_91] : memref<10240x64xf32, #tpu.memory_space<hbm>> -> memref<10240x64xf32, #tpu.memory_space<hbm>>
    tpu.enqueue_indirect_dma source(%dma_start3A_92 : memref<10240x64xf32, #tpu.memory_space<hbm>>) target(%arg12 : memref<128x64xf32, #tpu.memory_space<vmem>>) offsets(%dma_start3A_89 : memref<128xi32, #tpu.memory_space<vmem>>) semaphore(%arg18 : memref<!tpu.dma_semaphore, #tpu.memory_space<semaphore_mem>>)
    %jit3A_93 = arith.constant 4 : i32
    %div3A_94 = arith.divsi %select_n3A, %jit3A_93 : i32
    %sign3A_95 = arith.constant 0 : i32
    %sign3A_96 = arith.cmpi sgt, %select_n3A, %sign3A_95 : i32
    %sign3A_97 = arith.extui %sign3A_96 : i1 to i32
    %sign3A_98 = arith.constant 0 : i32
    %sign3A_99 = arith.cmpi slt, %select_n3A, %sign3A_98 : i32
    %sign3A_100 = arith.extui %sign3A_99 : i1 to i32
    %sign3A_101 = arith.subi %sign3A_97, %sign3A_100 : i32
    %sign3A_102 = arith.constant 0 : i32
    %sign3A_103 = arith.cmpi sgt, %jit3A_93, %sign3A_102 : i32
    %sign3A_104 = arith.extui %sign3A_103 : i1 to i32
    %sign3A_105 = arith.constant 0 : i32
    %sign3A_106 = arith.cmpi slt, %jit3A_93, %sign3A_105 : i32
    %sign3A_107 = arith.extui %sign3A_106 : i1 to i32
    %sign3A_108 = arith.subi %sign3A_104, %sign3A_107 : i32
    %ne3A_109 = arith.cmpi ne, %sign3A_101, %sign3A_108 : i32
    %rem3A_110 = arith.remsi %select_n3A, %jit3A_93 : i32
    %ne3A_111 = arith.constant 0 : i32
    %ne3A_112 = arith.cmpi ne, %rem3A_110, %ne3A_111 : i32
    %and3A_113 = arith.andi %ne3A_109, %ne3A_112 : i1
    %sub3A_114 = arith.constant 1 : i32
    %sub3A_115 = arith.subi %div3A_94, %sub3A_114 : i32
    %select_n3A_116 = arith.select %and3A_113, %sub3A_115, %div3A_94 : i32
    %while3A_117 = arith.constant 0 : i32
    %while3A_118 = arith.constant 0 : i32
    %while3A_119 = arith.subi %select_n3A_116, %while3A_118 : i32
    %while3A_120 = arith.addi %while3A_118, %while3A_119 : i32
    %while3A_121 = arith.constant 1 : i32
    %while3A_122 = arith.divsi %while3A_119, %while3A_121 : i32
    %while3A_123 = arith.muli %while3A_122, %while3A_121 : i32
    %while3A_124 = arith.addi %while3A_118, %while3A_123 : i32
    %while3A_125 = arith.constant 1 : i32
    scf.for %while3A_152 = %while3A_118 to %while3A_124 step %while3A_125  : i32 {
      %mul3A_153 = arith.constant 4 : i32
      %mul3A_154 = arith.muli %mul3A_153, %while3A_152 : i32
      %add3A_155 = arith.constant 0 : i32
      %add3A_156 = arith.addi %mul3A_154, %add3A_155 : i32
      %dma_wait3A_157 = arith.constant 0 : i32
      %dma_wait3A_158 = tpu.memref_slice %arg9[%add3A_156, %dma_wait3A_157] : memref<120x128xi32, #tpu.memory_space<vmem>> -> memref<1x128xi32, #tpu.memory_space<vmem>>
      %dma_wait3A_159 = tpu.memref_squeeze %dma_wait3A_158 : memref<1x128xi32, #tpu.memory_space<vmem>> -> memref<128xi32, #tpu.memory_space<vmem>>
      %dma_wait3A_160 = arith.constant 0 : i32
      %dma_wait3A_161 = arith.constant 0 : i32
      %dma_wait3A_162 = tpu.memref_slice %arg2[%dma_wait3A_160, %dma_wait3A_161] : memref<10240x64xf32, #tpu.memory_space<hbm>> -> memref<10240x64xf32, #tpu.memory_space<hbm>>
      tpu.wait_indirect_dma semaphore(%arg17 : memref<!tpu.dma_semaphore, #tpu.memory_space<semaphore_mem>>) src(%dma_wait3A_162 : memref<10240x64xf32, #tpu.memory_space<hbm>>) dst(%arg11 : memref<128x64xf32, #tpu.memory_space<vmem>>)
      %dma_start3A_163 = arith.constant 0 : i32
      %dma_start3A_164 = tpu.memref_slice %arg10[%add3A_156, %dma_start3A_163] : memref<120x128xi32, #tpu.memory_space<vmem>> -> memref<1x128xi32, #tpu.memory_space<vmem>>
      %dma_start3A_165 = tpu.memref_squeeze %dma_start3A_164 : memref<1x128xi32, #tpu.memory_space<vmem>> -> memref<128xi32, #tpu.memory_space<vmem>>
      %dma_start3A_166 = arith.constant 0 : i32
      %dma_start3A_167 = arith.constant 0 : i32
      %dma_start3A_168 = tpu.memref_slice %arg15[%dma_start3A_166, %dma_start3A_167] : memref<10240x64xf32, #tpu.memory_space<vmem_shared>> -> memref<10240x64xf32, #tpu.memory_space<vmem_shared>>
      tpu.enqueue_indirect_dma source(%arg11 : memref<128x64xf32, #tpu.memory_space<vmem>>) target(%dma_start3A_168 : memref<10240x64xf32, #tpu.memory_space<vmem_shared>>) offsets(%dma_start3A_165 : memref<128xi32, #tpu.memory_space<vmem>>) semaphore(%arg21 : memref<!tpu.dma_semaphore, #tpu.memory_space<semaphore_mem>>) {add = true}
      %get3A = arith.index_cast %add3A_156 : i32 to index
      %get3A_169 = arith.constant 0 : index
      %get3A_170 = tpu.vector_load %arg10[%get3A, %get3A_169] {strides = array<i32>} : memref<120x128xi32, #tpu.memory_space<vmem>>, vector<16xi32>,
      tpu.vector_store_idx %arg16[%get3A_170], %broadcast_in_dim3A_5 {add = true} : memref<10240xf32, #tpu.memory_space<vmem>>[vector<16xi32>], vector<16xf32>,
      %get3A_171 = arith.index_cast %add3A_156 : i32 to index
      %get3A_172 = arith.constant 16 : index
      %get3A_173 = tpu.vector_load %arg10[%get3A_171, %get3A_172] {strides = array<i32>} : memref<120x128xi32, #tpu.memory_space<vmem>>, vector<16xi32>,
      tpu.vector_store_idx %arg16[%get3A_173], %broadcast_in_dim3A_5 {add = true} : memref<10240xf32, #tpu.memory_space<vmem>>[vector<16xi32>], vector<16xf32>,
      %get3A_174 = arith.index_cast %add3A_156 : i32 to index
      %get3A_175 = arith.constant 32 : index
      %get3A_176 = tpu.vector_load %arg10[%get3A_174, %get3A_175] {strides = array<i32>} : memref<120x128xi32, #tpu.memory_space<vmem>>, vector<16xi32>,
      tpu.vector_store_idx %arg16[%get3A_176], %broadcast_in_dim3A_5 {add = true} : memref<10240xf32, #tpu.memory_space<vmem>>[vector<16xi32>], vector<16xf32>,
      %get3A_177 = arith.index_cast %add3A_156 : i32 to index
      %get3A_178 = arith.constant 48 : index
      %get3A_179 = tpu.vector_load %arg10[%get3A_177, %get3A_178] {strides = array<i32>} : memref<120x128xi32, #tpu.memory_space<vmem>>, vector<16xi32>,
      tpu.vector_store_idx %arg16[%get3A_179], %broadcast_in_dim3A_5 {add = true} : memref<10240xf32, #tpu.memory_space<vmem>>[vector<16xi32>], vector<16xf32>,
      %get3A_180 = arith.index_cast %add3A_156 : i32 to index
      %get3A_181 = arith.constant 64 : index
      %get3A_182 = tpu.vector_load %arg10[%get3A_180, %get3A_181] {strides = array<i32>} : memref<120x128xi32, #tpu.memory_space<vmem>>, vector<16xi32>,
      tpu.vector_store_idx %arg16[%get3A_182], %broadcast_in_dim3A_5 {add = true} : memref<10240xf32, #tpu.memory_space<vmem>>[vector<16xi32>], vector<16xf32>,
      %get3A_183 = arith.index_cast %add3A_156 : i32 to index
      %get3A_184 = arith.constant 80 : index
      %get3A_185 = tpu.vector_load %arg10[%get3A_183, %get3A_184] {strides = array<i32>} : memref<120x128xi32, #tpu.memory_space<vmem>>, vector<16xi32>,
      tpu.vector_store_idx %arg16[%get3A_185], %broadcast_in_dim3A_5 {add = true} : memref<10240xf32, #tpu.memory_space<vmem>>[vector<16xi32>], vector<16xf32>,
      %get3A_186 = arith.index_cast %add3A_156 : i32 to index
      %get3A_187 = arith.constant 96 : index
      %get3A_188 = tpu.vector_load %arg10[%get3A_186, %get3A_187] {strides = array<i32>} : memref<120x128xi32, #tpu.memory_space<vmem>>, vector<16xi32>,
      tpu.vector_store_idx %arg16[%get3A_188], %broadcast_in_dim3A_5 {add = true} : memref<10240xf32, #tpu.memory_space<vmem>>[vector<16xi32>], vector<16xf32>,
      %get3A_189 = arith.index_cast %add3A_156 : i32 to index
      %get3A_190 = arith.constant 112 : index
      %get3A_191 = tpu.vector_load %arg10[%get3A_189, %get3A_190] {strides = array<i32>} : memref<120x128xi32, #tpu.memory_space<vmem>>, vector<16xi32>,
      tpu.vector_store_idx %arg16[%get3A_191], %broadcast_in_dim3A_5 {add = true} : memref<10240xf32, #tpu.memory_space<vmem>>[vector<16xi32>], vector<16xf32>,
      %add3A_192 = arith.constant 2 : i32
      %add3A_193 = arith.addi %add3A_156, %add3A_192 : i32
      %sub3A_194 = arith.constant 4 : i32
      %sub3A_195 = arith.subi %add3A_193, %sub3A_194 : i32
      %ge3A = arith.constant 0 : i32
      %ge3A_196 = arith.cmpi sge, %sub3A_195, %ge3A : i32
      %convert_element_type3A = arith.extui %ge3A_196 : i1 to i32
      %cond3A = arith.constant 0 : i32
      %cond3A_197 = arith.cmpi ne, %convert_element_type3A, %cond3A : i32
      scf.if %cond3A_197 {
        %add3A_362 = arith.constant 2 : i32
        %add3A_363 = arith.addi %add3A_156, %add3A_362 : i32
        %sub3A_364 = arith.constant 4 : i32
        %sub3A_365 = arith.subi %add3A_363, %sub3A_364 : i32
        %dma_wait3A_366 = arith.constant 0 : i32
        %dma_wait3A_367 = tpu.memref_slice %arg10[%sub3A_365, %dma_wait3A_366] : memref<120x128xi32, #tpu.memory_space<vmem>> -> memref<1x128xi32, #tpu.memory_space<vmem>>
        %dma_wait3A_368 = tpu.memref_squeeze %dma_wait3A_367 : memref<1x128xi32, #tpu.memory_space<vmem>> -> memref<128xi32, #tpu.memory_space<vmem>>
        %dma_wait3A_369 = arith.constant 0 : i32
        %dma_wait3A_370 = arith.constant 0 : i32
        %dma_wait3A_371 = tpu.memref_slice %arg15[%dma_wait3A_369, %dma_wait3A_370] : memref<10240x64xf32, #tpu.memory_space<vmem_shared>> -> memref<10240x64xf32, #tpu.memory_space<vmem_shared>>
        tpu.wait_indirect_dma semaphore(%arg23 : memref<!tpu.dma_semaphore, #tpu.memory_space<semaphore_mem>>) src(%arg13 : memref<128x64xf32, #tpu.memory_space<vmem>>) dst(%dma_wait3A_371 : memref<10240x64xf32, #tpu.memory_space<vmem_shared>>)
      } else {
      }
      %add3A_198 = arith.constant 2 : i32
      %add3A_199 = arith.addi %add3A_156, %add3A_198 : i32
      %lt3A = arith.cmpi slt, %add3A_199, %select_n3A : i32
      %convert_element_type3A_200 = arith.extui %lt3A : i1 to i32
      %cond3A_201 = arith.constant 0 : i32
      %cond3A_202 = arith.cmpi ne, %convert_element_type3A_200, %cond3A_201 : i32
      scf.if %cond3A_202 {
        %add3A_362 = arith.constant 2 : i32
        %add3A_363 = arith.addi %add3A_156, %add3A_362 : i32
        %dma_start3A_364 = arith.constant 0 : i32
        %dma_start3A_365 = tpu.memref_slice %arg9[%add3A_363, %dma_start3A_364] : memref<120x128xi32, #tpu.memory_space<vmem>> -> memref<1x128xi32, #tpu.memory_space<vmem>>
        %dma_start3A_366 = tpu.memref_squeeze %dma_start3A_365 : memref<1x128xi32, #tpu.memory_space<vmem>> -> memref<128xi32, #tpu.memory_space<vmem>>
        %dma_start3A_367 = arith.constant 0 : i32
        %dma_start3A_368 = arith.constant 0 : i32
        %dma_start3A_369 = tpu.memref_slice %arg2[%dma_start3A_367, %dma_start3A_368] : memref<10240x64xf32, #tpu.memory_space<hbm>> -> memref<10240x64xf32, #tpu.memory_space<hbm>>
        tpu.enqueue_indirect_dma source(%dma_start3A_369 : memref<10240x64xf32, #tpu.memory_space<hbm>>) target(%arg13 : memref<128x64xf32, #tpu.memory_space<vmem>>) offsets(%dma_start3A_366 : memref<128xi32, #tpu.memory_space<vmem>>) semaphore(%arg19 : memref<!tpu.dma_semaphore, #tpu.memory_space<semaphore_mem>>)
      } else {
      }
      %add3A_203 = arith.constant 1 : i32
      %add3A_204 = arith.addi %mul3A_154, %add3A_203 : i32
      %dma_wait3A_205 = arith.constant 0 : i32
      %dma_wait3A_206 = tpu.memref_slice %arg9[%add3A_204, %dma_wait3A_205] : memref<120x128xi32, #tpu.memory_space<vmem>> -> memref<1x128xi32, #tpu.memory_space<vmem>>
      %dma_wait3A_207 = tpu.memref_squeeze %dma_wait3A_206 : memref<1x128xi32, #tpu.memory_space<vmem>> -> memref<128xi32, #tpu.memory_space<vmem>>
      %dma_wait3A_208 = arith.constant 0 : i32
      %dma_wait3A_209 = arith.constant 0 : i32
      %dma_wait3A_210 = tpu.memref_slice %arg2[%dma_wait3A_208, %dma_wait3A_209] : memref<10240x64xf32, #tpu.memory_space<hbm>> -> memref<10240x64xf32, #tpu.memory_space<hbm>>
      tpu.wait_indirect_dma semaphore(%arg18 : memref<!tpu.dma_semaphore, #tpu.memory_space<semaphore_mem>>) src(%dma_wait3A_210 : memref<10240x64xf32, #tpu.memory_space<hbm>>) dst(%arg12 : memref<128x64xf32, #tpu.memory_space<vmem>>)
      %dma_start3A_211 = arith.constant 0 : i32
      %dma_start3A_212 = tpu.memref_slice %arg10[%add3A_204, %dma_start3A_211] : memref<120x128xi32, #tpu.memory_space<vmem>> -> memref<1x128xi32, #tpu.memory_space<vmem>>
      %dma_start3A_213 = tpu.memref_squeeze %dma_start3A_212 : memref<1x128xi32, #tpu.memory_space<vmem>> -> memref<128xi32, #tpu.memory_space<vmem>>
      %dma_start3A_214 = arith.constant 0 : i32
      %dma_start3A_215 = arith.constant 0 : i32
      %dma_start3A_216 = tpu.memref_slice %arg15[%dma_start3A_214, %dma_start3A_215] : memref<10240x64xf32, #tpu.memory_space<vmem_shared>> -> memref<10240x64xf32, #tpu.memory_space<vmem_shared>>
      tpu.enqueue_indirect_dma source(%arg12 : memref<128x64xf32, #tpu.memory_space<vmem>>) target(%dma_start3A_216 : memref<10240x64xf32, #tpu.memory_space<vmem_shared>>) offsets(%dma_start3A_213 : memref<128xi32, #tpu.memory_space<vmem>>) semaphore(%arg22 : memref<!tpu.dma_semaphore, #tpu.memory_space<semaphore_mem>>) {add = true}
      %get3A_217 = arith.index_cast %add3A_204 : i32 to index
      %get3A_218 = arith.constant 0 : index
      %get3A_219 = tpu.vector_load %arg10[%get3A_217, %get3A_218] {strides = array<i32>} : memref<120x128xi32, #tpu.memory_space<vmem>>, vector<16xi32>,
      tpu.vector_store_idx %arg16[%get3A_219], %broadcast_in_dim3A_5 {add = true} : memref<10240xf32, #tpu.memory_space<vmem>>[vector<16xi32>], vector<16xf32>,
      %get3A_220 = arith.index_cast %add3A_204 : i32 to index
      %get3A_221 = arith.constant 16 : index
      %get3A_222 = tpu.vector_load %arg10[%get3A_220, %get3A_221] {strides = array<i32>} : memref<120x128xi32, #tpu.memory_space<vmem>>, vector<16xi32>,
      tpu.vector_store_idx %arg16[%get3A_222], %broadcast_in_dim3A_5 {add = true} : memref<10240xf32, #tpu.memory_space<vmem>>[vector<16xi32>], vector<16xf32>,
      %get3A_223 = arith.index_cast %add3A_204 : i32 to index
      %get3A_224 = arith.constant 32 : index
      %get3A_225 = tpu.vector_load %arg10[%get3A_223, %get3A_224] {strides = array<i32>} : memref<120x128xi32, #tpu.memory_space<vmem>>, vector<16xi32>,
      tpu.vector_store_idx %arg16[%get3A_225], %broadcast_in_dim3A_5 {add = true} : memref<10240xf32, #tpu.memory_space<vmem>>[vector<16xi32>], vector<16xf32>,
      %get3A_226 = arith.index_cast %add3A_204 : i32 to index
      %get3A_227 = arith.constant 48 : index
      %get3A_228 = tpu.vector_load %arg10[%get3A_226, %get3A_227] {strides = array<i32>} : memref<120x128xi32, #tpu.memory_space<vmem>>, vector<16xi32>,
      tpu.vector_store_idx %arg16[%get3A_228], %broadcast_in_dim3A_5 {add = true} : memref<10240xf32, #tpu.memory_space<vmem>>[vector<16xi32>], vector<16xf32>,
      %get3A_229 = arith.index_cast %add3A_204 : i32 to index
      %get3A_230 = arith.constant 64 : index
      %get3A_231 = tpu.vector_load %arg10[%get3A_229, %get3A_230] {strides = array<i32>} : memref<120x128xi32, #tpu.memory_space<vmem>>, vector<16xi32>,
      tpu.vector_store_idx %arg16[%get3A_231], %broadcast_in_dim3A_5 {add = true} : memref<10240xf32, #tpu.memory_space<vmem>>[vector<16xi32>], vector<16xf32>,
      %get3A_232 = arith.index_cast %add3A_204 : i32 to index
      %get3A_233 = arith.constant 80 : index
      %get3A_234 = tpu.vector_load %arg10[%get3A_232, %get3A_233] {strides = array<i32>} : memref<120x128xi32, #tpu.memory_space<vmem>>, vector<16xi32>,
      tpu.vector_store_idx %arg16[%get3A_234], %broadcast_in_dim3A_5 {add = true} : memref<10240xf32, #tpu.memory_space<vmem>>[vector<16xi32>], vector<16xf32>,
      %get3A_235 = arith.index_cast %add3A_204 : i32 to index
      %get3A_236 = arith.constant 96 : index
      %get3A_237 = tpu.vector_load %arg10[%get3A_235, %get3A_236] {strides = array<i32>} : memref<120x128xi32, #tpu.memory_space<vmem>>, vector<16xi32>,
      tpu.vector_store_idx %arg16[%get3A_237], %broadcast_in_dim3A_5 {add = true} : memref<10240xf32, #tpu.memory_space<vmem>>[vector<16xi32>], vector<16xf32>,
      %get3A_238 = arith.index_cast %add3A_204 : i32 to index
      %get3A_239 = arith.constant 112 : index
      %get3A_240 = tpu.vector_load %arg10[%get3A_238, %get3A_239] {strides = array<i32>} : memref<120x128xi32, #tpu.memory_space<vmem>>, vector<16xi32>,
      tpu.vector_store_idx %arg16[%get3A_240], %broadcast_in_dim3A_5 {add = true} : memref<10240xf32, #tpu.memory_space<vmem>>[vector<16xi32>], vector<16xf32>,
      %add3A_241 = arith.constant 2 : i32
      %add3A_242 = arith.addi %add3A_204, %add3A_241 : i32
      %sub3A_243 = arith.constant 4 : i32
      %sub3A_244 = arith.subi %add3A_242, %sub3A_243 : i32
      %ge3A_245 = arith.constant 0 : i32
      %ge3A_246 = arith.cmpi sge, %sub3A_244, %ge3A_245 : i32
      %convert_element_type3A_247 = arith.extui %ge3A_246 : i1 to i32
      %cond3A_248 = arith.constant 0 : i32
      %cond3A_249 = arith.cmpi ne, %convert_element_type3A_247, %cond3A_248 : i32
      scf.if %cond3A_249 {
        %add3A_362 = arith.constant 2 : i32
        %add3A_363 = arith.addi %add3A_204, %add3A_362 : i32
        %sub3A_364 = arith.constant 4 : i32
        %sub3A_365 = arith.subi %add3A_363, %sub3A_364 : i32
        %dma_wait3A_366 = arith.constant 0 : i32
        %dma_wait3A_367 = tpu.memref_slice %arg10[%sub3A_365, %dma_wait3A_366] : memref<120x128xi32, #tpu.memory_space<vmem>> -> memref<1x128xi32, #tpu.memory_space<vmem>>
        %dma_wait3A_368 = tpu.memref_squeeze %dma_wait3A_367 : memref<1x128xi32, #tpu.memory_space<vmem>> -> memref<128xi32, #tpu.memory_space<vmem>>
        %dma_wait3A_369 = arith.constant 0 : i32
        %dma_wait3A_370 = arith.constant 0 : i32
        %dma_wait3A_371 = tpu.memref_slice %arg15[%dma_wait3A_369, %dma_wait3A_370] : memref<10240x64xf32, #tpu.memory_space<vmem_shared>> -> memref<10240x64xf32, #tpu.memory_space<vmem_shared>>
        tpu.wait_indirect_dma semaphore(%arg24 : memref<!tpu.dma_semaphore, #tpu.memory_space<semaphore_mem>>) src(%arg14 : memref<128x64xf32, #tpu.memory_space<vmem>>) dst(%dma_wait3A_371 : memref<10240x64xf32, #tpu.memory_space<vmem_shared>>)
      } else {
      }
      %add3A_250 = arith.constant 2 : i32
      %add3A_251 = arith.addi %add3A_204, %add3A_250 : i32
      %lt3A_252 = arith.cmpi slt, %add3A_251, %select_n3A : i32
      %convert_element_type3A_253 = arith.extui %lt3A_252 : i1 to i32
      %cond3A_254 = arith.constant 0 : i32
      %cond3A_255 = arith.cmpi ne, %convert_element_type3A_253, %cond3A_254 : i32
      scf.if %cond3A_255 {
        %add3A_362 = arith.constant 2 : i32
        %add3A_363 = arith.addi %add3A_204, %add3A_362 : i32
        %dma_start3A_364 = arith.constant 0 : i32
        %dma_start3A_365 = tpu.memref_slice %arg9[%add3A_363, %dma_start3A_364] : memref<120x128xi32, #tpu.memory_space<vmem>> -> memref<1x128xi32, #tpu.memory_space<vmem>>
        %dma_start3A_366 = tpu.memref_squeeze %dma_start3A_365 : memref<1x128xi32, #tpu.memory_space<vmem>> -> memref<128xi32, #tpu.memory_space<vmem>>
        %dma_start3A_367 = arith.constant 0 : i32
        %dma_start3A_368 = arith.constant 0 : i32
        %dma_start3A_369 = tpu.memref_slice %arg2[%dma_start3A_367, %dma_start3A_368] : memref<10240x64xf32, #tpu.memory_space<hbm>> -> memref<10240x64xf32, #tpu.memory_space<hbm>>
        tpu.enqueue_indirect_dma source(%dma_start3A_369 : memref<10240x64xf32, #tpu.memory_space<hbm>>) target(%arg14 : memref<128x64xf32, #tpu.memory_space<vmem>>) offsets(%dma_start3A_366 : memref<128xi32, #tpu.memory_space<vmem>>) semaphore(%arg20 : memref<!tpu.dma_semaphore, #tpu.memory_space<semaphore_mem>>)
      } else {
      }
      %add3A_256 = arith.constant 2 : i32
      %add3A_257 = arith.addi %mul3A_154, %add3A_256 : i32
      %dma_wait3A_258 = arith.constant 0 : i32
      %dma_wait3A_259 = tpu.memref_slice %arg9[%add3A_257, %dma_wait3A_258] : memref<120x128xi32, #tpu.memory_space<vmem>> -> memref<1x128xi32, #tpu.memory_space<vmem>>
      %dma_wait3A_260 = tpu.memref_squeeze %dma_wait3A_259 : memref<1x128xi32, #tpu.memory_space<vmem>> -> memref<128xi32, #tpu.memory_space<vmem>>
      %dma_wait3A_261 = arith.constant 0 : i32
      %dma_wait3A_262 = arith.constant 0 : i32
      %dma_wait3A_263 = tpu.memref_slice %arg2[%dma_wait3A_261, %dma_wait3A_262] : memref<10240x64xf32, #tpu.memory_space<hbm>> -> memref<10240x64xf32, #tpu.memory_space<hbm>>
      tpu.wait_indirect_dma semaphore(%arg19 : memref<!tpu.dma_semaphore, #tpu.memory_space<semaphore_mem>>) src(%dma_wait3A_263 : memref<10240x64xf32, #tpu.memory_space<hbm>>) dst(%arg13 : memref<128x64xf32, #tpu.memory_space<vmem>>)
      %dma_start3A_264 = arith.constant 0 : i32
      %dma_start3A_265 = tpu.memref_slice %arg10[%add3A_257, %dma_start3A_264] : memref<120x128xi32, #tpu.memory_space<vmem>> -> memref<1x128xi32, #tpu.memory_space<vmem>>
      %dma_start3A_266 = tpu.memref_squeeze %dma_start3A_265 : memref<1x128xi32, #tpu.memory_space<vmem>> -> memref<128xi32, #tpu.memory_space<vmem>>
      %dma_start3A_267 = arith.constant 0 : i32
      %dma_start3A_268 = arith.constant 0 : i32
      %dma_start3A_269 = tpu.memref_slice %arg15[%dma_start3A_267, %dma_start3A_268] : memref<10240x64xf32, #tpu.memory_space<vmem_shared>> -> memref<10240x64xf32, #tpu.memory_space<vmem_shared>>
      tpu.enqueue_indirect_dma source(%arg13 : memref<128x64xf32, #tpu.memory_space<vmem>>) target(%dma_start3A_269 : memref<10240x64xf32, #tpu.memory_space<vmem_shared>>) offsets(%dma_start3A_266 : memref<128xi32, #tpu.memory_space<vmem>>) semaphore(%arg23 : memref<!tpu.dma_semaphore, #tpu.memory_space<semaphore_mem>>) {add = true}
      %get3A_270 = arith.index_cast %add3A_257 : i32 to index
      %get3A_271 = arith.constant 0 : index
      %get3A_272 = tpu.vector_load %arg10[%get3A_270, %get3A_271] {strides = array<i32>} : memref<120x128xi32, #tpu.memory_space<vmem>>, vector<16xi32>,
      tpu.vector_store_idx %arg16[%get3A_272], %broadcast_in_dim3A_5 {add = true} : memref<10240xf32, #tpu.memory_space<vmem>>[vector<16xi32>], vector<16xf32>,
      %get3A_273 = arith.index_cast %add3A_257 : i32 to index
      %get3A_274 = arith.constant 16 : index
      %get3A_275 = tpu.vector_load %arg10[%get3A_273, %get3A_274] {strides = array<i32>} : memref<120x128xi32, #tpu.memory_space<vmem>>, vector<16xi32>,
      tpu.vector_store_idx %arg16[%get3A_275], %broadcast_in_dim3A_5 {add = true} : memref<10240xf32, #tpu.memory_space<vmem>>[vector<16xi32>], vector<16xf32>,
      %get3A_276 = arith.index_cast %add3A_257 : i32 to index
      %get3A_277 = arith.constant 32 : index
      %get3A_278 = tpu.vector_load %arg10[%get3A_276, %get3A_277] {strides = array<i32>} : memref<120x128xi32, #tpu.memory_space<vmem>>, vector<16xi32>,
      tpu.vector_store_idx %arg16[%get3A_278], %broadcast_in_dim3A_5 {add = true} : memref<10240xf32, #tpu.memory_space<vmem>>[vector<16xi32>], vector<16xf32>,
      %get3A_279 = arith.index_cast %add3A_257 : i32 to index
      %get3A_280 = arith.constant 48 : index
      %get3A_281 = tpu.vector_load %arg10[%get3A_279, %get3A_280] {strides = array<i32>} : memref<120x128xi32, #tpu.memory_space<vmem>>, vector<16xi32>,
      tpu.vector_store_idx %arg16[%get3A_281], %broadcast_in_dim3A_5 {add = true} : memref<10240xf32, #tpu.memory_space<vmem>>[vector<16xi32>], vector<16xf32>,
      %get3A_282 = arith.index_cast %add3A_257 : i32 to index
      %get3A_283 = arith.constant 64 : index
      %get3A_284 = tpu.vector_load %arg10[%get3A_282, %get3A_283] {strides = array<i32>} : memref<120x128xi32, #tpu.memory_space<vmem>>, vector<16xi32>,
      tpu.vector_store_idx %arg16[%get3A_284], %broadcast_in_dim3A_5 {add = true} : memref<10240xf32, #tpu.memory_space<vmem>>[vector<16xi32>], vector<16xf32>,
      %get3A_285 = arith.index_cast %add3A_257 : i32 to index
      %get3A_286 = arith.constant 80 : index
      %get3A_287 = tpu.vector_load %arg10[%get3A_285, %get3A_286] {strides = array<i32>} : memref<120x128xi32, #tpu.memory_space<vmem>>, vector<16xi32>,
      tpu.vector_store_idx %arg16[%get3A_287], %broadcast_in_dim3A_5 {add = true} : memref<10240xf32, #tpu.memory_space<vmem>>[vector<16xi32>], vector<16xf32>,
      %get3A_288 = arith.index_cast %add3A_257 : i32 to index
      %get3A_289 = arith.constant 96 : index
      %get3A_290 = tpu.vector_load %arg10[%get3A_288, %get3A_289] {strides = array<i32>} : memref<120x128xi32, #tpu.memory_space<vmem>>, vector<16xi32>,
      tpu.vector_store_idx %arg16[%get3A_290], %broadcast_in_dim3A_5 {add = true} : memref<10240xf32, #tpu.memory_space<vmem>>[vector<16xi32>], vector<16xf32>,
      %get3A_291 = arith.index_cast %add3A_257 : i32 to index
      %get3A_292 = arith.constant 112 : index
      %get3A_293 = tpu.vector_load %arg10[%get3A_291, %get3A_292] {strides = array<i32>} : memref<120x128xi32, #tpu.memory_space<vmem>>, vector<16xi32>,
      tpu.vector_store_idx %arg16[%get3A_293], %broadcast_in_dim3A_5 {add = true} : memref<10240xf32, #tpu.memory_space<vmem>>[vector<16xi32>], vector<16xf32>,
      %add3A_294 = arith.constant 2 : i32
      %add3A_295 = arith.addi %add3A_257, %add3A_294 : i32
      %sub3A_296 = arith.constant 4 : i32
      %sub3A_297 = arith.subi %add3A_295, %sub3A_296 : i32
      %ge3A_298 = arith.constant 0 : i32
      %ge3A_299 = arith.cmpi sge, %sub3A_297, %ge3A_298 : i32
      %convert_element_type3A_300 = arith.extui %ge3A_299 : i1 to i32
      %cond3A_301 = arith.constant 0 : i32
      %cond3A_302 = arith.cmpi ne, %convert_element_type3A_300, %cond3A_301 : i32
      scf.if %cond3A_302 {
        %add3A_362 = arith.constant 2 : i32
        %add3A_363 = arith.addi %add3A_257, %add3A_362 : i32
        %sub3A_364 = arith.constant 4 : i32
        %sub3A_365 = arith.subi %add3A_363, %sub3A_364 : i32
        %dma_wait3A_366 = arith.constant 0 : i32
        %dma_wait3A_367 = tpu.memref_slice %arg10[%sub3A_365, %dma_wait3A_366] : memref<120x128xi32, #tpu.memory_space<vmem>> -> memref<1x128xi32, #tpu.memory_space<vmem>>
        %dma_wait3A_368 = tpu.memref_squeeze %dma_wait3A_367 : memref<1x128xi32, #tpu.memory_space<vmem>> -> memref<128xi32, #tpu.memory_space<vmem>>
        %dma_wait3A_369 = arith.constant 0 : i32
        %dma_wait3A_370 = arith.constant 0 : i32
        %dma_wait3A_371 = tpu.memref_slice %arg15[%dma_wait3A_369, %dma_wait3A_370] : memref<10240x64xf32, #tpu.memory_space<vmem_shared>> -> memref<10240x64xf32, #tpu.memory_space<vmem_shared>>
        tpu.wait_indirect_dma semaphore(%arg21 : memref<!tpu.dma_semaphore, #tpu.memory_space<semaphore_mem>>) src(%arg11 : memref<128x64xf32, #tpu.memory_space<vmem>>) dst(%dma_wait3A_371 : memref<10240x64xf32, #tpu.memory_space<vmem_shared>>)
      } else {
      }
      %add3A_303 = arith.constant 2 : i32
      %add3A_304 = arith.addi %add3A_257, %add3A_303 : i32
      %lt3A_305 = arith.cmpi slt, %add3A_304, %select_n3A : i32
      %convert_element_type3A_306 = arith.extui %lt3A_305 : i1 to i32
      %cond3A_307 = arith.constant 0 : i32
      %cond3A_308 = arith.cmpi ne, %convert_element_type3A_306, %cond3A_307 : i32
      scf.if %cond3A_308 {
        %add3A_362 = arith.constant 2 : i32
        %add3A_363 = arith.addi %add3A_257, %add3A_362 : i32
        %dma_start3A_364 = arith.constant 0 : i32
        %dma_start3A_365 = tpu.memref_slice %arg9[%add3A_363, %dma_start3A_364] : memref<120x128xi32, #tpu.memory_space<vmem>> -> memref<1x128xi32, #tpu.memory_space<vmem>>
        %dma_start3A_366 = tpu.memref_squeeze %dma_start3A_365 : memref<1x128xi32, #tpu.memory_space<vmem>> -> memref<128xi32, #tpu.memory_space<vmem>>
        %dma_start3A_367 = arith.constant 0 : i32
        %dma_start3A_368 = arith.constant 0 : i32
        %dma_start3A_369 = tpu.memref_slice %arg2[%dma_start3A_367, %dma_start3A_368] : memref<10240x64xf32, #tpu.memory_space<hbm>> -> memref<10240x64xf32, #tpu.memory_space<hbm>>
        tpu.enqueue_indirect_dma source(%dma_start3A_369 : memref<10240x64xf32, #tpu.memory_space<hbm>>) target(%arg11 : memref<128x64xf32, #tpu.memory_space<vmem>>) offsets(%dma_start3A_366 : memref<128xi32, #tpu.memory_space<vmem>>) semaphore(%arg17 : memref<!tpu.dma_semaphore, #tpu.memory_space<semaphore_mem>>)
      } else {
      }
      %add3A_309 = arith.constant 3 : i32
      %add3A_310 = arith.addi %mul3A_154, %add3A_309 : i32
      %dma_wait3A_311 = arith.constant 0 : i32
      %dma_wait3A_312 = tpu.memref_slice %arg9[%add3A_310, %dma_wait3A_311] : memref<120x128xi32, #tpu.memory_space<vmem>> -> memref<1x128xi32, #tpu.memory_space<vmem>>
      %dma_wait3A_313 = tpu.memref_squeeze %dma_wait3A_312 : memref<1x128xi32, #tpu.memory_space<vmem>> -> memref<128xi32, #tpu.memory_space<vmem>>
      %dma_wait3A_314 = arith.constant 0 : i32
      %dma_wait3A_315 = arith.constant 0 : i32
      %dma_wait3A_316 = tpu.memref_slice %arg2[%dma_wait3A_314, %dma_wait3A_315] : memref<10240x64xf32, #tpu.memory_space<hbm>> -> memref<10240x64xf32, #tpu.memory_space<hbm>>
      tpu.wait_indirect_dma semaphore(%arg20 : memref<!tpu.dma_semaphore, #tpu.memory_space<semaphore_mem>>) src(%dma_wait3A_316 : memref<10240x64xf32, #tpu.memory_space<hbm>>) dst(%arg14 : memref<128x64xf32, #tpu.memory_space<vmem>>)
      %dma_start3A_317 = arith.constant 0 : i32
      %dma_start3A_318 = tpu.memref_slice %arg10[%add3A_310, %dma_start3A_317] : memref<120x128xi32, #tpu.memory_space<vmem>> -> memref<1x128xi32, #tpu.memory_space<vmem>>
      %dma_start3A_319 = tpu.memref_squeeze %dma_start3A_318 : memref<1x128xi32, #tpu.memory_space<vmem>> -> memref<128xi32, #tpu.memory_space<vmem>>
      %dma_start3A_320 = arith.constant 0 : i32
      %dma_start3A_321 = arith.constant 0 : i32
      %dma_start3A_322 = tpu.memref_slice %arg15[%dma_start3A_320, %dma_start3A_321] : memref<10240x64xf32, #tpu.memory_space<vmem_shared>> -> memref<10240x64xf32, #tpu.memory_space<vmem_shared>>
      tpu.enqueue_indirect_dma source(%arg14 : memref<128x64xf32, #tpu.memory_space<vmem>>) target(%dma_start3A_322 : memref<10240x64xf32, #tpu.memory_space<vmem_shared>>) offsets(%dma_start3A_319 : memref<128xi32, #tpu.memory_space<vmem>>) semaphore(%arg24 : memref<!tpu.dma_semaphore, #tpu.memory_space<semaphore_mem>>) {add = true}
      %get3A_323 = arith.index_cast %add3A_310 : i32 to index
      %get3A_324 = arith.constant 0 : index
      %get3A_325 = tpu.vector_load %arg10[%get3A_323, %get3A_324] {strides = array<i32>} : memref<120x128xi32, #tpu.memory_space<vmem>>, vector<16xi32>,
      tpu.vector_store_idx %arg16[%get3A_325], %broadcast_in_dim3A_5 {add = true} : memref<10240xf32, #tpu.memory_space<vmem>>[vector<16xi32>], vector<16xf32>,
      %get3A_326 = arith.index_cast %add3A_310 : i32 to index
      %get3A_327 = arith.constant 16 : index
      %get3A_328 = tpu.vector_load %arg10[%get3A_326, %get3A_327] {strides = array<i32>} : memref<120x128xi32, #tpu.memory_space<vmem>>, vector<16xi32>,
      tpu.vector_store_idx %arg16[%get3A_328], %broadcast_in_dim3A_5 {add = true} : memref<10240xf32, #tpu.memory_space<vmem>>[vector<16xi32>], vector<16xf32>,
      %get3A_329 = arith.index_cast %add3A_310 : i32 to index
      %get3A_330 = arith.constant 32 : index
      %get3A_331 = tpu.vector_load %arg10[%get3A_329, %get3A_330] {strides = array<i32>} : memref<120x128xi32, #tpu.memory_space<vmem>>, vector<16xi32>,
      tpu.vector_store_idx %arg16[%get3A_331], %broadcast_in_dim3A_5 {add = true} : memref<10240xf32, #tpu.memory_space<vmem>>[vector<16xi32>], vector<16xf32>,
      %get3A_332 = arith.index_cast %add3A_310 : i32 to index
      %get3A_333 = arith.constant 48 : index
      %get3A_334 = tpu.vector_load %arg10[%get3A_332, %get3A_333] {strides = array<i32>} : memref<120x128xi32, #tpu.memory_space<vmem>>, vector<16xi32>,
      tpu.vector_store_idx %arg16[%get3A_334], %broadcast_in_dim3A_5 {add = true} : memref<10240xf32, #tpu.memory_space<vmem>>[vector<16xi32>], vector<16xf32>,
      %get3A_335 = arith.index_cast %add3A_310 : i32 to index
      %get3A_336 = arith.constant 64 : index
      %get3A_337 = tpu.vector_load %arg10[%get3A_335, %get3A_336] {strides = array<i32>} : memref<120x128xi32, #tpu.memory_space<vmem>>, vector<16xi32>,
      tpu.vector_store_idx %arg16[%get3A_337], %broadcast_in_dim3A_5 {add = true} : memref<10240xf32, #tpu.memory_space<vmem>>[vector<16xi32>], vector<16xf32>,
      %get3A_338 = arith.index_cast %add3A_310 : i32 to index
      %get3A_339 = arith.constant 80 : index
      %get3A_340 = tpu.vector_load %arg10[%get3A_338, %get3A_339] {strides = array<i32>} : memref<120x128xi32, #tpu.memory_space<vmem>>, vector<16xi32>,
      tpu.vector_store_idx %arg16[%get3A_340], %broadcast_in_dim3A_5 {add = true} : memref<10240xf32, #tpu.memory_space<vmem>>[vector<16xi32>], vector<16xf32>,
      %get3A_341 = arith.index_cast %add3A_310 : i32 to index
      %get3A_342 = arith.constant 96 : index
      %get3A_343 = tpu.vector_load %arg10[%get3A_341, %get3A_342] {strides = array<i32>} : memref<120x128xi32, #tpu.memory_space<vmem>>, vector<16xi32>,
      tpu.vector_store_idx %arg16[%get3A_343], %broadcast_in_dim3A_5 {add = true} : memref<10240xf32, #tpu.memory_space<vmem>>[vector<16xi32>], vector<16xf32>,
      %get3A_344 = arith.index_cast %add3A_310 : i32 to index
      %get3A_345 = arith.constant 112 : index
      %get3A_346 = tpu.vector_load %arg10[%get3A_344, %get3A_345] {strides = array<i32>} : memref<120x128xi32, #tpu.memory_space<vmem>>, vector<16xi32>,
      tpu.vector_store_idx %arg16[%get3A_346], %broadcast_in_dim3A_5 {add = true} : memref<10240xf32, #tpu.memory_space<vmem>>[vector<16xi32>], vector<16xf32>,
      %add3A_347 = arith.constant 2 : i32
      %add3A_348 = arith.addi %add3A_310, %add3A_347 : i32
      %sub3A_349 = arith.constant 4 : i32
      %sub3A_350 = arith.subi %add3A_348, %sub3A_349 : i32
      %ge3A_351 = arith.constant 0 : i32
      %ge3A_352 = arith.cmpi sge, %sub3A_350, %ge3A_351 : i32
      %convert_element_type3A_353 = arith.extui %ge3A_352 : i1 to i32
      %cond3A_354 = arith.constant 0 : i32
      %cond3A_355 = arith.cmpi ne, %convert_element_type3A_353, %cond3A_354 : i32
      scf.if %cond3A_355 {
        %add3A_362 = arith.constant 2 : i32
        %add3A_363 = arith.addi %add3A_310, %add3A_362 : i32
        %sub3A_364 = arith.constant 4 : i32
        %sub3A_365 = arith.subi %add3A_363, %sub3A_364 : i32
        %dma_wait3A_366 = arith.constant 0 : i32
        %dma_wait3A_367 = tpu.memref_slice %arg10[%sub3A_365, %dma_wait3A_366] : memref<120x128xi32, #tpu.memory_space<vmem>> -> memref<1x128xi32, #tpu.memory_space<vmem>>
        %dma_wait3A_368 = tpu.memref_squeeze %dma_wait3A_367 : memref<1x128xi32, #tpu.memory_space<vmem>> -> memref<128xi32, #tpu.memory_space<vmem>>
        %dma_wait3A_369 = arith.constant 0 : i32
        %dma_wait3A_370 = arith.constant 0 : i32
        %dma_wait3A_371 = tpu.memref_slice %arg15[%dma_wait3A_369, %dma_wait3A_370] : memref<10240x64xf32, #tpu.memory_space<vmem_shared>> -> memref<10240x64xf32, #tpu.memory_space<vmem_shared>>
        tpu.wait_indirect_dma semaphore(%arg22 : memref<!tpu.dma_semaphore, #tpu.memory_space<semaphore_mem>>) src(%arg12 : memref<128x64xf32, #tpu.memory_space<vmem>>) dst(%dma_wait3A_371 : memref<10240x64xf32, #tpu.memory_space<vmem_shared>>)
      } else {
      }
      %add3A_356 = arith.constant 2 : i32
      %add3A_357 = arith.addi %add3A_310, %add3A_356 : i32
      %lt3A_358 = arith.cmpi slt, %add3A_357, %select_n3A : i32
      %convert_element_type3A_359 = arith.extui %lt3A_358 : i1 to i32
      %cond3A_360 = arith.constant 0 : i32
      %cond3A_361 = arith.cmpi ne, %convert_element_type3A_359, %cond3A_360 : i32
      scf.if %cond3A_361 {
        %add3A_362 = arith.constant 2 : i32
        %add3A_363 = arith.addi %add3A_310, %add3A_362 : i32
        %dma_start3A_364 = arith.constant 0 : i32
        %dma_start3A_365 = tpu.memref_slice %arg9[%add3A_363, %dma_start3A_364] : memref<120x128xi32, #tpu.memory_space<vmem>> -> memref<1x128xi32, #tpu.memory_space<vmem>>
        %dma_start3A_366 = tpu.memref_squeeze %dma_start3A_365 : memref<1x128xi32, #tpu.memory_space<vmem>> -> memref<128xi32, #tpu.memory_space<vmem>>
        %dma_start3A_367 = arith.constant 0 : i32
        %dma_start3A_368 = arith.constant 0 : i32
        %dma_start3A_369 = tpu.memref_slice %arg2[%dma_start3A_367, %dma_start3A_368] : memref<10240x64xf32, #tpu.memory_space<hbm>> -> memref<10240x64xf32, #tpu.memory_space<hbm>>
        tpu.enqueue_indirect_dma source(%dma_start3A_369 : memref<10240x64xf32, #tpu.memory_space<hbm>>) target(%arg12 : memref<128x64xf32, #tpu.memory_space<vmem>>) offsets(%dma_start3A_366 : memref<128xi32, #tpu.memory_space<vmem>>) semaphore(%arg18 : memref<!tpu.dma_semaphore, #tpu.memory_space<semaphore_mem>>)
      } else {
      }
    }
    %while3A_126 = arith.constant 1 : i32
    scf.for %while3A_152 = %while3A_124 to %while3A_120 step %while3A_126  : i32 {
      %mul3A_153 = arith.constant 4 : i32
      %mul3A_154 = arith.muli %mul3A_153, %while3A_152 : i32
      %add3A_155 = arith.constant 0 : i32
      %add3A_156 = arith.addi %mul3A_154, %add3A_155 : i32
      %dma_wait3A_157 = arith.constant 0 : i32
      %dma_wait3A_158 = tpu.memref_slice %arg9[%add3A_156, %dma_wait3A_157] : memref<120x128xi32, #tpu.memory_space<vmem>> -> memref<1x128xi32, #tpu.memory_space<vmem>>
      %dma_wait3A_159 = tpu.memref_squeeze %dma_wait3A_158 : memref<1x128xi32, #tpu.memory_space<vmem>> -> memref<128xi32, #tpu.memory_space<vmem>>
      %dma_wait3A_160 = arith.constant 0 : i32
      %dma_wait3A_161 = arith.constant 0 : i32
      %dma_wait3A_162 = tpu.memref_slice %arg2[%dma_wait3A_160, %dma_wait3A_161] : memref<10240x64xf32, #tpu.memory_space<hbm>> -> memref<10240x64xf32, #tpu.memory_space<hbm>>
      tpu.wait_indirect_dma semaphore(%arg17 : memref<!tpu.dma_semaphore, #tpu.memory_space<semaphore_mem>>) src(%dma_wait3A_162 : memref<10240x64xf32, #tpu.memory_space<hbm>>) dst(%arg11 : memref<128x64xf32, #tpu.memory_space<vmem>>)
      %dma_start3A_163 = arith.constant 0 : i32
      %dma_start3A_164 = tpu.memref_slice %arg10[%add3A_156, %dma_start3A_163] : memref<120x128xi32, #tpu.memory_space<vmem>> -> memref<1x128xi32, #tpu.memory_space<vmem>>
      %dma_start3A_165 = tpu.memref_squeeze %dma_start3A_164 : memref<1x128xi32, #tpu.memory_space<vmem>> -> memref<128xi32, #tpu.memory_space<vmem>>
      %dma_start3A_166 = arith.constant 0 : i32
      %dma_start3A_167 = arith.constant 0 : i32
      %dma_start3A_168 = tpu.memref_slice %arg15[%dma_start3A_166, %dma_start3A_167] : memref<10240x64xf32, #tpu.memory_space<vmem_shared>> -> memref<10240x64xf32, #tpu.memory_space<vmem_shared>>
      tpu.enqueue_indirect_dma source(%arg11 : memref<128x64xf32, #tpu.memory_space<vmem>>) target(%dma_start3A_168 : memref<10240x64xf32, #tpu.memory_space<vmem_shared>>) offsets(%dma_start3A_165 : memref<128xi32, #tpu.memory_space<vmem>>) semaphore(%arg21 : memref<!tpu.dma_semaphore, #tpu.memory_space<semaphore_mem>>) {add = true}
      %get3A = arith.index_cast %add3A_156 : i32 to index
      %get3A_169 = arith.constant 0 : index
      %get3A_170 = tpu.vector_load %arg10[%get3A, %get3A_169] {strides = array<i32>} : memref<120x128xi32, #tpu.memory_space<vmem>>, vector<16xi32>,
      tpu.vector_store_idx %arg16[%get3A_170], %broadcast_in_dim3A_5 {add = true} : memref<10240xf32, #tpu.memory_space<vmem>>[vector<16xi32>], vector<16xf32>,
      %get3A_171 = arith.index_cast %add3A_156 : i32 to index
      %get3A_172 = arith.constant 16 : index
      %get3A_173 = tpu.vector_load %arg10[%get3A_171, %get3A_172] {strides = array<i32>} : memref<120x128xi32, #tpu.memory_space<vmem>>, vector<16xi32>,
      tpu.vector_store_idx %arg16[%get3A_173], %broadcast_in_dim3A_5 {add = true} : memref<10240xf32, #tpu.memory_space<vmem>>[vector<16xi32>], vector<16xf32>,
      %get3A_174 = arith.index_cast %add3A_156 : i32 to index
      %get3A_175 = arith.constant 32 : index
      %get3A_176 = tpu.vector_load %arg10[%get3A_174, %get3A_175] {strides = array<i32>} : memref<120x128xi32, #tpu.memory_space<vmem>>, vector<16xi32>,
      tpu.vector_store_idx %arg16[%get3A_176], %broadcast_in_dim3A_5 {add = true} : memref<10240xf32, #tpu.memory_space<vmem>>[vector<16xi32>], vector<16xf32>,
      %get3A_177 = arith.index_cast %add3A_156 : i32 to index
      %get3A_178 = arith.constant 48 : index
      %get3A_179 = tpu.vector_load %arg10[%get3A_177, %get3A_178] {strides = array<i32>} : memref<120x128xi32, #tpu.memory_space<vmem>>, vector<16xi32>,
      tpu.vector_store_idx %arg16[%get3A_179], %broadcast_in_dim3A_5 {add = true} : memref<10240xf32, #tpu.memory_space<vmem>>[vector<16xi32>], vector<16xf32>,
      %get3A_180 = arith.index_cast %add3A_156 : i32 to index
      %get3A_181 = arith.constant 64 : index
      %get3A_182 = tpu.vector_load %arg10[%get3A_180, %get3A_181] {strides = array<i32>} : memref<120x128xi32, #tpu.memory_space<vmem>>, vector<16xi32>,
      tpu.vector_store_idx %arg16[%get3A_182], %broadcast_in_dim3A_5 {add = true} : memref<10240xf32, #tpu.memory_space<vmem>>[vector<16xi32>], vector<16xf32>,
      %get3A_183 = arith.index_cast %add3A_156 : i32 to index
      %get3A_184 = arith.constant 80 : index
      %get3A_185 = tpu.vector_load %arg10[%get3A_183, %get3A_184] {strides = array<i32>} : memref<120x128xi32, #tpu.memory_space<vmem>>, vector<16xi32>,
      tpu.vector_store_idx %arg16[%get3A_185], %broadcast_in_dim3A_5 {add = true} : memref<10240xf32, #tpu.memory_space<vmem>>[vector<16xi32>], vector<16xf32>,
      %get3A_186 = arith.index_cast %add3A_156 : i32 to index
      %get3A_187 = arith.constant 96 : index
      %get3A_188 = tpu.vector_load %arg10[%get3A_186, %get3A_187] {strides = array<i32>} : memref<120x128xi32, #tpu.memory_space<vmem>>, vector<16xi32>,
      tpu.vector_store_idx %arg16[%get3A_188], %broadcast_in_dim3A_5 {add = true} : memref<10240xf32, #tpu.memory_space<vmem>>[vector<16xi32>], vector<16xf32>,
      %get3A_189 = arith.index_cast %add3A_156 : i32 to index
      %get3A_190 = arith.constant 112 : index
      %get3A_191 = tpu.vector_load %arg10[%get3A_189, %get3A_190] {strides = array<i32>} : memref<120x128xi32, #tpu.memory_space<vmem>>, vector<16xi32>,
      tpu.vector_store_idx %arg16[%get3A_191], %broadcast_in_dim3A_5 {add = true} : memref<10240xf32, #tpu.memory_space<vmem>>[vector<16xi32>], vector<16xf32>,
      %add3A_192 = arith.constant 2 : i32
      %add3A_193 = arith.addi %add3A_156, %add3A_192 : i32
      %sub3A_194 = arith.constant 4 : i32
      %sub3A_195 = arith.subi %add3A_193, %sub3A_194 : i32
      %ge3A = arith.constant 0 : i32
      %ge3A_196 = arith.cmpi sge, %sub3A_195, %ge3A : i32
      %convert_element_type3A = arith.extui %ge3A_196 : i1 to i32
      %cond3A = arith.constant 0 : i32
      %cond3A_197 = arith.cmpi ne, %convert_element_type3A, %cond3A : i32
      scf.if %cond3A_197 {
        %add3A_362 = arith.constant 2 : i32
        %add3A_363 = arith.addi %add3A_156, %add3A_362 : i32
        %sub3A_364 = arith.constant 4 : i32
        %sub3A_365 = arith.subi %add3A_363, %sub3A_364 : i32
        %dma_wait3A_366 = arith.constant 0 : i32
        %dma_wait3A_367 = tpu.memref_slice %arg10[%sub3A_365, %dma_wait3A_366] : memref<120x128xi32, #tpu.memory_space<vmem>> -> memref<1x128xi32, #tpu.memory_space<vmem>>
        %dma_wait3A_368 = tpu.memref_squeeze %dma_wait3A_367 : memref<1x128xi32, #tpu.memory_space<vmem>> -> memref<128xi32, #tpu.memory_space<vmem>>
        %dma_wait3A_369 = arith.constant 0 : i32
        %dma_wait3A_370 = arith.constant 0 : i32
        %dma_wait3A_371 = tpu.memref_slice %arg15[%dma_wait3A_369, %dma_wait3A_370] : memref<10240x64xf32, #tpu.memory_space<vmem_shared>> -> memref<10240x64xf32, #tpu.memory_space<vmem_shared>>
        tpu.wait_indirect_dma semaphore(%arg23 : memref<!tpu.dma_semaphore, #tpu.memory_space<semaphore_mem>>) src(%arg13 : memref<128x64xf32, #tpu.memory_space<vmem>>) dst(%dma_wait3A_371 : memref<10240x64xf32, #tpu.memory_space<vmem_shared>>)
      } else {
      }
      %add3A_198 = arith.constant 2 : i32
      %add3A_199 = arith.addi %add3A_156, %add3A_198 : i32
      %lt3A = arith.cmpi slt, %add3A_199, %select_n3A : i32
      %convert_element_type3A_200 = arith.extui %lt3A : i1 to i32
      %cond3A_201 = arith.constant 0 : i32
      %cond3A_202 = arith.cmpi ne, %convert_element_type3A_200, %cond3A_201 : i32
      scf.if %cond3A_202 {
        %add3A_362 = arith.constant 2 : i32
        %add3A_363 = arith.addi %add3A_156, %add3A_362 : i32
        %dma_start3A_364 = arith.constant 0 : i32
        %dma_start3A_365 = tpu.memref_slice %arg9[%add3A_363, %dma_start3A_364] : memref<120x128xi32, #tpu.memory_space<vmem>> -> memref<1x128xi32, #tpu.memory_space<vmem>>
        %dma_start3A_366 = tpu.memref_squeeze %dma_start3A_365 : memref<1x128xi32, #tpu.memory_space<vmem>> -> memref<128xi32, #tpu.memory_space<vmem>>
        %dma_start3A_367 = arith.constant 0 : i32
        %dma_start3A_368 = arith.constant 0 : i32
        %dma_start3A_369 = tpu.memref_slice %arg2[%dma_start3A_367, %dma_start3A_368] : memref<10240x64xf32, #tpu.memory_space<hbm>> -> memref<10240x64xf32, #tpu.memory_space<hbm>>
        tpu.enqueue_indirect_dma source(%dma_start3A_369 : memref<10240x64xf32, #tpu.memory_space<hbm>>) target(%arg13 : memref<128x64xf32, #tpu.memory_space<vmem>>) offsets(%dma_start3A_366 : memref<128xi32, #tpu.memory_space<vmem>>) semaphore(%arg19 : memref<!tpu.dma_semaphore, #tpu.memory_space<semaphore_mem>>)
      } else {
      }
      %add3A_203 = arith.constant 1 : i32
      %add3A_204 = arith.addi %mul3A_154, %add3A_203 : i32
      %dma_wait3A_205 = arith.constant 0 : i32
      %dma_wait3A_206 = tpu.memref_slice %arg9[%add3A_204, %dma_wait3A_205] : memref<120x128xi32, #tpu.memory_space<vmem>> -> memref<1x128xi32, #tpu.memory_space<vmem>>
      %dma_wait3A_207 = tpu.memref_squeeze %dma_wait3A_206 : memref<1x128xi32, #tpu.memory_space<vmem>> -> memref<128xi32, #tpu.memory_space<vmem>>
      %dma_wait3A_208 = arith.constant 0 : i32
      %dma_wait3A_209 = arith.constant 0 : i32
      %dma_wait3A_210 = tpu.memref_slice %arg2[%dma_wait3A_208, %dma_wait3A_209] : memref<10240x64xf32, #tpu.memory_space<hbm>> -> memref<10240x64xf32, #tpu.memory_space<hbm>>
      tpu.wait_indirect_dma semaphore(%arg18 : memref<!tpu.dma_semaphore, #tpu.memory_space<semaphore_mem>>) src(%dma_wait3A_210 : memref<10240x64xf32, #tpu.memory_space<hbm>>) dst(%arg12 : memref<128x64xf32, #tpu.memory_space<vmem>>)
      %dma_start3A_211 = arith.constant 0 : i32
      %dma_start3A_212 = tpu.memref_slice %arg10[%add3A_204, %dma_start3A_211] : memref<120x128xi32, #tpu.memory_space<vmem>> -> memref<1x128xi32, #tpu.memory_space<vmem>>
      %dma_start3A_213 = tpu.memref_squeeze %dma_start3A_212 : memref<1x128xi32, #tpu.memory_space<vmem>> -> memref<128xi32, #tpu.memory_space<vmem>>
      %dma_start3A_214 = arith.constant 0 : i32
      %dma_start3A_215 = arith.constant 0 : i32
      %dma_start3A_216 = tpu.memref_slice %arg15[%dma_start3A_214, %dma_start3A_215] : memref<10240x64xf32, #tpu.memory_space<vmem_shared>> -> memref<10240x64xf32, #tpu.memory_space<vmem_shared>>
      tpu.enqueue_indirect_dma source(%arg12 : memref<128x64xf32, #tpu.memory_space<vmem>>) target(%dma_start3A_216 : memref<10240x64xf32, #tpu.memory_space<vmem_shared>>) offsets(%dma_start3A_213 : memref<128xi32, #tpu.memory_space<vmem>>) semaphore(%arg22 : memref<!tpu.dma_semaphore, #tpu.memory_space<semaphore_mem>>) {add = true}
      %get3A_217 = arith.index_cast %add3A_204 : i32 to index
      %get3A_218 = arith.constant 0 : index
      %get3A_219 = tpu.vector_load %arg10[%get3A_217, %get3A_218] {strides = array<i32>} : memref<120x128xi32, #tpu.memory_space<vmem>>, vector<16xi32>,
      tpu.vector_store_idx %arg16[%get3A_219], %broadcast_in_dim3A_5 {add = true} : memref<10240xf32, #tpu.memory_space<vmem>>[vector<16xi32>], vector<16xf32>,
      %get3A_220 = arith.index_cast %add3A_204 : i32 to index
      %get3A_221 = arith.constant 16 : index
      %get3A_222 = tpu.vector_load %arg10[%get3A_220, %get3A_221] {strides = array<i32>} : memref<120x128xi32, #tpu.memory_space<vmem>>, vector<16xi32>,
      tpu.vector_store_idx %arg16[%get3A_222], %broadcast_in_dim3A_5 {add = true} : memref<10240xf32, #tpu.memory_space<vmem>>[vector<16xi32>], vector<16xf32>,
      %get3A_223 = arith.index_cast %add3A_204 : i32 to index
      %get3A_224 = arith.constant 32 : index
      %get3A_225 = tpu.vector_load %arg10[%get3A_223, %get3A_224] {strides = array<i32>} : memref<120x128xi32, #tpu.memory_space<vmem>>, vector<16xi32>,
      tpu.vector_store_idx %arg16[%get3A_225], %broadcast_in_dim3A_5 {add = true} : memref<10240xf32, #tpu.memory_space<vmem>>[vector<16xi32>], vector<16xf32>,
      %get3A_226 = arith.index_cast %add3A_204 : i32 to index
      %get3A_227 = arith.constant 48 : index
      %get3A_228 = tpu.vector_load %arg10[%get3A_226, %get3A_227] {strides = array<i32>} : memref<120x128xi32, #tpu.memory_space<vmem>>, vector<16xi32>,
      tpu.vector_store_idx %arg16[%get3A_228], %broadcast_in_dim3A_5 {add = true} : memref<10240xf32, #tpu.memory_space<vmem>>[vector<16xi32>], vector<16xf32>,
      %get3A_229 = arith.index_cast %add3A_204 : i32 to index
      %get3A_230 = arith.constant 64 : index
      %get3A_231 = tpu.vector_load %arg10[%get3A_229, %get3A_230] {strides = array<i32>} : memref<120x128xi32, #tpu.memory_space<vmem>>, vector<16xi32>,
      tpu.vector_store_idx %arg16[%get3A_231], %broadcast_in_dim3A_5 {add = true} : memref<10240xf32, #tpu.memory_space<vmem>>[vector<16xi32>], vector<16xf32>,
      %get3A_232 = arith.index_cast %add3A_204 : i32 to index
      %get3A_233 = arith.constant 80 : index
      %get3A_234 = tpu.vector_load %arg10[%get3A_232, %get3A_233] {strides = array<i32>} : memref<120x128xi32, #tpu.memory_space<vmem>>, vector<16xi32>,
      tpu.vector_store_idx %arg16[%get3A_234], %broadcast_in_dim3A_5 {add = true} : memref<10240xf32, #tpu.memory_space<vmem>>[vector<16xi32>], vector<16xf32>,
      %get3A_235 = arith.index_cast %add3A_204 : i32 to index
      %get3A_236 = arith.constant 96 : index
      %get3A_237 = tpu.vector_load %arg10[%get3A_235, %get3A_236] {strides = array<i32>} : memref<120x128xi32, #tpu.memory_space<vmem>>, vector<16xi32>,
      tpu.vector_store_idx %arg16[%get3A_237], %broadcast_in_dim3A_5 {add = true} : memref<10240xf32, #tpu.memory_space<vmem>>[vector<16xi32>], vector<16xf32>,
      %get3A_238 = arith.index_cast %add3A_204 : i32 to index
      %get3A_239 = arith.constant 112 : index
      %get3A_240 = tpu.vector_load %arg10[%get3A_238, %get3A_239] {strides = array<i32>} : memref<120x128xi32, #tpu.memory_space<vmem>>, vector<16xi32>,
      tpu.vector_store_idx %arg16[%get3A_240], %broadcast_in_dim3A_5 {add = true} : memref<10240xf32, #tpu.memory_space<vmem>>[vector<16xi32>], vector<16xf32>,
      %add3A_241 = arith.constant 2 : i32
      %add3A_242 = arith.addi %add3A_204, %add3A_241 : i32
      %sub3A_243 = arith.constant 4 : i32
      %sub3A_244 = arith.subi %add3A_242, %sub3A_243 : i32
      %ge3A_245 = arith.constant 0 : i32
      %ge3A_246 = arith.cmpi sge, %sub3A_244, %ge3A_245 : i32
      %convert_element_type3A_247 = arith.extui %ge3A_246 : i1 to i32
      %cond3A_248 = arith.constant 0 : i32
      %cond3A_249 = arith.cmpi ne, %convert_element_type3A_247, %cond3A_248 : i32
      scf.if %cond3A_249 {
        %add3A_362 = arith.constant 2 : i32
        %add3A_363 = arith.addi %add3A_204, %add3A_362 : i32
        %sub3A_364 = arith.constant 4 : i32
        %sub3A_365 = arith.subi %add3A_363, %sub3A_364 : i32
        %dma_wait3A_366 = arith.constant 0 : i32
        %dma_wait3A_367 = tpu.memref_slice %arg10[%sub3A_365, %dma_wait3A_366] : memref<120x128xi32, #tpu.memory_space<vmem>> -> memref<1x128xi32, #tpu.memory_space<vmem>>
        %dma_wait3A_368 = tpu.memref_squeeze %dma_wait3A_367 : memref<1x128xi32, #tpu.memory_space<vmem>> -> memref<128xi32, #tpu.memory_space<vmem>>
        %dma_wait3A_369 = arith.constant 0 : i32
        %dma_wait3A_370 = arith.constant 0 : i32
        %dma_wait3A_371 = tpu.memref_slice %arg15[%dma_wait3A_369, %dma_wait3A_370] : memref<10240x64xf32, #tpu.memory_space<vmem_shared>> -> memref<10240x64xf32, #tpu.memory_space<vmem_shared>>
        tpu.wait_indirect_dma semaphore(%arg24 : memref<!tpu.dma_semaphore, #tpu.memory_space<semaphore_mem>>) src(%arg14 : memref<128x64xf32, #tpu.memory_space<vmem>>) dst(%dma_wait3A_371 : memref<10240x64xf32, #tpu.memory_space<vmem_shared>>)
      } else {
      }
      %add3A_250 = arith.constant 2 : i32
      %add3A_251 = arith.addi %add3A_204, %add3A_250 : i32
      %lt3A_252 = arith.cmpi slt, %add3A_251, %select_n3A : i32
      %convert_element_type3A_253 = arith.extui %lt3A_252 : i1 to i32
      %cond3A_254 = arith.constant 0 : i32
      %cond3A_255 = arith.cmpi ne, %convert_element_type3A_253, %cond3A_254 : i32
      scf.if %cond3A_255 {
        %add3A_362 = arith.constant 2 : i32
        %add3A_363 = arith.addi %add3A_204, %add3A_362 : i32
        %dma_start3A_364 = arith.constant 0 : i32
        %dma_start3A_365 = tpu.memref_slice %arg9[%add3A_363, %dma_start3A_364] : memref<120x128xi32, #tpu.memory_space<vmem>> -> memref<1x128xi32, #tpu.memory_space<vmem>>
        %dma_start3A_366 = tpu.memref_squeeze %dma_start3A_365 : memref<1x128xi32, #tpu.memory_space<vmem>> -> memref<128xi32, #tpu.memory_space<vmem>>
        %dma_start3A_367 = arith.constant 0 : i32
        %dma_start3A_368 = arith.constant 0 : i32
        %dma_start3A_369 = tpu.memref_slice %arg2[%dma_start3A_367, %dma_start3A_368] : memref<10240x64xf32, #tpu.memory_space<hbm>> -> memref<10240x64xf32, #tpu.memory_space<hbm>>
        tpu.enqueue_indirect_dma source(%dma_start3A_369 : memref<10240x64xf32, #tpu.memory_space<hbm>>) target(%arg14 : memref<128x64xf32, #tpu.memory_space<vmem>>) offsets(%dma_start3A_366 : memref<128xi32, #tpu.memory_space<vmem>>) semaphore(%arg20 : memref<!tpu.dma_semaphore, #tpu.memory_space<semaphore_mem>>)
      } else {
      }
      %add3A_256 = arith.constant 2 : i32
      %add3A_257 = arith.addi %mul3A_154, %add3A_256 : i32
      %dma_wait3A_258 = arith.constant 0 : i32
      %dma_wait3A_259 = tpu.memref_slice %arg9[%add3A_257, %dma_wait3A_258] : memref<120x128xi32, #tpu.memory_space<vmem>> -> memref<1x128xi32, #tpu.memory_space<vmem>>
      %dma_wait3A_260 = tpu.memref_squeeze %dma_wait3A_259 : memref<1x128xi32, #tpu.memory_space<vmem>> -> memref<128xi32, #tpu.memory_space<vmem>>
      %dma_wait3A_261 = arith.constant 0 : i32
      %dma_wait3A_262 = arith.constant 0 : i32
      %dma_wait3A_263 = tpu.memref_slice %arg2[%dma_wait3A_261, %dma_wait3A_262] : memref<10240x64xf32, #tpu.memory_space<hbm>> -> memref<10240x64xf32, #tpu.memory_space<hbm>>
      tpu.wait_indirect_dma semaphore(%arg19 : memref<!tpu.dma_semaphore, #tpu.memory_space<semaphore_mem>>) src(%dma_wait3A_263 : memref<10240x64xf32, #tpu.memory_space<hbm>>) dst(%arg13 : memref<128x64xf32, #tpu.memory_space<vmem>>)
      %dma_start3A_264 = arith.constant 0 : i32
      %dma_start3A_265 = tpu.memref_slice %arg10[%add3A_257, %dma_start3A_264] : memref<120x128xi32, #tpu.memory_space<vmem>> -> memref<1x128xi32, #tpu.memory_space<vmem>>
      %dma_start3A_266 = tpu.memref_squeeze %dma_start3A_265 : memref<1x128xi32, #tpu.memory_space<vmem>> -> memref<128xi32, #tpu.memory_space<vmem>>
      %dma_start3A_267 = arith.constant 0 : i32
      %dma_start3A_268 = arith.constant 0 : i32
      %dma_start3A_269 = tpu.memref_slice %arg15[%dma_start3A_267, %dma_start3A_268] : memref<10240x64xf32, #tpu.memory_space<vmem_shared>> -> memref<10240x64xf32, #tpu.memory_space<vmem_shared>>
      tpu.enqueue_indirect_dma source(%arg13 : memref<128x64xf32, #tpu.memory_space<vmem>>) target(%dma_start3A_269 : memref<10240x64xf32, #tpu.memory_space<vmem_shared>>) offsets(%dma_start3A_266 : memref<128xi32, #tpu.memory_space<vmem>>) semaphore(%arg23 : memref<!tpu.dma_semaphore, #tpu.memory_space<semaphore_mem>>) {add = true}
      %get3A_270 = arith.index_cast %add3A_257 : i32 to index
      %get3A_271 = arith.constant 0 : index
      %get3A_272 = tpu.vector_load %arg10[%get3A_270, %get3A_271] {strides = array<i32>} : memref<120x128xi32, #tpu.memory_space<vmem>>, vector<16xi32>,
      tpu.vector_store_idx %arg16[%get3A_272], %broadcast_in_dim3A_5 {add = true} : memref<10240xf32, #tpu.memory_space<vmem>>[vector<16xi32>], vector<16xf32>,
      %get3A_273 = arith.index_cast %add3A_257 : i32 to index
      %get3A_274 = arith.constant 16 : index
      %get3A_275 = tpu.vector_load %arg10[%get3A_273, %get3A_274] {strides = array<i32>} : memref<120x128xi32, #tpu.memory_space<vmem>>, vector<16xi32>,
      tpu.vector_store_idx %arg16[%get3A_275], %broadcast_in_dim3A_5 {add = true} : memref<10240xf32, #tpu.memory_space<vmem>>[vector<16xi32>], vector<16xf32>,
      %get3A_276 = arith.index_cast %add3A_257 : i32 to index
      %get3A_277 = arith.constant 32 : index
      %get3A_278 = tpu.vector_load %arg10[%get3A_276, %get3A_277] {strides = array<i32>} : memref<120x128xi32, #tpu.memory_space<vmem>>, vector<16xi32>,
      tpu.vector_store_idx %arg16[%get3A_278], %broadcast_in_dim3A_5 {add = true} : memref<10240xf32, #tpu.memory_space<vmem>>[vector<16xi32>], vector<16xf32>,
      %get3A_279 = arith.index_cast %add3A_257 : i32 to index
      %get3A_280 = arith.constant 48 : index
      %get3A_281 = tpu.vector_load %arg10[%get3A_279, %get3A_280] {strides = array<i32>} : memref<120x128xi32, #tpu.memory_space<vmem>>, vector<16xi32>,
      tpu.vector_store_idx %arg16[%get3A_281], %broadcast_in_dim3A_5 {add = true} : memref<10240xf32, #tpu.memory_space<vmem>>[vector<16xi32>], vector<16xf32>,
      %get3A_282 = arith.index_cast %add3A_257 : i32 to index
      %get3A_283 = arith.constant 64 : index
      %get3A_284 = tpu.vector_load %arg10[%get3A_282, %get3A_283] {strides = array<i32>} : memref<120x128xi32, #tpu.memory_space<vmem>>, vector<16xi32>,
      tpu.vector_store_idx %arg16[%get3A_284], %broadcast_in_dim3A_5 {add = true} : memref<10240xf32, #tpu.memory_space<vmem>>[vector<16xi32>], vector<16xf32>,
      %get3A_285 = arith.index_cast %add3A_257 : i32 to index
      %get3A_286 = arith.constant 80 : index
      %get3A_287 = tpu.vector_load %arg10[%get3A_285, %get3A_286] {strides = array<i32>} : memref<120x128xi32, #tpu.memory_space<vmem>>, vector<16xi32>,
      tpu.vector_store_idx %arg16[%get3A_287], %broadcast_in_dim3A_5 {add = true} : memref<10240xf32, #tpu.memory_space<vmem>>[vector<16xi32>], vector<16xf32>,
      %get3A_288 = arith.index_cast %add3A_257 : i32 to index
      %get3A_289 = arith.constant 96 : index
      %get3A_290 = tpu.vector_load %arg10[%get3A_288, %get3A_289] {strides = array<i32>} : memref<120x128xi32, #tpu.memory_space<vmem>>, vector<16xi32>,
      tpu.vector_store_idx %arg16[%get3A_290], %broadcast_in_dim3A_5 {add = true} : memref<10240xf32, #tpu.memory_space<vmem>>[vector<16xi32>], vector<16xf32>,
      %get3A_291 = arith.index_cast %add3A_257 : i32 to index
      %get3A_292 = arith.constant 112 : index
      %get3A_293 = tpu.vector_load %arg10[%get3A_291, %get3A_292] {strides = array<i32>} : memref<120x128xi32, #tpu.memory_space<vmem>>, vector<16xi32>,
      tpu.vector_store_idx %arg16[%get3A_293], %broadcast_in_dim3A_5 {add = true} : memref<10240xf32, #tpu.memory_space<vmem>>[vector<16xi32>], vector<16xf32>,
      %add3A_294 = arith.constant 2 : i32
      %add3A_295 = arith.addi %add3A_257, %add3A_294 : i32
      %sub3A_296 = arith.constant 4 : i32
      %sub3A_297 = arith.subi %add3A_295, %sub3A_296 : i32
      %ge3A_298 = arith.constant 0 : i32
      %ge3A_299 = arith.cmpi sge, %sub3A_297, %ge3A_298 : i32
      %convert_element_type3A_300 = arith.extui %ge3A_299 : i1 to i32
      %cond3A_301 = arith.constant 0 : i32
      %cond3A_302 = arith.cmpi ne, %convert_element_type3A_300, %cond3A_301 : i32
      scf.if %cond3A_302 {
        %add3A_362 = arith.constant 2 : i32
        %add3A_363 = arith.addi %add3A_257, %add3A_362 : i32
        %sub3A_364 = arith.constant 4 : i32
        %sub3A_365 = arith.subi %add3A_363, %sub3A_364 : i32
        %dma_wait3A_366 = arith.constant 0 : i32
        %dma_wait3A_367 = tpu.memref_slice %arg10[%sub3A_365, %dma_wait3A_366] : memref<120x128xi32, #tpu.memory_space<vmem>> -> memref<1x128xi32, #tpu.memory_space<vmem>>
        %dma_wait3A_368 = tpu.memref_squeeze %dma_wait3A_367 : memref<1x128xi32, #tpu.memory_space<vmem>> -> memref<128xi32, #tpu.memory_space<vmem>>
        %dma_wait3A_369 = arith.constant 0 : i32
        %dma_wait3A_370 = arith.constant 0 : i32
        %dma_wait3A_371 = tpu.memref_slice %arg15[%dma_wait3A_369, %dma_wait3A_370] : memref<10240x64xf32, #tpu.memory_space<vmem_shared>> -> memref<10240x64xf32, #tpu.memory_space<vmem_shared>>
        tpu.wait_indirect_dma semaphore(%arg21 : memref<!tpu.dma_semaphore, #tpu.memory_space<semaphore_mem>>) src(%arg11 : memref<128x64xf32, #tpu.memory_space<vmem>>) dst(%dma_wait3A_371 : memref<10240x64xf32, #tpu.memory_space<vmem_shared>>)
      } else {
      }
      %add3A_303 = arith.constant 2 : i32
      %add3A_304 = arith.addi %add3A_257, %add3A_303 : i32
      %lt3A_305 = arith.cmpi slt, %add3A_304, %select_n3A : i32
      %convert_element_type3A_306 = arith.extui %lt3A_305 : i1 to i32
      %cond3A_307 = arith.constant 0 : i32
      %cond3A_308 = arith.cmpi ne, %convert_element_type3A_306, %cond3A_307 : i32
      scf.if %cond3A_308 {
        %add3A_362 = arith.constant 2 : i32
        %add3A_363 = arith.addi %add3A_257, %add3A_362 : i32
        %dma_start3A_364 = arith.constant 0 : i32
        %dma_start3A_365 = tpu.memref_slice %arg9[%add3A_363, %dma_start3A_364] : memref<120x128xi32, #tpu.memory_space<vmem>> -> memref<1x128xi32, #tpu.memory_space<vmem>>
        %dma_start3A_366 = tpu.memref_squeeze %dma_start3A_365 : memref<1x128xi32, #tpu.memory_space<vmem>> -> memref<128xi32, #tpu.memory_space<vmem>>
        %dma_start3A_367 = arith.constant 0 : i32
        %dma_start3A_368 = arith.constant 0 : i32
        %dma_start3A_369 = tpu.memref_slice %arg2[%dma_start3A_367, %dma_start3A_368] : memref<10240x64xf32, #tpu.memory_space<hbm>> -> memref<10240x64xf32, #tpu.memory_space<hbm>>
        tpu.enqueue_indirect_dma source(%dma_start3A_369 : memref<10240x64xf32, #tpu.memory_space<hbm>>) target(%arg11 : memref<128x64xf32, #tpu.memory_space<vmem>>) offsets(%dma_start3A_366 : memref<128xi32, #tpu.memory_space<vmem>>) semaphore(%arg17 : memref<!tpu.dma_semaphore, #tpu.memory_space<semaphore_mem>>)
      } else {
      }
      %add3A_309 = arith.constant 3 : i32
      %add3A_310 = arith.addi %mul3A_154, %add3A_309 : i32
      %dma_wait3A_311 = arith.constant 0 : i32
      %dma_wait3A_312 = tpu.memref_slice %arg9[%add3A_310, %dma_wait3A_311] : memref<120x128xi32, #tpu.memory_space<vmem>> -> memref<1x128xi32, #tpu.memory_space<vmem>>
      %dma_wait3A_313 = tpu.memref_squeeze %dma_wait3A_312 : memref<1x128xi32, #tpu.memory_space<vmem>> -> memref<128xi32, #tpu.memory_space<vmem>>
      %dma_wait3A_314 = arith.constant 0 : i32
      %dma_wait3A_315 = arith.constant 0 : i32
      %dma_wait3A_316 = tpu.memref_slice %arg2[%dma_wait3A_314, %dma_wait3A_315] : memref<10240x64xf32, #tpu.memory_space<hbm>> -> memref<10240x64xf32, #tpu.memory_space<hbm>>
      tpu.wait_indirect_dma semaphore(%arg20 : memref<!tpu.dma_semaphore, #tpu.memory_space<semaphore_mem>>) src(%dma_wait3A_316 : memref<10240x64xf32, #tpu.memory_space<hbm>>) dst(%arg14 : memref<128x64xf32, #tpu.memory_space<vmem>>)
      %dma_start3A_317 = arith.constant 0 : i32
      %dma_start3A_318 = tpu.memref_slice %arg10[%add3A_310, %dma_start3A_317] : memref<120x128xi32, #tpu.memory_space<vmem>> -> memref<1x128xi32, #tpu.memory_space<vmem>>
      %dma_start3A_319 = tpu.memref_squeeze %dma_start3A_318 : memref<1x128xi32, #tpu.memory_space<vmem>> -> memref<128xi32, #tpu.memory_space<vmem>>
      %dma_start3A_320 = arith.constant 0 : i32
      %dma_start3A_321 = arith.constant 0 : i32
      %dma_start3A_322 = tpu.memref_slice %arg15[%dma_start3A_320, %dma_start3A_321] : memref<10240x64xf32, #tpu.memory_space<vmem_shared>> -> memref<10240x64xf32, #tpu.memory_space<vmem_shared>>
      tpu.enqueue_indirect_dma source(%arg14 : memref<128x64xf32, #tpu.memory_space<vmem>>) target(%dma_start3A_322 : memref<10240x64xf32, #tpu.memory_space<vmem_shared>>) offsets(%dma_start3A_319 : memref<128xi32, #tpu.memory_space<vmem>>) semaphore(%arg24 : memref<!tpu.dma_semaphore, #tpu.memory_space<semaphore_mem>>) {add = true}
      %get3A_323 = arith.index_cast %add3A_310 : i32 to index
      %get3A_324 = arith.constant 0 : index
      %get3A_325 = tpu.vector_load %arg10[%get3A_323, %get3A_324] {strides = array<i32>} : memref<120x128xi32, #tpu.memory_space<vmem>>, vector<16xi32>,
      tpu.vector_store_idx %arg16[%get3A_325], %broadcast_in_dim3A_5 {add = true} : memref<10240xf32, #tpu.memory_space<vmem>>[vector<16xi32>], vector<16xf32>,
      %get3A_326 = arith.index_cast %add3A_310 : i32 to index
      %get3A_327 = arith.constant 16 : index
      %get3A_328 = tpu.vector_load %arg10[%get3A_326, %get3A_327] {strides = array<i32>} : memref<120x128xi32, #tpu.memory_space<vmem>>, vector<16xi32>,
      tpu.vector_store_idx %arg16[%get3A_328], %broadcast_in_dim3A_5 {add = true} : memref<10240xf32, #tpu.memory_space<vmem>>[vector<16xi32>], vector<16xf32>,
      %get3A_329 = arith.index_cast %add3A_310 : i32 to index
      %get3A_330 = arith.constant 32 : index
      %get3A_331 = tpu.vector_load %arg10[%get3A_329, %get3A_330] {strides = array<i32>} : memref<120x128xi32, #tpu.memory_space<vmem>>, vector<16xi32>,
      tpu.vector_store_idx %arg16[%get3A_331], %broadcast_in_dim3A_5 {add = true} : memref<10240xf32, #tpu.memory_space<vmem>>[vector<16xi32>], vector<16xf32>,
      %get3A_332 = arith.index_cast %add3A_310 : i32 to index
      %get3A_333 = arith.constant 48 : index
      %get3A_334 = tpu.vector_load %arg10[%get3A_332, %get3A_333] {strides = array<i32>} : memref<120x128xi32, #tpu.memory_space<vmem>>, vector<16xi32>,
      tpu.vector_store_idx %arg16[%get3A_334], %broadcast_in_dim3A_5 {add = true} : memref<10240xf32, #tpu.memory_space<vmem>>[vector<16xi32>], vector<16xf32>,
      %get3A_335 = arith.index_cast %add3A_310 : i32 to index
      %get3A_336 = arith.constant 64 : index
      %get3A_337 = tpu.vector_load %arg10[%get3A_335, %get3A_336] {strides = array<i32>} : memref<120x128xi32, #tpu.memory_space<vmem>>, vector<16xi32>,
      tpu.vector_store_idx %arg16[%get3A_337], %broadcast_in_dim3A_5 {add = true} : memref<10240xf32, #tpu.memory_space<vmem>>[vector<16xi32>], vector<16xf32>,
      %get3A_338 = arith.index_cast %add3A_310 : i32 to index
      %get3A_339 = arith.constant 80 : index
      %get3A_340 = tpu.vector_load %arg10[%get3A_338, %get3A_339] {strides = array<i32>} : memref<120x128xi32, #tpu.memory_space<vmem>>, vector<16xi32>,
      tpu.vector_store_idx %arg16[%get3A_340], %broadcast_in_dim3A_5 {add = true} : memref<10240xf32, #tpu.memory_space<vmem>>[vector<16xi32>], vector<16xf32>,
      %get3A_341 = arith.index_cast %add3A_310 : i32 to index
      %get3A_342 = arith.constant 96 : index
      %get3A_343 = tpu.vector_load %arg10[%get3A_341, %get3A_342] {strides = array<i32>} : memref<120x128xi32, #tpu.memory_space<vmem>>, vector<16xi32>,
      tpu.vector_store_idx %arg16[%get3A_343], %broadcast_in_dim3A_5 {add = true} : memref<10240xf32, #tpu.memory_space<vmem>>[vector<16xi32>], vector<16xf32>,
      %get3A_344 = arith.index_cast %add3A_310 : i32 to index
      %get3A_345 = arith.constant 112 : index
      %get3A_346 = tpu.vector_load %arg10[%get3A_344, %get3A_345] {strides = array<i32>} : memref<120x128xi32, #tpu.memory_space<vmem>>, vector<16xi32>,
      tpu.vector_store_idx %arg16[%get3A_346], %broadcast_in_dim3A_5 {add = true} : memref<10240xf32, #tpu.memory_space<vmem>>[vector<16xi32>], vector<16xf32>,
      %add3A_347 = arith.constant 2 : i32
      %add3A_348 = arith.addi %add3A_310, %add3A_347 : i32
      %sub3A_349 = arith.constant 4 : i32
      %sub3A_350 = arith.subi %add3A_348, %sub3A_349 : i32
      %ge3A_351 = arith.constant 0 : i32
      %ge3A_352 = arith.cmpi sge, %sub3A_350, %ge3A_351 : i32
      %convert_element_type3A_353 = arith.extui %ge3A_352 : i1 to i32
      %cond3A_354 = arith.constant 0 : i32
      %cond3A_355 = arith.cmpi ne, %convert_element_type3A_353, %cond3A_354 : i32
      scf.if %cond3A_355 {
        %add3A_362 = arith.constant 2 : i32
        %add3A_363 = arith.addi %add3A_310, %add3A_362 : i32
        %sub3A_364 = arith.constant 4 : i32
        %sub3A_365 = arith.subi %add3A_363, %sub3A_364 : i32
        %dma_wait3A_366 = arith.constant 0 : i32
        %dma_wait3A_367 = tpu.memref_slice %arg10[%sub3A_365, %dma_wait3A_366] : memref<120x128xi32, #tpu.memory_space<vmem>> -> memref<1x128xi32, #tpu.memory_space<vmem>>
        %dma_wait3A_368 = tpu.memref_squeeze %dma_wait3A_367 : memref<1x128xi32, #tpu.memory_space<vmem>> -> memref<128xi32, #tpu.memory_space<vmem>>
        %dma_wait3A_369 = arith.constant 0 : i32
        %dma_wait3A_370 = arith.constant 0 : i32
        %dma_wait3A_371 = tpu.memref_slice %arg15[%dma_wait3A_369, %dma_wait3A_370] : memref<10240x64xf32, #tpu.memory_space<vmem_shared>> -> memref<10240x64xf32, #tpu.memory_space<vmem_shared>>
        tpu.wait_indirect_dma semaphore(%arg22 : memref<!tpu.dma_semaphore, #tpu.memory_space<semaphore_mem>>) src(%arg12 : memref<128x64xf32, #tpu.memory_space<vmem>>) dst(%dma_wait3A_371 : memref<10240x64xf32, #tpu.memory_space<vmem_shared>>)
      } else {
      }
      %add3A_356 = arith.constant 2 : i32
      %add3A_357 = arith.addi %add3A_310, %add3A_356 : i32
      %lt3A_358 = arith.cmpi slt, %add3A_357, %select_n3A : i32
      %convert_element_type3A_359 = arith.extui %lt3A_358 : i1 to i32
      %cond3A_360 = arith.constant 0 : i32
      %cond3A_361 = arith.cmpi ne, %convert_element_type3A_359, %cond3A_360 : i32
      scf.if %cond3A_361 {
        %add3A_362 = arith.constant 2 : i32
        %add3A_363 = arith.addi %add3A_310, %add3A_362 : i32
        %dma_start3A_364 = arith.constant 0 : i32
        %dma_start3A_365 = tpu.memref_slice %arg9[%add3A_363, %dma_start3A_364] : memref<120x128xi32, #tpu.memory_space<vmem>> -> memref<1x128xi32, #tpu.memory_space<vmem>>
        %dma_start3A_366 = tpu.memref_squeeze %dma_start3A_365 : memref<1x128xi32, #tpu.memory_space<vmem>> -> memref<128xi32, #tpu.memory_space<vmem>>
        %dma_start3A_367 = arith.constant 0 : i32
        %dma_start3A_368 = arith.constant 0 : i32
        %dma_start3A_369 = tpu.memref_slice %arg2[%dma_start3A_367, %dma_start3A_368] : memref<10240x64xf32, #tpu.memory_space<hbm>> -> memref<10240x64xf32, #tpu.memory_space<hbm>>
        tpu.enqueue_indirect_dma source(%dma_start3A_369 : memref<10240x64xf32, #tpu.memory_space<hbm>>) target(%arg12 : memref<128x64xf32, #tpu.memory_space<vmem>>) offsets(%dma_start3A_366 : memref<128xi32, #tpu.memory_space<vmem>>) semaphore(%arg18 : memref<!tpu.dma_semaphore, #tpu.memory_space<semaphore_mem>>)
      } else {
      }
    }
    %sub3A_127 = arith.constant 2 : i32
    %sub3A_128 = arith.subi %select_n3A, %sub3A_127 : i32
    %add3A_129 = arith.constant 0 : i32
    %add3A_130 = arith.addi %sub3A_128, %add3A_129 : i32
    %dma_wait3A_131 = arith.constant 0 : i32
    %dma_wait3A_132 = tpu.memref_slice %arg10[%add3A_130, %dma_wait3A_131] : memref<120x128xi32, #tpu.memory_space<vmem>> -> memref<1x128xi32, #tpu.memory_space<vmem>>
    %dma_wait3A_133 = tpu.memref_squeeze %dma_wait3A_132 : memref<1x128xi32, #tpu.memory_space<vmem>> -> memref<128xi32, #tpu.memory_space<vmem>>
    %dma_wait3A_134 = arith.constant 0 : i32
    %dma_wait3A_135 = arith.constant 0 : i32
    %dma_wait3A_136 = tpu.memref_slice %arg15[%dma_wait3A_134, %dma_wait3A_135] : memref<10240x64xf32, #tpu.memory_space<vmem_shared>> -> memref<10240x64xf32, #tpu.memory_space<vmem_shared>>
    tpu.wait_indirect_dma semaphore(%arg23 : memref<!tpu.dma_semaphore, #tpu.memory_space<semaphore_mem>>) src(%arg13 : memref<128x64xf32, #tpu.memory_space<vmem>>) dst(%dma_wait3A_136 : memref<10240x64xf32, #tpu.memory_space<vmem_shared>>)
    %sub3A_137 = arith.constant 2 : i32
    %sub3A_138 = arith.subi %select_n3A, %sub3A_137 : i32
    %add3A_139 = arith.constant 1 : i32
    %add3A_140 = arith.addi %sub3A_138, %add3A_139 : i32
    %dma_wait3A_141 = arith.constant 0 : i32
    %dma_wait3A_142 = tpu.memref_slice %arg10[%add3A_140, %dma_wait3A_141] : memref<120x128xi32, #tpu.memory_space<vmem>> -> memref<1x128xi32, #tpu.memory_space<vmem>>
    %dma_wait3A_143 = tpu.memref_squeeze %dma_wait3A_142 : memref<1x128xi32, #tpu.memory_space<vmem>> -> memref<128xi32, #tpu.memory_space<vmem>>
    %dma_wait3A_144 = arith.constant 0 : i32
    %dma_wait3A_145 = arith.constant 0 : i32
    %dma_wait3A_146 = tpu.memref_slice %arg15[%dma_wait3A_144, %dma_wait3A_145] : memref<10240x64xf32, #tpu.memory_space<vmem_shared>> -> memref<10240x64xf32, #tpu.memory_space<vmem_shared>>
    tpu.wait_indirect_dma semaphore(%arg24 : memref<!tpu.dma_semaphore, #tpu.memory_space<semaphore_mem>>) src(%arg14 : memref<128x64xf32, #tpu.memory_space<vmem>>) dst(%dma_wait3A_146 : memref<10240x64xf32, #tpu.memory_space<vmem_shared>>)
    %barrier3A_147 = arith.constant 0 : index
    tpu.barrier barrier_id(%barrier3A_147)
    %mul3A_148 = arith.constant 640 : i32
    %mul3A_149 = arith.muli %arg1, %mul3A_148 : i32
    %mul3A_150 = arith.constant 640 : i32
    %mul3A_151 = arith.muli %arg1, %mul3A_150 : i32
    "tpu.region"() ({
      %run_scoped3A = tpu.sem_alloc : memref<!tpu.dma_semaphore, #tpu.memory_space<semaphore_mem>>
      %dma_start3A_152 = arith.constant 0 : i32
      %dma_start3A_153 = tpu.memref_slice %arg7[%arg0, %mul3A_151, %dma_start3A_152] : memref<2x10240x64xf32, #tpu.memory_space<hbm>> -> memref<1x640x64xf32, #tpu.memory_space<hbm>>
      %dma_start3A_154 = tpu.memref_squeeze %dma_start3A_153 : memref<1x640x64xf32, #tpu.memory_space<hbm>> -> memref<640x64xf32, #tpu.memory_space<hbm>>
      %dma_start3A_155 = arith.constant 0 : i32
      %dma_start3A_156 = tpu.memref_slice %arg15[%mul3A_149, %dma_start3A_155] : memref<10240x64xf32, #tpu.memory_space<vmem_shared>> -> memref<640x64xf32, #tpu.memory_space<vmem_shared>>
      tpu.enqueue_dma source(%dma_start3A_156 : memref<640x64xf32, #tpu.memory_space<vmem_shared>>) target(%dma_start3A_154 : memref<640x64xf32, #tpu.memory_space<hbm>>) target_semaphore(%run_scoped3A : memref<!tpu.dma_semaphore, #tpu.memory_space<semaphore_mem>>)
      %dma_wait3A_157 = arith.constant 0 : i32
      %dma_wait3A_158 = tpu.memref_slice %arg7[%arg0, %mul3A_151, %dma_wait3A_157] : memref<2x10240x64xf32, #tpu.memory_space<hbm>> -> memref<1x640x64xf32, #tpu.memory_space<hbm>>
      %dma_wait3A_159 = tpu.memref_squeeze %dma_wait3A_158 : memref<1x640x64xf32, #tpu.memory_space<hbm>> -> memref<640x64xf32, #tpu.memory_space<hbm>>
      %dma_wait3A_160 = arith.constant 0 : i32
      %dma_wait3A_161 = tpu.memref_slice %arg15[%mul3A_149, %dma_wait3A_160] : memref<10240x64xf32, #tpu.memory_space<vmem_shared>> -> memref<640x64xf32, #tpu.memory_space<vmem_shared>>
      tpu.wait_dma2 semaphore(%run_scoped3A : memref<!tpu.dma_semaphore, #tpu.memory_space<semaphore_mem>>) src(%dma_wait3A_161 : memref<640x64xf32, #tpu.memory_space<vmem_shared>>) dst(%dma_wait3A_159 : memref<640x64xf32, #tpu.memory_space<hbm>>)
      tpu.yield
    }) : () -> ()
    "tpu.region"() ({
      %run_scoped3A = tpu.sem_alloc : memref<!tpu.dma_semaphore, #tpu.memory_space<semaphore_mem>>
      %dma_start3A_152 = arith.constant 0 : i32
      %dma_start3A_153 = tpu.memref_slice %arg8[%arg0, %arg1, %dma_start3A_152] : memref<2x16x10240xf32, #tpu.memory_space<hbm>> -> memref<1x1x10240xf32, #tpu.memory_space<hbm>>
      %dma_start3A_154 = tpu.memref_squeeze %dma_start3A_153 : memref<1x1x10240xf32, #tpu.memory_space<hbm>> -> memref<10240xf32, #tpu.memory_space<hbm>>
      %dma_start3A_155 = arith.constant 0 : i32
      %dma_start3A_156 = tpu.memref_slice %arg8[%arg0, %arg1, %dma_start3A_155] : memref<2x16x10240xf32, #tpu.memory_space<hbm>> -> memref<1x1x10240xf32, #tpu.memory_space<hbm>>
      %dma_start3A_157 = tpu.memref_squeeze %dma_start3A_156 : memref<1x1x10240xf32, #tpu.memory_space<hbm>> -> memref<10240xf32, #tpu.memory_space<hbm>>
      tpu.enqueue_dma source(%arg16 : memref<10240xf32, #tpu.memory_space<vmem>>) target(%dma_start3A_157 : memref<10240xf32, #tpu.memory_space<hbm>>) target_semaphore(%run_scoped3A : memref<!tpu.dma_semaphore, #tpu.memory_space<semaphore_mem>>)
      %dma_wait3A_158 = arith.constant 0 : i32
      %dma_wait3A_159 = tpu.memref_slice %arg8[%arg0, %arg1, %dma_wait3A_158] : memref<2x16x10240xf32, #tpu.memory_space<hbm>> -> memref<1x1x10240xf32, #tpu.memory_space<hbm>>
      %dma_wait3A_160 = tpu.memref_squeeze %dma_wait3A_159 : memref<1x1x10240xf32, #tpu.memory_space<hbm>> -> memref<10240xf32, #tpu.memory_space<hbm>>
      %dma_wait3A_161 = arith.constant 0 : i32
      %dma_wait3A_162 = tpu.memref_slice %arg8[%arg0, %arg1, %dma_wait3A_161] : memref<2x16x10240xf32, #tpu.memory_space<hbm>> -> memref<1x1x10240xf32, #tpu.memory_space<hbm>>
      %dma_wait3A_163 = tpu.memref_squeeze %dma_wait3A_162 : memref<1x1x10240xf32, #tpu.memory_space<hbm>> -> memref<10240xf32, #tpu.memory_space<hbm>>
      tpu.wait_dma2 semaphore(%run_scoped3A : memref<!tpu.dma_semaphore, #tpu.memory_space<semaphore_mem>>) src(%arg16 : memref<10240xf32, #tpu.memory_space<vmem>>) dst(%dma_wait3A_163 : memref<10240xf32, #tpu.memory_space<hbm>>)
      tpu.yield
    }) : () -> ()
    return
  }
}

#map = affine_map<(d0, d1) -> (0, 0)>
#map1 = affine_map<(d0, d1) -> (0)>
#map2 = affine_map<(d0, d1) -> (0, 0, 0)>
module attributes {stable_mosaic.version = 14 : i64} {
  func.func @_edge_pass_body(%arg0: i32, %arg1: i32, %arg2: memref<10240x64xf32, #tpu.memory_space<hbm>>, %arg3: memref<5376x128xi32, #tpu.memory_space<hbm>>, %arg4: memref<5376x128xi32, #tpu.memory_space<hbm>>, %arg5: memref<640x64xf32, #tpu.memory_space<hbm>>, %arg6: memref<10240xf32, #tpu.memory_space<hbm>>, %arg7: memref<2x10240x64xf32, #tpu.memory_space<hbm>>, %arg8: memref<120x128xi32, #tpu.memory_space<vmem>>, %arg9: memref<120x128xi32, #tpu.memory_space<vmem>>, %arg10: memref<128x64xf32, #tpu.memory_space<vmem>>, %arg11: memref<128x64xf32, #tpu.memory_space<vmem>>, %arg12: memref<128x64xf32, #tpu.memory_space<vmem>>, %arg13: memref<128x64xf32, #tpu.memory_space<vmem>>, %arg14: memref<10240x64xf32, #tpu.memory_space<vmem_shared>>, %arg15: memref<!tpu.dma_semaphore, #tpu.memory_space<semaphore_mem>>, %arg16: memref<!tpu.dma_semaphore, #tpu.memory_space<semaphore_mem>>, %arg17: memref<!tpu.dma_semaphore, #tpu.memory_space<semaphore_mem>>, %arg18: memref<!tpu.dma_semaphore, #tpu.memory_space<semaphore_mem>>, %arg19: memref<!tpu.dma_semaphore, #tpu.memory_space<semaphore_mem>>, %arg20: memref<!tpu.dma_semaphore, #tpu.memory_space<semaphore_mem>>, %arg21: memref<!tpu.dma_semaphore, #tpu.memory_space<semaphore_mem>>, %arg22: memref<!tpu.dma_semaphore, #tpu.memory_space<semaphore_mem>>) attributes {dimension_semantics = [#tpu.dimension_semantics<core_parallel>, #tpu.dimension_semantics<subcore_parallel>], iteration_bounds = array<i64: 2, 16>, scalar_prefetch = 0 : i64, scratch_operands = 15 : i64, tpu.core_type = #tpu.core_type<sc_vector_subcore>, window_params = [{transform_indices = #map}, {transform_indices = #map}, {transform_indices = #map}, {transform_indices = #map}, {transform_indices = #map1}, {transform_indices = #map2}]} {
    %mul3A = arith.constant 320 : i32
    %mul3A_0 = arith.muli %arg1, %mul3A : i32
    %mul3A_1 = arith.constant 240 : i32
    %mul3A_2 = arith.muli %arg0, %mul3A_1 : i32
    %add3A = arith.addi %mul3A_0, %mul3A_2 : i32
    %eq3A = arith.constant 0 : i32
    %eq3A_3 = arith.cmpi eq, %arg0, %eq3A : i32
    %jit3A = arith.constant 120 : i32
    %jit3A_4 = arith.constant 40 : i32
    %select_n3A = arith.select %eq3A_3, %jit3A, %jit3A_4 : i32
    %broadcast_in_dim3A = arith.constant 1.000000e+00 : f32
    %broadcast_in_dim3A_5 = vector.broadcast %broadcast_in_dim3A : f32 to vector<16xf32>
    %mul3A_6 = arith.constant 640 : i32
    %mul3A_7 = arith.muli %arg1, %mul3A_6 : i32
    "tpu.region"() ({
      %run_scoped3A = tpu.sem_alloc : memref<!tpu.dma_semaphore, #tpu.memory_space<semaphore_mem>>
      %dma_start3A_152 = arith.constant 0 : i32
      %dma_start3A_153 = tpu.memref_slice %arg14[%mul3A_7, %dma_start3A_152] : memref<10240x64xf32, #tpu.memory_space<vmem_shared>> -> memref<640x64xf32, #tpu.memory_space<vmem_shared>>
      tpu.enqueue_dma source(%arg5 : memref<640x64xf32, #tpu.memory_space<hbm>>) target(%dma_start3A_153 : memref<640x64xf32, #tpu.memory_space<vmem_shared>>) target_semaphore(%run_scoped3A : memref<!tpu.dma_semaphore, #tpu.memory_space<semaphore_mem>>)
      %dma_wait3A_154 = arith.constant 0 : i32
      %dma_wait3A_155 = tpu.memref_slice %arg14[%mul3A_7, %dma_wait3A_154] : memref<10240x64xf32, #tpu.memory_space<vmem_shared>> -> memref<640x64xf32, #tpu.memory_space<vmem_shared>>
      tpu.wait_dma2 semaphore(%run_scoped3A : memref<!tpu.dma_semaphore, #tpu.memory_space<semaphore_mem>>) src(%arg5 : memref<640x64xf32, #tpu.memory_space<hbm>>) dst(%dma_wait3A_155 : memref<640x64xf32, #tpu.memory_space<vmem_shared>>)
      tpu.yield
    }) : () -> ()
    %mul3A_8 = arith.constant 0 : i32
    %mul3A_9 = arith.muli %mul3A_8, %select_n3A : i32
    %add3A_10 = arith.addi %add3A, %mul3A_9 : i32
    "tpu.region"() ({
      %run_scoped3A = tpu.sem_alloc : memref<!tpu.dma_semaphore, #tpu.memory_space<semaphore_mem>>
      %dma_start3A_152 = arith.constant 0 : i32
      %dma_start3A_153 = tpu.memref_slice %arg3[%add3A_10, %dma_start3A_152] : memref<5376x128xi32, #tpu.memory_space<hbm>> -> memref<120x128xi32, #tpu.memory_space<hbm>>
      %dma_start3A_154 = arith.constant 0 : i32
      %dma_start3A_155 = tpu.memref_slice %arg3[%add3A_10, %dma_start3A_154] : memref<5376x128xi32, #tpu.memory_space<hbm>> -> memref<120x128xi32, #tpu.memory_space<hbm>>
      tpu.enqueue_dma source(%dma_start3A_155 : memref<120x128xi32, #tpu.memory_space<hbm>>) target(%arg8 : memref<120x128xi32, #tpu.memory_space<vmem>>) target_semaphore(%run_scoped3A : memref<!tpu.dma_semaphore, #tpu.memory_space<semaphore_mem>>)
      %dma_wait3A_156 = arith.constant 0 : i32
      %dma_wait3A_157 = tpu.memref_slice %arg3[%add3A_10, %dma_wait3A_156] : memref<5376x128xi32, #tpu.memory_space<hbm>> -> memref<120x128xi32, #tpu.memory_space<hbm>>
      %dma_wait3A_158 = arith.constant 0 : i32
      %dma_wait3A_159 = tpu.memref_slice %arg3[%add3A_10, %dma_wait3A_158] : memref<5376x128xi32, #tpu.memory_space<hbm>> -> memref<120x128xi32, #tpu.memory_space<hbm>>
      tpu.wait_dma2 semaphore(%run_scoped3A : memref<!tpu.dma_semaphore, #tpu.memory_space<semaphore_mem>>) src(%dma_wait3A_159 : memref<120x128xi32, #tpu.memory_space<hbm>>) dst(%arg8 : memref<120x128xi32, #tpu.memory_space<vmem>>)
      tpu.yield
    }) : () -> ()
    %mul3A_11 = arith.constant 0 : i32
    %mul3A_12 = arith.muli %mul3A_11, %select_n3A : i32
    %add3A_13 = arith.addi %add3A, %mul3A_12 : i32
    "tpu.region"() ({
      %run_scoped3A = tpu.sem_alloc : memref<!tpu.dma_semaphore, #tpu.memory_space<semaphore_mem>>
      %dma_start3A_152 = arith.constant 0 : i32
      %dma_start3A_153 = tpu.memref_slice %arg4[%add3A_13, %dma_start3A_152] : memref<5376x128xi32, #tpu.memory_space<hbm>> -> memref<120x128xi32, #tpu.memory_space<hbm>>
      %dma_start3A_154 = arith.constant 0 : i32
      %dma_start3A_155 = tpu.memref_slice %arg4[%add3A_13, %dma_start3A_154] : memref<5376x128xi32, #tpu.memory_space<hbm>> -> memref<120x128xi32, #tpu.memory_space<hbm>>
      tpu.enqueue_dma source(%dma_start3A_155 : memref<120x128xi32, #tpu.memory_space<hbm>>) target(%arg9 : memref<120x128xi32, #tpu.memory_space<vmem>>) target_semaphore(%run_scoped3A : memref<!tpu.dma_semaphore, #tpu.memory_space<semaphore_mem>>)
      %dma_wait3A_156 = arith.constant 0 : i32
      %dma_wait3A_157 = tpu.memref_slice %arg4[%add3A_13, %dma_wait3A_156] : memref<5376x128xi32, #tpu.memory_space<hbm>> -> memref<120x128xi32, #tpu.memory_space<hbm>>
      %dma_wait3A_158 = arith.constant 0 : i32
      %dma_wait3A_159 = tpu.memref_slice %arg4[%add3A_13, %dma_wait3A_158] : memref<5376x128xi32, #tpu.memory_space<hbm>> -> memref<120x128xi32, #tpu.memory_space<hbm>>
      tpu.wait_dma2 semaphore(%run_scoped3A : memref<!tpu.dma_semaphore, #tpu.memory_space<semaphore_mem>>) src(%dma_wait3A_159 : memref<120x128xi32, #tpu.memory_space<hbm>>) dst(%arg9 : memref<120x128xi32, #tpu.memory_space<vmem>>)
      tpu.yield
    }) : () -> ()
    %barrier3A = arith.constant 0 : index
    tpu.barrier barrier_id(%barrier3A)
    %dma_start3A = arith.constant 0 : i32
    %dma_start3A_14 = arith.constant 0 : i32
    %dma_start3A_15 = tpu.memref_slice %arg8[%dma_start3A, %dma_start3A_14] : memref<120x128xi32, #tpu.memory_space<vmem>> -> memref<1x128xi32, #tpu.memory_space<vmem>>
    %dma_start3A_16 = tpu.memref_squeeze %dma_start3A_15 : memref<1x128xi32, #tpu.memory_space<vmem>> -> memref<128xi32, #tpu.memory_space<vmem>>
    %dma_start3A_17 = arith.constant 0 : i32
    %dma_start3A_18 = arith.constant 0 : i32
    %dma_start3A_19 = tpu.memref_slice %arg2[%dma_start3A_17, %dma_start3A_18] : memref<10240x64xf32, #tpu.memory_space<hbm>> -> memref<10240x64xf32, #tpu.memory_space<hbm>>
    tpu.enqueue_indirect_dma source(%dma_start3A_19 : memref<10240x64xf32, #tpu.memory_space<hbm>>) target(%arg10 : memref<128x64xf32, #tpu.memory_space<vmem>>) offsets(%dma_start3A_16 : memref<128xi32, #tpu.memory_space<vmem>>) semaphore(%arg15 : memref<!tpu.dma_semaphore, #tpu.memory_space<semaphore_mem>>)
    %dma_start3A_20 = arith.constant 1 : i32
    %dma_start3A_21 = arith.constant 0 : i32
    %dma_start3A_22 = tpu.memref_slice %arg8[%dma_start3A_20, %dma_start3A_21] : memref<120x128xi32, #tpu.memory_space<vmem>> -> memref<1x128xi32, #tpu.memory_space<vmem>>
    %dma_start3A_23 = tpu.memref_squeeze %dma_start3A_22 : memref<1x128xi32, #tpu.memory_space<vmem>> -> memref<128xi32, #tpu.memory_space<vmem>>
    %dma_start3A_24 = arith.constant 0 : i32
    %dma_start3A_25 = arith.constant 0 : i32
    %dma_start3A_26 = tpu.memref_slice %arg2[%dma_start3A_24, %dma_start3A_25] : memref<10240x64xf32, #tpu.memory_space<hbm>> -> memref<10240x64xf32, #tpu.memory_space<hbm>>
    tpu.enqueue_indirect_dma source(%dma_start3A_26 : memref<10240x64xf32, #tpu.memory_space<hbm>>) target(%arg11 : memref<128x64xf32, #tpu.memory_space<vmem>>) offsets(%dma_start3A_23 : memref<128xi32, #tpu.memory_space<vmem>>) semaphore(%arg16 : memref<!tpu.dma_semaphore, #tpu.memory_space<semaphore_mem>>)
    %jit3A_27 = arith.constant 4 : i32
    %div3A = arith.divsi %select_n3A, %jit3A_27 : i32
    %sign3A = arith.constant 0 : i32
    %sign3A_28 = arith.cmpi sgt, %select_n3A, %sign3A : i32
    %sign3A_29 = arith.extui %sign3A_28 : i1 to i32
    %sign3A_30 = arith.constant 0 : i32
    %sign3A_31 = arith.cmpi slt, %select_n3A, %sign3A_30 : i32
    %sign3A_32 = arith.extui %sign3A_31 : i1 to i32
    %sign3A_33 = arith.subi %sign3A_29, %sign3A_32 : i32
    %sign3A_34 = arith.constant 0 : i32
    %sign3A_35 = arith.cmpi sgt, %jit3A_27, %sign3A_34 : i32
    %sign3A_36 = arith.extui %sign3A_35 : i1 to i32
    %sign3A_37 = arith.constant 0 : i32
    %sign3A_38 = arith.cmpi slt, %jit3A_27, %sign3A_37 : i32
    %sign3A_39 = arith.extui %sign3A_38 : i1 to i32
    %sign3A_40 = arith.subi %sign3A_36, %sign3A_39 : i32
    %ne3A = arith.cmpi ne, %sign3A_33, %sign3A_40 : i32
    %rem3A = arith.remsi %select_n3A, %jit3A_27 : i32
    %ne3A_41 = arith.constant 0 : i32
    %ne3A_42 = arith.cmpi ne, %rem3A, %ne3A_41 : i32
    %and3A = arith.andi %ne3A, %ne3A_42 : i1
    %sub3A = arith.constant 1 : i32
    %sub3A_43 = arith.subi %div3A, %sub3A : i32
    %select_n3A_44 = arith.select %and3A, %sub3A_43, %div3A : i32
    %while3A = arith.constant 0 : i32
    %while3A_45 = arith.constant 0 : i32
    %while3A_46 = arith.subi %select_n3A_44, %while3A_45 : i32
    %while3A_47 = arith.addi %while3A_45, %while3A_46 : i32
    %while3A_48 = arith.constant 1 : i32
    %while3A_49 = arith.divsi %while3A_46, %while3A_48 : i32
    %while3A_50 = arith.muli %while3A_49, %while3A_48 : i32
    %while3A_51 = arith.addi %while3A_45, %while3A_50 : i32
    %while3A_52 = arith.constant 1 : i32
    scf.for %while3A_152 = %while3A_45 to %while3A_51 step %while3A_52  : i32 {
      %mul3A_153 = arith.constant 4 : i32
      %mul3A_154 = arith.muli %mul3A_153, %while3A_152 : i32
      %add3A_155 = arith.constant 0 : i32
      %add3A_156 = arith.addi %mul3A_154, %add3A_155 : i32
      %dma_wait3A_157 = arith.constant 0 : i32
      %dma_wait3A_158 = tpu.memref_slice %arg8[%add3A_156, %dma_wait3A_157] : memref<120x128xi32, #tpu.memory_space<vmem>> -> memref<1x128xi32, #tpu.memory_space<vmem>>
      %dma_wait3A_159 = tpu.memref_squeeze %dma_wait3A_158 : memref<1x128xi32, #tpu.memory_space<vmem>> -> memref<128xi32, #tpu.memory_space<vmem>>
      %dma_wait3A_160 = arith.constant 0 : i32
      %dma_wait3A_161 = arith.constant 0 : i32
      %dma_wait3A_162 = tpu.memref_slice %arg2[%dma_wait3A_160, %dma_wait3A_161] : memref<10240x64xf32, #tpu.memory_space<hbm>> -> memref<10240x64xf32, #tpu.memory_space<hbm>>
      tpu.wait_indirect_dma semaphore(%arg15 : memref<!tpu.dma_semaphore, #tpu.memory_space<semaphore_mem>>) src(%dma_wait3A_162 : memref<10240x64xf32, #tpu.memory_space<hbm>>) dst(%arg10 : memref<128x64xf32, #tpu.memory_space<vmem>>)
      %dma_start3A_163 = arith.constant 0 : i32
      %dma_start3A_164 = tpu.memref_slice %arg9[%add3A_156, %dma_start3A_163] : memref<120x128xi32, #tpu.memory_space<vmem>> -> memref<1x128xi32, #tpu.memory_space<vmem>>
      %dma_start3A_165 = tpu.memref_squeeze %dma_start3A_164 : memref<1x128xi32, #tpu.memory_space<vmem>> -> memref<128xi32, #tpu.memory_space<vmem>>
      %dma_start3A_166 = arith.constant 0 : i32
      %dma_start3A_167 = arith.constant 0 : i32
      %dma_start3A_168 = tpu.memref_slice %arg14[%dma_start3A_166, %dma_start3A_167] : memref<10240x64xf32, #tpu.memory_space<vmem_shared>> -> memref<10240x64xf32, #tpu.memory_space<vmem_shared>>
      tpu.enqueue_indirect_dma source(%arg10 : memref<128x64xf32, #tpu.memory_space<vmem>>) target(%dma_start3A_168 : memref<10240x64xf32, #tpu.memory_space<vmem_shared>>) offsets(%dma_start3A_165 : memref<128xi32, #tpu.memory_space<vmem>>) semaphore(%arg19 : memref<!tpu.dma_semaphore, #tpu.memory_space<semaphore_mem>>) {add = true}
      %add3A_169 = arith.constant 2 : i32
      %add3A_170 = arith.addi %add3A_156, %add3A_169 : i32
      %sub3A_171 = arith.constant 4 : i32
      %sub3A_172 = arith.subi %add3A_170, %sub3A_171 : i32
      %ge3A = arith.constant 0 : i32
      %ge3A_173 = arith.cmpi sge, %sub3A_172, %ge3A : i32
      %convert_element_type3A = arith.extui %ge3A_173 : i1 to i32
      %cond3A = arith.constant 0 : i32
      %cond3A_174 = arith.cmpi ne, %convert_element_type3A, %cond3A : i32
      scf.if %cond3A_174 {
        %add3A_267 = arith.constant 2 : i32
        %add3A_268 = arith.addi %add3A_156, %add3A_267 : i32
        %sub3A_269 = arith.constant 4 : i32
        %sub3A_270 = arith.subi %add3A_268, %sub3A_269 : i32
        %dma_wait3A_271 = arith.constant 0 : i32
        %dma_wait3A_272 = tpu.memref_slice %arg9[%sub3A_270, %dma_wait3A_271] : memref<120x128xi32, #tpu.memory_space<vmem>> -> memref<1x128xi32, #tpu.memory_space<vmem>>
        %dma_wait3A_273 = tpu.memref_squeeze %dma_wait3A_272 : memref<1x128xi32, #tpu.memory_space<vmem>> -> memref<128xi32, #tpu.memory_space<vmem>>
        %dma_wait3A_274 = arith.constant 0 : i32
        %dma_wait3A_275 = arith.constant 0 : i32
        %dma_wait3A_276 = tpu.memref_slice %arg14[%dma_wait3A_274, %dma_wait3A_275] : memref<10240x64xf32, #tpu.memory_space<vmem_shared>> -> memref<10240x64xf32, #tpu.memory_space<vmem_shared>>
        tpu.wait_indirect_dma semaphore(%arg21 : memref<!tpu.dma_semaphore, #tpu.memory_space<semaphore_mem>>) src(%arg12 : memref<128x64xf32, #tpu.memory_space<vmem>>) dst(%dma_wait3A_276 : memref<10240x64xf32, #tpu.memory_space<vmem_shared>>)
      } else {
      }
      %add3A_175 = arith.constant 2 : i32
      %add3A_176 = arith.addi %add3A_156, %add3A_175 : i32
      %lt3A = arith.cmpi slt, %add3A_176, %select_n3A : i32
      %convert_element_type3A_177 = arith.extui %lt3A : i1 to i32
      %cond3A_178 = arith.constant 0 : i32
      %cond3A_179 = arith.cmpi ne, %convert_element_type3A_177, %cond3A_178 : i32
      scf.if %cond3A_179 {
        %add3A_267 = arith.constant 2 : i32
        %add3A_268 = arith.addi %add3A_156, %add3A_267 : i32
        %dma_start3A_269 = arith.constant 0 : i32
        %dma_start3A_270 = tpu.memref_slice %arg8[%add3A_268, %dma_start3A_269] : memref<120x128xi32, #tpu.memory_space<vmem>> -> memref<1x128xi32, #tpu.memory_space<vmem>>
        %dma_start3A_271 = tpu.memref_squeeze %dma_start3A_270 : memref<1x128xi32, #tpu.memory_space<vmem>> -> memref<128xi32, #tpu.memory_space<vmem>>
        %dma_start3A_272 = arith.constant 0 : i32
        %dma_start3A_273 = arith.constant 0 : i32
        %dma_start3A_274 = tpu.memref_slice %arg2[%dma_start3A_272, %dma_start3A_273] : memref<10240x64xf32, #tpu.memory_space<hbm>> -> memref<10240x64xf32, #tpu.memory_space<hbm>>
        tpu.enqueue_indirect_dma source(%dma_start3A_274 : memref<10240x64xf32, #tpu.memory_space<hbm>>) target(%arg12 : memref<128x64xf32, #tpu.memory_space<vmem>>) offsets(%dma_start3A_271 : memref<128xi32, #tpu.memory_space<vmem>>) semaphore(%arg17 : memref<!tpu.dma_semaphore, #tpu.memory_space<semaphore_mem>>)
      } else {
      }
      %add3A_180 = arith.constant 1 : i32
      %add3A_181 = arith.addi %mul3A_154, %add3A_180 : i32
      %dma_wait3A_182 = arith.constant 0 : i32
      %dma_wait3A_183 = tpu.memref_slice %arg8[%add3A_181, %dma_wait3A_182] : memref<120x128xi32, #tpu.memory_space<vmem>> -> memref<1x128xi32, #tpu.memory_space<vmem>>
      %dma_wait3A_184 = tpu.memref_squeeze %dma_wait3A_183 : memref<1x128xi32, #tpu.memory_space<vmem>> -> memref<128xi32, #tpu.memory_space<vmem>>
      %dma_wait3A_185 = arith.constant 0 : i32
      %dma_wait3A_186 = arith.constant 0 : i32
      %dma_wait3A_187 = tpu.memref_slice %arg2[%dma_wait3A_185, %dma_wait3A_186] : memref<10240x64xf32, #tpu.memory_space<hbm>> -> memref<10240x64xf32, #tpu.memory_space<hbm>>
      tpu.wait_indirect_dma semaphore(%arg16 : memref<!tpu.dma_semaphore, #tpu.memory_space<semaphore_mem>>) src(%dma_wait3A_187 : memref<10240x64xf32, #tpu.memory_space<hbm>>) dst(%arg11 : memref<128x64xf32, #tpu.memory_space<vmem>>)
      %dma_start3A_188 = arith.constant 0 : i32
      %dma_start3A_189 = tpu.memref_slice %arg9[%add3A_181, %dma_start3A_188] : memref<120x128xi32, #tpu.memory_space<vmem>> -> memref<1x128xi32, #tpu.memory_space<vmem>>
      %dma_start3A_190 = tpu.memref_squeeze %dma_start3A_189 : memref<1x128xi32, #tpu.memory_space<vmem>> -> memref<128xi32, #tpu.memory_space<vmem>>
      %dma_start3A_191 = arith.constant 0 : i32
      %dma_start3A_192 = arith.constant 0 : i32
      %dma_start3A_193 = tpu.memref_slice %arg14[%dma_start3A_191, %dma_start3A_192] : memref<10240x64xf32, #tpu.memory_space<vmem_shared>> -> memref<10240x64xf32, #tpu.memory_space<vmem_shared>>
      tpu.enqueue_indirect_dma source(%arg11 : memref<128x64xf32, #tpu.memory_space<vmem>>) target(%dma_start3A_193 : memref<10240x64xf32, #tpu.memory_space<vmem_shared>>) offsets(%dma_start3A_190 : memref<128xi32, #tpu.memory_space<vmem>>) semaphore(%arg20 : memref<!tpu.dma_semaphore, #tpu.memory_space<semaphore_mem>>) {add = true}
      %add3A_194 = arith.constant 2 : i32
      %add3A_195 = arith.addi %add3A_181, %add3A_194 : i32
      %sub3A_196 = arith.constant 4 : i32
      %sub3A_197 = arith.subi %add3A_195, %sub3A_196 : i32
      %ge3A_198 = arith.constant 0 : i32
      %ge3A_199 = arith.cmpi sge, %sub3A_197, %ge3A_198 : i32
      %convert_element_type3A_200 = arith.extui %ge3A_199 : i1 to i32
      %cond3A_201 = arith.constant 0 : i32
      %cond3A_202 = arith.cmpi ne, %convert_element_type3A_200, %cond3A_201 : i32
      scf.if %cond3A_202 {
        %add3A_267 = arith.constant 2 : i32
        %add3A_268 = arith.addi %add3A_181, %add3A_267 : i32
        %sub3A_269 = arith.constant 4 : i32
        %sub3A_270 = arith.subi %add3A_268, %sub3A_269 : i32
        %dma_wait3A_271 = arith.constant 0 : i32
        %dma_wait3A_272 = tpu.memref_slice %arg9[%sub3A_270, %dma_wait3A_271] : memref<120x128xi32, #tpu.memory_space<vmem>> -> memref<1x128xi32, #tpu.memory_space<vmem>>
        %dma_wait3A_273 = tpu.memref_squeeze %dma_wait3A_272 : memref<1x128xi32, #tpu.memory_space<vmem>> -> memref<128xi32, #tpu.memory_space<vmem>>
        %dma_wait3A_274 = arith.constant 0 : i32
        %dma_wait3A_275 = arith.constant 0 : i32
        %dma_wait3A_276 = tpu.memref_slice %arg14[%dma_wait3A_274, %dma_wait3A_275] : memref<10240x64xf32, #tpu.memory_space<vmem_shared>> -> memref<10240x64xf32, #tpu.memory_space<vmem_shared>>
        tpu.wait_indirect_dma semaphore(%arg22 : memref<!tpu.dma_semaphore, #tpu.memory_space<semaphore_mem>>) src(%arg13 : memref<128x64xf32, #tpu.memory_space<vmem>>) dst(%dma_wait3A_276 : memref<10240x64xf32, #tpu.memory_space<vmem_shared>>)
      } else {
      }
      %add3A_203 = arith.constant 2 : i32
      %add3A_204 = arith.addi %add3A_181, %add3A_203 : i32
      %lt3A_205 = arith.cmpi slt, %add3A_204, %select_n3A : i32
      %convert_element_type3A_206 = arith.extui %lt3A_205 : i1 to i32
      %cond3A_207 = arith.constant 0 : i32
      %cond3A_208 = arith.cmpi ne, %convert_element_type3A_206, %cond3A_207 : i32
      scf.if %cond3A_208 {
        %add3A_267 = arith.constant 2 : i32
        %add3A_268 = arith.addi %add3A_181, %add3A_267 : i32
        %dma_start3A_269 = arith.constant 0 : i32
        %dma_start3A_270 = tpu.memref_slice %arg8[%add3A_268, %dma_start3A_269] : memref<120x128xi32, #tpu.memory_space<vmem>> -> memref<1x128xi32, #tpu.memory_space<vmem>>
        %dma_start3A_271 = tpu.memref_squeeze %dma_start3A_270 : memref<1x128xi32, #tpu.memory_space<vmem>> -> memref<128xi32, #tpu.memory_space<vmem>>
        %dma_start3A_272 = arith.constant 0 : i32
        %dma_start3A_273 = arith.constant 0 : i32
        %dma_start3A_274 = tpu.memref_slice %arg2[%dma_start3A_272, %dma_start3A_273] : memref<10240x64xf32, #tpu.memory_space<hbm>> -> memref<10240x64xf32, #tpu.memory_space<hbm>>
        tpu.enqueue_indirect_dma source(%dma_start3A_274 : memref<10240x64xf32, #tpu.memory_space<hbm>>) target(%arg13 : memref<128x64xf32, #tpu.memory_space<vmem>>) offsets(%dma_start3A_271 : memref<128xi32, #tpu.memory_space<vmem>>) semaphore(%arg18 : memref<!tpu.dma_semaphore, #tpu.memory_space<semaphore_mem>>)
      } else {
      }
      %add3A_209 = arith.constant 2 : i32
      %add3A_210 = arith.addi %mul3A_154, %add3A_209 : i32
      %dma_wait3A_211 = arith.constant 0 : i32
      %dma_wait3A_212 = tpu.memref_slice %arg8[%add3A_210, %dma_wait3A_211] : memref<120x128xi32, #tpu.memory_space<vmem>> -> memref<1x128xi32, #tpu.memory_space<vmem>>
      %dma_wait3A_213 = tpu.memref_squeeze %dma_wait3A_212 : memref<1x128xi32, #tpu.memory_space<vmem>> -> memref<128xi32, #tpu.memory_space<vmem>>
      %dma_wait3A_214 = arith.constant 0 : i32
      %dma_wait3A_215 = arith.constant 0 : i32
      %dma_wait3A_216 = tpu.memref_slice %arg2[%dma_wait3A_214, %dma_wait3A_215] : memref<10240x64xf32, #tpu.memory_space<hbm>> -> memref<10240x64xf32, #tpu.memory_space<hbm>>
      tpu.wait_indirect_dma semaphore(%arg17 : memref<!tpu.dma_semaphore, #tpu.memory_space<semaphore_mem>>) src(%dma_wait3A_216 : memref<10240x64xf32, #tpu.memory_space<hbm>>) dst(%arg12 : memref<128x64xf32, #tpu.memory_space<vmem>>)
      %dma_start3A_217 = arith.constant 0 : i32
      %dma_start3A_218 = tpu.memref_slice %arg9[%add3A_210, %dma_start3A_217] : memref<120x128xi32, #tpu.memory_space<vmem>> -> memref<1x128xi32, #tpu.memory_space<vmem>>
      %dma_start3A_219 = tpu.memref_squeeze %dma_start3A_218 : memref<1x128xi32, #tpu.memory_space<vmem>> -> memref<128xi32, #tpu.memory_space<vmem>>
      %dma_start3A_220 = arith.constant 0 : i32
      %dma_start3A_221 = arith.constant 0 : i32
      %dma_start3A_222 = tpu.memref_slice %arg14[%dma_start3A_220, %dma_start3A_221] : memref<10240x64xf32, #tpu.memory_space<vmem_shared>> -> memref<10240x64xf32, #tpu.memory_space<vmem_shared>>
      tpu.enqueue_indirect_dma source(%arg12 : memref<128x64xf32, #tpu.memory_space<vmem>>) target(%dma_start3A_222 : memref<10240x64xf32, #tpu.memory_space<vmem_shared>>) offsets(%dma_start3A_219 : memref<128xi32, #tpu.memory_space<vmem>>) semaphore(%arg21 : memref<!tpu.dma_semaphore, #tpu.memory_space<semaphore_mem>>) {add = true}
      %add3A_223 = arith.constant 2 : i32
      %add3A_224 = arith.addi %add3A_210, %add3A_223 : i32
      %sub3A_225 = arith.constant 4 : i32
      %sub3A_226 = arith.subi %add3A_224, %sub3A_225 : i32
      %ge3A_227 = arith.constant 0 : i32
      %ge3A_228 = arith.cmpi sge, %sub3A_226, %ge3A_227 : i32
      %convert_element_type3A_229 = arith.extui %ge3A_228 : i1 to i32
      %cond3A_230 = arith.constant 0 : i32
      %cond3A_231 = arith.cmpi ne, %convert_element_type3A_229, %cond3A_230 : i32
      scf.if %cond3A_231 {
        %add3A_267 = arith.constant 2 : i32
        %add3A_268 = arith.addi %add3A_210, %add3A_267 : i32
        %sub3A_269 = arith.constant 4 : i32
        %sub3A_270 = arith.subi %add3A_268, %sub3A_269 : i32
        %dma_wait3A_271 = arith.constant 0 : i32
        %dma_wait3A_272 = tpu.memref_slice %arg9[%sub3A_270, %dma_wait3A_271] : memref<120x128xi32, #tpu.memory_space<vmem>> -> memref<1x128xi32, #tpu.memory_space<vmem>>
        %dma_wait3A_273 = tpu.memref_squeeze %dma_wait3A_272 : memref<1x128xi32, #tpu.memory_space<vmem>> -> memref<128xi32, #tpu.memory_space<vmem>>
        %dma_wait3A_274 = arith.constant 0 : i32
        %dma_wait3A_275 = arith.constant 0 : i32
        %dma_wait3A_276 = tpu.memref_slice %arg14[%dma_wait3A_274, %dma_wait3A_275] : memref<10240x64xf32, #tpu.memory_space<vmem_shared>> -> memref<10240x64xf32, #tpu.memory_space<vmem_shared>>
        tpu.wait_indirect_dma semaphore(%arg19 : memref<!tpu.dma_semaphore, #tpu.memory_space<semaphore_mem>>) src(%arg10 : memref<128x64xf32, #tpu.memory_space<vmem>>) dst(%dma_wait3A_276 : memref<10240x64xf32, #tpu.memory_space<vmem_shared>>)
      } else {
      }
      %add3A_232 = arith.constant 2 : i32
      %add3A_233 = arith.addi %add3A_210, %add3A_232 : i32
      %lt3A_234 = arith.cmpi slt, %add3A_233, %select_n3A : i32
      %convert_element_type3A_235 = arith.extui %lt3A_234 : i1 to i32
      %cond3A_236 = arith.constant 0 : i32
      %cond3A_237 = arith.cmpi ne, %convert_element_type3A_235, %cond3A_236 : i32
      scf.if %cond3A_237 {
        %add3A_267 = arith.constant 2 : i32
        %add3A_268 = arith.addi %add3A_210, %add3A_267 : i32
        %dma_start3A_269 = arith.constant 0 : i32
        %dma_start3A_270 = tpu.memref_slice %arg8[%add3A_268, %dma_start3A_269] : memref<120x128xi32, #tpu.memory_space<vmem>> -> memref<1x128xi32, #tpu.memory_space<vmem>>
        %dma_start3A_271 = tpu.memref_squeeze %dma_start3A_270 : memref<1x128xi32, #tpu.memory_space<vmem>> -> memref<128xi32, #tpu.memory_space<vmem>>
        %dma_start3A_272 = arith.constant 0 : i32
        %dma_start3A_273 = arith.constant 0 : i32
        %dma_start3A_274 = tpu.memref_slice %arg2[%dma_start3A_272, %dma_start3A_273] : memref<10240x64xf32, #tpu.memory_space<hbm>> -> memref<10240x64xf32, #tpu.memory_space<hbm>>
        tpu.enqueue_indirect_dma source(%dma_start3A_274 : memref<10240x64xf32, #tpu.memory_space<hbm>>) target(%arg10 : memref<128x64xf32, #tpu.memory_space<vmem>>) offsets(%dma_start3A_271 : memref<128xi32, #tpu.memory_space<vmem>>) semaphore(%arg15 : memref<!tpu.dma_semaphore, #tpu.memory_space<semaphore_mem>>)
      } else {
      }
      %add3A_238 = arith.constant 3 : i32
      %add3A_239 = arith.addi %mul3A_154, %add3A_238 : i32
      %dma_wait3A_240 = arith.constant 0 : i32
      %dma_wait3A_241 = tpu.memref_slice %arg8[%add3A_239, %dma_wait3A_240] : memref<120x128xi32, #tpu.memory_space<vmem>> -> memref<1x128xi32, #tpu.memory_space<vmem>>
      %dma_wait3A_242 = tpu.memref_squeeze %dma_wait3A_241 : memref<1x128xi32, #tpu.memory_space<vmem>> -> memref<128xi32, #tpu.memory_space<vmem>>
      %dma_wait3A_243 = arith.constant 0 : i32
      %dma_wait3A_244 = arith.constant 0 : i32
      %dma_wait3A_245 = tpu.memref_slice %arg2[%dma_wait3A_243, %dma_wait3A_244] : memref<10240x64xf32, #tpu.memory_space<hbm>> -> memref<10240x64xf32, #tpu.memory_space<hbm>>
      tpu.wait_indirect_dma semaphore(%arg18 : memref<!tpu.dma_semaphore, #tpu.memory_space<semaphore_mem>>) src(%dma_wait3A_245 : memref<10240x64xf32, #tpu.memory_space<hbm>>) dst(%arg13 : memref<128x64xf32, #tpu.memory_space<vmem>>)
      %dma_start3A_246 = arith.constant 0 : i32
      %dma_start3A_247 = tpu.memref_slice %arg9[%add3A_239, %dma_start3A_246] : memref<120x128xi32, #tpu.memory_space<vmem>> -> memref<1x128xi32, #tpu.memory_space<vmem>>
      %dma_start3A_248 = tpu.memref_squeeze %dma_start3A_247 : memref<1x128xi32, #tpu.memory_space<vmem>> -> memref<128xi32, #tpu.memory_space<vmem>>
      %dma_start3A_249 = arith.constant 0 : i32
      %dma_start3A_250 = arith.constant 0 : i32
      %dma_start3A_251 = tpu.memref_slice %arg14[%dma_start3A_249, %dma_start3A_250] : memref<10240x64xf32, #tpu.memory_space<vmem_shared>> -> memref<10240x64xf32, #tpu.memory_space<vmem_shared>>
      tpu.enqueue_indirect_dma source(%arg13 : memref<128x64xf32, #tpu.memory_space<vmem>>) target(%dma_start3A_251 : memref<10240x64xf32, #tpu.memory_space<vmem_shared>>) offsets(%dma_start3A_248 : memref<128xi32, #tpu.memory_space<vmem>>) semaphore(%arg22 : memref<!tpu.dma_semaphore, #tpu.memory_space<semaphore_mem>>) {add = true}
      %add3A_252 = arith.constant 2 : i32
      %add3A_253 = arith.addi %add3A_239, %add3A_252 : i32
      %sub3A_254 = arith.constant 4 : i32
      %sub3A_255 = arith.subi %add3A_253, %sub3A_254 : i32
      %ge3A_256 = arith.constant 0 : i32
      %ge3A_257 = arith.cmpi sge, %sub3A_255, %ge3A_256 : i32
      %convert_element_type3A_258 = arith.extui %ge3A_257 : i1 to i32
      %cond3A_259 = arith.constant 0 : i32
      %cond3A_260 = arith.cmpi ne, %convert_element_type3A_258, %cond3A_259 : i32
      scf.if %cond3A_260 {
        %add3A_267 = arith.constant 2 : i32
        %add3A_268 = arith.addi %add3A_239, %add3A_267 : i32
        %sub3A_269 = arith.constant 4 : i32
        %sub3A_270 = arith.subi %add3A_268, %sub3A_269 : i32
        %dma_wait3A_271 = arith.constant 0 : i32
        %dma_wait3A_272 = tpu.memref_slice %arg9[%sub3A_270, %dma_wait3A_271] : memref<120x128xi32, #tpu.memory_space<vmem>> -> memref<1x128xi32, #tpu.memory_space<vmem>>
        %dma_wait3A_273 = tpu.memref_squeeze %dma_wait3A_272 : memref<1x128xi32, #tpu.memory_space<vmem>> -> memref<128xi32, #tpu.memory_space<vmem>>
        %dma_wait3A_274 = arith.constant 0 : i32
        %dma_wait3A_275 = arith.constant 0 : i32
        %dma_wait3A_276 = tpu.memref_slice %arg14[%dma_wait3A_274, %dma_wait3A_275] : memref<10240x64xf32, #tpu.memory_space<vmem_shared>> -> memref<10240x64xf32, #tpu.memory_space<vmem_shared>>
        tpu.wait_indirect_dma semaphore(%arg20 : memref<!tpu.dma_semaphore, #tpu.memory_space<semaphore_mem>>) src(%arg11 : memref<128x64xf32, #tpu.memory_space<vmem>>) dst(%dma_wait3A_276 : memref<10240x64xf32, #tpu.memory_space<vmem_shared>>)
      } else {
      }
      %add3A_261 = arith.constant 2 : i32
      %add3A_262 = arith.addi %add3A_239, %add3A_261 : i32
      %lt3A_263 = arith.cmpi slt, %add3A_262, %select_n3A : i32
      %convert_element_type3A_264 = arith.extui %lt3A_263 : i1 to i32
      %cond3A_265 = arith.constant 0 : i32
      %cond3A_266 = arith.cmpi ne, %convert_element_type3A_264, %cond3A_265 : i32
      scf.if %cond3A_266 {
        %add3A_267 = arith.constant 2 : i32
        %add3A_268 = arith.addi %add3A_239, %add3A_267 : i32
        %dma_start3A_269 = arith.constant 0 : i32
        %dma_start3A_270 = tpu.memref_slice %arg8[%add3A_268, %dma_start3A_269] : memref<120x128xi32, #tpu.memory_space<vmem>> -> memref<1x128xi32, #tpu.memory_space<vmem>>
        %dma_start3A_271 = tpu.memref_squeeze %dma_start3A_270 : memref<1x128xi32, #tpu.memory_space<vmem>> -> memref<128xi32, #tpu.memory_space<vmem>>
        %dma_start3A_272 = arith.constant 0 : i32
        %dma_start3A_273 = arith.constant 0 : i32
        %dma_start3A_274 = tpu.memref_slice %arg2[%dma_start3A_272, %dma_start3A_273] : memref<10240x64xf32, #tpu.memory_space<hbm>> -> memref<10240x64xf32, #tpu.memory_space<hbm>>
        tpu.enqueue_indirect_dma source(%dma_start3A_274 : memref<10240x64xf32, #tpu.memory_space<hbm>>) target(%arg11 : memref<128x64xf32, #tpu.memory_space<vmem>>) offsets(%dma_start3A_271 : memref<128xi32, #tpu.memory_space<vmem>>) semaphore(%arg16 : memref<!tpu.dma_semaphore, #tpu.memory_space<semaphore_mem>>)
      } else {
      }
    }
    %while3A_53 = arith.constant 1 : i32
    scf.for %while3A_152 = %while3A_51 to %while3A_47 step %while3A_53  : i32 {
      %mul3A_153 = arith.constant 4 : i32
      %mul3A_154 = arith.muli %mul3A_153, %while3A_152 : i32
      %add3A_155 = arith.constant 0 : i32
      %add3A_156 = arith.addi %mul3A_154, %add3A_155 : i32
      %dma_wait3A_157 = arith.constant 0 : i32
      %dma_wait3A_158 = tpu.memref_slice %arg8[%add3A_156, %dma_wait3A_157] : memref<120x128xi32, #tpu.memory_space<vmem>> -> memref<1x128xi32, #tpu.memory_space<vmem>>
      %dma_wait3A_159 = tpu.memref_squeeze %dma_wait3A_158 : memref<1x128xi32, #tpu.memory_space<vmem>> -> memref<128xi32, #tpu.memory_space<vmem>>
      %dma_wait3A_160 = arith.constant 0 : i32
      %dma_wait3A_161 = arith.constant 0 : i32
      %dma_wait3A_162 = tpu.memref_slice %arg2[%dma_wait3A_160, %dma_wait3A_161] : memref<10240x64xf32, #tpu.memory_space<hbm>> -> memref<10240x64xf32, #tpu.memory_space<hbm>>
      tpu.wait_indirect_dma semaphore(%arg15 : memref<!tpu.dma_semaphore, #tpu.memory_space<semaphore_mem>>) src(%dma_wait3A_162 : memref<10240x64xf32, #tpu.memory_space<hbm>>) dst(%arg10 : memref<128x64xf32, #tpu.memory_space<vmem>>)
      %dma_start3A_163 = arith.constant 0 : i32
      %dma_start3A_164 = tpu.memref_slice %arg9[%add3A_156, %dma_start3A_163] : memref<120x128xi32, #tpu.memory_space<vmem>> -> memref<1x128xi32, #tpu.memory_space<vmem>>
      %dma_start3A_165 = tpu.memref_squeeze %dma_start3A_164 : memref<1x128xi32, #tpu.memory_space<vmem>> -> memref<128xi32, #tpu.memory_space<vmem>>
      %dma_start3A_166 = arith.constant 0 : i32
      %dma_start3A_167 = arith.constant 0 : i32
      %dma_start3A_168 = tpu.memref_slice %arg14[%dma_start3A_166, %dma_start3A_167] : memref<10240x64xf32, #tpu.memory_space<vmem_shared>> -> memref<10240x64xf32, #tpu.memory_space<vmem_shared>>
      tpu.enqueue_indirect_dma source(%arg10 : memref<128x64xf32, #tpu.memory_space<vmem>>) target(%dma_start3A_168 : memref<10240x64xf32, #tpu.memory_space<vmem_shared>>) offsets(%dma_start3A_165 : memref<128xi32, #tpu.memory_space<vmem>>) semaphore(%arg19 : memref<!tpu.dma_semaphore, #tpu.memory_space<semaphore_mem>>) {add = true}
      %add3A_169 = arith.constant 2 : i32
      %add3A_170 = arith.addi %add3A_156, %add3A_169 : i32
      %sub3A_171 = arith.constant 4 : i32
      %sub3A_172 = arith.subi %add3A_170, %sub3A_171 : i32
      %ge3A = arith.constant 0 : i32
      %ge3A_173 = arith.cmpi sge, %sub3A_172, %ge3A : i32
      %convert_element_type3A = arith.extui %ge3A_173 : i1 to i32
      %cond3A = arith.constant 0 : i32
      %cond3A_174 = arith.cmpi ne, %convert_element_type3A, %cond3A : i32
      scf.if %cond3A_174 {
        %add3A_267 = arith.constant 2 : i32
        %add3A_268 = arith.addi %add3A_156, %add3A_267 : i32
        %sub3A_269 = arith.constant 4 : i32
        %sub3A_270 = arith.subi %add3A_268, %sub3A_269 : i32
        %dma_wait3A_271 = arith.constant 0 : i32
        %dma_wait3A_272 = tpu.memref_slice %arg9[%sub3A_270, %dma_wait3A_271] : memref<120x128xi32, #tpu.memory_space<vmem>> -> memref<1x128xi32, #tpu.memory_space<vmem>>
        %dma_wait3A_273 = tpu.memref_squeeze %dma_wait3A_272 : memref<1x128xi32, #tpu.memory_space<vmem>> -> memref<128xi32, #tpu.memory_space<vmem>>
        %dma_wait3A_274 = arith.constant 0 : i32
        %dma_wait3A_275 = arith.constant 0 : i32
        %dma_wait3A_276 = tpu.memref_slice %arg14[%dma_wait3A_274, %dma_wait3A_275] : memref<10240x64xf32, #tpu.memory_space<vmem_shared>> -> memref<10240x64xf32, #tpu.memory_space<vmem_shared>>
        tpu.wait_indirect_dma semaphore(%arg21 : memref<!tpu.dma_semaphore, #tpu.memory_space<semaphore_mem>>) src(%arg12 : memref<128x64xf32, #tpu.memory_space<vmem>>) dst(%dma_wait3A_276 : memref<10240x64xf32, #tpu.memory_space<vmem_shared>>)
      } else {
      }
      %add3A_175 = arith.constant 2 : i32
      %add3A_176 = arith.addi %add3A_156, %add3A_175 : i32
      %lt3A = arith.cmpi slt, %add3A_176, %select_n3A : i32
      %convert_element_type3A_177 = arith.extui %lt3A : i1 to i32
      %cond3A_178 = arith.constant 0 : i32
      %cond3A_179 = arith.cmpi ne, %convert_element_type3A_177, %cond3A_178 : i32
      scf.if %cond3A_179 {
        %add3A_267 = arith.constant 2 : i32
        %add3A_268 = arith.addi %add3A_156, %add3A_267 : i32
        %dma_start3A_269 = arith.constant 0 : i32
        %dma_start3A_270 = tpu.memref_slice %arg8[%add3A_268, %dma_start3A_269] : memref<120x128xi32, #tpu.memory_space<vmem>> -> memref<1x128xi32, #tpu.memory_space<vmem>>
        %dma_start3A_271 = tpu.memref_squeeze %dma_start3A_270 : memref<1x128xi32, #tpu.memory_space<vmem>> -> memref<128xi32, #tpu.memory_space<vmem>>
        %dma_start3A_272 = arith.constant 0 : i32
        %dma_start3A_273 = arith.constant 0 : i32
        %dma_start3A_274 = tpu.memref_slice %arg2[%dma_start3A_272, %dma_start3A_273] : memref<10240x64xf32, #tpu.memory_space<hbm>> -> memref<10240x64xf32, #tpu.memory_space<hbm>>
        tpu.enqueue_indirect_dma source(%dma_start3A_274 : memref<10240x64xf32, #tpu.memory_space<hbm>>) target(%arg12 : memref<128x64xf32, #tpu.memory_space<vmem>>) offsets(%dma_start3A_271 : memref<128xi32, #tpu.memory_space<vmem>>) semaphore(%arg17 : memref<!tpu.dma_semaphore, #tpu.memory_space<semaphore_mem>>)
      } else {
      }
      %add3A_180 = arith.constant 1 : i32
      %add3A_181 = arith.addi %mul3A_154, %add3A_180 : i32
      %dma_wait3A_182 = arith.constant 0 : i32
      %dma_wait3A_183 = tpu.memref_slice %arg8[%add3A_181, %dma_wait3A_182] : memref<120x128xi32, #tpu.memory_space<vmem>> -> memref<1x128xi32, #tpu.memory_space<vmem>>
      %dma_wait3A_184 = tpu.memref_squeeze %dma_wait3A_183 : memref<1x128xi32, #tpu.memory_space<vmem>> -> memref<128xi32, #tpu.memory_space<vmem>>
      %dma_wait3A_185 = arith.constant 0 : i32
      %dma_wait3A_186 = arith.constant 0 : i32
      %dma_wait3A_187 = tpu.memref_slice %arg2[%dma_wait3A_185, %dma_wait3A_186] : memref<10240x64xf32, #tpu.memory_space<hbm>> -> memref<10240x64xf32, #tpu.memory_space<hbm>>
      tpu.wait_indirect_dma semaphore(%arg16 : memref<!tpu.dma_semaphore, #tpu.memory_space<semaphore_mem>>) src(%dma_wait3A_187 : memref<10240x64xf32, #tpu.memory_space<hbm>>) dst(%arg11 : memref<128x64xf32, #tpu.memory_space<vmem>>)
      %dma_start3A_188 = arith.constant 0 : i32
      %dma_start3A_189 = tpu.memref_slice %arg9[%add3A_181, %dma_start3A_188] : memref<120x128xi32, #tpu.memory_space<vmem>> -> memref<1x128xi32, #tpu.memory_space<vmem>>
      %dma_start3A_190 = tpu.memref_squeeze %dma_start3A_189 : memref<1x128xi32, #tpu.memory_space<vmem>> -> memref<128xi32, #tpu.memory_space<vmem>>
      %dma_start3A_191 = arith.constant 0 : i32
      %dma_start3A_192 = arith.constant 0 : i32
      %dma_start3A_193 = tpu.memref_slice %arg14[%dma_start3A_191, %dma_start3A_192] : memref<10240x64xf32, #tpu.memory_space<vmem_shared>> -> memref<10240x64xf32, #tpu.memory_space<vmem_shared>>
      tpu.enqueue_indirect_dma source(%arg11 : memref<128x64xf32, #tpu.memory_space<vmem>>) target(%dma_start3A_193 : memref<10240x64xf32, #tpu.memory_space<vmem_shared>>) offsets(%dma_start3A_190 : memref<128xi32, #tpu.memory_space<vmem>>) semaphore(%arg20 : memref<!tpu.dma_semaphore, #tpu.memory_space<semaphore_mem>>) {add = true}
      %add3A_194 = arith.constant 2 : i32
      %add3A_195 = arith.addi %add3A_181, %add3A_194 : i32
      %sub3A_196 = arith.constant 4 : i32
      %sub3A_197 = arith.subi %add3A_195, %sub3A_196 : i32
      %ge3A_198 = arith.constant 0 : i32
      %ge3A_199 = arith.cmpi sge, %sub3A_197, %ge3A_198 : i32
      %convert_element_type3A_200 = arith.extui %ge3A_199 : i1 to i32
      %cond3A_201 = arith.constant 0 : i32
      %cond3A_202 = arith.cmpi ne, %convert_element_type3A_200, %cond3A_201 : i32
      scf.if %cond3A_202 {
        %add3A_267 = arith.constant 2 : i32
        %add3A_268 = arith.addi %add3A_181, %add3A_267 : i32
        %sub3A_269 = arith.constant 4 : i32
        %sub3A_270 = arith.subi %add3A_268, %sub3A_269 : i32
        %dma_wait3A_271 = arith.constant 0 : i32
        %dma_wait3A_272 = tpu.memref_slice %arg9[%sub3A_270, %dma_wait3A_271] : memref<120x128xi32, #tpu.memory_space<vmem>> -> memref<1x128xi32, #tpu.memory_space<vmem>>
        %dma_wait3A_273 = tpu.memref_squeeze %dma_wait3A_272 : memref<1x128xi32, #tpu.memory_space<vmem>> -> memref<128xi32, #tpu.memory_space<vmem>>
        %dma_wait3A_274 = arith.constant 0 : i32
        %dma_wait3A_275 = arith.constant 0 : i32
        %dma_wait3A_276 = tpu.memref_slice %arg14[%dma_wait3A_274, %dma_wait3A_275] : memref<10240x64xf32, #tpu.memory_space<vmem_shared>> -> memref<10240x64xf32, #tpu.memory_space<vmem_shared>>
        tpu.wait_indirect_dma semaphore(%arg22 : memref<!tpu.dma_semaphore, #tpu.memory_space<semaphore_mem>>) src(%arg13 : memref<128x64xf32, #tpu.memory_space<vmem>>) dst(%dma_wait3A_276 : memref<10240x64xf32, #tpu.memory_space<vmem_shared>>)
      } else {
      }
      %add3A_203 = arith.constant 2 : i32
      %add3A_204 = arith.addi %add3A_181, %add3A_203 : i32
      %lt3A_205 = arith.cmpi slt, %add3A_204, %select_n3A : i32
      %convert_element_type3A_206 = arith.extui %lt3A_205 : i1 to i32
      %cond3A_207 = arith.constant 0 : i32
      %cond3A_208 = arith.cmpi ne, %convert_element_type3A_206, %cond3A_207 : i32
      scf.if %cond3A_208 {
        %add3A_267 = arith.constant 2 : i32
        %add3A_268 = arith.addi %add3A_181, %add3A_267 : i32
        %dma_start3A_269 = arith.constant 0 : i32
        %dma_start3A_270 = tpu.memref_slice %arg8[%add3A_268, %dma_start3A_269] : memref<120x128xi32, #tpu.memory_space<vmem>> -> memref<1x128xi32, #tpu.memory_space<vmem>>
        %dma_start3A_271 = tpu.memref_squeeze %dma_start3A_270 : memref<1x128xi32, #tpu.memory_space<vmem>> -> memref<128xi32, #tpu.memory_space<vmem>>
        %dma_start3A_272 = arith.constant 0 : i32
        %dma_start3A_273 = arith.constant 0 : i32
        %dma_start3A_274 = tpu.memref_slice %arg2[%dma_start3A_272, %dma_start3A_273] : memref<10240x64xf32, #tpu.memory_space<hbm>> -> memref<10240x64xf32, #tpu.memory_space<hbm>>
        tpu.enqueue_indirect_dma source(%dma_start3A_274 : memref<10240x64xf32, #tpu.memory_space<hbm>>) target(%arg13 : memref<128x64xf32, #tpu.memory_space<vmem>>) offsets(%dma_start3A_271 : memref<128xi32, #tpu.memory_space<vmem>>) semaphore(%arg18 : memref<!tpu.dma_semaphore, #tpu.memory_space<semaphore_mem>>)
      } else {
      }
      %add3A_209 = arith.constant 2 : i32
      %add3A_210 = arith.addi %mul3A_154, %add3A_209 : i32
      %dma_wait3A_211 = arith.constant 0 : i32
      %dma_wait3A_212 = tpu.memref_slice %arg8[%add3A_210, %dma_wait3A_211] : memref<120x128xi32, #tpu.memory_space<vmem>> -> memref<1x128xi32, #tpu.memory_space<vmem>>
      %dma_wait3A_213 = tpu.memref_squeeze %dma_wait3A_212 : memref<1x128xi32, #tpu.memory_space<vmem>> -> memref<128xi32, #tpu.memory_space<vmem>>
      %dma_wait3A_214 = arith.constant 0 : i32
      %dma_wait3A_215 = arith.constant 0 : i32
      %dma_wait3A_216 = tpu.memref_slice %arg2[%dma_wait3A_214, %dma_wait3A_215] : memref<10240x64xf32, #tpu.memory_space<hbm>> -> memref<10240x64xf32, #tpu.memory_space<hbm>>
      tpu.wait_indirect_dma semaphore(%arg17 : memref<!tpu.dma_semaphore, #tpu.memory_space<semaphore_mem>>) src(%dma_wait3A_216 : memref<10240x64xf32, #tpu.memory_space<hbm>>) dst(%arg12 : memref<128x64xf32, #tpu.memory_space<vmem>>)
      %dma_start3A_217 = arith.constant 0 : i32
      %dma_start3A_218 = tpu.memref_slice %arg9[%add3A_210, %dma_start3A_217] : memref<120x128xi32, #tpu.memory_space<vmem>> -> memref<1x128xi32, #tpu.memory_space<vmem>>
      %dma_start3A_219 = tpu.memref_squeeze %dma_start3A_218 : memref<1x128xi32, #tpu.memory_space<vmem>> -> memref<128xi32, #tpu.memory_space<vmem>>
      %dma_start3A_220 = arith.constant 0 : i32
      %dma_start3A_221 = arith.constant 0 : i32
      %dma_start3A_222 = tpu.memref_slice %arg14[%dma_start3A_220, %dma_start3A_221] : memref<10240x64xf32, #tpu.memory_space<vmem_shared>> -> memref<10240x64xf32, #tpu.memory_space<vmem_shared>>
      tpu.enqueue_indirect_dma source(%arg12 : memref<128x64xf32, #tpu.memory_space<vmem>>) target(%dma_start3A_222 : memref<10240x64xf32, #tpu.memory_space<vmem_shared>>) offsets(%dma_start3A_219 : memref<128xi32, #tpu.memory_space<vmem>>) semaphore(%arg21 : memref<!tpu.dma_semaphore, #tpu.memory_space<semaphore_mem>>) {add = true}
      %add3A_223 = arith.constant 2 : i32
      %add3A_224 = arith.addi %add3A_210, %add3A_223 : i32
      %sub3A_225 = arith.constant 4 : i32
      %sub3A_226 = arith.subi %add3A_224, %sub3A_225 : i32
      %ge3A_227 = arith.constant 0 : i32
      %ge3A_228 = arith.cmpi sge, %sub3A_226, %ge3A_227 : i32
      %convert_element_type3A_229 = arith.extui %ge3A_228 : i1 to i32
      %cond3A_230 = arith.constant 0 : i32
      %cond3A_231 = arith.cmpi ne, %convert_element_type3A_229, %cond3A_230 : i32
      scf.if %cond3A_231 {
        %add3A_267 = arith.constant 2 : i32
        %add3A_268 = arith.addi %add3A_210, %add3A_267 : i32
        %sub3A_269 = arith.constant 4 : i32
        %sub3A_270 = arith.subi %add3A_268, %sub3A_269 : i32
        %dma_wait3A_271 = arith.constant 0 : i32
        %dma_wait3A_272 = tpu.memref_slice %arg9[%sub3A_270, %dma_wait3A_271] : memref<120x128xi32, #tpu.memory_space<vmem>> -> memref<1x128xi32, #tpu.memory_space<vmem>>
        %dma_wait3A_273 = tpu.memref_squeeze %dma_wait3A_272 : memref<1x128xi32, #tpu.memory_space<vmem>> -> memref<128xi32, #tpu.memory_space<vmem>>
        %dma_wait3A_274 = arith.constant 0 : i32
        %dma_wait3A_275 = arith.constant 0 : i32
        %dma_wait3A_276 = tpu.memref_slice %arg14[%dma_wait3A_274, %dma_wait3A_275] : memref<10240x64xf32, #tpu.memory_space<vmem_shared>> -> memref<10240x64xf32, #tpu.memory_space<vmem_shared>>
        tpu.wait_indirect_dma semaphore(%arg19 : memref<!tpu.dma_semaphore, #tpu.memory_space<semaphore_mem>>) src(%arg10 : memref<128x64xf32, #tpu.memory_space<vmem>>) dst(%dma_wait3A_276 : memref<10240x64xf32, #tpu.memory_space<vmem_shared>>)
      } else {
      }
      %add3A_232 = arith.constant 2 : i32
      %add3A_233 = arith.addi %add3A_210, %add3A_232 : i32
      %lt3A_234 = arith.cmpi slt, %add3A_233, %select_n3A : i32
      %convert_element_type3A_235 = arith.extui %lt3A_234 : i1 to i32
      %cond3A_236 = arith.constant 0 : i32
      %cond3A_237 = arith.cmpi ne, %convert_element_type3A_235, %cond3A_236 : i32
      scf.if %cond3A_237 {
        %add3A_267 = arith.constant 2 : i32
        %add3A_268 = arith.addi %add3A_210, %add3A_267 : i32
        %dma_start3A_269 = arith.constant 0 : i32
        %dma_start3A_270 = tpu.memref_slice %arg8[%add3A_268, %dma_start3A_269] : memref<120x128xi32, #tpu.memory_space<vmem>> -> memref<1x128xi32, #tpu.memory_space<vmem>>
        %dma_start3A_271 = tpu.memref_squeeze %dma_start3A_270 : memref<1x128xi32, #tpu.memory_space<vmem>> -> memref<128xi32, #tpu.memory_space<vmem>>
        %dma_start3A_272 = arith.constant 0 : i32
        %dma_start3A_273 = arith.constant 0 : i32
        %dma_start3A_274 = tpu.memref_slice %arg2[%dma_start3A_272, %dma_start3A_273] : memref<10240x64xf32, #tpu.memory_space<hbm>> -> memref<10240x64xf32, #tpu.memory_space<hbm>>
        tpu.enqueue_indirect_dma source(%dma_start3A_274 : memref<10240x64xf32, #tpu.memory_space<hbm>>) target(%arg10 : memref<128x64xf32, #tpu.memory_space<vmem>>) offsets(%dma_start3A_271 : memref<128xi32, #tpu.memory_space<vmem>>) semaphore(%arg15 : memref<!tpu.dma_semaphore, #tpu.memory_space<semaphore_mem>>)
      } else {
      }
      %add3A_238 = arith.constant 3 : i32
      %add3A_239 = arith.addi %mul3A_154, %add3A_238 : i32
      %dma_wait3A_240 = arith.constant 0 : i32
      %dma_wait3A_241 = tpu.memref_slice %arg8[%add3A_239, %dma_wait3A_240] : memref<120x128xi32, #tpu.memory_space<vmem>> -> memref<1x128xi32, #tpu.memory_space<vmem>>
      %dma_wait3A_242 = tpu.memref_squeeze %dma_wait3A_241 : memref<1x128xi32, #tpu.memory_space<vmem>> -> memref<128xi32, #tpu.memory_space<vmem>>
      %dma_wait3A_243 = arith.constant 0 : i32
      %dma_wait3A_244 = arith.constant 0 : i32
      %dma_wait3A_245 = tpu.memref_slice %arg2[%dma_wait3A_243, %dma_wait3A_244] : memref<10240x64xf32, #tpu.memory_space<hbm>> -> memref<10240x64xf32, #tpu.memory_space<hbm>>
      tpu.wait_indirect_dma semaphore(%arg18 : memref<!tpu.dma_semaphore, #tpu.memory_space<semaphore_mem>>) src(%dma_wait3A_245 : memref<10240x64xf32, #tpu.memory_space<hbm>>) dst(%arg13 : memref<128x64xf32, #tpu.memory_space<vmem>>)
      %dma_start3A_246 = arith.constant 0 : i32
      %dma_start3A_247 = tpu.memref_slice %arg9[%add3A_239, %dma_start3A_246] : memref<120x128xi32, #tpu.memory_space<vmem>> -> memref<1x128xi32, #tpu.memory_space<vmem>>
      %dma_start3A_248 = tpu.memref_squeeze %dma_start3A_247 : memref<1x128xi32, #tpu.memory_space<vmem>> -> memref<128xi32, #tpu.memory_space<vmem>>
      %dma_start3A_249 = arith.constant 0 : i32
      %dma_start3A_250 = arith.constant 0 : i32
      %dma_start3A_251 = tpu.memref_slice %arg14[%dma_start3A_249, %dma_start3A_250] : memref<10240x64xf32, #tpu.memory_space<vmem_shared>> -> memref<10240x64xf32, #tpu.memory_space<vmem_shared>>
      tpu.enqueue_indirect_dma source(%arg13 : memref<128x64xf32, #tpu.memory_space<vmem>>) target(%dma_start3A_251 : memref<10240x64xf32, #tpu.memory_space<vmem_shared>>) offsets(%dma_start3A_248 : memref<128xi32, #tpu.memory_space<vmem>>) semaphore(%arg22 : memref<!tpu.dma_semaphore, #tpu.memory_space<semaphore_mem>>) {add = true}
      %add3A_252 = arith.constant 2 : i32
      %add3A_253 = arith.addi %add3A_239, %add3A_252 : i32
      %sub3A_254 = arith.constant 4 : i32
      %sub3A_255 = arith.subi %add3A_253, %sub3A_254 : i32
      %ge3A_256 = arith.constant 0 : i32
      %ge3A_257 = arith.cmpi sge, %sub3A_255, %ge3A_256 : i32
      %convert_element_type3A_258 = arith.extui %ge3A_257 : i1 to i32
      %cond3A_259 = arith.constant 0 : i32
      %cond3A_260 = arith.cmpi ne, %convert_element_type3A_258, %cond3A_259 : i32
      scf.if %cond3A_260 {
        %add3A_267 = arith.constant 2 : i32
        %add3A_268 = arith.addi %add3A_239, %add3A_267 : i32
        %sub3A_269 = arith.constant 4 : i32
        %sub3A_270 = arith.subi %add3A_268, %sub3A_269 : i32
        %dma_wait3A_271 = arith.constant 0 : i32
        %dma_wait3A_272 = tpu.memref_slice %arg9[%sub3A_270, %dma_wait3A_271] : memref<120x128xi32, #tpu.memory_space<vmem>> -> memref<1x128xi32, #tpu.memory_space<vmem>>
        %dma_wait3A_273 = tpu.memref_squeeze %dma_wait3A_272 : memref<1x128xi32, #tpu.memory_space<vmem>> -> memref<128xi32, #tpu.memory_space<vmem>>
        %dma_wait3A_274 = arith.constant 0 : i32
        %dma_wait3A_275 = arith.constant 0 : i32
        %dma_wait3A_276 = tpu.memref_slice %arg14[%dma_wait3A_274, %dma_wait3A_275] : memref<10240x64xf32, #tpu.memory_space<vmem_shared>> -> memref<10240x64xf32, #tpu.memory_space<vmem_shared>>
        tpu.wait_indirect_dma semaphore(%arg20 : memref<!tpu.dma_semaphore, #tpu.memory_space<semaphore_mem>>) src(%arg11 : memref<128x64xf32, #tpu.memory_space<vmem>>) dst(%dma_wait3A_276 : memref<10240x64xf32, #tpu.memory_space<vmem_shared>>)
      } else {
      }
      %add3A_261 = arith.constant 2 : i32
      %add3A_262 = arith.addi %add3A_239, %add3A_261 : i32
      %lt3A_263 = arith.cmpi slt, %add3A_262, %select_n3A : i32
      %convert_element_type3A_264 = arith.extui %lt3A_263 : i1 to i32
      %cond3A_265 = arith.constant 0 : i32
      %cond3A_266 = arith.cmpi ne, %convert_element_type3A_264, %cond3A_265 : i32
      scf.if %cond3A_266 {
        %add3A_267 = arith.constant 2 : i32
        %add3A_268 = arith.addi %add3A_239, %add3A_267 : i32
        %dma_start3A_269 = arith.constant 0 : i32
        %dma_start3A_270 = tpu.memref_slice %arg8[%add3A_268, %dma_start3A_269] : memref<120x128xi32, #tpu.memory_space<vmem>> -> memref<1x128xi32, #tpu.memory_space<vmem>>
        %dma_start3A_271 = tpu.memref_squeeze %dma_start3A_270 : memref<1x128xi32, #tpu.memory_space<vmem>> -> memref<128xi32, #tpu.memory_space<vmem>>
        %dma_start3A_272 = arith.constant 0 : i32
        %dma_start3A_273 = arith.constant 0 : i32
        %dma_start3A_274 = tpu.memref_slice %arg2[%dma_start3A_272, %dma_start3A_273] : memref<10240x64xf32, #tpu.memory_space<hbm>> -> memref<10240x64xf32, #tpu.memory_space<hbm>>
        tpu.enqueue_indirect_dma source(%dma_start3A_274 : memref<10240x64xf32, #tpu.memory_space<hbm>>) target(%arg11 : memref<128x64xf32, #tpu.memory_space<vmem>>) offsets(%dma_start3A_271 : memref<128xi32, #tpu.memory_space<vmem>>) semaphore(%arg16 : memref<!tpu.dma_semaphore, #tpu.memory_space<semaphore_mem>>)
      } else {
      }
    }
    %sub3A_54 = arith.constant 2 : i32
    %sub3A_55 = arith.subi %select_n3A, %sub3A_54 : i32
    %add3A_56 = arith.constant 0 : i32
    %add3A_57 = arith.addi %sub3A_55, %add3A_56 : i32
    %dma_wait3A = arith.constant 0 : i32
    %dma_wait3A_58 = tpu.memref_slice %arg9[%add3A_57, %dma_wait3A] : memref<120x128xi32, #tpu.memory_space<vmem>> -> memref<1x128xi32, #tpu.memory_space<vmem>>
    %dma_wait3A_59 = tpu.memref_squeeze %dma_wait3A_58 : memref<1x128xi32, #tpu.memory_space<vmem>> -> memref<128xi32, #tpu.memory_space<vmem>>
    %dma_wait3A_60 = arith.constant 0 : i32
    %dma_wait3A_61 = arith.constant 0 : i32
    %dma_wait3A_62 = tpu.memref_slice %arg14[%dma_wait3A_60, %dma_wait3A_61] : memref<10240x64xf32, #tpu.memory_space<vmem_shared>> -> memref<10240x64xf32, #tpu.memory_space<vmem_shared>>
    tpu.wait_indirect_dma semaphore(%arg21 : memref<!tpu.dma_semaphore, #tpu.memory_space<semaphore_mem>>) src(%arg12 : memref<128x64xf32, #tpu.memory_space<vmem>>) dst(%dma_wait3A_62 : memref<10240x64xf32, #tpu.memory_space<vmem_shared>>)
    %sub3A_63 = arith.constant 2 : i32
    %sub3A_64 = arith.subi %select_n3A, %sub3A_63 : i32
    %add3A_65 = arith.constant 1 : i32
    %add3A_66 = arith.addi %sub3A_64, %add3A_65 : i32
    %dma_wait3A_67 = arith.constant 0 : i32
    %dma_wait3A_68 = tpu.memref_slice %arg9[%add3A_66, %dma_wait3A_67] : memref<120x128xi32, #tpu.memory_space<vmem>> -> memref<1x128xi32, #tpu.memory_space<vmem>>
    %dma_wait3A_69 = tpu.memref_squeeze %dma_wait3A_68 : memref<1x128xi32, #tpu.memory_space<vmem>> -> memref<128xi32, #tpu.memory_space<vmem>>
    %dma_wait3A_70 = arith.constant 0 : i32
    %dma_wait3A_71 = arith.constant 0 : i32
    %dma_wait3A_72 = tpu.memref_slice %arg14[%dma_wait3A_70, %dma_wait3A_71] : memref<10240x64xf32, #tpu.memory_space<vmem_shared>> -> memref<10240x64xf32, #tpu.memory_space<vmem_shared>>
    tpu.wait_indirect_dma semaphore(%arg22 : memref<!tpu.dma_semaphore, #tpu.memory_space<semaphore_mem>>) src(%arg13 : memref<128x64xf32, #tpu.memory_space<vmem>>) dst(%dma_wait3A_72 : memref<10240x64xf32, #tpu.memory_space<vmem_shared>>)
    %mul3A_73 = arith.constant 1 : i32
    %mul3A_74 = arith.muli %mul3A_73, %select_n3A : i32
    %add3A_75 = arith.addi %add3A, %mul3A_74 : i32
    "tpu.region"() ({
      %run_scoped3A = tpu.sem_alloc : memref<!tpu.dma_semaphore, #tpu.memory_space<semaphore_mem>>
      %dma_start3A_152 = arith.constant 0 : i32
      %dma_start3A_153 = tpu.memref_slice %arg3[%add3A_75, %dma_start3A_152] : memref<5376x128xi32, #tpu.memory_space<hbm>> -> memref<120x128xi32, #tpu.memory_space<hbm>>
      %dma_start3A_154 = arith.constant 0 : i32
      %dma_start3A_155 = tpu.memref_slice %arg3[%add3A_75, %dma_start3A_154] : memref<5376x128xi32, #tpu.memory_space<hbm>> -> memref<120x128xi32, #tpu.memory_space<hbm>>
      tpu.enqueue_dma source(%dma_start3A_155 : memref<120x128xi32, #tpu.memory_space<hbm>>) target(%arg8 : memref<120x128xi32, #tpu.memory_space<vmem>>) target_semaphore(%run_scoped3A : memref<!tpu.dma_semaphore, #tpu.memory_space<semaphore_mem>>)
      %dma_wait3A_156 = arith.constant 0 : i32
      %dma_wait3A_157 = tpu.memref_slice %arg3[%add3A_75, %dma_wait3A_156] : memref<5376x128xi32, #tpu.memory_space<hbm>> -> memref<120x128xi32, #tpu.memory_space<hbm>>
      %dma_wait3A_158 = arith.constant 0 : i32
      %dma_wait3A_159 = tpu.memref_slice %arg3[%add3A_75, %dma_wait3A_158] : memref<5376x128xi32, #tpu.memory_space<hbm>> -> memref<120x128xi32, #tpu.memory_space<hbm>>
      tpu.wait_dma2 semaphore(%run_scoped3A : memref<!tpu.dma_semaphore, #tpu.memory_space<semaphore_mem>>) src(%dma_wait3A_159 : memref<120x128xi32, #tpu.memory_space<hbm>>) dst(%arg8 : memref<120x128xi32, #tpu.memory_space<vmem>>)
      tpu.yield
    }) : () -> ()
    %mul3A_76 = arith.constant 1 : i32
    %mul3A_77 = arith.muli %mul3A_76, %select_n3A : i32
    %add3A_78 = arith.addi %add3A, %mul3A_77 : i32
    "tpu.region"() ({
      %run_scoped3A = tpu.sem_alloc : memref<!tpu.dma_semaphore, #tpu.memory_space<semaphore_mem>>
      %dma_start3A_152 = arith.constant 0 : i32
      %dma_start3A_153 = tpu.memref_slice %arg4[%add3A_78, %dma_start3A_152] : memref<5376x128xi32, #tpu.memory_space<hbm>> -> memref<120x128xi32, #tpu.memory_space<hbm>>
      %dma_start3A_154 = arith.constant 0 : i32
      %dma_start3A_155 = tpu.memref_slice %arg4[%add3A_78, %dma_start3A_154] : memref<5376x128xi32, #tpu.memory_space<hbm>> -> memref<120x128xi32, #tpu.memory_space<hbm>>
      tpu.enqueue_dma source(%dma_start3A_155 : memref<120x128xi32, #tpu.memory_space<hbm>>) target(%arg9 : memref<120x128xi32, #tpu.memory_space<vmem>>) target_semaphore(%run_scoped3A : memref<!tpu.dma_semaphore, #tpu.memory_space<semaphore_mem>>)
      %dma_wait3A_156 = arith.constant 0 : i32
      %dma_wait3A_157 = tpu.memref_slice %arg4[%add3A_78, %dma_wait3A_156] : memref<5376x128xi32, #tpu.memory_space<hbm>> -> memref<120x128xi32, #tpu.memory_space<hbm>>
      %dma_wait3A_158 = arith.constant 0 : i32
      %dma_wait3A_159 = tpu.memref_slice %arg4[%add3A_78, %dma_wait3A_158] : memref<5376x128xi32, #tpu.memory_space<hbm>> -> memref<120x128xi32, #tpu.memory_space<hbm>>
      tpu.wait_dma2 semaphore(%run_scoped3A : memref<!tpu.dma_semaphore, #tpu.memory_space<semaphore_mem>>) src(%dma_wait3A_159 : memref<120x128xi32, #tpu.memory_space<hbm>>) dst(%arg9 : memref<120x128xi32, #tpu.memory_space<vmem>>)
      tpu.yield
    }) : () -> ()
    %dma_start3A_79 = arith.constant 0 : i32
    %dma_start3A_80 = arith.constant 0 : i32
    %dma_start3A_81 = tpu.memref_slice %arg8[%dma_start3A_79, %dma_start3A_80] : memref<120x128xi32, #tpu.memory_space<vmem>> -> memref<1x128xi32, #tpu.memory_space<vmem>>
    %dma_start3A_82 = tpu.memref_squeeze %dma_start3A_81 : memref<1x128xi32, #tpu.memory_space<vmem>> -> memref<128xi32, #tpu.memory_space<vmem>>
    %dma_start3A_83 = arith.constant 0 : i32
    %dma_start3A_84 = arith.constant 0 : i32
    %dma_start3A_85 = tpu.memref_slice %arg2[%dma_start3A_83, %dma_start3A_84] : memref<10240x64xf32, #tpu.memory_space<hbm>> -> memref<10240x64xf32, #tpu.memory_space<hbm>>
    tpu.enqueue_indirect_dma source(%dma_start3A_85 : memref<10240x64xf32, #tpu.memory_space<hbm>>) target(%arg10 : memref<128x64xf32, #tpu.memory_space<vmem>>) offsets(%dma_start3A_82 : memref<128xi32, #tpu.memory_space<vmem>>) semaphore(%arg15 : memref<!tpu.dma_semaphore, #tpu.memory_space<semaphore_mem>>)
    %dma_start3A_86 = arith.constant 1 : i32
    %dma_start3A_87 = arith.constant 0 : i32
    %dma_start3A_88 = tpu.memref_slice %arg8[%dma_start3A_86, %dma_start3A_87] : memref<120x128xi32, #tpu.memory_space<vmem>> -> memref<1x128xi32, #tpu.memory_space<vmem>>
    %dma_start3A_89 = tpu.memref_squeeze %dma_start3A_88 : memref<1x128xi32, #tpu.memory_space<vmem>> -> memref<128xi32, #tpu.memory_space<vmem>>
    %dma_start3A_90 = arith.constant 0 : i32
    %dma_start3A_91 = arith.constant 0 : i32
    %dma_start3A_92 = tpu.memref_slice %arg2[%dma_start3A_90, %dma_start3A_91] : memref<10240x64xf32, #tpu.memory_space<hbm>> -> memref<10240x64xf32, #tpu.memory_space<hbm>>
    tpu.enqueue_indirect_dma source(%dma_start3A_92 : memref<10240x64xf32, #tpu.memory_space<hbm>>) target(%arg11 : memref<128x64xf32, #tpu.memory_space<vmem>>) offsets(%dma_start3A_89 : memref<128xi32, #tpu.memory_space<vmem>>) semaphore(%arg16 : memref<!tpu.dma_semaphore, #tpu.memory_space<semaphore_mem>>)
    %jit3A_93 = arith.constant 4 : i32
    %div3A_94 = arith.divsi %select_n3A, %jit3A_93 : i32
    %sign3A_95 = arith.constant 0 : i32
    %sign3A_96 = arith.cmpi sgt, %select_n3A, %sign3A_95 : i32
    %sign3A_97 = arith.extui %sign3A_96 : i1 to i32
    %sign3A_98 = arith.constant 0 : i32
    %sign3A_99 = arith.cmpi slt, %select_n3A, %sign3A_98 : i32
    %sign3A_100 = arith.extui %sign3A_99 : i1 to i32
    %sign3A_101 = arith.subi %sign3A_97, %sign3A_100 : i32
    %sign3A_102 = arith.constant 0 : i32
    %sign3A_103 = arith.cmpi sgt, %jit3A_93, %sign3A_102 : i32
    %sign3A_104 = arith.extui %sign3A_103 : i1 to i32
    %sign3A_105 = arith.constant 0 : i32
    %sign3A_106 = arith.cmpi slt, %jit3A_93, %sign3A_105 : i32
    %sign3A_107 = arith.extui %sign3A_106 : i1 to i32
    %sign3A_108 = arith.subi %sign3A_104, %sign3A_107 : i32
    %ne3A_109 = arith.cmpi ne, %sign3A_101, %sign3A_108 : i32
    %rem3A_110 = arith.remsi %select_n3A, %jit3A_93 : i32
    %ne3A_111 = arith.constant 0 : i32
    %ne3A_112 = arith.cmpi ne, %rem3A_110, %ne3A_111 : i32
    %and3A_113 = arith.andi %ne3A_109, %ne3A_112 : i1
    %sub3A_114 = arith.constant 1 : i32
    %sub3A_115 = arith.subi %div3A_94, %sub3A_114 : i32
    %select_n3A_116 = arith.select %and3A_113, %sub3A_115, %div3A_94 : i32
    %while3A_117 = arith.constant 0 : i32
    %while3A_118 = arith.constant 0 : i32
    %while3A_119 = arith.subi %select_n3A_116, %while3A_118 : i32
    %while3A_120 = arith.addi %while3A_118, %while3A_119 : i32
    %while3A_121 = arith.constant 1 : i32
    %while3A_122 = arith.divsi %while3A_119, %while3A_121 : i32
    %while3A_123 = arith.muli %while3A_122, %while3A_121 : i32
    %while3A_124 = arith.addi %while3A_118, %while3A_123 : i32
    %while3A_125 = arith.constant 1 : i32
    scf.for %while3A_152 = %while3A_118 to %while3A_124 step %while3A_125  : i32 {
      %mul3A_153 = arith.constant 4 : i32
      %mul3A_154 = arith.muli %mul3A_153, %while3A_152 : i32
      %add3A_155 = arith.constant 0 : i32
      %add3A_156 = arith.addi %mul3A_154, %add3A_155 : i32
      %dma_wait3A_157 = arith.constant 0 : i32
      %dma_wait3A_158 = tpu.memref_slice %arg8[%add3A_156, %dma_wait3A_157] : memref<120x128xi32, #tpu.memory_space<vmem>> -> memref<1x128xi32, #tpu.memory_space<vmem>>
      %dma_wait3A_159 = tpu.memref_squeeze %dma_wait3A_158 : memref<1x128xi32, #tpu.memory_space<vmem>> -> memref<128xi32, #tpu.memory_space<vmem>>
      %dma_wait3A_160 = arith.constant 0 : i32
      %dma_wait3A_161 = arith.constant 0 : i32
      %dma_wait3A_162 = tpu.memref_slice %arg2[%dma_wait3A_160, %dma_wait3A_161] : memref<10240x64xf32, #tpu.memory_space<hbm>> -> memref<10240x64xf32, #tpu.memory_space<hbm>>
      tpu.wait_indirect_dma semaphore(%arg15 : memref<!tpu.dma_semaphore, #tpu.memory_space<semaphore_mem>>) src(%dma_wait3A_162 : memref<10240x64xf32, #tpu.memory_space<hbm>>) dst(%arg10 : memref<128x64xf32, #tpu.memory_space<vmem>>)
      %dma_start3A_163 = arith.constant 0 : i32
      %dma_start3A_164 = tpu.memref_slice %arg9[%add3A_156, %dma_start3A_163] : memref<120x128xi32, #tpu.memory_space<vmem>> -> memref<1x128xi32, #tpu.memory_space<vmem>>
      %dma_start3A_165 = tpu.memref_squeeze %dma_start3A_164 : memref<1x128xi32, #tpu.memory_space<vmem>> -> memref<128xi32, #tpu.memory_space<vmem>>
      %dma_start3A_166 = arith.constant 0 : i32
      %dma_start3A_167 = arith.constant 0 : i32
      %dma_start3A_168 = tpu.memref_slice %arg14[%dma_start3A_166, %dma_start3A_167] : memref<10240x64xf32, #tpu.memory_space<vmem_shared>> -> memref<10240x64xf32, #tpu.memory_space<vmem_shared>>
      tpu.enqueue_indirect_dma source(%arg10 : memref<128x64xf32, #tpu.memory_space<vmem>>) target(%dma_start3A_168 : memref<10240x64xf32, #tpu.memory_space<vmem_shared>>) offsets(%dma_start3A_165 : memref<128xi32, #tpu.memory_space<vmem>>) semaphore(%arg19 : memref<!tpu.dma_semaphore, #tpu.memory_space<semaphore_mem>>) {add = true}
      %add3A_169 = arith.constant 2 : i32
      %add3A_170 = arith.addi %add3A_156, %add3A_169 : i32
      %sub3A_171 = arith.constant 4 : i32
      %sub3A_172 = arith.subi %add3A_170, %sub3A_171 : i32
      %ge3A = arith.constant 0 : i32
      %ge3A_173 = arith.cmpi sge, %sub3A_172, %ge3A : i32
      %convert_element_type3A = arith.extui %ge3A_173 : i1 to i32
      %cond3A = arith.constant 0 : i32
      %cond3A_174 = arith.cmpi ne, %convert_element_type3A, %cond3A : i32
      scf.if %cond3A_174 {
        %add3A_267 = arith.constant 2 : i32
        %add3A_268 = arith.addi %add3A_156, %add3A_267 : i32
        %sub3A_269 = arith.constant 4 : i32
        %sub3A_270 = arith.subi %add3A_268, %sub3A_269 : i32
        %dma_wait3A_271 = arith.constant 0 : i32
        %dma_wait3A_272 = tpu.memref_slice %arg9[%sub3A_270, %dma_wait3A_271] : memref<120x128xi32, #tpu.memory_space<vmem>> -> memref<1x128xi32, #tpu.memory_space<vmem>>
        %dma_wait3A_273 = tpu.memref_squeeze %dma_wait3A_272 : memref<1x128xi32, #tpu.memory_space<vmem>> -> memref<128xi32, #tpu.memory_space<vmem>>
        %dma_wait3A_274 = arith.constant 0 : i32
        %dma_wait3A_275 = arith.constant 0 : i32
        %dma_wait3A_276 = tpu.memref_slice %arg14[%dma_wait3A_274, %dma_wait3A_275] : memref<10240x64xf32, #tpu.memory_space<vmem_shared>> -> memref<10240x64xf32, #tpu.memory_space<vmem_shared>>
        tpu.wait_indirect_dma semaphore(%arg21 : memref<!tpu.dma_semaphore, #tpu.memory_space<semaphore_mem>>) src(%arg12 : memref<128x64xf32, #tpu.memory_space<vmem>>) dst(%dma_wait3A_276 : memref<10240x64xf32, #tpu.memory_space<vmem_shared>>)
      } else {
      }
      %add3A_175 = arith.constant 2 : i32
      %add3A_176 = arith.addi %add3A_156, %add3A_175 : i32
      %lt3A = arith.cmpi slt, %add3A_176, %select_n3A : i32
      %convert_element_type3A_177 = arith.extui %lt3A : i1 to i32
      %cond3A_178 = arith.constant 0 : i32
      %cond3A_179 = arith.cmpi ne, %convert_element_type3A_177, %cond3A_178 : i32
      scf.if %cond3A_179 {
        %add3A_267 = arith.constant 2 : i32
        %add3A_268 = arith.addi %add3A_156, %add3A_267 : i32
        %dma_start3A_269 = arith.constant 0 : i32
        %dma_start3A_270 = tpu.memref_slice %arg8[%add3A_268, %dma_start3A_269] : memref<120x128xi32, #tpu.memory_space<vmem>> -> memref<1x128xi32, #tpu.memory_space<vmem>>
        %dma_start3A_271 = tpu.memref_squeeze %dma_start3A_270 : memref<1x128xi32, #tpu.memory_space<vmem>> -> memref<128xi32, #tpu.memory_space<vmem>>
        %dma_start3A_272 = arith.constant 0 : i32
        %dma_start3A_273 = arith.constant 0 : i32
        %dma_start3A_274 = tpu.memref_slice %arg2[%dma_start3A_272, %dma_start3A_273] : memref<10240x64xf32, #tpu.memory_space<hbm>> -> memref<10240x64xf32, #tpu.memory_space<hbm>>
        tpu.enqueue_indirect_dma source(%dma_start3A_274 : memref<10240x64xf32, #tpu.memory_space<hbm>>) target(%arg12 : memref<128x64xf32, #tpu.memory_space<vmem>>) offsets(%dma_start3A_271 : memref<128xi32, #tpu.memory_space<vmem>>) semaphore(%arg17 : memref<!tpu.dma_semaphore, #tpu.memory_space<semaphore_mem>>)
      } else {
      }
      %add3A_180 = arith.constant 1 : i32
      %add3A_181 = arith.addi %mul3A_154, %add3A_180 : i32
      %dma_wait3A_182 = arith.constant 0 : i32
      %dma_wait3A_183 = tpu.memref_slice %arg8[%add3A_181, %dma_wait3A_182] : memref<120x128xi32, #tpu.memory_space<vmem>> -> memref<1x128xi32, #tpu.memory_space<vmem>>
      %dma_wait3A_184 = tpu.memref_squeeze %dma_wait3A_183 : memref<1x128xi32, #tpu.memory_space<vmem>> -> memref<128xi32, #tpu.memory_space<vmem>>
      %dma_wait3A_185 = arith.constant 0 : i32
      %dma_wait3A_186 = arith.constant 0 : i32
      %dma_wait3A_187 = tpu.memref_slice %arg2[%dma_wait3A_185, %dma_wait3A_186] : memref<10240x64xf32, #tpu.memory_space<hbm>> -> memref<10240x64xf32, #tpu.memory_space<hbm>>
      tpu.wait_indirect_dma semaphore(%arg16 : memref<!tpu.dma_semaphore, #tpu.memory_space<semaphore_mem>>) src(%dma_wait3A_187 : memref<10240x64xf32, #tpu.memory_space<hbm>>) dst(%arg11 : memref<128x64xf32, #tpu.memory_space<vmem>>)
      %dma_start3A_188 = arith.constant 0 : i32
      %dma_start3A_189 = tpu.memref_slice %arg9[%add3A_181, %dma_start3A_188] : memref<120x128xi32, #tpu.memory_space<vmem>> -> memref<1x128xi32, #tpu.memory_space<vmem>>
      %dma_start3A_190 = tpu.memref_squeeze %dma_start3A_189 : memref<1x128xi32, #tpu.memory_space<vmem>> -> memref<128xi32, #tpu.memory_space<vmem>>
      %dma_start3A_191 = arith.constant 0 : i32
      %dma_start3A_192 = arith.constant 0 : i32
      %dma_start3A_193 = tpu.memref_slice %arg14[%dma_start3A_191, %dma_start3A_192] : memref<10240x64xf32, #tpu.memory_space<vmem_shared>> -> memref<10240x64xf32, #tpu.memory_space<vmem_shared>>
      tpu.enqueue_indirect_dma source(%arg11 : memref<128x64xf32, #tpu.memory_space<vmem>>) target(%dma_start3A_193 : memref<10240x64xf32, #tpu.memory_space<vmem_shared>>) offsets(%dma_start3A_190 : memref<128xi32, #tpu.memory_space<vmem>>) semaphore(%arg20 : memref<!tpu.dma_semaphore, #tpu.memory_space<semaphore_mem>>) {add = true}
      %add3A_194 = arith.constant 2 : i32
      %add3A_195 = arith.addi %add3A_181, %add3A_194 : i32
      %sub3A_196 = arith.constant 4 : i32
      %sub3A_197 = arith.subi %add3A_195, %sub3A_196 : i32
      %ge3A_198 = arith.constant 0 : i32
      %ge3A_199 = arith.cmpi sge, %sub3A_197, %ge3A_198 : i32
      %convert_element_type3A_200 = arith.extui %ge3A_199 : i1 to i32
      %cond3A_201 = arith.constant 0 : i32
      %cond3A_202 = arith.cmpi ne, %convert_element_type3A_200, %cond3A_201 : i32
      scf.if %cond3A_202 {
        %add3A_267 = arith.constant 2 : i32
        %add3A_268 = arith.addi %add3A_181, %add3A_267 : i32
        %sub3A_269 = arith.constant 4 : i32
        %sub3A_270 = arith.subi %add3A_268, %sub3A_269 : i32
        %dma_wait3A_271 = arith.constant 0 : i32
        %dma_wait3A_272 = tpu.memref_slice %arg9[%sub3A_270, %dma_wait3A_271] : memref<120x128xi32, #tpu.memory_space<vmem>> -> memref<1x128xi32, #tpu.memory_space<vmem>>
        %dma_wait3A_273 = tpu.memref_squeeze %dma_wait3A_272 : memref<1x128xi32, #tpu.memory_space<vmem>> -> memref<128xi32, #tpu.memory_space<vmem>>
        %dma_wait3A_274 = arith.constant 0 : i32
        %dma_wait3A_275 = arith.constant 0 : i32
        %dma_wait3A_276 = tpu.memref_slice %arg14[%dma_wait3A_274, %dma_wait3A_275] : memref<10240x64xf32, #tpu.memory_space<vmem_shared>> -> memref<10240x64xf32, #tpu.memory_space<vmem_shared>>
        tpu.wait_indirect_dma semaphore(%arg22 : memref<!tpu.dma_semaphore, #tpu.memory_space<semaphore_mem>>) src(%arg13 : memref<128x64xf32, #tpu.memory_space<vmem>>) dst(%dma_wait3A_276 : memref<10240x64xf32, #tpu.memory_space<vmem_shared>>)
      } else {
      }
      %add3A_203 = arith.constant 2 : i32
      %add3A_204 = arith.addi %add3A_181, %add3A_203 : i32
      %lt3A_205 = arith.cmpi slt, %add3A_204, %select_n3A : i32
      %convert_element_type3A_206 = arith.extui %lt3A_205 : i1 to i32
      %cond3A_207 = arith.constant 0 : i32
      %cond3A_208 = arith.cmpi ne, %convert_element_type3A_206, %cond3A_207 : i32
      scf.if %cond3A_208 {
        %add3A_267 = arith.constant 2 : i32
        %add3A_268 = arith.addi %add3A_181, %add3A_267 : i32
        %dma_start3A_269 = arith.constant 0 : i32
        %dma_start3A_270 = tpu.memref_slice %arg8[%add3A_268, %dma_start3A_269] : memref<120x128xi32, #tpu.memory_space<vmem>> -> memref<1x128xi32, #tpu.memory_space<vmem>>
        %dma_start3A_271 = tpu.memref_squeeze %dma_start3A_270 : memref<1x128xi32, #tpu.memory_space<vmem>> -> memref<128xi32, #tpu.memory_space<vmem>>
        %dma_start3A_272 = arith.constant 0 : i32
        %dma_start3A_273 = arith.constant 0 : i32
        %dma_start3A_274 = tpu.memref_slice %arg2[%dma_start3A_272, %dma_start3A_273] : memref<10240x64xf32, #tpu.memory_space<hbm>> -> memref<10240x64xf32, #tpu.memory_space<hbm>>
        tpu.enqueue_indirect_dma source(%dma_start3A_274 : memref<10240x64xf32, #tpu.memory_space<hbm>>) target(%arg13 : memref<128x64xf32, #tpu.memory_space<vmem>>) offsets(%dma_start3A_271 : memref<128xi32, #tpu.memory_space<vmem>>) semaphore(%arg18 : memref<!tpu.dma_semaphore, #tpu.memory_space<semaphore_mem>>)
      } else {
      }
      %add3A_209 = arith.constant 2 : i32
      %add3A_210 = arith.addi %mul3A_154, %add3A_209 : i32
      %dma_wait3A_211 = arith.constant 0 : i32
      %dma_wait3A_212 = tpu.memref_slice %arg8[%add3A_210, %dma_wait3A_211] : memref<120x128xi32, #tpu.memory_space<vmem>> -> memref<1x128xi32, #tpu.memory_space<vmem>>
      %dma_wait3A_213 = tpu.memref_squeeze %dma_wait3A_212 : memref<1x128xi32, #tpu.memory_space<vmem>> -> memref<128xi32, #tpu.memory_space<vmem>>
      %dma_wait3A_214 = arith.constant 0 : i32
      %dma_wait3A_215 = arith.constant 0 : i32
      %dma_wait3A_216 = tpu.memref_slice %arg2[%dma_wait3A_214, %dma_wait3A_215] : memref<10240x64xf32, #tpu.memory_space<hbm>> -> memref<10240x64xf32, #tpu.memory_space<hbm>>
      tpu.wait_indirect_dma semaphore(%arg17 : memref<!tpu.dma_semaphore, #tpu.memory_space<semaphore_mem>>) src(%dma_wait3A_216 : memref<10240x64xf32, #tpu.memory_space<hbm>>) dst(%arg12 : memref<128x64xf32, #tpu.memory_space<vmem>>)
      %dma_start3A_217 = arith.constant 0 : i32
      %dma_start3A_218 = tpu.memref_slice %arg9[%add3A_210, %dma_start3A_217] : memref<120x128xi32, #tpu.memory_space<vmem>> -> memref<1x128xi32, #tpu.memory_space<vmem>>
      %dma_start3A_219 = tpu.memref_squeeze %dma_start3A_218 : memref<1x128xi32, #tpu.memory_space<vmem>> -> memref<128xi32, #tpu.memory_space<vmem>>
      %dma_start3A_220 = arith.constant 0 : i32
      %dma_start3A_221 = arith.constant 0 : i32
      %dma_start3A_222 = tpu.memref_slice %arg14[%dma_start3A_220, %dma_start3A_221] : memref<10240x64xf32, #tpu.memory_space<vmem_shared>> -> memref<10240x64xf32, #tpu.memory_space<vmem_shared>>
      tpu.enqueue_indirect_dma source(%arg12 : memref<128x64xf32, #tpu.memory_space<vmem>>) target(%dma_start3A_222 : memref<10240x64xf32, #tpu.memory_space<vmem_shared>>) offsets(%dma_start3A_219 : memref<128xi32, #tpu.memory_space<vmem>>) semaphore(%arg21 : memref<!tpu.dma_semaphore, #tpu.memory_space<semaphore_mem>>) {add = true}
      %add3A_223 = arith.constant 2 : i32
      %add3A_224 = arith.addi %add3A_210, %add3A_223 : i32
      %sub3A_225 = arith.constant 4 : i32
      %sub3A_226 = arith.subi %add3A_224, %sub3A_225 : i32
      %ge3A_227 = arith.constant 0 : i32
      %ge3A_228 = arith.cmpi sge, %sub3A_226, %ge3A_227 : i32
      %convert_element_type3A_229 = arith.extui %ge3A_228 : i1 to i32
      %cond3A_230 = arith.constant 0 : i32
      %cond3A_231 = arith.cmpi ne, %convert_element_type3A_229, %cond3A_230 : i32
      scf.if %cond3A_231 {
        %add3A_267 = arith.constant 2 : i32
        %add3A_268 = arith.addi %add3A_210, %add3A_267 : i32
        %sub3A_269 = arith.constant 4 : i32
        %sub3A_270 = arith.subi %add3A_268, %sub3A_269 : i32
        %dma_wait3A_271 = arith.constant 0 : i32
        %dma_wait3A_272 = tpu.memref_slice %arg9[%sub3A_270, %dma_wait3A_271] : memref<120x128xi32, #tpu.memory_space<vmem>> -> memref<1x128xi32, #tpu.memory_space<vmem>>
        %dma_wait3A_273 = tpu.memref_squeeze %dma_wait3A_272 : memref<1x128xi32, #tpu.memory_space<vmem>> -> memref<128xi32, #tpu.memory_space<vmem>>
        %dma_wait3A_274 = arith.constant 0 : i32
        %dma_wait3A_275 = arith.constant 0 : i32
        %dma_wait3A_276 = tpu.memref_slice %arg14[%dma_wait3A_274, %dma_wait3A_275] : memref<10240x64xf32, #tpu.memory_space<vmem_shared>> -> memref<10240x64xf32, #tpu.memory_space<vmem_shared>>
        tpu.wait_indirect_dma semaphore(%arg19 : memref<!tpu.dma_semaphore, #tpu.memory_space<semaphore_mem>>) src(%arg10 : memref<128x64xf32, #tpu.memory_space<vmem>>) dst(%dma_wait3A_276 : memref<10240x64xf32, #tpu.memory_space<vmem_shared>>)
      } else {
      }
      %add3A_232 = arith.constant 2 : i32
      %add3A_233 = arith.addi %add3A_210, %add3A_232 : i32
      %lt3A_234 = arith.cmpi slt, %add3A_233, %select_n3A : i32
      %convert_element_type3A_235 = arith.extui %lt3A_234 : i1 to i32
      %cond3A_236 = arith.constant 0 : i32
      %cond3A_237 = arith.cmpi ne, %convert_element_type3A_235, %cond3A_236 : i32
      scf.if %cond3A_237 {
        %add3A_267 = arith.constant 2 : i32
        %add3A_268 = arith.addi %add3A_210, %add3A_267 : i32
        %dma_start3A_269 = arith.constant 0 : i32
        %dma_start3A_270 = tpu.memref_slice %arg8[%add3A_268, %dma_start3A_269] : memref<120x128xi32, #tpu.memory_space<vmem>> -> memref<1x128xi32, #tpu.memory_space<vmem>>
        %dma_start3A_271 = tpu.memref_squeeze %dma_start3A_270 : memref<1x128xi32, #tpu.memory_space<vmem>> -> memref<128xi32, #tpu.memory_space<vmem>>
        %dma_start3A_272 = arith.constant 0 : i32
        %dma_start3A_273 = arith.constant 0 : i32
        %dma_start3A_274 = tpu.memref_slice %arg2[%dma_start3A_272, %dma_start3A_273] : memref<10240x64xf32, #tpu.memory_space<hbm>> -> memref<10240x64xf32, #tpu.memory_space<hbm>>
        tpu.enqueue_indirect_dma source(%dma_start3A_274 : memref<10240x64xf32, #tpu.memory_space<hbm>>) target(%arg10 : memref<128x64xf32, #tpu.memory_space<vmem>>) offsets(%dma_start3A_271 : memref<128xi32, #tpu.memory_space<vmem>>) semaphore(%arg15 : memref<!tpu.dma_semaphore, #tpu.memory_space<semaphore_mem>>)
      } else {
      }
      %add3A_238 = arith.constant 3 : i32
      %add3A_239 = arith.addi %mul3A_154, %add3A_238 : i32
      %dma_wait3A_240 = arith.constant 0 : i32
      %dma_wait3A_241 = tpu.memref_slice %arg8[%add3A_239, %dma_wait3A_240] : memref<120x128xi32, #tpu.memory_space<vmem>> -> memref<1x128xi32, #tpu.memory_space<vmem>>
      %dma_wait3A_242 = tpu.memref_squeeze %dma_wait3A_241 : memref<1x128xi32, #tpu.memory_space<vmem>> -> memref<128xi32, #tpu.memory_space<vmem>>
      %dma_wait3A_243 = arith.constant 0 : i32
      %dma_wait3A_244 = arith.constant 0 : i32
      %dma_wait3A_245 = tpu.memref_slice %arg2[%dma_wait3A_243, %dma_wait3A_244] : memref<10240x64xf32, #tpu.memory_space<hbm>> -> memref<10240x64xf32, #tpu.memory_space<hbm>>
      tpu.wait_indirect_dma semaphore(%arg18 : memref<!tpu.dma_semaphore, #tpu.memory_space<semaphore_mem>>) src(%dma_wait3A_245 : memref<10240x64xf32, #tpu.memory_space<hbm>>) dst(%arg13 : memref<128x64xf32, #tpu.memory_space<vmem>>)
      %dma_start3A_246 = arith.constant 0 : i32
      %dma_start3A_247 = tpu.memref_slice %arg9[%add3A_239, %dma_start3A_246] : memref<120x128xi32, #tpu.memory_space<vmem>> -> memref<1x128xi32, #tpu.memory_space<vmem>>
      %dma_start3A_248 = tpu.memref_squeeze %dma_start3A_247 : memref<1x128xi32, #tpu.memory_space<vmem>> -> memref<128xi32, #tpu.memory_space<vmem>>
      %dma_start3A_249 = arith.constant 0 : i32
      %dma_start3A_250 = arith.constant 0 : i32
      %dma_start3A_251 = tpu.memref_slice %arg14[%dma_start3A_249, %dma_start3A_250] : memref<10240x64xf32, #tpu.memory_space<vmem_shared>> -> memref<10240x64xf32, #tpu.memory_space<vmem_shared>>
      tpu.enqueue_indirect_dma source(%arg13 : memref<128x64xf32, #tpu.memory_space<vmem>>) target(%dma_start3A_251 : memref<10240x64xf32, #tpu.memory_space<vmem_shared>>) offsets(%dma_start3A_248 : memref<128xi32, #tpu.memory_space<vmem>>) semaphore(%arg22 : memref<!tpu.dma_semaphore, #tpu.memory_space<semaphore_mem>>) {add = true}
      %add3A_252 = arith.constant 2 : i32
      %add3A_253 = arith.addi %add3A_239, %add3A_252 : i32
      %sub3A_254 = arith.constant 4 : i32
      %sub3A_255 = arith.subi %add3A_253, %sub3A_254 : i32
      %ge3A_256 = arith.constant 0 : i32
      %ge3A_257 = arith.cmpi sge, %sub3A_255, %ge3A_256 : i32
      %convert_element_type3A_258 = arith.extui %ge3A_257 : i1 to i32
      %cond3A_259 = arith.constant 0 : i32
      %cond3A_260 = arith.cmpi ne, %convert_element_type3A_258, %cond3A_259 : i32
      scf.if %cond3A_260 {
        %add3A_267 = arith.constant 2 : i32
        %add3A_268 = arith.addi %add3A_239, %add3A_267 : i32
        %sub3A_269 = arith.constant 4 : i32
        %sub3A_270 = arith.subi %add3A_268, %sub3A_269 : i32
        %dma_wait3A_271 = arith.constant 0 : i32
        %dma_wait3A_272 = tpu.memref_slice %arg9[%sub3A_270, %dma_wait3A_271] : memref<120x128xi32, #tpu.memory_space<vmem>> -> memref<1x128xi32, #tpu.memory_space<vmem>>
        %dma_wait3A_273 = tpu.memref_squeeze %dma_wait3A_272 : memref<1x128xi32, #tpu.memory_space<vmem>> -> memref<128xi32, #tpu.memory_space<vmem>>
        %dma_wait3A_274 = arith.constant 0 : i32
        %dma_wait3A_275 = arith.constant 0 : i32
        %dma_wait3A_276 = tpu.memref_slice %arg14[%dma_wait3A_274, %dma_wait3A_275] : memref<10240x64xf32, #tpu.memory_space<vmem_shared>> -> memref<10240x64xf32, #tpu.memory_space<vmem_shared>>
        tpu.wait_indirect_dma semaphore(%arg20 : memref<!tpu.dma_semaphore, #tpu.memory_space<semaphore_mem>>) src(%arg11 : memref<128x64xf32, #tpu.memory_space<vmem>>) dst(%dma_wait3A_276 : memref<10240x64xf32, #tpu.memory_space<vmem_shared>>)
      } else {
      }
      %add3A_261 = arith.constant 2 : i32
      %add3A_262 = arith.addi %add3A_239, %add3A_261 : i32
      %lt3A_263 = arith.cmpi slt, %add3A_262, %select_n3A : i32
      %convert_element_type3A_264 = arith.extui %lt3A_263 : i1 to i32
      %cond3A_265 = arith.constant 0 : i32
      %cond3A_266 = arith.cmpi ne, %convert_element_type3A_264, %cond3A_265 : i32
      scf.if %cond3A_266 {
        %add3A_267 = arith.constant 2 : i32
        %add3A_268 = arith.addi %add3A_239, %add3A_267 : i32
        %dma_start3A_269 = arith.constant 0 : i32
        %dma_start3A_270 = tpu.memref_slice %arg8[%add3A_268, %dma_start3A_269] : memref<120x128xi32, #tpu.memory_space<vmem>> -> memref<1x128xi32, #tpu.memory_space<vmem>>
        %dma_start3A_271 = tpu.memref_squeeze %dma_start3A_270 : memref<1x128xi32, #tpu.memory_space<vmem>> -> memref<128xi32, #tpu.memory_space<vmem>>
        %dma_start3A_272 = arith.constant 0 : i32
        %dma_start3A_273 = arith.constant 0 : i32
        %dma_start3A_274 = tpu.memref_slice %arg2[%dma_start3A_272, %dma_start3A_273] : memref<10240x64xf32, #tpu.memory_space<hbm>> -> memref<10240x64xf32, #tpu.memory_space<hbm>>
        tpu.enqueue_indirect_dma source(%dma_start3A_274 : memref<10240x64xf32, #tpu.memory_space<hbm>>) target(%arg11 : memref<128x64xf32, #tpu.memory_space<vmem>>) offsets(%dma_start3A_271 : memref<128xi32, #tpu.memory_space<vmem>>) semaphore(%arg16 : memref<!tpu.dma_semaphore, #tpu.memory_space<semaphore_mem>>)
      } else {
      }
    }
    %while3A_126 = arith.constant 1 : i32
    scf.for %while3A_152 = %while3A_124 to %while3A_120 step %while3A_126  : i32 {
      %mul3A_153 = arith.constant 4 : i32
      %mul3A_154 = arith.muli %mul3A_153, %while3A_152 : i32
      %add3A_155 = arith.constant 0 : i32
      %add3A_156 = arith.addi %mul3A_154, %add3A_155 : i32
      %dma_wait3A_157 = arith.constant 0 : i32
      %dma_wait3A_158 = tpu.memref_slice %arg8[%add3A_156, %dma_wait3A_157] : memref<120x128xi32, #tpu.memory_space<vmem>> -> memref<1x128xi32, #tpu.memory_space<vmem>>
      %dma_wait3A_159 = tpu.memref_squeeze %dma_wait3A_158 : memref<1x128xi32, #tpu.memory_space<vmem>> -> memref<128xi32, #tpu.memory_space<vmem>>
      %dma_wait3A_160 = arith.constant 0 : i32
      %dma_wait3A_161 = arith.constant 0 : i32
      %dma_wait3A_162 = tpu.memref_slice %arg2[%dma_wait3A_160, %dma_wait3A_161] : memref<10240x64xf32, #tpu.memory_space<hbm>> -> memref<10240x64xf32, #tpu.memory_space<hbm>>
      tpu.wait_indirect_dma semaphore(%arg15 : memref<!tpu.dma_semaphore, #tpu.memory_space<semaphore_mem>>) src(%dma_wait3A_162 : memref<10240x64xf32, #tpu.memory_space<hbm>>) dst(%arg10 : memref<128x64xf32, #tpu.memory_space<vmem>>)
      %dma_start3A_163 = arith.constant 0 : i32
      %dma_start3A_164 = tpu.memref_slice %arg9[%add3A_156, %dma_start3A_163] : memref<120x128xi32, #tpu.memory_space<vmem>> -> memref<1x128xi32, #tpu.memory_space<vmem>>
      %dma_start3A_165 = tpu.memref_squeeze %dma_start3A_164 : memref<1x128xi32, #tpu.memory_space<vmem>> -> memref<128xi32, #tpu.memory_space<vmem>>
      %dma_start3A_166 = arith.constant 0 : i32
      %dma_start3A_167 = arith.constant 0 : i32
      %dma_start3A_168 = tpu.memref_slice %arg14[%dma_start3A_166, %dma_start3A_167] : memref<10240x64xf32, #tpu.memory_space<vmem_shared>> -> memref<10240x64xf32, #tpu.memory_space<vmem_shared>>
      tpu.enqueue_indirect_dma source(%arg10 : memref<128x64xf32, #tpu.memory_space<vmem>>) target(%dma_start3A_168 : memref<10240x64xf32, #tpu.memory_space<vmem_shared>>) offsets(%dma_start3A_165 : memref<128xi32, #tpu.memory_space<vmem>>) semaphore(%arg19 : memref<!tpu.dma_semaphore, #tpu.memory_space<semaphore_mem>>) {add = true}
      %add3A_169 = arith.constant 2 : i32
      %add3A_170 = arith.addi %add3A_156, %add3A_169 : i32
      %sub3A_171 = arith.constant 4 : i32
      %sub3A_172 = arith.subi %add3A_170, %sub3A_171 : i32
      %ge3A = arith.constant 0 : i32
      %ge3A_173 = arith.cmpi sge, %sub3A_172, %ge3A : i32
      %convert_element_type3A = arith.extui %ge3A_173 : i1 to i32
      %cond3A = arith.constant 0 : i32
      %cond3A_174 = arith.cmpi ne, %convert_element_type3A, %cond3A : i32
      scf.if %cond3A_174 {
        %add3A_267 = arith.constant 2 : i32
        %add3A_268 = arith.addi %add3A_156, %add3A_267 : i32
        %sub3A_269 = arith.constant 4 : i32
        %sub3A_270 = arith.subi %add3A_268, %sub3A_269 : i32
        %dma_wait3A_271 = arith.constant 0 : i32
        %dma_wait3A_272 = tpu.memref_slice %arg9[%sub3A_270, %dma_wait3A_271] : memref<120x128xi32, #tpu.memory_space<vmem>> -> memref<1x128xi32, #tpu.memory_space<vmem>>
        %dma_wait3A_273 = tpu.memref_squeeze %dma_wait3A_272 : memref<1x128xi32, #tpu.memory_space<vmem>> -> memref<128xi32, #tpu.memory_space<vmem>>
        %dma_wait3A_274 = arith.constant 0 : i32
        %dma_wait3A_275 = arith.constant 0 : i32
        %dma_wait3A_276 = tpu.memref_slice %arg14[%dma_wait3A_274, %dma_wait3A_275] : memref<10240x64xf32, #tpu.memory_space<vmem_shared>> -> memref<10240x64xf32, #tpu.memory_space<vmem_shared>>
        tpu.wait_indirect_dma semaphore(%arg21 : memref<!tpu.dma_semaphore, #tpu.memory_space<semaphore_mem>>) src(%arg12 : memref<128x64xf32, #tpu.memory_space<vmem>>) dst(%dma_wait3A_276 : memref<10240x64xf32, #tpu.memory_space<vmem_shared>>)
      } else {
      }
      %add3A_175 = arith.constant 2 : i32
      %add3A_176 = arith.addi %add3A_156, %add3A_175 : i32
      %lt3A = arith.cmpi slt, %add3A_176, %select_n3A : i32
      %convert_element_type3A_177 = arith.extui %lt3A : i1 to i32
      %cond3A_178 = arith.constant 0 : i32
      %cond3A_179 = arith.cmpi ne, %convert_element_type3A_177, %cond3A_178 : i32
      scf.if %cond3A_179 {
        %add3A_267 = arith.constant 2 : i32
        %add3A_268 = arith.addi %add3A_156, %add3A_267 : i32
        %dma_start3A_269 = arith.constant 0 : i32
        %dma_start3A_270 = tpu.memref_slice %arg8[%add3A_268, %dma_start3A_269] : memref<120x128xi32, #tpu.memory_space<vmem>> -> memref<1x128xi32, #tpu.memory_space<vmem>>
        %dma_start3A_271 = tpu.memref_squeeze %dma_start3A_270 : memref<1x128xi32, #tpu.memory_space<vmem>> -> memref<128xi32, #tpu.memory_space<vmem>>
        %dma_start3A_272 = arith.constant 0 : i32
        %dma_start3A_273 = arith.constant 0 : i32
        %dma_start3A_274 = tpu.memref_slice %arg2[%dma_start3A_272, %dma_start3A_273] : memref<10240x64xf32, #tpu.memory_space<hbm>> -> memref<10240x64xf32, #tpu.memory_space<hbm>>
        tpu.enqueue_indirect_dma source(%dma_start3A_274 : memref<10240x64xf32, #tpu.memory_space<hbm>>) target(%arg12 : memref<128x64xf32, #tpu.memory_space<vmem>>) offsets(%dma_start3A_271 : memref<128xi32, #tpu.memory_space<vmem>>) semaphore(%arg17 : memref<!tpu.dma_semaphore, #tpu.memory_space<semaphore_mem>>)
      } else {
      }
      %add3A_180 = arith.constant 1 : i32
      %add3A_181 = arith.addi %mul3A_154, %add3A_180 : i32
      %dma_wait3A_182 = arith.constant 0 : i32
      %dma_wait3A_183 = tpu.memref_slice %arg8[%add3A_181, %dma_wait3A_182] : memref<120x128xi32, #tpu.memory_space<vmem>> -> memref<1x128xi32, #tpu.memory_space<vmem>>
      %dma_wait3A_184 = tpu.memref_squeeze %dma_wait3A_183 : memref<1x128xi32, #tpu.memory_space<vmem>> -> memref<128xi32, #tpu.memory_space<vmem>>
      %dma_wait3A_185 = arith.constant 0 : i32
      %dma_wait3A_186 = arith.constant 0 : i32
      %dma_wait3A_187 = tpu.memref_slice %arg2[%dma_wait3A_185, %dma_wait3A_186] : memref<10240x64xf32, #tpu.memory_space<hbm>> -> memref<10240x64xf32, #tpu.memory_space<hbm>>
      tpu.wait_indirect_dma semaphore(%arg16 : memref<!tpu.dma_semaphore, #tpu.memory_space<semaphore_mem>>) src(%dma_wait3A_187 : memref<10240x64xf32, #tpu.memory_space<hbm>>) dst(%arg11 : memref<128x64xf32, #tpu.memory_space<vmem>>)
      %dma_start3A_188 = arith.constant 0 : i32
      %dma_start3A_189 = tpu.memref_slice %arg9[%add3A_181, %dma_start3A_188] : memref<120x128xi32, #tpu.memory_space<vmem>> -> memref<1x128xi32, #tpu.memory_space<vmem>>
      %dma_start3A_190 = tpu.memref_squeeze %dma_start3A_189 : memref<1x128xi32, #tpu.memory_space<vmem>> -> memref<128xi32, #tpu.memory_space<vmem>>
      %dma_start3A_191 = arith.constant 0 : i32
      %dma_start3A_192 = arith.constant 0 : i32
      %dma_start3A_193 = tpu.memref_slice %arg14[%dma_start3A_191, %dma_start3A_192] : memref<10240x64xf32, #tpu.memory_space<vmem_shared>> -> memref<10240x64xf32, #tpu.memory_space<vmem_shared>>
      tpu.enqueue_indirect_dma source(%arg11 : memref<128x64xf32, #tpu.memory_space<vmem>>) target(%dma_start3A_193 : memref<10240x64xf32, #tpu.memory_space<vmem_shared>>) offsets(%dma_start3A_190 : memref<128xi32, #tpu.memory_space<vmem>>) semaphore(%arg20 : memref<!tpu.dma_semaphore, #tpu.memory_space<semaphore_mem>>) {add = true}
      %add3A_194 = arith.constant 2 : i32
      %add3A_195 = arith.addi %add3A_181, %add3A_194 : i32
      %sub3A_196 = arith.constant 4 : i32
      %sub3A_197 = arith.subi %add3A_195, %sub3A_196 : i32
      %ge3A_198 = arith.constant 0 : i32
      %ge3A_199 = arith.cmpi sge, %sub3A_197, %ge3A_198 : i32
      %convert_element_type3A_200 = arith.extui %ge3A_199 : i1 to i32
      %cond3A_201 = arith.constant 0 : i32
      %cond3A_202 = arith.cmpi ne, %convert_element_type3A_200, %cond3A_201 : i32
      scf.if %cond3A_202 {
        %add3A_267 = arith.constant 2 : i32
        %add3A_268 = arith.addi %add3A_181, %add3A_267 : i32
        %sub3A_269 = arith.constant 4 : i32
        %sub3A_270 = arith.subi %add3A_268, %sub3A_269 : i32
        %dma_wait3A_271 = arith.constant 0 : i32
        %dma_wait3A_272 = tpu.memref_slice %arg9[%sub3A_270, %dma_wait3A_271] : memref<120x128xi32, #tpu.memory_space<vmem>> -> memref<1x128xi32, #tpu.memory_space<vmem>>
        %dma_wait3A_273 = tpu.memref_squeeze %dma_wait3A_272 : memref<1x128xi32, #tpu.memory_space<vmem>> -> memref<128xi32, #tpu.memory_space<vmem>>
        %dma_wait3A_274 = arith.constant 0 : i32
        %dma_wait3A_275 = arith.constant 0 : i32
        %dma_wait3A_276 = tpu.memref_slice %arg14[%dma_wait3A_274, %dma_wait3A_275] : memref<10240x64xf32, #tpu.memory_space<vmem_shared>> -> memref<10240x64xf32, #tpu.memory_space<vmem_shared>>
        tpu.wait_indirect_dma semaphore(%arg22 : memref<!tpu.dma_semaphore, #tpu.memory_space<semaphore_mem>>) src(%arg13 : memref<128x64xf32, #tpu.memory_space<vmem>>) dst(%dma_wait3A_276 : memref<10240x64xf32, #tpu.memory_space<vmem_shared>>)
      } else {
      }
      %add3A_203 = arith.constant 2 : i32
      %add3A_204 = arith.addi %add3A_181, %add3A_203 : i32
      %lt3A_205 = arith.cmpi slt, %add3A_204, %select_n3A : i32
      %convert_element_type3A_206 = arith.extui %lt3A_205 : i1 to i32
      %cond3A_207 = arith.constant 0 : i32
      %cond3A_208 = arith.cmpi ne, %convert_element_type3A_206, %cond3A_207 : i32
      scf.if %cond3A_208 {
        %add3A_267 = arith.constant 2 : i32
        %add3A_268 = arith.addi %add3A_181, %add3A_267 : i32
        %dma_start3A_269 = arith.constant 0 : i32
        %dma_start3A_270 = tpu.memref_slice %arg8[%add3A_268, %dma_start3A_269] : memref<120x128xi32, #tpu.memory_space<vmem>> -> memref<1x128xi32, #tpu.memory_space<vmem>>
        %dma_start3A_271 = tpu.memref_squeeze %dma_start3A_270 : memref<1x128xi32, #tpu.memory_space<vmem>> -> memref<128xi32, #tpu.memory_space<vmem>>
        %dma_start3A_272 = arith.constant 0 : i32
        %dma_start3A_273 = arith.constant 0 : i32
        %dma_start3A_274 = tpu.memref_slice %arg2[%dma_start3A_272, %dma_start3A_273] : memref<10240x64xf32, #tpu.memory_space<hbm>> -> memref<10240x64xf32, #tpu.memory_space<hbm>>
        tpu.enqueue_indirect_dma source(%dma_start3A_274 : memref<10240x64xf32, #tpu.memory_space<hbm>>) target(%arg13 : memref<128x64xf32, #tpu.memory_space<vmem>>) offsets(%dma_start3A_271 : memref<128xi32, #tpu.memory_space<vmem>>) semaphore(%arg18 : memref<!tpu.dma_semaphore, #tpu.memory_space<semaphore_mem>>)
      } else {
      }
      %add3A_209 = arith.constant 2 : i32
      %add3A_210 = arith.addi %mul3A_154, %add3A_209 : i32
      %dma_wait3A_211 = arith.constant 0 : i32
      %dma_wait3A_212 = tpu.memref_slice %arg8[%add3A_210, %dma_wait3A_211] : memref<120x128xi32, #tpu.memory_space<vmem>> -> memref<1x128xi32, #tpu.memory_space<vmem>>
      %dma_wait3A_213 = tpu.memref_squeeze %dma_wait3A_212 : memref<1x128xi32, #tpu.memory_space<vmem>> -> memref<128xi32, #tpu.memory_space<vmem>>
      %dma_wait3A_214 = arith.constant 0 : i32
      %dma_wait3A_215 = arith.constant 0 : i32
      %dma_wait3A_216 = tpu.memref_slice %arg2[%dma_wait3A_214, %dma_wait3A_215] : memref<10240x64xf32, #tpu.memory_space<hbm>> -> memref<10240x64xf32, #tpu.memory_space<hbm>>
      tpu.wait_indirect_dma semaphore(%arg17 : memref<!tpu.dma_semaphore, #tpu.memory_space<semaphore_mem>>) src(%dma_wait3A_216 : memref<10240x64xf32, #tpu.memory_space<hbm>>) dst(%arg12 : memref<128x64xf32, #tpu.memory_space<vmem>>)
      %dma_start3A_217 = arith.constant 0 : i32
      %dma_start3A_218 = tpu.memref_slice %arg9[%add3A_210, %dma_start3A_217] : memref<120x128xi32, #tpu.memory_space<vmem>> -> memref<1x128xi32, #tpu.memory_space<vmem>>
      %dma_start3A_219 = tpu.memref_squeeze %dma_start3A_218 : memref<1x128xi32, #tpu.memory_space<vmem>> -> memref<128xi32, #tpu.memory_space<vmem>>
      %dma_start3A_220 = arith.constant 0 : i32
      %dma_start3A_221 = arith.constant 0 : i32
      %dma_start3A_222 = tpu.memref_slice %arg14[%dma_start3A_220, %dma_start3A_221] : memref<10240x64xf32, #tpu.memory_space<vmem_shared>> -> memref<10240x64xf32, #tpu.memory_space<vmem_shared>>
      tpu.enqueue_indirect_dma source(%arg12 : memref<128x64xf32, #tpu.memory_space<vmem>>) target(%dma_start3A_222 : memref<10240x64xf32, #tpu.memory_space<vmem_shared>>) offsets(%dma_start3A_219 : memref<128xi32, #tpu.memory_space<vmem>>) semaphore(%arg21 : memref<!tpu.dma_semaphore, #tpu.memory_space<semaphore_mem>>) {add = true}
      %add3A_223 = arith.constant 2 : i32
      %add3A_224 = arith.addi %add3A_210, %add3A_223 : i32
      %sub3A_225 = arith.constant 4 : i32
      %sub3A_226 = arith.subi %add3A_224, %sub3A_225 : i32
      %ge3A_227 = arith.constant 0 : i32
      %ge3A_228 = arith.cmpi sge, %sub3A_226, %ge3A_227 : i32
      %convert_element_type3A_229 = arith.extui %ge3A_228 : i1 to i32
      %cond3A_230 = arith.constant 0 : i32
      %cond3A_231 = arith.cmpi ne, %convert_element_type3A_229, %cond3A_230 : i32
      scf.if %cond3A_231 {
        %add3A_267 = arith.constant 2 : i32
        %add3A_268 = arith.addi %add3A_210, %add3A_267 : i32
        %sub3A_269 = arith.constant 4 : i32
        %sub3A_270 = arith.subi %add3A_268, %sub3A_269 : i32
        %dma_wait3A_271 = arith.constant 0 : i32
        %dma_wait3A_272 = tpu.memref_slice %arg9[%sub3A_270, %dma_wait3A_271] : memref<120x128xi32, #tpu.memory_space<vmem>> -> memref<1x128xi32, #tpu.memory_space<vmem>>
        %dma_wait3A_273 = tpu.memref_squeeze %dma_wait3A_272 : memref<1x128xi32, #tpu.memory_space<vmem>> -> memref<128xi32, #tpu.memory_space<vmem>>
        %dma_wait3A_274 = arith.constant 0 : i32
        %dma_wait3A_275 = arith.constant 0 : i32
        %dma_wait3A_276 = tpu.memref_slice %arg14[%dma_wait3A_274, %dma_wait3A_275] : memref<10240x64xf32, #tpu.memory_space<vmem_shared>> -> memref<10240x64xf32, #tpu.memory_space<vmem_shared>>
        tpu.wait_indirect_dma semaphore(%arg19 : memref<!tpu.dma_semaphore, #tpu.memory_space<semaphore_mem>>) src(%arg10 : memref<128x64xf32, #tpu.memory_space<vmem>>) dst(%dma_wait3A_276 : memref<10240x64xf32, #tpu.memory_space<vmem_shared>>)
      } else {
      }
      %add3A_232 = arith.constant 2 : i32
      %add3A_233 = arith.addi %add3A_210, %add3A_232 : i32
      %lt3A_234 = arith.cmpi slt, %add3A_233, %select_n3A : i32
      %convert_element_type3A_235 = arith.extui %lt3A_234 : i1 to i32
      %cond3A_236 = arith.constant 0 : i32
      %cond3A_237 = arith.cmpi ne, %convert_element_type3A_235, %cond3A_236 : i32
      scf.if %cond3A_237 {
        %add3A_267 = arith.constant 2 : i32
        %add3A_268 = arith.addi %add3A_210, %add3A_267 : i32
        %dma_start3A_269 = arith.constant 0 : i32
        %dma_start3A_270 = tpu.memref_slice %arg8[%add3A_268, %dma_start3A_269] : memref<120x128xi32, #tpu.memory_space<vmem>> -> memref<1x128xi32, #tpu.memory_space<vmem>>
        %dma_start3A_271 = tpu.memref_squeeze %dma_start3A_270 : memref<1x128xi32, #tpu.memory_space<vmem>> -> memref<128xi32, #tpu.memory_space<vmem>>
        %dma_start3A_272 = arith.constant 0 : i32
        %dma_start3A_273 = arith.constant 0 : i32
        %dma_start3A_274 = tpu.memref_slice %arg2[%dma_start3A_272, %dma_start3A_273] : memref<10240x64xf32, #tpu.memory_space<hbm>> -> memref<10240x64xf32, #tpu.memory_space<hbm>>
        tpu.enqueue_indirect_dma source(%dma_start3A_274 : memref<10240x64xf32, #tpu.memory_space<hbm>>) target(%arg10 : memref<128x64xf32, #tpu.memory_space<vmem>>) offsets(%dma_start3A_271 : memref<128xi32, #tpu.memory_space<vmem>>) semaphore(%arg15 : memref<!tpu.dma_semaphore, #tpu.memory_space<semaphore_mem>>)
      } else {
      }
      %add3A_238 = arith.constant 3 : i32
      %add3A_239 = arith.addi %mul3A_154, %add3A_238 : i32
      %dma_wait3A_240 = arith.constant 0 : i32
      %dma_wait3A_241 = tpu.memref_slice %arg8[%add3A_239, %dma_wait3A_240] : memref<120x128xi32, #tpu.memory_space<vmem>> -> memref<1x128xi32, #tpu.memory_space<vmem>>
      %dma_wait3A_242 = tpu.memref_squeeze %dma_wait3A_241 : memref<1x128xi32, #tpu.memory_space<vmem>> -> memref<128xi32, #tpu.memory_space<vmem>>
      %dma_wait3A_243 = arith.constant 0 : i32
      %dma_wait3A_244 = arith.constant 0 : i32
      %dma_wait3A_245 = tpu.memref_slice %arg2[%dma_wait3A_243, %dma_wait3A_244] : memref<10240x64xf32, #tpu.memory_space<hbm>> -> memref<10240x64xf32, #tpu.memory_space<hbm>>
      tpu.wait_indirect_dma semaphore(%arg18 : memref<!tpu.dma_semaphore, #tpu.memory_space<semaphore_mem>>) src(%dma_wait3A_245 : memref<10240x64xf32, #tpu.memory_space<hbm>>) dst(%arg13 : memref<128x64xf32, #tpu.memory_space<vmem>>)
      %dma_start3A_246 = arith.constant 0 : i32
      %dma_start3A_247 = tpu.memref_slice %arg9[%add3A_239, %dma_start3A_246] : memref<120x128xi32, #tpu.memory_space<vmem>> -> memref<1x128xi32, #tpu.memory_space<vmem>>
      %dma_start3A_248 = tpu.memref_squeeze %dma_start3A_247 : memref<1x128xi32, #tpu.memory_space<vmem>> -> memref<128xi32, #tpu.memory_space<vmem>>
      %dma_start3A_249 = arith.constant 0 : i32
      %dma_start3A_250 = arith.constant 0 : i32
      %dma_start3A_251 = tpu.memref_slice %arg14[%dma_start3A_249, %dma_start3A_250] : memref<10240x64xf32, #tpu.memory_space<vmem_shared>> -> memref<10240x64xf32, #tpu.memory_space<vmem_shared>>
      tpu.enqueue_indirect_dma source(%arg13 : memref<128x64xf32, #tpu.memory_space<vmem>>) target(%dma_start3A_251 : memref<10240x64xf32, #tpu.memory_space<vmem_shared>>) offsets(%dma_start3A_248 : memref<128xi32, #tpu.memory_space<vmem>>) semaphore(%arg22 : memref<!tpu.dma_semaphore, #tpu.memory_space<semaphore_mem>>) {add = true}
      %add3A_252 = arith.constant 2 : i32
      %add3A_253 = arith.addi %add3A_239, %add3A_252 : i32
      %sub3A_254 = arith.constant 4 : i32
      %sub3A_255 = arith.subi %add3A_253, %sub3A_254 : i32
      %ge3A_256 = arith.constant 0 : i32
      %ge3A_257 = arith.cmpi sge, %sub3A_255, %ge3A_256 : i32
      %convert_element_type3A_258 = arith.extui %ge3A_257 : i1 to i32
      %cond3A_259 = arith.constant 0 : i32
      %cond3A_260 = arith.cmpi ne, %convert_element_type3A_258, %cond3A_259 : i32
      scf.if %cond3A_260 {
        %add3A_267 = arith.constant 2 : i32
        %add3A_268 = arith.addi %add3A_239, %add3A_267 : i32
        %sub3A_269 = arith.constant 4 : i32
        %sub3A_270 = arith.subi %add3A_268, %sub3A_269 : i32
        %dma_wait3A_271 = arith.constant 0 : i32
        %dma_wait3A_272 = tpu.memref_slice %arg9[%sub3A_270, %dma_wait3A_271] : memref<120x128xi32, #tpu.memory_space<vmem>> -> memref<1x128xi32, #tpu.memory_space<vmem>>
        %dma_wait3A_273 = tpu.memref_squeeze %dma_wait3A_272 : memref<1x128xi32, #tpu.memory_space<vmem>> -> memref<128xi32, #tpu.memory_space<vmem>>
        %dma_wait3A_274 = arith.constant 0 : i32
        %dma_wait3A_275 = arith.constant 0 : i32
        %dma_wait3A_276 = tpu.memref_slice %arg14[%dma_wait3A_274, %dma_wait3A_275] : memref<10240x64xf32, #tpu.memory_space<vmem_shared>> -> memref<10240x64xf32, #tpu.memory_space<vmem_shared>>
        tpu.wait_indirect_dma semaphore(%arg20 : memref<!tpu.dma_semaphore, #tpu.memory_space<semaphore_mem>>) src(%arg11 : memref<128x64xf32, #tpu.memory_space<vmem>>) dst(%dma_wait3A_276 : memref<10240x64xf32, #tpu.memory_space<vmem_shared>>)
      } else {
      }
      %add3A_261 = arith.constant 2 : i32
      %add3A_262 = arith.addi %add3A_239, %add3A_261 : i32
      %lt3A_263 = arith.cmpi slt, %add3A_262, %select_n3A : i32
      %convert_element_type3A_264 = arith.extui %lt3A_263 : i1 to i32
      %cond3A_265 = arith.constant 0 : i32
      %cond3A_266 = arith.cmpi ne, %convert_element_type3A_264, %cond3A_265 : i32
      scf.if %cond3A_266 {
        %add3A_267 = arith.constant 2 : i32
        %add3A_268 = arith.addi %add3A_239, %add3A_267 : i32
        %dma_start3A_269 = arith.constant 0 : i32
        %dma_start3A_270 = tpu.memref_slice %arg8[%add3A_268, %dma_start3A_269] : memref<120x128xi32, #tpu.memory_space<vmem>> -> memref<1x128xi32, #tpu.memory_space<vmem>>
        %dma_start3A_271 = tpu.memref_squeeze %dma_start3A_270 : memref<1x128xi32, #tpu.memory_space<vmem>> -> memref<128xi32, #tpu.memory_space<vmem>>
        %dma_start3A_272 = arith.constant 0 : i32
        %dma_start3A_273 = arith.constant 0 : i32
        %dma_start3A_274 = tpu.memref_slice %arg2[%dma_start3A_272, %dma_start3A_273] : memref<10240x64xf32, #tpu.memory_space<hbm>> -> memref<10240x64xf32, #tpu.memory_space<hbm>>
        tpu.enqueue_indirect_dma source(%dma_start3A_274 : memref<10240x64xf32, #tpu.memory_space<hbm>>) target(%arg11 : memref<128x64xf32, #tpu.memory_space<vmem>>) offsets(%dma_start3A_271 : memref<128xi32, #tpu.memory_space<vmem>>) semaphore(%arg16 : memref<!tpu.dma_semaphore, #tpu.memory_space<semaphore_mem>>)
      } else {
      }
    }
    %sub3A_127 = arith.constant 2 : i32
    %sub3A_128 = arith.subi %select_n3A, %sub3A_127 : i32
    %add3A_129 = arith.constant 0 : i32
    %add3A_130 = arith.addi %sub3A_128, %add3A_129 : i32
    %dma_wait3A_131 = arith.constant 0 : i32
    %dma_wait3A_132 = tpu.memref_slice %arg9[%add3A_130, %dma_wait3A_131] : memref<120x128xi32, #tpu.memory_space<vmem>> -> memref<1x128xi32, #tpu.memory_space<vmem>>
    %dma_wait3A_133 = tpu.memref_squeeze %dma_wait3A_132 : memref<1x128xi32, #tpu.memory_space<vmem>> -> memref<128xi32, #tpu.memory_space<vmem>>
    %dma_wait3A_134 = arith.constant 0 : i32
    %dma_wait3A_135 = arith.constant 0 : i32
    %dma_wait3A_136 = tpu.memref_slice %arg14[%dma_wait3A_134, %dma_wait3A_135] : memref<10240x64xf32, #tpu.memory_space<vmem_shared>> -> memref<10240x64xf32, #tpu.memory_space<vmem_shared>>
    tpu.wait_indirect_dma semaphore(%arg21 : memref<!tpu.dma_semaphore, #tpu.memory_space<semaphore_mem>>) src(%arg12 : memref<128x64xf32, #tpu.memory_space<vmem>>) dst(%dma_wait3A_136 : memref<10240x64xf32, #tpu.memory_space<vmem_shared>>)
    %sub3A_137 = arith.constant 2 : i32
    %sub3A_138 = arith.subi %select_n3A, %sub3A_137 : i32
    %add3A_139 = arith.constant 1 : i32
    %add3A_140 = arith.addi %sub3A_138, %add3A_139 : i32
    %dma_wait3A_141 = arith.constant 0 : i32
    %dma_wait3A_142 = tpu.memref_slice %arg9[%add3A_140, %dma_wait3A_141] : memref<120x128xi32, #tpu.memory_space<vmem>> -> memref<1x128xi32, #tpu.memory_space<vmem>>
    %dma_wait3A_143 = tpu.memref_squeeze %dma_wait3A_142 : memref<1x128xi32, #tpu.memory_space<vmem>> -> memref<128xi32, #tpu.memory_space<vmem>>
    %dma_wait3A_144 = arith.constant 0 : i32
    %dma_wait3A_145 = arith.constant 0 : i32
    %dma_wait3A_146 = tpu.memref_slice %arg14[%dma_wait3A_144, %dma_wait3A_145] : memref<10240x64xf32, #tpu.memory_space<vmem_shared>> -> memref<10240x64xf32, #tpu.memory_space<vmem_shared>>
    tpu.wait_indirect_dma semaphore(%arg22 : memref<!tpu.dma_semaphore, #tpu.memory_space<semaphore_mem>>) src(%arg13 : memref<128x64xf32, #tpu.memory_space<vmem>>) dst(%dma_wait3A_146 : memref<10240x64xf32, #tpu.memory_space<vmem_shared>>)
    %barrier3A_147 = arith.constant 0 : index
    tpu.barrier barrier_id(%barrier3A_147)
    %mul3A_148 = arith.constant 640 : i32
    %mul3A_149 = arith.muli %arg1, %mul3A_148 : i32
    %mul3A_150 = arith.constant 640 : i32
    %mul3A_151 = arith.muli %arg1, %mul3A_150 : i32
    "tpu.region"() ({
      %run_scoped3A = tpu.sem_alloc : memref<!tpu.dma_semaphore, #tpu.memory_space<semaphore_mem>>
      %dma_start3A_152 = arith.constant 0 : i32
      %dma_start3A_153 = tpu.memref_slice %arg7[%arg0, %mul3A_151, %dma_start3A_152] : memref<2x10240x64xf32, #tpu.memory_space<hbm>> -> memref<1x640x64xf32, #tpu.memory_space<hbm>>
      %dma_start3A_154 = tpu.memref_squeeze %dma_start3A_153 : memref<1x640x64xf32, #tpu.memory_space<hbm>> -> memref<640x64xf32, #tpu.memory_space<hbm>>
      %dma_start3A_155 = arith.constant 0 : i32
      %dma_start3A_156 = tpu.memref_slice %arg14[%mul3A_149, %dma_start3A_155] : memref<10240x64xf32, #tpu.memory_space<vmem_shared>> -> memref<640x64xf32, #tpu.memory_space<vmem_shared>>
      tpu.enqueue_dma source(%dma_start3A_156 : memref<640x64xf32, #tpu.memory_space<vmem_shared>>) target(%dma_start3A_154 : memref<640x64xf32, #tpu.memory_space<hbm>>) target_semaphore(%run_scoped3A : memref<!tpu.dma_semaphore, #tpu.memory_space<semaphore_mem>>)
      %dma_wait3A_157 = arith.constant 0 : i32
      %dma_wait3A_158 = tpu.memref_slice %arg7[%arg0, %mul3A_151, %dma_wait3A_157] : memref<2x10240x64xf32, #tpu.memory_space<hbm>> -> memref<1x640x64xf32, #tpu.memory_space<hbm>>
      %dma_wait3A_159 = tpu.memref_squeeze %dma_wait3A_158 : memref<1x640x64xf32, #tpu.memory_space<hbm>> -> memref<640x64xf32, #tpu.memory_space<hbm>>
      %dma_wait3A_160 = arith.constant 0 : i32
      %dma_wait3A_161 = tpu.memref_slice %arg14[%mul3A_149, %dma_wait3A_160] : memref<10240x64xf32, #tpu.memory_space<vmem_shared>> -> memref<640x64xf32, #tpu.memory_space<vmem_shared>>
      tpu.wait_dma2 semaphore(%run_scoped3A : memref<!tpu.dma_semaphore, #tpu.memory_space<semaphore_mem>>) src(%dma_wait3A_161 : memref<640x64xf32, #tpu.memory_space<vmem_shared>>) dst(%dma_wait3A_159 : memref<640x64xf32, #tpu.memory_space<hbm>>)
      tpu.yield
    }) : () -> ()
    return
  }
}

module attributes {stable_mosaic.version = 14 : i64} {
  func.func @_embed_body(%arg0: i32, %arg1: memref<512x128xf32, #tpu.memory_space<vmem>>, %arg2: memref<128x64xf32, #tpu.memory_space<vmem>>, %arg3: memref<1x64xf32, #tpu.memory_space<vmem>>, %arg4: memref<512x64xf32, #tpu.memory_space<vmem>>) attributes {dimension_semantics = [#tpu.dimension_semantics<arbitrary>], iteration_bounds = array<i64: 20>, scalar_prefetch = 0 : i64, scratch_operands = 0 : i64, tpu.core_type = #tpu.core_type<tc>, window_params = [{transform_indices = @transform_0, window_bounds = array<i64: 512, 128>}, {pipeline_mode = #tpu.pipeline_mode<synchronous>, transform_indices = @transform_1, window_bounds = array<i64: 128, 64>}, {pipeline_mode = #tpu.pipeline_mode<synchronous>, transform_indices = @transform_2, window_bounds = array<i64: 1, 64>}, {transform_indices = @transform_3, window_bounds = array<i64: 512, 64>}]} {
    %get3A = arith.constant 0 : index
    %get3A_0 = arith.constant 0 : index
    %get3A_1 = vector.load %arg1[%get3A, %get3A_0] : memref<512x128xf32, #tpu.memory_space<vmem>>, vector<512x128xf32>
    %get3A_2 = arith.constant 0 : index
    %get3A_3 = arith.constant 0 : index
    %get3A_4 = vector.load %arg2[%get3A_2, %get3A_3] : memref<128x64xf32, #tpu.memory_space<vmem>>, vector<128x64xf32>
    %dot_general3A = arith.constant dense<0.000000e+00> : vector<512x64xf32>
    %dot_general3A_5 = tpu.matmul %get3A_1, %get3A_4, %dot_general3A {dimension_numbers = #tpu.dot_dimension_numbers<[1], [0], [0], [1], [0, 0, 1, 1], [], []>, transpose_lhs_hint = false} : vector<512x128xf32>, vector<128x64xf32>, vector<512x64xf32> -> vector<512x64xf32>
    %get3A_6 = arith.constant 0 : index
    %get3A_7 = arith.constant 0 : index
    %get3A_8 = vector.load %arg3[%get3A_6, %get3A_7] : memref<1x64xf32, #tpu.memory_space<vmem>>, vector<1x64xf32>
    %add3A = vector.broadcast %get3A_8 : vector<1x64xf32> to vector<512x64xf32>
    %add3A_9 = arith.addf %dot_general3A_5, %add3A : vector<512x64xf32>
    %swap3A = arith.constant 0 : index
    %swap3A_10 = arith.constant 0 : index
    %swap3A_11 = vector.load %arg4[%swap3A, %swap3A_10] : memref<512x64xf32, #tpu.memory_space<vmem>>, vector<512x64xf32>
    tpu.vector_store %arg4[%swap3A, %swap3A_10], %add3A_9 {strides = array<i32>} : memref<512x64xf32, #tpu.memory_space<vmem>>, vector<512x64xf32>,
    return
  }
  func.func @transform_0(%arg0: i32) -> (i32, i32) {
    %c0_i32 = arith.constant 0 : i32
    %c0_i32_0 = arith.constant 0 : i32
    return %arg0, %c0_i32 : i32, i32
  }
  func.func @transform_1(%arg0: i32) -> (i32, i32) {
    %c0_i32 = arith.constant 0 : i32
    %c0_i32_0 = arith.constant 0 : i32
    %c0_i32_1 = arith.constant 0 : i32
    return %c0_i32, %c0_i32_0 : i32, i32
  }
  func.func @transform_2(%arg0: i32) -> (i32, i32) {
    %c0_i32 = arith.constant 0 : i32
    %c0_i32_0 = arith.constant 0 : i32
    %c0_i32_1 = arith.constant 0 : i32
    return %c0_i32, %c0_i32_0 : i32, i32
  }
  func.func @transform_3(%arg0: i32) -> (i32, i32) {
    %c0_i32 = arith.constant 0 : i32
    %c0_i32_0 = arith.constant 0 : i32
    return %arg0, %c0_i32 : i32, i32
  }
}

module attributes {stable_mosaic.version = 14 : i64} {
  func.func @_layer_body(%arg0: i32, %arg1: memref<512x64xf32, #tpu.memory_space<vmem>>, %arg2: memref<2x512x64xf32, #tpu.memory_space<vmem>>, %arg3: memref<2x16x512xf32, #tpu.memory_space<vmem>>, %arg4: memref<64x64xf32, #tpu.memory_space<vmem>>, %arg5: memref<64x64xf32, #tpu.memory_space<vmem>>, %arg6: memref<1x64xf32, #tpu.memory_space<vmem>>, %arg7: memref<64x64xf32, #tpu.memory_space<vmem>>, %arg8: memref<64x64xf32, #tpu.memory_space<vmem>>, %arg9: memref<1x64xf32, #tpu.memory_space<vmem>>, %arg10: memref<1x64xf32, #tpu.memory_space<vmem>>, %arg11: memref<1x64xf32, #tpu.memory_space<vmem>>, %arg12: memref<512x64xf32, #tpu.memory_space<vmem>>) attributes {dimension_semantics = [#tpu.dimension_semantics<arbitrary>], iteration_bounds = array<i64: 20>, scalar_prefetch = 0 : i64, scratch_operands = 0 : i64, tpu.core_type = #tpu.core_type<tc>, window_params = [{transform_indices = @transform_0, window_bounds = array<i64: 512, 64>}, {transform_indices = @transform_1, window_bounds = array<i64: 2, 512, 64>}, {transform_indices = @transform_2, window_bounds = array<i64: 2, 16, 512>}, {pipeline_mode = #tpu.pipeline_mode<synchronous>, transform_indices = @transform_3, window_bounds = array<i64: 64, 64>}, {pipeline_mode = #tpu.pipeline_mode<synchronous>, transform_indices = @transform_4, window_bounds = array<i64: 64, 64>}, {pipeline_mode = #tpu.pipeline_mode<synchronous>, transform_indices = @transform_5, window_bounds = array<i64: 1, 64>}, {pipeline_mode = #tpu.pipeline_mode<synchronous>, transform_indices = @transform_6, window_bounds = array<i64: 64, 64>}, {pipeline_mode = #tpu.pipeline_mode<synchronous>, transform_indices = @transform_7, window_bounds = array<i64: 64, 64>}, {pipeline_mode = #tpu.pipeline_mode<synchronous>, transform_indices = @transform_8, window_bounds = array<i64: 1, 64>}, {pipeline_mode = #tpu.pipeline_mode<synchronous>, transform_indices = @transform_9, window_bounds = array<i64: 1, 64>}, {pipeline_mode = #tpu.pipeline_mode<synchronous>, transform_indices = @transform_10, window_bounds = array<i64: 1, 64>}, {transform_indices = @transform_11, window_bounds = array<i64: 512, 64>}]} {
    %get3A = arith.constant 0 : index
    %get3A_0 = arith.constant 0 : index
    %get3A_1 = vector.load %arg1[%get3A, %get3A_0] : memref<512x64xf32, #tpu.memory_space<vmem>>, vector<512x64xf32>
    %get3A_2 = arith.constant 0 : index
    %get3A_3 = arith.constant 0 : index
    %get3A_4 = arith.constant 0 : index
    %get3A_5 = vector.load %arg2[%get3A_2, %get3A_3, %get3A_4] : memref<2x512x64xf32, #tpu.memory_space<vmem>>, vector<1x512x64xf32>
    %get3A_6 = vector.shape_cast %get3A_5 : vector<1x512x64xf32> to vector<512x64xf32>
    %get3A_7 = arith.constant 1 : index
    %get3A_8 = arith.constant 0 : index
    %get3A_9 = arith.constant 0 : index
    %get3A_10 = vector.load %arg2[%get3A_7, %get3A_8, %get3A_9] : memref<2x512x64xf32, #tpu.memory_space<vmem>>, vector<1x512x64xf32>
    %get3A_11 = vector.shape_cast %get3A_10 : vector<1x512x64xf32> to vector<512x64xf32>
    %add3A = arith.addf %get3A_6, %get3A_11 : vector<512x64xf32>
    %get3A_12 = arith.constant 0 : index
    %get3A_13 = arith.constant 0 : index
    %get3A_14 = arith.constant 0 : index
    %get3A_15 = vector.load %arg3[%get3A_12, %get3A_13, %get3A_14] : memref<2x16x512xf32, #tpu.memory_space<vmem>>, vector<2x16x512xf32>
    %reduce_sum3A = arith.constant dense<0.000000e+00> : vector<512xf32>
    %reduce_sum3A_16 = vector.multi_reduction <add>, %get3A_15, %reduce_sum3A [0, 1] : vector<2x16x512xf32> to vector<512xf32>
    %broadcast_in_dim3A = vector.shape_cast %reduce_sum3A_16 : vector<512xf32> to vector<512x1xf32>
    %max3A = arith.constant 1.000000e+00 : f32
    %max3A_17 = vector.broadcast %max3A : f32 to vector<512x1xf32>
    %max3A_18 = arith.maximumf %broadcast_in_dim3A, %max3A_17 : vector<512x1xf32>
    %get3A_19 = arith.constant 0 : index
    %get3A_20 = arith.constant 0 : index
    %get3A_21 = vector.load %arg4[%get3A_19, %get3A_20] : memref<64x64xf32, #tpu.memory_space<vmem>>, vector<64x64xf32>
    %dot_general3A = arith.constant dense<0.000000e+00> : vector<512x64xf32>
    %dot_general3A_22 = tpu.matmul %add3A, %get3A_21, %dot_general3A {dimension_numbers = #tpu.dot_dimension_numbers<[1], [0], [0], [1], [0, 0, 1, 1], [], []>, transpose_lhs_hint = false} : vector<512x64xf32>, vector<64x64xf32>, vector<512x64xf32> -> vector<512x64xf32>
    %get3A_23 = arith.constant 0 : index
    %get3A_24 = arith.constant 0 : index
    %get3A_25 = vector.load %arg5[%get3A_23, %get3A_24] : memref<64x64xf32, #tpu.memory_space<vmem>>, vector<64x64xf32>
    %dot_general3A_26 = arith.constant dense<0.000000e+00> : vector<512x64xf32>
    %dot_general3A_27 = tpu.matmul %get3A_1, %get3A_25, %dot_general3A_26 {dimension_numbers = #tpu.dot_dimension_numbers<[1], [0], [0], [1], [0, 0, 1, 1], [], []>, transpose_lhs_hint = false} : vector<512x64xf32>, vector<64x64xf32>, vector<512x64xf32> -> vector<512x64xf32>
    %mul3A = vector.broadcast %broadcast_in_dim3A : vector<512x1xf32> to vector<512x64xf32>
    %mul3A_28 = arith.mulf %mul3A, %dot_general3A_27 : vector<512x64xf32>
    %add3A_29 = arith.addf %dot_general3A_22, %mul3A_28 : vector<512x64xf32>
    %get3A_30 = arith.constant 0 : index
    %get3A_31 = arith.constant 0 : index
    %get3A_32 = vector.load %arg6[%get3A_30, %get3A_31] : memref<1x64xf32, #tpu.memory_space<vmem>>, vector<1x64xf32>
    %mul3A_33 = vector.broadcast %broadcast_in_dim3A : vector<512x1xf32> to vector<512x64xf32>
    %mul3A_34 = vector.broadcast %get3A_32 : vector<1x64xf32> to vector<512x64xf32>
    %mul3A_35 = arith.mulf %mul3A_33, %mul3A_34 : vector<512x64xf32>
    %add3A_36 = arith.addf %add3A_29, %mul3A_35 : vector<512x64xf32>
    %div3A = vector.broadcast %max3A_18 : vector<512x1xf32> to vector<512x64xf32>
    %div3A_37 = arith.divf %add3A_36, %div3A : vector<512x64xf32>
    %get3A_38 = arith.constant 0 : index
    %get3A_39 = arith.constant 0 : index
    %get3A_40 = vector.load %arg7[%get3A_38, %get3A_39] : memref<64x64xf32, #tpu.memory_space<vmem>>, vector<64x64xf32>
    %dot_general3A_41 = arith.constant dense<0.000000e+00> : vector<512x64xf32>
    %dot_general3A_42 = tpu.matmul %get3A_1, %get3A_40, %dot_general3A_41 {dimension_numbers = #tpu.dot_dimension_numbers<[1], [0], [0], [1], [0, 0, 1, 1], [], []>, transpose_lhs_hint = false} : vector<512x64xf32>, vector<64x64xf32>, vector<512x64xf32> -> vector<512x64xf32>
    %get3A_43 = arith.constant 0 : index
    %get3A_44 = arith.constant 0 : index
    %get3A_45 = vector.load %arg8[%get3A_43, %get3A_44] : memref<64x64xf32, #tpu.memory_space<vmem>>, vector<64x64xf32>
    %dot_general3A_46 = arith.constant dense<0.000000e+00> : vector<512x64xf32>
    %dot_general3A_47 = tpu.matmul %div3A_37, %get3A_45, %dot_general3A_46 {dimension_numbers = #tpu.dot_dimension_numbers<[1], [0], [0], [1], [0, 0, 1, 1], [], []>, transpose_lhs_hint = false} : vector<512x64xf32>, vector<64x64xf32>, vector<512x64xf32> -> vector<512x64xf32>
    %add3A_48 = arith.addf %dot_general3A_42, %dot_general3A_47 : vector<512x64xf32>
    %get3A_49 = arith.constant 0 : index
    %get3A_50 = arith.constant 0 : index
    %get3A_51 = vector.load %arg9[%get3A_49, %get3A_50] : memref<1x64xf32, #tpu.memory_space<vmem>>, vector<1x64xf32>
    %add3A_52 = vector.broadcast %get3A_51 : vector<1x64xf32> to vector<512x64xf32>
    %add3A_53 = arith.addf %add3A_48, %add3A_52 : vector<512x64xf32>
    %add3A_54 = arith.addf %get3A_1, %add3A_53 : vector<512x64xf32>
    %reduce_sum3A_55 = arith.constant dense<0.000000e+00> : vector<512xf32>
    %reduce_sum3A_56 = vector.multi_reduction <add>, %add3A_54, %reduce_sum3A_55 [1] : vector<512x64xf32> to vector<512xf32>
    %broadcast_in_dim3A_57 = vector.shape_cast %reduce_sum3A_56 : vector<512xf32> to vector<512x1xf32>
    %div3A_58 = arith.constant 6.400000e+01 : f32
    %div3A_59 = vector.broadcast %div3A_58 : f32 to vector<512x1xf32>
    %div3A_60 = arith.divf %broadcast_in_dim3A_57, %div3A_59 : vector<512x1xf32>
    %sub3A = vector.broadcast %div3A_60 : vector<512x1xf32> to vector<512x64xf32>
    %sub3A_61 = arith.subf %add3A_54, %sub3A : vector<512x64xf32>
    %integer_pow3A = arith.mulf %sub3A_61, %sub3A_61 : vector<512x64xf32>
    %reduce_sum3A_62 = arith.constant dense<0.000000e+00> : vector<512xf32>
    %reduce_sum3A_63 = vector.multi_reduction <add>, %integer_pow3A, %reduce_sum3A_62 [1] : vector<512x64xf32> to vector<512xf32>
    %broadcast_in_dim3A_64 = vector.shape_cast %reduce_sum3A_63 : vector<512xf32> to vector<512x1xf32>
    %div3A_65 = arith.constant 6.400000e+01 : f32
    %div3A_66 = vector.broadcast %div3A_65 : f32 to vector<512x1xf32>
    %div3A_67 = arith.divf %broadcast_in_dim3A_64, %div3A_66 : vector<512x1xf32>
    %sub3A_68 = vector.broadcast %div3A_60 : vector<512x1xf32> to vector<512x64xf32>
    %sub3A_69 = arith.subf %add3A_54, %sub3A_68 : vector<512x64xf32>
    %add3A_70 = arith.constant 9.99999974E-6 : f32
    %add3A_71 = vector.broadcast %add3A_70 : f32 to vector<512x1xf32>
    %add3A_72 = arith.addf %div3A_67, %add3A_71 : vector<512x1xf32>
    %rsqrt3A = math.rsqrt %add3A_72 : vector<512x1xf32>
    %mul3A_73 = vector.broadcast %rsqrt3A : vector<512x1xf32> to vector<512x64xf32>
    %mul3A_74 = arith.mulf %sub3A_69, %mul3A_73 : vector<512x64xf32>
    %get3A_75 = arith.constant 0 : index
    %get3A_76 = arith.constant 0 : index
    %get3A_77 = vector.load %arg10[%get3A_75, %get3A_76] : memref<1x64xf32, #tpu.memory_space<vmem>>, vector<1x64xf32>
    %mul3A_78 = vector.broadcast %get3A_77 : vector<1x64xf32> to vector<512x64xf32>
    %mul3A_79 = arith.mulf %mul3A_74, %mul3A_78 : vector<512x64xf32>
    %get3A_80 = arith.constant 0 : index
    %get3A_81 = arith.constant 0 : index
    %get3A_82 = vector.load %arg11[%get3A_80, %get3A_81] : memref<1x64xf32, #tpu.memory_space<vmem>>, vector<1x64xf32>
    %add3A_83 = vector.broadcast %get3A_82 : vector<1x64xf32> to vector<512x64xf32>
    %add3A_84 = arith.addf %mul3A_79, %add3A_83 : vector<512x64xf32>
    %swap3A = arith.constant 0 : index
    %swap3A_85 = arith.constant 0 : index
    %swap3A_86 = vector.load %arg12[%swap3A, %swap3A_85] : memref<512x64xf32, #tpu.memory_space<vmem>>, vector<512x64xf32>
    tpu.vector_store %arg12[%swap3A, %swap3A_85], %add3A_84 {strides = array<i32>} : memref<512x64xf32, #tpu.memory_space<vmem>>, vector<512x64xf32>,
    return
  }
  func.func @transform_0(%arg0: i32) -> (i32, i32) {
    %c0_i32 = arith.constant 0 : i32
    %c0_i32_0 = arith.constant 0 : i32
    return %arg0, %c0_i32 : i32, i32
  }
  func.func @transform_1(%arg0: i32) -> (i32, i32, i32) {
    %c0_i32 = arith.constant 0 : i32
    %c0_i32_0 = arith.constant 0 : i32
    %c0_i32_1 = arith.constant 0 : i32
    return %c0_i32, %arg0, %c0_i32_0 : i32, i32, i32
  }
  func.func @transform_2(%arg0: i32) -> (i32, i32, i32) {
    %c0_i32 = arith.constant 0 : i32
    %c0_i32_0 = arith.constant 0 : i32
    %c0_i32_1 = arith.constant 0 : i32
    return %c0_i32, %c0_i32_0, %arg0 : i32, i32, i32
  }
  func.func @transform_3(%arg0: i32) -> (i32, i32) {
    %c0_i32 = arith.constant 0 : i32
    %c0_i32_0 = arith.constant 0 : i32
    %c0_i32_1 = arith.constant 0 : i32
    return %c0_i32, %c0_i32_0 : i32, i32
  }
  func.func @transform_4(%arg0: i32) -> (i32, i32) {
    %c0_i32 = arith.constant 0 : i32
    %c0_i32_0 = arith.constant 0 : i32
    %c0_i32_1 = arith.constant 0 : i32
    return %c0_i32, %c0_i32_0 : i32, i32
  }
  func.func @transform_5(%arg0: i32) -> (i32, i32) {
    %c0_i32 = arith.constant 0 : i32
    %c0_i32_0 = arith.constant 0 : i32
    %c0_i32_1 = arith.constant 0 : i32
    return %c0_i32, %c0_i32_0 : i32, i32
  }
  func.func @transform_6(%arg0: i32) -> (i32, i32) {
    %c0_i32 = arith.constant 0 : i32
    %c0_i32_0 = arith.constant 0 : i32
    %c0_i32_1 = arith.constant 0 : i32
    return %c0_i32, %c0_i32_0 : i32, i32
  }
  func.func @transform_7(%arg0: i32) -> (i32, i32) {
    %c0_i32 = arith.constant 0 : i32
    %c0_i32_0 = arith.constant 0 : i32
    %c0_i32_1 = arith.constant 0 : i32
    return %c0_i32, %c0_i32_0 : i32, i32
  }
  func.func @transform_8(%arg0: i32) -> (i32, i32) {
    %c0_i32 = arith.constant 0 : i32
    %c0_i32_0 = arith.constant 0 : i32
    %c0_i32_1 = arith.constant 0 : i32
    return %c0_i32, %c0_i32_0 : i32, i32
  }
  func.func @transform_9(%arg0: i32) -> (i32, i32) {
    %c0_i32 = arith.constant 0 : i32
    %c0_i32_0 = arith.constant 0 : i32
    %c0_i32_1 = arith.constant 0 : i32
    return %c0_i32, %c0_i32_0 : i32, i32
  }
  func.func @transform_10(%arg0: i32) -> (i32, i32) {
    %c0_i32 = arith.constant 0 : i32
    %c0_i32_0 = arith.constant 0 : i32
    %c0_i32_1 = arith.constant 0 : i32
    return %c0_i32, %c0_i32_0 : i32, i32
  }
  func.func @transform_11(%arg0: i32) -> (i32, i32) {
    %c0_i32 = arith.constant 0 : i32
    %c0_i32_0 = arith.constant 0 : i32
    return %arg0, %c0_i32 : i32, i32
  }
}

module attributes {stable_mosaic.version = 14 : i64} {
  func.func @_final_body(%arg0: i32, %arg1: memref<512x64xf32, #tpu.memory_space<vmem>>, %arg2: memref<2x512x64xf32, #tpu.memory_space<vmem>>, %arg3: memref<2x16x512xf32, #tpu.memory_space<vmem>>, %arg4: memref<64x64xf32, #tpu.memory_space<vmem>>, %arg5: memref<64x64xf32, #tpu.memory_space<vmem>>, %arg6: memref<1x64xf32, #tpu.memory_space<vmem>>, %arg7: memref<64x64xf32, #tpu.memory_space<vmem>>, %arg8: memref<64x64xf32, #tpu.memory_space<vmem>>, %arg9: memref<1x64xf32, #tpu.memory_space<vmem>>, %arg10: memref<1x64xf32, #tpu.memory_space<vmem>>, %arg11: memref<1x64xf32, #tpu.memory_space<vmem>>, %arg12: memref<64x32xf32, #tpu.memory_space<vmem>>, %arg13: memref<1x32xf32, #tpu.memory_space<vmem>>, %arg14: memref<32x1xf32, #tpu.memory_space<vmem>>, %arg15: memref<1x1xf32, #tpu.memory_space<vmem>>, %arg16: memref<512x1xf32, #tpu.memory_space<vmem>>) attributes {dimension_semantics = [#tpu.dimension_semantics<arbitrary>], iteration_bounds = array<i64: 20>, scalar_prefetch = 0 : i64, scratch_operands = 0 : i64, tpu.core_type = #tpu.core_type<tc>, window_params = [{transform_indices = @transform_0, window_bounds = array<i64: 512, 64>}, {transform_indices = @transform_1, window_bounds = array<i64: 2, 512, 64>}, {transform_indices = @transform_2, window_bounds = array<i64: 2, 16, 512>}, {pipeline_mode = #tpu.pipeline_mode<synchronous>, transform_indices = @transform_3, window_bounds = array<i64: 64, 64>}, {pipeline_mode = #tpu.pipeline_mode<synchronous>, transform_indices = @transform_4, window_bounds = array<i64: 64, 64>}, {pipeline_mode = #tpu.pipeline_mode<synchronous>, transform_indices = @transform_5, window_bounds = array<i64: 1, 64>}, {pipeline_mode = #tpu.pipeline_mode<synchronous>, transform_indices = @transform_6, window_bounds = array<i64: 64, 64>}, {pipeline_mode = #tpu.pipeline_mode<synchronous>, transform_indices = @transform_7, window_bounds = array<i64: 64, 64>}, {pipeline_mode = #tpu.pipeline_mode<synchronous>, transform_indices = @transform_8, window_bounds = array<i64: 1, 64>}, {pipeline_mode = #tpu.pipeline_mode<synchronous>, transform_indices = @transform_9, window_bounds = array<i64: 1, 64>}, {pipeline_mode = #tpu.pipeline_mode<synchronous>, transform_indices = @transform_10, window_bounds = array<i64: 1, 64>}, {pipeline_mode = #tpu.pipeline_mode<synchronous>, transform_indices = @transform_11, window_bounds = array<i64: 64, 32>}, {pipeline_mode = #tpu.pipeline_mode<synchronous>, transform_indices = @transform_12, window_bounds = array<i64: 1, 32>}, {pipeline_mode = #tpu.pipeline_mode<synchronous>, transform_indices = @transform_13, window_bounds = array<i64: 32, 1>}, {pipeline_mode = #tpu.pipeline_mode<synchronous>, transform_indices = @transform_14, window_bounds = array<i64: 1, 1>}, {transform_indices = @transform_15, window_bounds = array<i64: 512, 1>}]} {
    %get3A = arith.constant 0 : index
    %get3A_0 = arith.constant 0 : index
    %get3A_1 = vector.load %arg1[%get3A, %get3A_0] : memref<512x64xf32, #tpu.memory_space<vmem>>, vector<512x64xf32>
    %get3A_2 = arith.constant 0 : index
    %get3A_3 = arith.constant 0 : index
    %get3A_4 = arith.constant 0 : index
    %get3A_5 = vector.load %arg2[%get3A_2, %get3A_3, %get3A_4] : memref<2x512x64xf32, #tpu.memory_space<vmem>>, vector<1x512x64xf32>
    %get3A_6 = vector.shape_cast %get3A_5 : vector<1x512x64xf32> to vector<512x64xf32>
    %get3A_7 = arith.constant 1 : index
    %get3A_8 = arith.constant 0 : index
    %get3A_9 = arith.constant 0 : index
    %get3A_10 = vector.load %arg2[%get3A_7, %get3A_8, %get3A_9] : memref<2x512x64xf32, #tpu.memory_space<vmem>>, vector<1x512x64xf32>
    %get3A_11 = vector.shape_cast %get3A_10 : vector<1x512x64xf32> to vector<512x64xf32>
    %add3A = arith.addf %get3A_6, %get3A_11 : vector<512x64xf32>
    %get3A_12 = arith.constant 0 : index
    %get3A_13 = arith.constant 0 : index
    %get3A_14 = arith.constant 0 : index
    %get3A_15 = vector.load %arg3[%get3A_12, %get3A_13, %get3A_14] : memref<2x16x512xf32, #tpu.memory_space<vmem>>, vector<2x16x512xf32>
    %reduce_sum3A = arith.constant dense<0.000000e+00> : vector<512xf32>
    %reduce_sum3A_16 = vector.multi_reduction <add>, %get3A_15, %reduce_sum3A [0, 1] : vector<2x16x512xf32> to vector<512xf32>
    %broadcast_in_dim3A = vector.shape_cast %reduce_sum3A_16 : vector<512xf32> to vector<512x1xf32>
    %max3A = arith.constant 1.000000e+00 : f32
    %max3A_17 = vector.broadcast %max3A : f32 to vector<512x1xf32>
    %max3A_18 = arith.maximumf %broadcast_in_dim3A, %max3A_17 : vector<512x1xf32>
    %get3A_19 = arith.constant 0 : index
    %get3A_20 = arith.constant 0 : index
    %get3A_21 = vector.load %arg4[%get3A_19, %get3A_20] : memref<64x64xf32, #tpu.memory_space<vmem>>, vector<64x64xf32>
    %dot_general3A = arith.constant dense<0.000000e+00> : vector<512x64xf32>
    %dot_general3A_22 = tpu.matmul %add3A, %get3A_21, %dot_general3A {dimension_numbers = #tpu.dot_dimension_numbers<[1], [0], [0], [1], [0, 0, 1, 1], [], []>, transpose_lhs_hint = false} : vector<512x64xf32>, vector<64x64xf32>, vector<512x64xf32> -> vector<512x64xf32>
    %get3A_23 = arith.constant 0 : index
    %get3A_24 = arith.constant 0 : index
    %get3A_25 = vector.load %arg5[%get3A_23, %get3A_24] : memref<64x64xf32, #tpu.memory_space<vmem>>, vector<64x64xf32>
    %dot_general3A_26 = arith.constant dense<0.000000e+00> : vector<512x64xf32>
    %dot_general3A_27 = tpu.matmul %get3A_1, %get3A_25, %dot_general3A_26 {dimension_numbers = #tpu.dot_dimension_numbers<[1], [0], [0], [1], [0, 0, 1, 1], [], []>, transpose_lhs_hint = false} : vector<512x64xf32>, vector<64x64xf32>, vector<512x64xf32> -> vector<512x64xf32>
    %mul3A = vector.broadcast %broadcast_in_dim3A : vector<512x1xf32> to vector<512x64xf32>
    %mul3A_28 = arith.mulf %mul3A, %dot_general3A_27 : vector<512x64xf32>
    %add3A_29 = arith.addf %dot_general3A_22, %mul3A_28 : vector<512x64xf32>
    %get3A_30 = arith.constant 0 : index
    %get3A_31 = arith.constant 0 : index
    %get3A_32 = vector.load %arg6[%get3A_30, %get3A_31] : memref<1x64xf32, #tpu.memory_space<vmem>>, vector<1x64xf32>
    %mul3A_33 = vector.broadcast %broadcast_in_dim3A : vector<512x1xf32> to vector<512x64xf32>
    %mul3A_34 = vector.broadcast %get3A_32 : vector<1x64xf32> to vector<512x64xf32>
    %mul3A_35 = arith.mulf %mul3A_33, %mul3A_34 : vector<512x64xf32>
    %add3A_36 = arith.addf %add3A_29, %mul3A_35 : vector<512x64xf32>
    %div3A = vector.broadcast %max3A_18 : vector<512x1xf32> to vector<512x64xf32>
    %div3A_37 = arith.divf %add3A_36, %div3A : vector<512x64xf32>
    %get3A_38 = arith.constant 0 : index
    %get3A_39 = arith.constant 0 : index
    %get3A_40 = vector.load %arg7[%get3A_38, %get3A_39] : memref<64x64xf32, #tpu.memory_space<vmem>>, vector<64x64xf32>
    %dot_general3A_41 = arith.constant dense<0.000000e+00> : vector<512x64xf32>
    %dot_general3A_42 = tpu.matmul %get3A_1, %get3A_40, %dot_general3A_41 {dimension_numbers = #tpu.dot_dimension_numbers<[1], [0], [0], [1], [0, 0, 1, 1], [], []>, transpose_lhs_hint = false} : vector<512x64xf32>, vector<64x64xf32>, vector<512x64xf32> -> vector<512x64xf32>
    %get3A_43 = arith.constant 0 : index
    %get3A_44 = arith.constant 0 : index
    %get3A_45 = vector.load %arg8[%get3A_43, %get3A_44] : memref<64x64xf32, #tpu.memory_space<vmem>>, vector<64x64xf32>
    %dot_general3A_46 = arith.constant dense<0.000000e+00> : vector<512x64xf32>
    %dot_general3A_47 = tpu.matmul %div3A_37, %get3A_45, %dot_general3A_46 {dimension_numbers = #tpu.dot_dimension_numbers<[1], [0], [0], [1], [0, 0, 1, 1], [], []>, transpose_lhs_hint = false} : vector<512x64xf32>, vector<64x64xf32>, vector<512x64xf32> -> vector<512x64xf32>
    %add3A_48 = arith.addf %dot_general3A_42, %dot_general3A_47 : vector<512x64xf32>
    %get3A_49 = arith.constant 0 : index
    %get3A_50 = arith.constant 0 : index
    %get3A_51 = vector.load %arg9[%get3A_49, %get3A_50] : memref<1x64xf32, #tpu.memory_space<vmem>>, vector<1x64xf32>
    %add3A_52 = vector.broadcast %get3A_51 : vector<1x64xf32> to vector<512x64xf32>
    %add3A_53 = arith.addf %add3A_48, %add3A_52 : vector<512x64xf32>
    %add3A_54 = arith.addf %get3A_1, %add3A_53 : vector<512x64xf32>
    %reduce_sum3A_55 = arith.constant dense<0.000000e+00> : vector<512xf32>
    %reduce_sum3A_56 = vector.multi_reduction <add>, %add3A_54, %reduce_sum3A_55 [1] : vector<512x64xf32> to vector<512xf32>
    %broadcast_in_dim3A_57 = vector.shape_cast %reduce_sum3A_56 : vector<512xf32> to vector<512x1xf32>
    %div3A_58 = arith.constant 6.400000e+01 : f32
    %div3A_59 = vector.broadcast %div3A_58 : f32 to vector<512x1xf32>
    %div3A_60 = arith.divf %broadcast_in_dim3A_57, %div3A_59 : vector<512x1xf32>
    %sub3A = vector.broadcast %div3A_60 : vector<512x1xf32> to vector<512x64xf32>
    %sub3A_61 = arith.subf %add3A_54, %sub3A : vector<512x64xf32>
    %integer_pow3A = arith.mulf %sub3A_61, %sub3A_61 : vector<512x64xf32>
    %reduce_sum3A_62 = arith.constant dense<0.000000e+00> : vector<512xf32>
    %reduce_sum3A_63 = vector.multi_reduction <add>, %integer_pow3A, %reduce_sum3A_62 [1] : vector<512x64xf32> to vector<512xf32>
    %broadcast_in_dim3A_64 = vector.shape_cast %reduce_sum3A_63 : vector<512xf32> to vector<512x1xf32>
    %div3A_65 = arith.constant 6.400000e+01 : f32
    %div3A_66 = vector.broadcast %div3A_65 : f32 to vector<512x1xf32>
    %div3A_67 = arith.divf %broadcast_in_dim3A_64, %div3A_66 : vector<512x1xf32>
    %sub3A_68 = vector.broadcast %div3A_60 : vector<512x1xf32> to vector<512x64xf32>
    %sub3A_69 = arith.subf %add3A_54, %sub3A_68 : vector<512x64xf32>
    %add3A_70 = arith.constant 9.99999974E-6 : f32
    %add3A_71 = vector.broadcast %add3A_70 : f32 to vector<512x1xf32>
    %add3A_72 = arith.addf %div3A_67, %add3A_71 : vector<512x1xf32>
    %rsqrt3A = math.rsqrt %add3A_72 : vector<512x1xf32>
    %mul3A_73 = vector.broadcast %rsqrt3A : vector<512x1xf32> to vector<512x64xf32>
    %mul3A_74 = arith.mulf %sub3A_69, %mul3A_73 : vector<512x64xf32>
    %get3A_75 = arith.constant 0 : index
    %get3A_76 = arith.constant 0 : index
    %get3A_77 = vector.load %arg10[%get3A_75, %get3A_76] : memref<1x64xf32, #tpu.memory_space<vmem>>, vector<1x64xf32>
    %mul3A_78 = vector.broadcast %get3A_77 : vector<1x64xf32> to vector<512x64xf32>
    %mul3A_79 = arith.mulf %mul3A_74, %mul3A_78 : vector<512x64xf32>
    %get3A_80 = arith.constant 0 : index
    %get3A_81 = arith.constant 0 : index
    %get3A_82 = vector.load %arg11[%get3A_80, %get3A_81] : memref<1x64xf32, #tpu.memory_space<vmem>>, vector<1x64xf32>
    %add3A_83 = vector.broadcast %get3A_82 : vector<1x64xf32> to vector<512x64xf32>
    %add3A_84 = arith.addf %mul3A_79, %add3A_83 : vector<512x64xf32>
    %get3A_85 = arith.constant 0 : index
    %get3A_86 = arith.constant 0 : index
    %get3A_87 = vector.load %arg12[%get3A_85, %get3A_86] : memref<64x32xf32, #tpu.memory_space<vmem>>, vector<64x32xf32>
    %dot_general3A_88 = arith.constant dense<0.000000e+00> : vector<512x32xf32>
    %dot_general3A_89 = tpu.matmul %add3A_84, %get3A_87, %dot_general3A_88 {dimension_numbers = #tpu.dot_dimension_numbers<[1], [0], [0], [1], [0, 0, 1, 1], [], []>, transpose_lhs_hint = false} : vector<512x64xf32>, vector<64x32xf32>, vector<512x32xf32> -> vector<512x32xf32>
    %get3A_90 = arith.constant 0 : index
    %get3A_91 = arith.constant 0 : index
    %get3A_92 = vector.load %arg13[%get3A_90, %get3A_91] : memref<1x32xf32, #tpu.memory_space<vmem>>, vector<1x32xf32>
    %add3A_93 = vector.broadcast %get3A_92 : vector<1x32xf32> to vector<512x32xf32>
    %add3A_94 = arith.addf %dot_general3A_89, %add3A_93 : vector<512x32xf32>
    %mul3A_95 = arith.constant 5.000000e-01 : f32
    %mul3A_96 = vector.broadcast %mul3A_95 : f32 to vector<512x32xf32>
    %mul3A_97 = arith.mulf %mul3A_96, %add3A_94 : vector<512x32xf32>
    %mul3A_98 = arith.constant 0.707106769 : f32
    %mul3A_99 = vector.broadcast %mul3A_98 : f32 to vector<512x32xf32>
    %mul3A_100 = arith.mulf %add3A_94, %mul3A_99 : vector<512x32xf32>
    %erf3A = math.erf %mul3A_100 : vector<512x32xf32>
    %add3A_101 = arith.constant 1.000000e+00 : f32
    %add3A_102 = vector.broadcast %add3A_101 : f32 to vector<512x32xf32>
    %add3A_103 = arith.addf %add3A_102, %erf3A : vector<512x32xf32>
    %mul3A_104 = arith.mulf %mul3A_97, %add3A_103 : vector<512x32xf32>
    %get3A_105 = arith.constant 0 : index
    %get3A_106 = arith.constant 0 : index
    %get3A_107 = vector.load %arg14[%get3A_105, %get3A_106] : memref<32x1xf32, #tpu.memory_space<vmem>>, vector<32x1xf32>
    %dot_general3A_108 = arith.constant dense<0.000000e+00> : vector<512x1xf32>
    %dot_general3A_109 = tpu.matmul %mul3A_104, %get3A_107, %dot_general3A_108 {dimension_numbers = #tpu.dot_dimension_numbers<[1], [0], [0], [1], [0, 0, 1, 1], [], []>, transpose_lhs_hint = false} : vector<512x32xf32>, vector<32x1xf32>, vector<512x1xf32> -> vector<512x1xf32>
    %get3A_110 = arith.constant 0 : index
    %get3A_111 = arith.constant 0 : index
    %get3A_112 = vector.load %arg15[%get3A_110, %get3A_111] : memref<1x1xf32, #tpu.memory_space<vmem>>, vector<1x1xf32>
    %add3A_113 = vector.broadcast %get3A_112 : vector<1x1xf32> to vector<512x1xf32>
    %add3A_114 = arith.addf %dot_general3A_109, %add3A_113 : vector<512x1xf32>
    %neg3A = arith.constant 0.000000e+00 : f32
    %neg3A_115 = vector.broadcast %neg3A : f32 to vector<512x1xf32>
    %neg3A_116 = arith.subf %neg3A_115, %add3A_114 : vector<512x1xf32>
    %exp3A = math.exp %neg3A_116 : vector<512x1xf32>
    %add3A_117 = arith.constant 1.000000e+00 : f32
    %add3A_118 = vector.broadcast %add3A_117 : f32 to vector<512x1xf32>
    %add3A_119 = arith.addf %add3A_118, %exp3A : vector<512x1xf32>
    %div3A_120 = arith.constant 1.000000e+00 : f32
    %div3A_121 = vector.broadcast %div3A_120 : f32 to vector<512x1xf32>
    %div3A_122 = arith.divf %div3A_121, %add3A_119 : vector<512x1xf32>
    %swap3A = arith.constant 0 : index
    %swap3A_123 = arith.constant 0 : index
    %swap3A_124 = vector.load %arg16[%swap3A, %swap3A_123] : memref<512x1xf32, #tpu.memory_space<vmem>>, vector<512x1xf32>
    tpu.vector_store %arg16[%swap3A, %swap3A_123], %div3A_122 {strides = array<i32>} : memref<512x1xf32, #tpu.memory_space<vmem>>, vector<512x1xf32>,
    return
  }
  func.func @transform_0(%arg0: i32) -> (i32, i32) {
    %c0_i32 = arith.constant 0 : i32
    %c0_i32_0 = arith.constant 0 : i32
    return %arg0, %c0_i32 : i32, i32
  }
  func.func @transform_1(%arg0: i32) -> (i32, i32, i32) {
    %c0_i32 = arith.constant 0 : i32
    %c0_i32_0 = arith.constant 0 : i32
    %c0_i32_1 = arith.constant 0 : i32
    return %c0_i32, %arg0, %c0_i32_0 : i32, i32, i32
  }
  func.func @transform_2(%arg0: i32) -> (i32, i32, i32) {
    %c0_i32 = arith.constant 0 : i32
    %c0_i32_0 = arith.constant 0 : i32
    %c0_i32_1 = arith.constant 0 : i32
    return %c0_i32, %c0_i32_0, %arg0 : i32, i32, i32
  }
  func.func @transform_3(%arg0: i32) -> (i32, i32) {
    %c0_i32 = arith.constant 0 : i32
    %c0_i32_0 = arith.constant 0 : i32
    %c0_i32_1 = arith.constant 0 : i32
    return %c0_i32, %c0_i32_0 : i32, i32
  }
  func.func @transform_4(%arg0: i32) -> (i32, i32) {
    %c0_i32 = arith.constant 0 : i32
    %c0_i32_0 = arith.constant 0 : i32
    %c0_i32_1 = arith.constant 0 : i32
    return %c0_i32, %c0_i32_0 : i32, i32
  }
  func.func @transform_5(%arg0: i32) -> (i32, i32) {
    %c0_i32 = arith.constant 0 : i32
    %c0_i32_0 = arith.constant 0 : i32
    %c0_i32_1 = arith.constant 0 : i32
    return %c0_i32, %c0_i32_0 : i32, i32
  }
  func.func @transform_6(%arg0: i32) -> (i32, i32) {
    %c0_i32 = arith.constant 0 : i32
    %c0_i32_0 = arith.constant 0 : i32
    %c0_i32_1 = arith.constant 0 : i32
    return %c0_i32, %c0_i32_0 : i32, i32
  }
  func.func @transform_7(%arg0: i32) -> (i32, i32) {
    %c0_i32 = arith.constant 0 : i32
    %c0_i32_0 = arith.constant 0 : i32
    %c0_i32_1 = arith.constant 0 : i32
    return %c0_i32, %c0_i32_0 : i32, i32
  }
  func.func @transform_8(%arg0: i32) -> (i32, i32) {
    %c0_i32 = arith.constant 0 : i32
    %c0_i32_0 = arith.constant 0 : i32
    %c0_i32_1 = arith.constant 0 : i32
    return %c0_i32, %c0_i32_0 : i32, i32
  }
  func.func @transform_9(%arg0: i32) -> (i32, i32) {
    %c0_i32 = arith.constant 0 : i32
    %c0_i32_0 = arith.constant 0 : i32
    %c0_i32_1 = arith.constant 0 : i32
    return %c0_i32, %c0_i32_0 : i32, i32
  }
  func.func @transform_10(%arg0: i32) -> (i32, i32) {
    %c0_i32 = arith.constant 0 : i32
    %c0_i32_0 = arith.constant 0 : i32
    %c0_i32_1 = arith.constant 0 : i32
    return %c0_i32, %c0_i32_0 : i32, i32
  }
  func.func @transform_11(%arg0: i32) -> (i32, i32) {
    %c0_i32 = arith.constant 0 : i32
    %c0_i32_0 = arith.constant 0 : i32
    %c0_i32_1 = arith.constant 0 : i32
    return %c0_i32, %c0_i32_0 : i32, i32
  }
  func.func @transform_12(%arg0: i32) -> (i32, i32) {
    %c0_i32 = arith.constant 0 : i32
    %c0_i32_0 = arith.constant 0 : i32
    %c0_i32_1 = arith.constant 0 : i32
    return %c0_i32, %c0_i32_0 : i32, i32
  }
  func.func @transform_13(%arg0: i32) -> (i32, i32) {
    %c0_i32 = arith.constant 0 : i32
    %c0_i32_0 = arith.constant 0 : i32
    %c0_i32_1 = arith.constant 0 : i32
    return %c0_i32, %c0_i32_0 : i32, i32
  }
  func.func @transform_14(%arg0: i32) -> (i32, i32) {
    %c0_i32 = arith.constant 0 : i32
    %c0_i32_0 = arith.constant 0 : i32
    %c0_i32_1 = arith.constant 0 : i32
    return %c0_i32, %c0_i32_0 : i32, i32
  }
  func.func @transform_15(%arg0: i32) -> (i32, i32) {
    %c0_i32 = arith.constant 0 : i32
    %c0_i32_0 = arith.constant 0 : i32
    return %arg0, %c0_i32 : i32, i32
  }
}

</mosaic_0001>

<sc_bundles>
// kernel: kernel.10.cloned.1.call-start
scs
__scs_entry_jumppad:
0x0: {  	(pc) =	sbr.rel $0x88, $3  }
0x1: {  	(tag) =	ssettag $0x0;
	lr =	simm.s32 $0x1  }
0x2: {  	[smem:$0x3F8D] =	sst lr;
	_ =	strace $0xD0000000  }
0x3: {  	_ = 	snop  }
0x4: {  	_ = 	snop  }
0x5: {  	_ = 	snop  }
0x6: {  	_ = 	snop  }
0x7: {  	_ = 	snop  }
__scs_overlays_trampoline_lowered:
0x8: {  	[smem:$0x3F9C] =	sst s0  }
0x9: {  	[smem:$0x3F9D] =	sst s1  }
0xa: {  	[smem:$0x3F9E] =	sst s2  }
0xb: {  	[smem:$0x3F9F] =	sst s3  }
0xc: {  	[smem:$0x3FA0] =	sst s4  }
0xd: {  	[smem:$0x3FA1] =	sst s5  }
0xe: {  	[smem:$0x3FA2] =	sst s6  }
0xf: {  	[smem:$0x3FA3] =	sst s7  }
0x10: {  	[smem:$0x3FA4] =	sst s8  }
0x11: {  	[smem:$0x3FA5] =	sst s9;
	s0 =	simm.s32 @!p0 $0x0  }
0x12: {  	s1 =	sld [smem:$0x3F8B];
	s0 =	simm.s32 @p0 $0x1  }
0x13: {  	[smem:$0x3FA6] =	sst s0;
	s0 =	simm.s32 @!p1 $0x0  }
0x14: {  	s2 =	sld [smem:$0x3F8A];
	s0 =	simm.s32 @p1 $0x1  }
0x15: {  	[smem:$0x3FA7] =	sst s0;
	s0 =	simm.s32 @!p2 $0x0  }
0x16: {  	s3 =	sld [smem:$0x3FDB];
	s0 =	simm.s32 @p2 $0x1  }
0x17: {  	s4 =	simm.s32 $0x1BF5;
	[smem:$0x3FA9] =	sst s0  }
0x18: {  	s0 =	sld [smem:$0x3F8C];
	_ =	swait.ge [sflag:s4], $0x0  }
0x19: {  	s7 =	sld [smem:$0x3F8D]  }
0x1a: {  	s8 =	sadd.s32 $0xFFFFE003, lr  }
0x1b: {  	s9 =	sadd.s32 $0xFFFFFEF7, lr;
	s5 =	simm.s32 $0xFFFFFFFF;
	p2 =	slt.u32 s8, $0xFFFFF086  }
0x1c: {  	p1 =	slt.u32 s9, $0xF7A;
	s5 =	simm.s32 @!p2 $0x0  }
0x1d: {  	s5 =	simm.s32 @p1 $0x1;
	p0 =	seq.s32 s7, s2  }
0x1e: {  	s7 =	smul.u32 @!p0 $0xF7A, s2;
	p2 =	seq.s32 @!p0 s5, $0x0  }
0x1f: {  	s9 =	smul.u32 $0xF7A, s1;
	s8 =	simm.s32 @!p0 $0x1BF5;
	p2 =	por !p2, p0  }
0x20: {  	[sflag:s8] =	ssyncset.s32 @!p0 $0xFFFFF086;
	s6 =	sadd.s32 @!p0 s3, s7;
	s7 =	simm.s32 @!p0 $0x108  }
0x21: {  	s3 =	sadd.s32 s3, s9;
	s6 =	sadd.s32 @!p0 $0x88, s6;
	s7 =	simm.s32 @p2 $0x1082  }
0x22: {  	[simem:s7], [sflag:s8] =	dma.local @!p0 [hbm:s6], $0xF7A  }
0x23: {  	s9 =	sor.u32 $0xD0000000, s2;
	s6 =	simm.s32 $0x108;
	_ =	swait.ge @!p0 [sflag:s8], $0x0  }
0x24: {  	s3 =	sadd.s32 $0x88, s3;
	s6 =	simm.s32 @!p1 $0x1082;
	[sflag:s4] =	ssyncset.s32 $0xFFFFF086  }
0x25: {  	[simem:s6], [sflag:s4] =	dma.local [hbm:s3], $0xF7A  }
0x26: {  	[smem:$0x3F8D] =	sst s1;
	(tag) =	ssettag s2;
	_ =	strace s9  }
0x27: {  	s1 =	sld [smem:$0x3F9D]  }
0x28: {  	s2 =	sld [smem:$0x3F9E]  }
0x29: {  	s4 =	sld [smem:$0x3FA0]  }
0x2a: {  	p0 =	seq.s32 s5, $0x0;
	s5 =	sld [smem:$0x3FA1]  }
0x2b: {  	s6 =	sld [smem:$0x3FA2]  }
0x2c: {  	s7 =	sld [smem:$0x3FA3]  }
0x2d: {  	s3 =	simm.s32 $0x108;
	s8 =	sld [smem:$0x3FA4]  }
0x2e: {  	s3 =	simm.s32 @!p0 $0x1082;
	s9 =	sld [smem:$0x3FA5]  }
0x2f: {  	lr =	sadd.s32 s0, s3;
	s0 =	sld [smem:$0x3F9C]  }
0x30: {  	s3 =	sld [smem:$0x3F9F]  }
0x31: {  	[smem:$0x3FA8] =	sst s10  }
0x32: {  	s10 =	sld [smem:$0x3FA6];
	_ =	sdelay $0x3  }
0x33: {  	p0 =	seq.s32 s10, $0x1;
	s10 =	sld [smem:$0x3FA8];
	_ =	sdelay $0x3  }
0x34: {  	[smem:$0x3FA8] =	sst s10  }
0x35: {  	s10 =	sld [smem:$0x3FA7];
	_ =	sdelay $0x3  }
0x36: {  	p1 =	seq.s32 s10, $0x1;
	s10 =	sld [smem:$0x3FA8];
	_ =	sdelay $0x3  }
0x37: {  	[smem:$0x3FA8] =	sst s10  }
0x38: {  	s10 =	sld [smem:$0x3FA9]  }
0x39: {  	_ = 	snop;
	(pc) =	sbr.ind lr, $3  }
0x3a: {  	_ = 	snop  }
0x3b: {  	_ = 	snop  }
0x3c: {  	p2 =	seq.s32 s10, $0x1;
	s10 =	sld [smem:$0x3FA8]  }
0x3d: {  	_ =	shalt  }
0x3e: {  	_ =	shalt  }
0x3f: {  	_ =	shalt  }
0x40: {  	_ =	shalt  }
0x41: {  	_ =	shalt  }
0x42: {  	_ =	shalt  }
0x43: {  	_ =	shalt  }
0x44: {  	_ =	shalt  }
0x45: {  	_ =	shalt  }
0x46: {  	_ =	shalt  }
0x47: {  	_ =	shalt  }
0x48: {  	_ =	shalt  }
0x49: {  	_ =	shalt  }
0x4a: {  	_ =	shalt  }
0x4b: {  	_ =	shalt  }
0x4c: {  	_ =	shalt  }
0x4d: {  	_ =	shalt  }
0x4e: {  	_ =	shalt  }
0x4f: {  	_ =	shalt  }
0x50: {  	_ =	shalt  }
0x51: {  	_ =	shalt  }
0x52: {  	_ =	shalt  }
0x53: {  	_ =	shalt  }
0x54: {  	_ =	shalt  }
0x55: {  	_ =	shalt  }
0x56: {  	_ =	shalt  }
0x57: {  	_ =	shalt  }
0x58: {  	_ =	shalt  }
0x59: {  	_ =	shalt  }
0x5a: {  	_ =	shalt  }
0x5b: {  	_ =	shalt  }
0x5c: {  	_ =	shalt  }
0x5d: {  	_ =	shalt  }
0x5e: {  	_ =	shalt  }
0x5f: {  	_ =	shalt  }
0x60: {  	_ =	shalt  }
0x61: {  	_ =	shalt  }
0x62: {  	_ =	shalt  }
0x63: {  	_ =	shalt  }
0x64: {  	_ =	shalt  }
0x65: {  	_ =	shalt  }
0x66: {  	_ =	shalt  }
0x67: {  	_ =	shalt  }
0x68: {  	_ =	shalt  }
0x69: {  	_ =	shalt  }
0x6a: {  	_ =	shalt  }
0x6b: {  	_ =	shalt  }
0x6c: {  	_ =	shalt  }
0x6d: {  	_ =	shalt  }
0x6e: {  	_ =	shalt  }
0x6f: {  	_ =	shalt  }
0x70: {  	_ =	shalt  }
0x71: {  	_ =	shalt  }
0x72: {  	_ =	shalt  }
0x73: {  	_ =	shalt  }
0x74: {  	_ =	shalt  }
0x75: {  	_ =	shalt  }
0x76: {  	_ =	shalt  }
0x77: {  	_ =	shalt  }
0x78: {  	_ =	shalt  }
0x79: {  	_ =	shalt  }
0x7a: {  	_ =	shalt  }
0x7b: {  	_ =	shalt  }
0x7c: {  	_ =	shalt  }
0x7d: {  	_ =	shalt  }
0x7e: {  	_ =	shalt  }
0x7f: {  	_ =	shalt  }
0x80: {  	_ =	shalt  }
0x81: {  	_ =	shalt  }
0x82: {  	_ =	shalt  }
0x83: {  	_ =	shalt  }
0x84: {  	_ =	shalt  }
0x85: {  	_ =	shalt  }
0x86: {  	_ =	shalt  }
0x87: {  	_ =	shalt  }
.Lfunc_end0:
.L_simem_size_0:
called_computation.1_lowered:
.L_overlay_start_0:
0x88: {  	s2 =	sld [smem:$0x3FD9]  }
0x89: {  	s3 =	sld [smem:$0x3FFE];
	_ =	sdelay $0x1  }
0x8a: {  	s1 =	srdreg.scid  }
0x8b: {  	s0 =	sand.u32 $0x1, s1  }
0x8c: {  	s16 =	sshll.u32 s0, $0xA;
	s2 =	sadd.s32 s3, s2  }
0x8d: {  	s2 =	sadd.s32 s2, s16  }
0x8e: {  	[smem:$0x3FB4] =	sst s2  }
0x8f: {  	_ = 	snop  }
0x90: {  	(tm) =	ssettm $0x1  }
0x91: {  	s17 =	sld [smem:$0x3FFB];
	_ =	sdelay $0x3  }
0x92: {  	_ =	strace s17  }
0x93: {  	s2 =	sld [smem:$0x3FFC];
	_ =	sdelay $0x3  }
0x94: {  	_ =	strace s2  }
0x95: {  	s2 =	sld [smem:$0x3FFD];
	_ =	sdelay $0x3  }
0x96: {  	_ =	strace s2  }
0x97: {  	_ =	strace $0x8FFFFFFF  }
0x98: {  	s18 =	sld [smem:$0x3FDB];
	_ =	sdelay $0x1  }
0x99: {  	s19 =	simm.s32 $_scs_section_size  }
0x9a: {  	s4 =	simm.s32 $_size__tile_overlayer_lowered;
	s5 =	simm.s32 $_tile_overlayer_lowered  }
0x9b: {  	s22 =	simm.s32 $0x1BFF;
	s21 =	sshll.u32 s5, $0x1;
	s2 =	sadd.s32 s19, s18  }
0x9c: {  	s6 =	simm.s32 $0x0;
	s20 =	sshll.u32 s4, $0x1;
	s4 =	sadd.s32 s21, s2  }
0x9d: {  	[timem:s6], [sflag:s22] =	dma.local [hbm:s4], s20  }
0x9e: {  	_ =	swait.ge [sflag:s22], s20  }
0x9f: {  	s3 =	ssub.s32 $0x0, s20;
	[sflag:s22] =	ssyncset.done $0x0  }
0xa0: {  	[sflag:s22] =	ssyncadd.s32 s3;
	_ =	sdelay $0x1  }
0xa1: {  	s23 =	simm.s32 $0x1B8B  }
0xa2: {  	_ =	swait.ge [sflag:s23], $0x1  }
0xa3: {  	[sflag:s23] =	ssyncset.done $0x0  }
0xa4: {  	s25 =	simm.s32 $0x1B8E;
	s24 =	sld [smem:$0x3FFE];
	[sflag:s23] =	ssyncadd.s32 $0xFFFFFFFF  }
0xa5: {  	s26 =	simm.s32 $execute0_lowered;
	[smem:$0x3FD2] =	sst s25  }
0xa6: {  	s4 =	sshll.u32 s26, $0x1;
	_ =	strace $0x80000049;
	[dreg:$0x1] =	wrdreg $0xFFFFFFFF  }
0xa7: {  	s28 =	simm.s32 $_size_execute0_lowered;
	s2 =	sadd.s32 s2, s4;
	[dreg:$0x0] =	wrdreg $0x0  }
0xa8: {  	s4 =	sshll.u32 s28, $0x1;
	[dreg:$0x2] =	wrdreg s2  }
0xa9: {  	[dreg:$0x3] =	wrdreg s4  }
0xaa: {  	[dreg:$0x4] =	wrdreg $0xC0  }
0xab: {  	_ =	task [dreg:s6], $0x5FFFF  }
0xac: {  	[dreg:$0x1] =	wrdreg $0xFFFFFFFF  }
0xad: {  	[dreg:$0x0] =	wrdreg $0x60  }
0xae: {  	[dreg:$0x2] =	wrdreg s24  }
0xaf: {  	[dreg:$0x3] =	wrdreg $0xF8000  }
0xb0: {  	[dreg:$0x4] =	wrdreg $0x9  }
0xb1: {  	_ =	task.clear_ibuf [dreg:s6], $0x5FFFF;
	_ =	strace $0x90000049  }
0xb2: {  	s29 =	simm.s32 $0x9;
	_ =	strace $0x8000004B  }
0xb3: {  	_ =	swait.ge [sflag:s29], $0x1  }
0xb4: {  	[sflag:s29] =	ssyncadd.s32 $0xFFFFFFFF  }
0xb5: {  	_ =	strace $0x9000004B  }
0xb6: {  	_ =	sfence  }
0xb7: {  	s30 =	sld [smem:$0x0];
	_ =	sdelay $0x2  }
0xb8: {  	s31 =	sshll.u32 s1, $0xD;
	s1 =	sshrl.u32 s1, $0x2  }
0xb9: {  	s3 =	sand.u32 $0x4000, s31;
	s1 =	sadd.s32 s1, s30  }
0xba: {  	s0 =	sor.u32 s3, s0;
	s1 =	sshll.u32 s1, $0x11  }
0xbb: {  	s0 =	sor.u32 s1, s0  }
0xbc: {  	s0 =	sadd.s32 $0x8F2B, s0  }
0xbd: {  	[sflag:s0] =	ssyncadd.remote.s32 $0x1  }
0xbe: {  	_ =	sfence.sel $0xFFFF  }
0xbf: {  	[dreg:$0x0] =	wrdreg $0xFFFFFFFF;
	(pc) =	sbr.abs _section_cstart, $3  }
0xc0: {  	[dreg:$0x1] =	wrdreg $0xFFFFFFFF  }
0xc1: {  	_ =	task.clear_ibuf [dreg:s6], $0x2FFFF;
	_ =	strace $0x9FFFFFFF  }
0xc2: {  	(tm) =	ssettm $0x7FFFFFFF  }
0xc3: {  	_ =	shalt  }
tec
execute0_lowered:
.L_overlay_start_1:
0x0: {  	(tag) =	ssettag $0x1  }
0x1: {  	s0 =	rddreg [dreg:$0x0]  }
0x2: {  	s2 =	rddreg [dreg:$0x1]  }
0x3: {  	s3 =	simm.s32 $0x0;
	s1 =	srdreg.scid;
	s13 =	stileid.u32  }
0x4: {  	s16 =	simm.s32 $0x3C00;
	s17 =	simm.s32 $0x80;
	s18 =	simm.s32 $0x7800  }
0x5: {  	s19 =	simm.s32 $0x9800;
	s20 =	simm.s32 $0x1;
	s28 =	simm.s32 $0x3  }
0x6: {  	s30 =	simm.s32 $0x5;
	[smem:$0x7FF] =	sst s3;
	s1 =	sand.u32 $0x1, s1  }
0x7: {  	s5 =	smul.u32 $0xA000, s13;
	s4 =	sadd.s32 $0x2DC00, s0;
	s8 =	sadd.s32 $0x18C00, s0  }
0x8: {  	s9 =	sadd.s32 $0x3C00, s0;
	s10 =	smul.u32 $0x140, s13;
	s14 =	sadd.s32 $0x41C00, s0  }
0x9: {  	s23 =	sshll.u32 s13, $0x6;
	_ =	strace $0x8000004A;
	s6 =	smul.u32 $0xA0000, s1  }
0xa: {  	s7 =	ssub.s32 $0x2, s1;
	s12 =	smul.u32 $0xF0, s1;
	[dreg:$0x3] =	wrdreg s14  }
0xb: {  	p0 =	seq.s32 s1, $0x0;
	s11 =	sshrl.u32 s7, $0x1;
	s22 =	sadd.s32 s5, s2  }
0xc: {  	s6 =	sadd.s32 s5, s6;
	s11 =	ssub.s32 s7, s11;
	s10 =	sadd.s32 s12, s10  }
0xd: {  	s7 =	sor.u32 $0x1C09, s23;
	s15 =	sshrl.u32 s22, $0x3;
	s22 =	simm.s32 $0xB800  }
0xe: {  	s23 =	simm.s32 $0x2;
	s12 =	simm.s32 $0x0;
	s6 =	sshrl.u32 s6, $0x3  }
0xf: {  	s24 =	sshll.u32 s10, $0x4;
	s31 =	smax.u32 s11, $0x1;
	s11 =	simm.s32 $0x9  }
0x10: {  	s0 =	sadd.s32 s6, s0;
	s25 =	sadd.s32 s8, s24;
	[dreg:$0x9] =	wrdreg s31  }
0x11: {  	s6 =	simm.s32 $0x78;
	s5 =	sadd.s32 s9, s24;
	[dreg:$0x4] =	wrdreg s25  }
0x12: {  	s6 =	simm.s32 @!p0 $0x28;
	[dreg:$0x5] =	wrdreg s5;
	s0 =	sadd.s32 $0x43000, s0  }
0x13: {  	s10 =	sadd.s32 s6, s10;
	s29 =	sshll.u32 s6, $0x9;
	[dreg:$0x8] =	wrdreg s0  }
0x14: {  	s0 =	simm.s32 $0x4;
	s26 =	sshll.u32 s10, $0x4;
	s14 =	sadd.s32 $0xFFFFF000, s29  }
0x15: {  	s10 =	simm.s32 $0x8;
	s8 =	sadd.s32 s8, s26;
	s5 =	sadd.s32 s9, s26  }
0x16: {  	s26 =	simm.s32 $0xD800;
	s9 =	simm.s32 $0x7;
	[dreg:$0x6] =	wrdreg s8  }
0x17: {  	[dreg:$0x7] =	wrdreg s5;
	s5 =	simm.s32 $0x6;
	s8 =	simm.s32 $0x280  }
.LBB2_1:
0x18: {  	s1 =	rddreg [dreg:$0x3]  }
0x19: {  	[spmem:s15], [sflag:s7] =	dma.local [hbm:s1], $0x1400  }
0x1a: {  	_ =	swait.ge [sflag:s11], $0x1400  }
0x1b: {  	[sflag:s11] =	ssyncset.done $0x0  }
0x1c: {  	s31 =	rddreg [dreg:$0x4];
	[sflag:s11] =	ssyncadd.s32 $0xFFFFEC00  }
0x1d: {  	[tilespmem:s3], [sflag:$0x9] =	stream.linear.gather [hbm4b:s31+s3], $0x3C00, $0x38;
	[tilespmem:$0x19800] =	vst v63  }
0x1e: {  	_ =	swait.ge [sflag:s11], $0x3C00  }
0x1f: {  	[sflag:s11] =	ssyncset.done $0x0  }
0x20: {  	s13 =	rddreg [dreg:$0x5];
	[sflag:s11] =	ssyncadd.s32 $0xFFFFC400  }
0x21: {  	[tilespmem:s16], [sflag:$0x9] =	stream.linear.gather [hbm4b:s13+s3], $0x3C00, $0x38;
	[tilespmem:$0x19800] =	vst v63  }
0x22: {  	_ =	swait.ge [sflag:s11], $0x3C00  }
0x23: {  	[sflag:s11] =	ssyncset.done $0x0  }
0x24: {  	[sflag:s11] =	ssyncadd.s32 $0xFFFFC400  }
0x25: {  	[bflag:$0x0] =	sbarrier.arrive $0xFFFF  }
0x26: {  	[tilespmem:s18], [sflag:$0x1] =	stream.indirect.gather [hbm4b:s4+s17], $0x40, s3, s17, $0xb8;
	[tilespmem:$0x19800] =	vst v63  }
0x27: {  	_ = 	snop  }
0x28: {  	[tilespmem:s19], [sflag:$0x2] =	stream.indirect.gather [hbm4b:s4+s17], $0x40, s17, s17, $0xb8;
	[tilespmem:$0x19800] =	vst v63  }
0x29: {  	_ =	swait.ge [sflag:s20], $0x2000  }
0x2a: {  	[sflag:s20] =	ssyncset.done $0x0  }
0x2b: {  	[sflag:s20] =	ssyncadd.s32 $0xFFFFE000  }
0x2c: {  	[spmem:s2] =	stream.indirect.scatter.add.f32 [tilespmem:s18], [sflag:$0x5], $0x40, s16, s17, $0xb8;
	[tilespmem:$0x19800] =	vst v63  }
0x2d: {  	s21 =	simm.s32 $0x100  }
0x2e: {  	[tilespmem:s22], [sflag:$0x3] =	stream.indirect.gather [hbm4b:s4+s17], $0x40, s21, s17, $0xb8;
	[tilespmem:$0x19800] =	vst v63  }
0x2f: {  	_ =	swait.ge [sflag:s23], $0x2000  }
0x30: {  	[sflag:s23] =	ssyncset.done $0x0  }
0x31: {  	s24 =	simm.s32 $0x3C80;
	[sflag:s23] =	ssyncadd.s32 $0xFFFFE000  }
0x32: {  	[spmem:s2] =	stream.indirect.scatter.add.f32 [tilespmem:s19], [sflag:$0x6], $0x40, s24, s17, $0xb8;
	[tilespmem:$0x19800] =	vst v63  }
0x33: {  	s25 =	simm.s32 $0x180  }
0x34: {  	[tilespmem:s26], [sflag:$0x4] =	stream.indirect.gather [hbm4b:s4+s17], $0x40, s25, s17, $0xb8;
	[tilespmem:$0x19800] =	vst v63  }
0x35: {  	_ =	swait.ge [sflag:s28], $0x2000  }
0x36: {  	[sflag:s28] =	ssyncset.done $0x0  }
0x37: {  	s31 =	simm.s32 $0x3D00;
	[sflag:s28] =	ssyncadd.s32 $0xFFFFE000  }
0x38: {  	[spmem:s2] =	stream.indirect.scatter.add.f32 [tilespmem:s22], [sflag:$0x7], $0x40, s31, s17, $0xb8;
	[tilespmem:$0x19800] =	vst v63  }
0x39: {  	_ =	swait.ge [sflag:s30], $0x2000  }
0x3a: {  	[sflag:s30] =	ssyncset.done $0x0  }
0x3b: {  	s13 =	simm.s32 $0x200;
	[sflag:s30] =	ssyncadd.s32 $0xFFFFE000  }
0x3c: {  	[tilespmem:s18], [sflag:$0x1] =	stream.indirect.gather [hbm4b:s4+s17], $0x40, s13, s17, $0xb8;
	[tilespmem:$0x19800] =	vst v63  }
0x3d: {  	_ =	swait.ge [sflag:s0], $0x2000  }
0x3e: {  	[sflag:s0] =	ssyncset.done $0x0  }
0x3f: {  	s21 =	simm.s32 $0x3D80;
	[sflag:s0] =	ssyncadd.s32 $0xFFFFE000  }
0x40: {  	[spmem:s2] =	stream.indirect.scatter.add.f32 [tilespmem:s26], [sflag:$0x8], $0x40, s21, s17, $0xb8;
	[tilespmem:$0x19800] =	vst v63  }
0x41: {  	_ =	swait.ge [sflag:s5], $0x2000  }
0x42: {  	[sflag:s5] =	ssyncset.done $0x0  }
0x43: {  	[sflag:s5] =	ssyncadd.s32 $0xFFFFE000  }
0x44: {  	[tilespmem:s19], [sflag:$0x2] =	stream.indirect.gather [hbm4b:s4+s17], $0x40, s8, s17, $0xb8;
	[tilespmem:$0x19800] =	vst v63  }
0x45: {  	_ =	swait.ge [sflag:s20], $0x2000  }
0x46: {  	[sflag:s20] =	ssyncset.done $0x0  }
0x47: {  	s13 =	simm.s32 $0x3E00;
	[sflag:s20] =	ssyncadd.s32 $0xFFFFE000  }
0x48: {  	[spmem:s2] =	stream.indirect.scatter.add.f32 [tilespmem:s18], [sflag:$0x5], $0x40, s13, s17, $0xb8;
	[tilespmem:$0x19800] =	vst v63  }
0x49: {  	p0 =	sle.u32 s6, $0x6;
	_ =	swait.ge [sflag:s9], $0x2000  }
0x4a: {  	s24 =	simm.s32 @!p0 $0x80;
	[sflag:s9] =	ssyncset.done $0x0  }
0x4b: {  	s21 =	simm.s32 @!p0 $0x300;
	s13 =	simm.s32 @!p0 $0xB800;
	[sflag:s9] =	ssyncadd.s32 $0xFFFFE000  }
0x4c: {  	[tilespmem:s13], [sflag:$0x3] =	stream.indirect.gather @!p0 [hbm4b:s4+s24], $0x40, s21, s24, $0xb8;
	[tilespmem:$0x19800] =	vst v63  }
0x4d: {  	_ =	swait.ge [sflag:s23], $0x2000  }
0x4e: {  	[sflag:s23] =	ssyncset.done $0x0  }
0x4f: {  	s24 =	simm.s32 $0x3E80;
	[sflag:s23] =	ssyncadd.s32 $0xFFFFE000  }
0x50: {  	[spmem:s2] =	stream.indirect.scatter.add.f32 [tilespmem:s19], [sflag:$0x6], $0x40, s24, s17, $0xb8;
	[tilespmem:$0x19800] =	vst v63  }
0x51: {  	p0 =	sle.u32 s6, $0x7;
	_ =	swait.ge [sflag:s10], $0x2000  }
0x52: {  	s13 =	simm.s32 @!p0 $0xD800;
	[sflag:s10] =	ssyncset.done $0x0  }
0x53: {  	s21 =	simm.s32 @!p0 $0x380;
	s24 =	simm.s32 @!p0 $0x80;
	[sflag:s10] =	ssyncadd.s32 $0xFFFFE000  }
0x54: {  	[tilespmem:s13], [sflag:$0x4] =	stream.indirect.gather @!p0 [hbm4b:s4+s24], $0x40, s21, s24, $0xb8;
	[tilespmem:$0x19800] =	vst v63  }
0x55: {  	_ =	swait.ge [sflag:s28], $0x2000  }
0x56: {  	[sflag:s28] =	ssyncset.done $0x0  }
0x57: {  	s25 =	simm.s32 $0x3F00;
	[sflag:s28] =	ssyncadd.s32 $0xFFFFE000  }
0x58: {  	[spmem:s2] =	stream.indirect.scatter.add.f32 [tilespmem:s22], [sflag:$0x7], $0x40, s25, s17, $0xb8;
	[tilespmem:$0x19800] =	vst v63  }
0x59: {  	p0 =	sle.u32 s6, $0x8;
	_ =	swait.ge [sflag:s30], $0x2000  }
0x5a: {  	s13 =	simm.s32 @!p0 $0x7800;
	[sflag:s30] =	ssyncset.done $0x0  }
0x5b: {  	s21 =	simm.s32 @!p0 $0x400;
	s24 =	simm.s32 @!p0 $0x80;
	[sflag:s30] =	ssyncadd.s32 $0xFFFFE000  }
0x5c: {  	[tilespmem:s13], [sflag:$0x1] =	stream.indirect.gather @!p0 [hbm4b:s4+s24], $0x40, s21, s24, $0xb8;
	[tilespmem:$0x19800] =	vst v63  }
0x5d: {  	_ =	swait.ge [sflag:s0], $0x2000  }
0x5e: {  	p1 =	sle.u32 s6, $0x9;
	p0 =	sne.s32 s14, $0x800;
	[sflag:s0] =	ssyncset.done $0x0  }
.Ltmp0:
0x5f: {  	s31 =	simm.s32 $0x3F80;
	[sflag:s0] =	ssyncadd.s32 $0xFFFFE000;
	(pc) =	sbr.rel @!p0 .LBB2_3-.Ltmp0, $4  }
0x60: {  	[spmem:s2] =	stream.indirect.scatter.add.f32 [tilespmem:s26], [sflag:$0x8], $0x40, s31, s17, $0xb8;
	[tilespmem:$0x19800] =	vst v63  }
0x61: {  	s29 =	simm.s32 @!p1 $0x80;
	_ =	swait.ge [sflag:s5], $0x2000  }
0x62: {  	s25 =	simm.s32 @!p1 $0x480;
	s21 =	simm.s32 $0x800;
	[sflag:s5] =	ssyncset.done $0x0  }
0x63: {  	s13 =	simm.s32 $0xD;
	s24 =	simm.s32 @!p1 $0x9800;
	[sflag:s5] =	ssyncadd.s32 $0xFFFFE000  }
.LBB2_2:
0x64: {  	[tilespmem:s24], [sflag:$0x2] =	stream.indirect.gather @!p1 [hbm4b:s4+s29], $0x40, s25, s29, $0xb8;
	[tilespmem:$0x19800] =	vst v63  }
0x65: {  	s24 =	smov.u32 s21;
	s21 =	sadd.s32 $0x800, s21;
	_ =	swait.ge [sflag:s20], $0x2000  }
0x66: {  	s25 =	sshra.s32 s24, $0x2;
	p0 =	sne.s32 s14, s21;
	[sflag:s20] =	ssyncset.done $0x0  }
0x67: {  	s31 =	sadd.s32 $0xFFFFFFFD, s13;
	s29 =	sadd.s32 $0x3E00, s25;
	[sflag:s20] =	ssyncadd.s32 $0xFFFFE000  }
0x68: {  	[spmem:s2] =	stream.indirect.scatter.add.f32 [tilespmem:s18], [sflag:$0x5], $0x40, s29, s17, $0xb8;
	[tilespmem:$0x19800] =	vst v63  }
0x69: {  	p1 =	sge.u32 s31, s6;
	_ =	swait.ge [sflag:s9], $0x2000  }
0x6a: {  	s31 =	simm.s32 @!p1 $0xB800;
	s29 =	sshra.s32 @!p1 s24, $0x2;
	[sflag:s9] =	ssyncset.done $0x0  }
0x6b: {  	s1 =	simm.s32 @!p1 $0x80;
	s29 =	sadd.s32 @!p1 $0x300, s29;
	[sflag:s9] =	ssyncadd.s32 $0xFFFFE000  }
0x6c: {  	[tilespmem:s31], [sflag:$0x3] =	stream.indirect.gather @!p1 [hbm4b:s4+s1], $0x40, s29, s1, $0xb8;
	[tilespmem:$0x19800] =	vst v63  }
0x6d: {  	_ =	swait.ge [sflag:s23], $0x2000  }
0x6e: {  	[sflag:s23] =	ssyncset.done $0x0  }
0x6f: {  	s1 =	sadd.s32 $0x3E80, s25;
	s29 =	sadd.s32 $0xFFFFFFFE, s13;
	[sflag:s23] =	ssyncadd.s32 $0xFFFFE000  }
0x70: {  	[spmem:s2] =	stream.indirect.scatter.add.f32 [tilespmem:s19], [sflag:$0x6], $0x40, s1, s17, $0xb8;
	[tilespmem:$0x19800] =	vst v63  }
0x71: {  	p1 =	sge.u32 s29, s6;
	_ =	swait.ge [sflag:s10], $0x2000  }
0x72: {  	s29 =	simm.s32 @!p1 $0xD800;
	s1 =	sshra.s32 @!p1 s24, $0x2;
	[sflag:s10] =	ssyncset.done $0x0  }
0x73: {  	s31 =	simm.s32 @!p1 $0x80;
	s1 =	sadd.s32 @!p1 $0x380, s1;
	[sflag:s10] =	ssyncadd.s32 $0xFFFFE000  }
0x74: {  	[tilespmem:s29], [sflag:$0x4] =	stream.indirect.gather @!p1 [hbm4b:s4+s31], $0x40, s1, s31, $0xb8;
	[tilespmem:$0x19800] =	vst v63  }
0x75: {  	_ =	swait.ge [sflag:s28], $0x2000  }
0x76: {  	[sflag:s28] =	ssyncset.done $0x0  }
0x77: {  	s1 =	sadd.s32 $0x3F00, s25;
	s29 =	sadd.s32 $0xFFFFFFFF, s13;
	[sflag:s28] =	ssyncadd.s32 $0xFFFFE000  }
0x78: {  	[spmem:s2] =	stream.indirect.scatter.add.f32 [tilespmem:s22], [sflag:$0x7], $0x40, s1, s17, $0xb8;
	[tilespmem:$0x19800] =	vst v63  }
0x79: {  	p1 =	sge.u32 s29, s6;
	_ =	swait.ge [sflag:s30], $0x2000  }
0x7a: {  	s29 =	simm.s32 @!p1 $0x7800;
	s1 =	sshra.s32 @!p1 s24, $0x2;
	[sflag:s30] =	ssyncset.done $0x0  }
0x7b: {  	s31 =	simm.s32 @!p1 $0x80;
	s1 =	sadd.s32 @!p1 $0x400, s1;
	[sflag:s30] =	ssyncadd.s32 $0xFFFFE000  }
0x7c: {  	[tilespmem:s29], [sflag:$0x1] =	stream.indirect.gather @!p1 [hbm4b:s4+s31], $0x40, s1, s31, $0xb8;
	[tilespmem:$0x19800] =	vst v63  }
0x7d: {  	_ =	swait.ge [sflag:s0], $0x2000  }
0x7e: {  	[sflag:s0] =	ssyncset.done $0x0  }
.Ltmp1:
0x7f: {  	s1 =	sadd.s32 $0x3F80, s25;
	[sflag:s0] =	ssyncadd.s32 $0xFFFFE000;
	(pc) =	sbr.rel @p0 .LBB2_2-.Ltmp1, $4  }
0x80: {  	[spmem:s2] =	stream.indirect.scatter.add.f32 [tilespmem:s26], [sflag:$0x8], $0x40, s1, s17, $0xb8;
	[tilespmem:$0x19800] =	vst v63  }
0x81: {  	p1 =	sge.u32 s13, s6;
	s13 =	sadd.s32 $0x4, s13;
	_ =	swait.ge [sflag:s5], $0x2000  }
0x82: {  	s1 =	sshra.s32 @!p1 s24, $0x2;
	s24 =	simm.s32 @!p1 $0x9800;
	[sflag:s5] =	ssyncset.done $0x0  }
0x83: {  	s29 =	simm.s32 @!p1 $0x80;
	s25 =	sadd.s32 @!p1 $0x480, s1;
	[sflag:s5] =	ssyncadd.s32 $0xFFFFE000  }
.LBB2_3:
0x84: {  	[tilespmem:s24], [sflag:$0x2] =	stream.indirect.gather @!p1 [hbm4b:s4+s29], $0x40, s25, s29, $0xb8;
	[tilespmem:$0x19800] =	vst v63  }
0x85: {  	_ =	swait.ge [sflag:s20], $0x2000  }
0x86: {  	s1 =	sshra.s32 s21, $0x2;
	[sflag:s20] =	ssyncset.done $0x0  }
0x87: {  	s31 =	sadd.s32 $0xFFFFFFFD, s13;
	s25 =	sadd.s32 $0x3E00, s1;
	[sflag:s20] =	ssyncadd.s32 $0xFFFFE000  }
0x88: {  	[spmem:s2] =	stream.indirect.scatter.add.f32 [tilespmem:s18], [sflag:$0x5], $0x40, s25, s17, $0xb8;
	[tilespmem:$0x19800] =	vst v63  }
0x89: {  	p0 =	sge.u32 s31, s6;
	_ =	swait.ge [sflag:s9], $0x2000  }
0x8a: {  	s24 =	sshra.s32 @!p0 s21, $0x2;
	s29 =	simm.s32 @!p0 $0xB800;
	[sflag:s9] =	ssyncset.done $0x0  }
0x8b: {  	s24 =	sadd.s32 @!p0 $0x300, s24;
	s25 =	simm.s32 @!p0 $0x80;
	[sflag:s9] =	ssyncadd.s32 $0xFFFFE000  }
0x8c: {  	[tilespmem:s29], [sflag:$0x3] =	stream.indirect.gather @!p0 [hbm4b:s4+s25], $0x40, s24, s25, $0xb8;
	[tilespmem:$0x19800] =	vst v63  }
0x8d: {  	_ =	swait.ge [sflag:s23], $0x2000  }
0x8e: {  	[sflag:s23] =	ssyncset.done $0x0  }
0x8f: {  	s31 =	sadd.s32 $0xFFFFFFFE, s13;
	s25 =	sadd.s32 $0x3E80, s1;
	[sflag:s23] =	ssyncadd.s32 $0xFFFFE000  }
0x90: {  	[spmem:s2] =	stream.indirect.scatter.add.f32 [tilespmem:s19], [sflag:$0x6], $0x40, s25, s17, $0xb8;
	[tilespmem:$0x19800] =	vst v63  }
0x91: {  	p0 =	sge.u32 s31, s6;
	_ =	swait.ge [sflag:s10], $0x2000  }
0x92: {  	s24 =	sshra.s32 @!p0 s21, $0x2;
	s29 =	simm.s32 @!p0 $0xD800;
	[sflag:s10] =	ssyncset.done $0x0  }
0x93: {  	s24 =	sadd.s32 @!p0 $0x380, s24;
	s25 =	simm.s32 @!p0 $0x80;
	[sflag:s10] =	ssyncadd.s32 $0xFFFFE000  }
0x94: {  	[tilespmem:s29], [sflag:$0x4] =	stream.indirect.gather @!p0 [hbm4b:s4+s25], $0x40, s24, s25, $0xb8;
	[tilespmem:$0x19800] =	vst v63  }
0x95: {  	_ =	swait.ge [sflag:s28], $0x2000  }
0x96: {  	[sflag:s28] =	ssyncset.done $0x0  }
0x97: {  	s31 =	sadd.s32 $0xFFFFFFFF, s13;
	s25 =	sadd.s32 $0x3F00, s1;
	[sflag:s28] =	ssyncadd.s32 $0xFFFFE000  }
0x98: {  	[spmem:s2] =	stream.indirect.scatter.add.f32 [tilespmem:s22], [sflag:$0x7], $0x40, s25, s17, $0xb8;
	[tilespmem:$0x19800] =	vst v63  }
0x99: {  	p0 =	sge.u32 s31, s6;
	_ =	swait.ge [sflag:s30], $0x2000  }
0x9a: {  	s24 =	sshra.s32 @!p0 s21, $0x2;
	s29 =	simm.s32 @!p0 $0x7800;
	[sflag:s30] =	ssyncset.done $0x0  }
0x9b: {  	s24 =	sadd.s32 @!p0 $0x400, s24;
	s25 =	simm.s32 @!p0 $0x80;
	[sflag:s30] =	ssyncadd.s32 $0xFFFFE000  }
0x9c: {  	[tilespmem:s29], [sflag:$0x1] =	stream.indirect.gather @!p0 [hbm4b:s4+s25], $0x40, s24, s25, $0xb8;
	[tilespmem:$0x19800] =	vst v63  }
0x9d: {  	_ =	swait.ge [sflag:s0], $0x2000  }
0x9e: {  	[sflag:s0] =	ssyncset.done $0x0  }
0x9f: {  	s1 =	sadd.s32 $0x3F80, s1;
	[sflag:s0] =	ssyncadd.s32 $0xFFFFE000  }
0xa0: {  	[spmem:s2] =	stream.indirect.scatter.add.f32 [tilespmem:s26], [sflag:$0x8], $0x40, s1, s17, $0xb8;
	[tilespmem:$0x19800] =	vst v63  }
0xa1: {  	p0 =	sge.u32 s13, s6;
	_ =	swait.ge [sflag:s5], $0x2000  }
0xa2: {  	s13 =	simm.s32 @!p0 $0x80;
	s1 =	sshra.s32 @!p0 s21, $0x2;
	[sflag:s5] =	ssyncset.done $0x0  }
0xa3: {  	s21 =	simm.s32 @!p0 $0x9800;
	s1 =	sadd.s32 @!p0 $0x480, s1;
	[sflag:s5] =	ssyncadd.s32 $0xFFFFE000  }
0xa4: {  	[tilespmem:s21], [sflag:$0x2] =	stream.indirect.gather @!p0 [hbm4b:s4+s13], $0x40, s1, s13, $0xb8;
	[tilespmem:$0x19800] =	vst v63  }
0xa5: {  	_ =	swait.ge [sflag:s9], $0x2000  }
0xa6: {  	[sflag:s9] =	ssyncset.done $0x0  }
0xa7: {  	[sflag:s9] =	ssyncadd.s32 $0xFFFFE000  }
0xa8: {  	_ =	swait.ge [sflag:s10], $0x2000  }
0xa9: {  	s25 =	simm.s32 $0x9;
	[sflag:s10] =	ssyncset.done $0x0  }
0xaa: {  	s1 =	simm.s32 $0x0;
	s24 =	rddreg [dreg:$0x6];
	[sflag:s10] =	ssyncadd.s32 $0xFFFFE000  }
0xab: {  	[tilespmem:s1], [sflag:$0x9] =	stream.linear.gather [hbm4b:s24+s1], $0x3C00, $0x38;
	[tilespmem:$0x19800] =	vst v63  }
0xac: {  	_ =	swait.ge [sflag:s25], $0x3C00  }
0xad: {  	[sflag:s25] =	ssyncset.done $0x0  }
0xae: {  	s31 =	rddreg [dreg:$0x7];
	[sflag:s25] =	ssyncadd.s32 $0xFFFFC400  }
0xaf: {  	[tilespmem:s16], [sflag:$0x9] =	stream.linear.gather [hbm4b:s31+s1], $0x3C00, $0x38;
	[tilespmem:$0x19800] =	vst v63  }
0xb0: {  	_ =	swait.ge [sflag:s25], $0x3C00  }
0xb1: {  	[sflag:s25] =	ssyncset.done $0x0  }
0xb2: {  	[sflag:s25] =	ssyncadd.s32 $0xFFFFC400  }
0xb3: {  	[tilespmem:s18], [sflag:$0x1] =	stream.indirect.gather [hbm4b:s4+s17], $0x40, s1, s17, $0xb8;
	[tilespmem:$0x19800] =	vst v63  }
0xb4: {  	_ = 	snop  }
0xb5: {  	[tilespmem:s19], [sflag:$0x2] =	stream.indirect.gather [hbm4b:s4+s17], $0x40, s17, s17, $0xb8;
	[tilespmem:$0x19800] =	vst v63  }
0xb6: {  	_ =	swait.ge [sflag:s20], $0x2000  }
0xb7: {  	[sflag:s20] =	ssyncset.done $0x0  }
0xb8: {  	[sflag:s20] =	ssyncadd.s32 $0xFFFFE000  }
0xb9: {  	[spmem:s2] =	stream.indirect.scatter.add.f32 [tilespmem:s18], [sflag:$0x5], $0x40, s16, s17, $0xb8;
	[tilespmem:$0x19800] =	vst v63  }
0xba: {  	s13 =	simm.s32 $0x100  }
0xbb: {  	[tilespmem:s22], [sflag:$0x3] =	stream.indirect.gather [hbm4b:s4+s17], $0x40, s13, s17, $0xb8;
	[tilespmem:$0x19800] =	vst v63  }
0xbc: {  	_ =	swait.ge [sflag:s23], $0x2000  }
0xbd: {  	[sflag:s23] =	ssyncset.done $0x0  }
0xbe: {  	s21 =	simm.s32 $0x3C80;
	[sflag:s23] =	ssyncadd.s32 $0xFFFFE000  }
0xbf: {  	[spmem:s2] =	stream.indirect.scatter.add.f32 [tilespmem:s19], [sflag:$0x6], $0x40, s21, s17, $0xb8;
	[tilespmem:$0x19800] =	vst v63  }
0xc0: {  	s24 =	simm.s32 $0x180  }
0xc1: {  	[tilespmem:s26], [sflag:$0x4] =	stream.indirect.gather [hbm4b:s4+s17], $0x40, s24, s17, $0xb8;
	[tilespmem:$0x19800] =	vst v63  }
0xc2: {  	_ =	swait.ge [sflag:s28], $0x2000  }
0xc3: {  	[sflag:s28] =	ssyncset.done $0x0  }
0xc4: {  	s25 =	simm.s32 $0x3D00;
	[sflag:s28] =	ssyncadd.s32 $0xFFFFE000  }
0xc5: {  	[spmem:s2] =	stream.indirect.scatter.add.f32 [tilespmem:s22], [sflag:$0x7], $0x40, s25, s17, $0xb8;
	[tilespmem:$0x19800] =	vst v63  }
0xc6: {  	_ =	swait.ge [sflag:s30], $0x2000  }
0xc7: {  	[sflag:s30] =	ssyncset.done $0x0  }
0xc8: {  	s31 =	simm.s32 $0x200;
	[sflag:s30] =	ssyncadd.s32 $0xFFFFE000  }
0xc9: {  	[tilespmem:s18], [sflag:$0x1] =	stream.indirect.gather [hbm4b:s4+s17], $0x40, s31, s17, $0xb8;
	[tilespmem:$0x19800] =	vst v63  }
0xca: {  	_ =	swait.ge [sflag:s0], $0x2000  }
0xcb: {  	[sflag:s0] =	ssyncset.done $0x0  }
0xcc: {  	s13 =	simm.s32 $0x3D80;
	[sflag:s0] =	ssyncadd.s32 $0xFFFFE000  }
0xcd: {  	[spmem:s2] =	stream.indirect.scatter.add.f32 [tilespmem:s26], [sflag:$0x8], $0x40, s13, s17, $0xb8;
	[tilespmem:$0x19800] =	vst v63  }
0xce: {  	_ =	swait.ge [sflag:s5], $0x2000  }
0xcf: {  	[sflag:s5] =	ssyncset.done $0x0  }
0xd0: {  	[sflag:s5] =	ssyncadd.s32 $0xFFFFE000  }
0xd1: {  	[tilespmem:s19], [sflag:$0x2] =	stream.indirect.gather [hbm4b:s4+s17], $0x40, s8, s17, $0xb8;
	[tilespmem:$0x19800] =	vst v63  }
0xd2: {  	_ =	swait.ge [sflag:s20], $0x2000  }
0xd3: {  	[sflag:s20] =	ssyncset.done $0x0  }
0xd4: {  	s21 =	simm.s32 $0x3E00;
	[sflag:s20] =	ssyncadd.s32 $0xFFFFE000  }
0xd5: {  	[spmem:s2] =	stream.indirect.scatter.add.f32 [tilespmem:s18], [sflag:$0x5], $0x40, s21, s17, $0xb8;
	[tilespmem:$0x19800] =	vst v63  }
0xd6: {  	p0 =	sle.u32 s6, $0x6;
	_ =	swait.ge [sflag:s9], $0x2000  }
0xd7: {  	s1 =	simm.s32 @!p0 $0xB800;
	[sflag:s9] =	ssyncset.done $0x0  }
0xd8: {  	s13 =	simm.s32 @!p0 $0x300;
	s21 =	simm.s32 @!p0 $0x80;
	[sflag:s9] =	ssyncadd.s32 $0xFFFFE000  }
0xd9: {  	[tilespmem:s1], [sflag:$0x3] =	stream.indirect.gather @!p0 [hbm4b:s4+s21], $0x40, s13, s21, $0xb8;
	[tilespmem:$0x19800] =	vst v63  }
0xda: {  	_ =	swait.ge [sflag:s23], $0x2000  }
0xdb: {  	[sflag:s23] =	ssyncset.done $0x0  }
0xdc: {  	s24 =	simm.s32 $0x3E80;
	[sflag:s23] =	ssyncadd.s32 $0xFFFFE000  }
0xdd: {  	[spmem:s2] =	stream.indirect.scatter.add.f32 [tilespmem:s19], [sflag:$0x6], $0x40, s24, s17, $0xb8;
	[tilespmem:$0x19800] =	vst v63  }
0xde: {  	p0 =	sle.u32 s6, $0x7;
	_ =	swait.ge [sflag:s10], $0x2000  }
0xdf: {  	s1 =	simm.s32 @!p0 $0xD800;
	[sflag:s10] =	ssyncset.done $0x0  }
0xe0: {  	s13 =	simm.s32 @!p0 $0x380;
	s21 =	simm.s32 @!p0 $0x80;
	[sflag:s10] =	ssyncadd.s32 $0xFFFFE000  }
0xe1: {  	[tilespmem:s1], [sflag:$0x4] =	stream.indirect.gather @!p0 [hbm4b:s4+s21], $0x40, s13, s21, $0xb8;
	[tilespmem:$0x19800] =	vst v63  }
0xe2: {  	_ =	swait.ge [sflag:s28], $0x2000  }
0xe3: {  	[sflag:s28] =	ssyncset.done $0x0  }
0xe4: {  	s25 =	simm.s32 $0x3F00;
	[sflag:s28] =	ssyncadd.s32 $0xFFFFE000  }
0xe5: {  	[spmem:s2] =	stream.indirect.scatter.add.f32 [tilespmem:s22], [sflag:$0x7], $0x40, s25, s17, $0xb8;
	[tilespmem:$0x19800] =	vst v63  }
0xe6: {  	p0 =	sle.u32 s6, $0x8;
	_ =	swait.ge [sflag:s30], $0x2000  }
0xe7: {  	s1 =	simm.s32 @!p0 $0x7800;
	[sflag:s30] =	ssyncset.done $0x0  }
0xe8: {  	s13 =	simm.s32 @!p0 $0x400;
	s21 =	simm.s32 @!p0 $0x80;
	[sflag:s30] =	ssyncadd.s32 $0xFFFFE000  }
0xe9: {  	[tilespmem:s1], [sflag:$0x1] =	stream.indirect.gather @!p0 [hbm4b:s4+s21], $0x40, s13, s21, $0xb8;
	[tilespmem:$0x19800] =	vst v63  }
0xea: {  	_ =	swait.ge [sflag:s0], $0x2000  }
0xeb: {  	p1 =	sle.u32 s6, $0x9;
	p0 =	sne.s32 s14, $0x800;
	[sflag:s0] =	ssyncset.done $0x0  }
.Ltmp2:
0xec: {  	s31 =	simm.s32 $0x3F80;
	[sflag:s0] =	ssyncadd.s32 $0xFFFFE000;
	(pc) =	sbr.rel @!p0 .LBB2_5-.Ltmp2, $4  }
0xed: {  	[spmem:s2] =	stream.indirect.scatter.add.f32 [tilespmem:s26], [sflag:$0x8], $0x40, s31, s17, $0xb8;
	[tilespmem:$0x19800] =	vst v63  }
0xee: {  	s29 =	simm.s32 @!p1 $0x80;
	_ =	swait.ge [sflag:s5], $0x2000  }
0xef: {  	s24 =	simm.s32 @!p1 $0x9800;
	s25 =	simm.s32 @!p1 $0x480;
	[sflag:s5] =	ssyncset.done $0x0  }
0xf0: {  	s21 =	simm.s32 $0x800;
	s13 =	simm.s32 $0xD;
	[sflag:s5] =	ssyncadd.s32 $0xFFFFE000  }
.LBB2_4:
0xf1: {  	[tilespmem:s24], [sflag:$0x2] =	stream.indirect.gather @!p1 [hbm4b:s4+s29], $0x40, s25, s29, $0xb8;
	[tilespmem:$0x19800] =	vst v63  }
0xf2: {  	s24 =	smov.u32 s21;
	s21 =	sadd.s32 $0x800, s21;
	_ =	swait.ge [sflag:s20], $0x2000  }
0xf3: {  	s25 =	sshra.s32 s24, $0x2;
	p0 =	sne.s32 s14, s21;
	[sflag:s20] =	ssyncset.done $0x0  }
0xf4: {  	s29 =	sadd.s32 $0xFFFFFFFD, s13;
	s1 =	sadd.s32 $0x3E00, s25;
	[sflag:s20] =	ssyncadd.s32 $0xFFFFE000  }
0xf5: {  	[spmem:s2] =	stream.indirect.scatter.add.f32 [tilespmem:s18], [sflag:$0x5], $0x40, s1, s17, $0xb8;
	[tilespmem:$0x19800] =	vst v63  }
0xf6: {  	p1 =	sge.u32 s29, s6;
	_ =	swait.ge [sflag:s9], $0x2000  }
0xf7: {  	s29 =	simm.s32 @!p1 $0xB800;
	s1 =	sshra.s32 @!p1 s24, $0x2;
	[sflag:s9] =	ssyncset.done $0x0  }
0xf8: {  	s31 =	simm.s32 @!p1 $0x80;
	s1 =	sadd.s32 @!p1 $0x300, s1;
	[sflag:s9] =	ssyncadd.s32 $0xFFFFE000  }
0xf9: {  	[tilespmem:s29], [sflag:$0x3] =	stream.indirect.gather @!p1 [hbm4b:s4+s31], $0x40, s1, s31, $0xb8;
	[tilespmem:$0x19800] =	vst v63  }
0xfa: {  	_ =	swait.ge [sflag:s23], $0x2000  }
0xfb: {  	[sflag:s23] =	ssyncset.done $0x0  }
0xfc: {  	s1 =	sadd.s32 $0x3E80, s25;
	s29 =	sadd.s32 $0xFFFFFFFE, s13;
	[sflag:s23] =	ssyncadd.s32 $0xFFFFE000  }
0xfd: {  	[spmem:s2] =	stream.indirect.scatter.add.f32 [tilespmem:s19], [sflag:$0x6], $0x40, s1, s17, $0xb8;
	[tilespmem:$0x19800] =	vst v63  }
0xfe: {  	p1 =	sge.u32 s29, s6;
	_ =	swait.ge [sflag:s10], $0x2000  }
0xff: {  	s29 =	simm.s32 @!p1 $0xD800;
	s1 =	sshra.s32 @!p1 s24, $0x2;
	[sflag:s10] =	ssyncset.done $0x0  }
0x100: {  	s31 =	simm.s32 @!p1 $0x80;
	s1 =	sadd.s32 @!p1 $0x380, s1;
	[sflag:s10] =	ssyncadd.s32 $0xFFFFE000  }
0x101: {  	[tilespmem:s29], [sflag:$0x4] =	stream.indirect.gather @!p1 [hbm4b:s4+s31], $0x40, s1, s31, $0xb8;
	[tilespmem:$0x19800] =	vst v63  }
0x102: {  	_ =	swait.ge [sflag:s28], $0x2000  }
0x103: {  	[sflag:s28] =	ssyncset.done $0x0  }
0x104: {  	s1 =	sadd.s32 $0x3F00, s25;
	s29 =	sadd.s32 $0xFFFFFFFF, s13;
	[sflag:s28] =	ssyncadd.s32 $0xFFFFE000  }
0x105: {  	[spmem:s2] =	stream.indirect.scatter.add.f32 [tilespmem:s22], [sflag:$0x7], $0x40, s1, s17, $0xb8;
	[tilespmem:$0x19800] =	vst v63  }
0x106: {  	p1 =	sge.u32 s29, s6;
	_ =	swait.ge [sflag:s30], $0x2000  }
0x107: {  	s29 =	simm.s32 @!p1 $0x7800;
	s1 =	sshra.s32 @!p1 s24, $0x2;
	[sflag:s30] =	ssyncset.done $0x0  }
0x108: {  	s31 =	simm.s32 @!p1 $0x80;
	s1 =	sadd.s32 @!p1 $0x400, s1;
	[sflag:s30] =	ssyncadd.s32 $0xFFFFE000  }
0x109: {  	[tilespmem:s29], [sflag:$0x1] =	stream.indirect.gather @!p1 [hbm4b:s4+s31], $0x40, s1, s31, $0xb8;
	[tilespmem:$0x19800] =	vst v63  }
0x10a: {  	_ =	swait.ge [sflag:s0], $0x2000  }
0x10b: {  	[sflag:s0] =	ssyncset.done $0x0  }
.Ltmp3:
0x10c: {  	s1 =	sadd.s32 $0x3F80, s25;
	[sflag:s0] =	ssyncadd.s32 $0xFFFFE000;
	(pc) =	sbr.rel @p0 .LBB2_4-.Ltmp3, $4  }
0x10d: {  	[spmem:s2] =	stream.indirect.scatter.add.f32 [tilespmem:s26], [sflag:$0x8], $0x40, s1, s17, $0xb8;
	[tilespmem:$0x19800] =	vst v63  }
0x10e: {  	p1 =	sge.u32 s13, s6;
	s13 =	sadd.s32 $0x4, s13;
	_ =	swait.ge [sflag:s5], $0x2000  }
0x10f: {  	s1 =	sshra.s32 @!p1 s24, $0x2;
	s24 =	simm.s32 @!p1 $0x9800;
	[sflag:s5] =	ssyncset.done $0x0  }
0x110: {  	s29 =	simm.s32 @!p1 $0x80;
	s25 =	sadd.s32 @!p1 $0x480, s1;
	[sflag:s5] =	ssyncadd.s32 $0xFFFFE000  }
.LBB2_5:
0x111: {  	[tilespmem:s24], [sflag:$0x2] =	stream.indirect.gather @!p1 [hbm4b:s4+s29], $0x40, s25, s29, $0xb8;
	[tilespmem:$0x19800] =	vst v63  }
0x112: {  	_ =	swait.ge [sflag:s20], $0x2000  }
0x113: {  	s1 =	sshra.s32 s21, $0x2;
	[sflag:s20] =	ssyncset.done $0x0  }
0x114: {  	s31 =	sadd.s32 $0xFFFFFFFD, s13;
	s29 =	sadd.s32 $0x3E00, s1;
	[sflag:s20] =	ssyncadd.s32 $0xFFFFE000  }
0x115: {  	[spmem:s2] =	stream.indirect.scatter.add.f32 [tilespmem:s18], [sflag:$0x5], $0x40, s29, s17, $0xb8;
	[tilespmem:$0x19800] =	vst v63  }
0x116: {  	p0 =	sge.u32 s31, s6;
	_ =	swait.ge [sflag:s9], $0x2000  }
0x117: {  	s24 =	sshra.s32 @!p0 s21, $0x2;
	s25 =	simm.s32 @!p0 $0x80;
	[sflag:s9] =	ssyncset.done $0x0  }
0x118: {  	s24 =	sadd.s32 @!p0 $0x300, s24;
	s29 =	simm.s32 @!p0 $0xB800;
	[sflag:s9] =	ssyncadd.s32 $0xFFFFE000  }
0x119: {  	[tilespmem:s29], [sflag:$0x3] =	stream.indirect.gather @!p0 [hbm4b:s4+s25], $0x40, s24, s25, $0xb8;
	[tilespmem:$0x19800] =	vst v63  }
0x11a: {  	_ =	swait.ge [sflag:s23], $0x2000  }
0x11b: {  	[sflag:s23] =	ssyncset.done $0x0  }
0x11c: {  	s25 =	sadd.s32 $0x3E80, s1;
	s29 =	sadd.s32 $0xFFFFFFFE, s13;
	[sflag:s23] =	ssyncadd.s32 $0xFFFFE000  }
0x11d: {  	[spmem:s2] =	stream.indirect.scatter.add.f32 [tilespmem:s19], [sflag:$0x6], $0x40, s25, s17, $0xb8;
	[tilespmem:$0x19800] =	vst v63  }
0x11e: {  	p0 =	sge.u32 s29, s6;
	_ =	swait.ge [sflag:s10], $0x2000  }
0x11f: {  	s24 =	sshra.s32 @!p0 s21, $0x2;
	s29 =	simm.s32 @!p0 $0xD800;
	[sflag:s10] =	ssyncset.done $0x0  }
0x120: {  	s24 =	sadd.s32 @!p0 $0x380, s24;
	s25 =	simm.s32 @!p0 $0x80;
	[sflag:s10] =	ssyncadd.s32 $0xFFFFE000  }
0x121: {  	[tilespmem:s29], [sflag:$0x4] =	stream.indirect.gather @!p0 [hbm4b:s4+s25], $0x40, s24, s25, $0xb8;
	[tilespmem:$0x19800] =	vst v63  }
0x122: {  	_ =	swait.ge [sflag:s28], $0x2000  }
0x123: {  	[sflag:s28] =	ssyncset.done $0x0  }
0x124: {  	s31 =	sadd.s32 $0x3F00, s1;
	s25 =	sadd.s32 $0xFFFFFFFF, s13;
	[sflag:s28] =	ssyncadd.s32 $0xFFFFE000  }
0x125: {  	[spmem:s2] =	stream.indirect.scatter.add.f32 [tilespmem:s22], [sflag:$0x7], $0x40, s31, s17, $0xb8;
	[tilespmem:$0x19800] =	vst v63  }
0x126: {  	p0 =	sge.u32 s25, s6;
	_ =	swait.ge [sflag:s30], $0x2000  }
0x127: {  	s24 =	sshra.s32 @!p0 s21, $0x2;
	s25 =	simm.s32 @!p0 $0x80;
	[sflag:s30] =	ssyncset.done $0x0  }
0x128: {  	s29 =	simm.s32 @!p0 $0x7800;
	s24 =	sadd.s32 @!p0 $0x400, s24;
	[sflag:s30] =	ssyncadd.s32 $0xFFFFE000  }
0x129: {  	[tilespmem:s29], [sflag:$0x1] =	stream.indirect.gather @!p0 [hbm4b:s4+s25], $0x40, s24, s25, $0xb8;
	[tilespmem:$0x19800] =	vst v63  }
0x12a: {  	_ =	swait.ge [sflag:s0], $0x2000  }
0x12b: {  	[sflag:s0] =	ssyncset.done $0x0  }
0x12c: {  	s1 =	sadd.s32 $0x3F80, s1;
	[sflag:s0] =	ssyncadd.s32 $0xFFFFE000  }
0x12d: {  	[spmem:s2] =	stream.indirect.scatter.add.f32 [tilespmem:s26], [sflag:$0x8], $0x40, s1, s17, $0xb8;
	[tilespmem:$0x19800] =	vst v63  }
0x12e: {  	p0 =	sge.u32 s13, s6;
	_ =	swait.ge [sflag:s5], $0x2000  }
0x12f: {  	s13 =	simm.s32 @!p0 $0x80;
	s1 =	sshra.s32 @!p0 s21, $0x2;
	[sflag:s5] =	ssyncset.done $0x0  }
0x130: {  	s21 =	simm.s32 @!p0 $0x9800;
	s1 =	sadd.s32 @!p0 $0x480, s1;
	[sflag:s5] =	ssyncadd.s32 $0xFFFFE000  }
0x131: {  	[tilespmem:s21], [sflag:$0x2] =	stream.indirect.gather @!p0 [hbm4b:s4+s13], $0x40, s1, s13, $0xb8;
	[tilespmem:$0x19800] =	vst v63  }
0x132: {  	_ =	swait.ge [sflag:s9], $0x2000  }
0x133: {  	[sflag:s9] =	ssyncset.done $0x0  }
0x134: {  	[sflag:s9] =	ssyncadd.s32 $0xFFFFE000  }
0x135: {  	_ =	swait.ge [sflag:s10], $0x2000  }
0x136: {  	[sflag:s10] =	ssyncset.done $0x0  }
0x137: {  	[sflag:s10] =	ssyncadd.s32 $0xFFFFE000  }
0x138: {  	[bflag:$0x0] =	sbarrier.arrive $0xFFFF  }
0x139: {  	s29 =	rddreg [dreg:$0x8]  }
0x13a: {  	[hbm:s29], [sflag:s7] =	dma.local [spmem:s15], $0x1400  }
0x13b: {  	_ =	swait.ge [sflag:s11], $0x1400  }
0x13c: {  	s12 =	sadd.s32 $0x1, s12;
	s31 =	rddreg [dreg:$0x9]  }
0x13d: {  	p0 =	sne.s32 s12, s31  }
.Ltmp4:
0x13e: {  	_ = 	snop;
	(pc) =	sbr.rel @p0 .LBB2_1-.Ltmp4, $3  }
0x13f: {  	_ =	sdelay $0x1  }
0x140: {  	[sflag:s11] =	ssyncset.done $0x0  }
0x141: {  	[sflag:s11] =	ssyncadd.s32 $0xFFFFEC00  }
0x142: {  	_ =	sfence.sel $0x180000  }
0x143: {  	[bflag:$0x0] =	sbarrier.arrive $0xFFFF  }
0x144: {  	_ =	strace $0x9000004A  }
0x145: {  	s0 =	stileid.u32;
	[bflag:$0x2] =	sbarrier.arrive $0xFFFF  }
0x146: {  	p0 =	sne.s32 s0, $0x0;
	s0 =	rddreg [dreg:$0x2]  }
0x147: {  	s0 =	sadd.s32 @!p0 $0x100000, s0  }
0x148: {  	[sflag:s0] =	ssyncadd.tile.s32 @!p0 $0x1;
	_ =	shalt  }
.Lfunc_end2:
_tile_overlayer_lowered:
.L_overlay_start_2:
0x149: {  	(tag) =	ssettag $0x2  }
0x14a: {  	s0 =	rddreg [dreg:$0x0];
	s2 =	stileid.u32  }
0x14b: {  	s1 =	rddreg [dreg:$0x1];
	p0 =	sne.s32 s2, $0x0  }
0x14c: {  	s3 =	rddreg [dreg:$0x2];
	[bflag:$0x3] =	sbarrier.arrive $0xFFFF;
	s2 =	simm.s32 @!p0 $0x1C09  }
0x14d: {  	[timem:s3], [sflag:s2] =	dma.local @!p0 [hbm:s0], s1  }
0x14e: {  	s0 =	simm.s32 @!p0 $0x9  }
0x14f: {  	_ =	swait.ge @!p0 [sflag:s0], s1  }
0x150: {  	s1 =	ssub.s32 @!p0 $0x0, s1;
	[sflag:s0] =	ssyncset.done @!p0 $0x0  }
0x151: {  	[sflag:s0] =	ssyncadd.s32 @!p0 s1  }
0x152: {  	[bflag:$0x3] =	sbarrier.arrive $0xFFFF  }
0x153: {  	_ =	shalt  }

// kernel: kernel.7.cloned.1.call-start
scs
__scs_entry_jumppad:
0x0: {  	(pc) =	sbr.rel $0x88, $3  }
0x1: {  	(tag) =	ssettag $0x0;
	lr =	simm.s32 $0x1  }
0x2: {  	[smem:$0x3F8D] =	sst lr;
	_ =	strace $0xD0000000  }
0x3: {  	_ = 	snop  }
0x4: {  	_ = 	snop  }
0x5: {  	_ = 	snop  }
0x6: {  	_ = 	snop  }
0x7: {  	_ = 	snop  }
__scs_overlays_trampoline_lowered:
0x8: {  	[smem:$0x3F9C] =	sst s0  }
0x9: {  	[smem:$0x3F9D] =	sst s1  }
0xa: {  	[smem:$0x3F9E] =	sst s2  }
0xb: {  	[smem:$0x3F9F] =	sst s3  }
0xc: {  	[smem:$0x3FA0] =	sst s4  }
0xd: {  	[smem:$0x3FA1] =	sst s5  }
0xe: {  	[smem:$0x3FA2] =	sst s6  }
0xf: {  	[smem:$0x3FA3] =	sst s7  }
0x10: {  	[smem:$0x3FA4] =	sst s8  }
0x11: {  	[smem:$0x3FA5] =	sst s9;
	s0 =	simm.s32 @!p0 $0x0  }
0x12: {  	s1 =	sld [smem:$0x3F8B];
	s0 =	simm.s32 @p0 $0x1  }
0x13: {  	[smem:$0x3FA6] =	sst s0;
	s0 =	simm.s32 @!p1 $0x0  }
0x14: {  	s2 =	sld [smem:$0x3F8A];
	s0 =	simm.s32 @p1 $0x1  }
0x15: {  	[smem:$0x3FA7] =	sst s0;
	s0 =	simm.s32 @!p2 $0x0  }
0x16: {  	s3 =	sld [smem:$0x3FDB];
	s0 =	simm.s32 @p2 $0x1  }
0x17: {  	s4 =	simm.s32 $0x1BF5;
	[smem:$0x3FA9] =	sst s0  }
0x18: {  	s0 =	sld [smem:$0x3F8C];
	_ =	swait.ge [sflag:s4], $0x0  }
0x19: {  	s7 =	sld [smem:$0x3F8D]  }
0x1a: {  	s8 =	sadd.s32 $0xFFFFE003, lr  }
0x1b: {  	s9 =	sadd.s32 $0xFFFFFEF7, lr;
	s5 =	simm.s32 $0xFFFFFFFF;
	p2 =	slt.u32 s8, $0xFFFFF086  }
0x1c: {  	p1 =	slt.u32 s9, $0xF7A;
	s5 =	simm.s32 @!p2 $0x0  }
0x1d: {  	s5 =	simm.s32 @p1 $0x1;
	p0 =	seq.s32 s7, s2  }
0x1e: {  	s7 =	smul.u32 @!p0 $0xF7A, s2;
	p2 =	seq.s32 @!p0 s5, $0x0  }
0x1f: {  	s9 =	smul.u32 $0xF7A, s1;
	s8 =	simm.s32 @!p0 $0x1BF5;
	p2 =	por !p2, p0  }
0x20: {  	[sflag:s8] =	ssyncset.s32 @!p0 $0xFFFFF086;
	s6 =	sadd.s32 @!p0 s3, s7;
	s7 =	simm.s32 @!p0 $0x108  }
0x21: {  	s3 =	sadd.s32 s3, s9;
	s6 =	sadd.s32 @!p0 $0x88, s6;
	s7 =	simm.s32 @p2 $0x1082  }
0x22: {  	[simem:s7], [sflag:s8] =	dma.local @!p0 [hbm:s6], $0xF7A  }
0x23: {  	s9 =	sor.u32 $0xD0000000, s2;
	s6 =	simm.s32 $0x108;
	_ =	swait.ge @!p0 [sflag:s8], $0x0  }
0x24: {  	s3 =	sadd.s32 $0x88, s3;
	s6 =	simm.s32 @!p1 $0x1082;
	[sflag:s4] =	ssyncset.s32 $0xFFFFF086  }
0x25: {  	[simem:s6], [sflag:s4] =	dma.local [hbm:s3], $0xF7A  }
0x26: {  	[smem:$0x3F8D] =	sst s1;
	(tag) =	ssettag s2;
	_ =	strace s9  }
0x27: {  	s1 =	sld [smem:$0x3F9D]  }
0x28: {  	s2 =	sld [smem:$0x3F9E]  }
0x29: {  	s4 =	sld [smem:$0x3FA0]  }
0x2a: {  	p0 =	seq.s32 s5, $0x0;
	s5 =	sld [smem:$0x3FA1]  }
0x2b: {  	s6 =	sld [smem:$0x3FA2]  }
0x2c: {  	s7 =	sld [smem:$0x3FA3]  }
0x2d: {  	s3 =	simm.s32 $0x108;
	s8 =	sld [smem:$0x3FA4]  }
0x2e: {  	s3 =	simm.s32 @!p0 $0x1082;
	s9 =	sld [smem:$0x3FA5]  }
0x2f: {  	lr =	sadd.s32 s0, s3;
	s0 =	sld [smem:$0x3F9C]  }
0x30: {  	s3 =	sld [smem:$0x3F9F]  }
0x31: {  	[smem:$0x3FA8] =	sst s10  }
0x32: {  	s10 =	sld [smem:$0x3FA6];
	_ =	sdelay $0x3  }
0x33: {  	p0 =	seq.s32 s10, $0x1;
	s10 =	sld [smem:$0x3FA8];
	_ =	sdelay $0x3  }
0x34: {  	[smem:$0x3FA8] =	sst s10  }
0x35: {  	s10 =	sld [smem:$0x3FA7];
	_ =	sdelay $0x3  }
0x36: {  	p1 =	seq.s32 s10, $0x1;
	s10 =	sld [smem:$0x3FA8];
	_ =	sdelay $0x3  }
0x37: {  	[smem:$0x3FA8] =	sst s10  }
0x38: {  	s10 =	sld [smem:$0x3FA9]  }
0x39: {  	_ = 	snop;
	(pc) =	sbr.ind lr, $3  }
0x3a: {  	_ = 	snop  }
0x3b: {  	_ = 	snop  }
0x3c: {  	p2 =	seq.s32 s10, $0x1;
	s10 =	sld [smem:$0x3FA8]  }
0x3d: {  	_ =	shalt  }
0x3e: {  	_ =	shalt  }
0x3f: {  	_ =	shalt  }
0x40: {  	_ =	shalt  }
0x41: {  	_ =	shalt  }
0x42: {  	_ =	shalt  }
0x43: {  	_ =	shalt  }
0x44: {  	_ =	shalt  }
0x45: {  	_ =	shalt  }
0x46: {  	_ =	shalt  }
0x47: {  	_ =	shalt  }
0x48: {  	_ =	shalt  }
0x49: {  	_ =	shalt  }
0x4a: {  	_ =	shalt  }
0x4b: {  	_ =	shalt  }
0x4c: {  	_ =	shalt  }
0x4d: {  	_ =	shalt  }
0x4e: {  	_ =	shalt  }
0x4f: {  	_ =	shalt  }
0x50: {  	_ =	shalt  }
0x51: {  	_ =	shalt  }
0x52: {  	_ =	shalt  }
0x53: {  	_ =	shalt  }
0x54: {  	_ =	shalt  }
0x55: {  	_ =	shalt  }
0x56: {  	_ =	shalt  }
0x57: {  	_ =	shalt  }
0x58: {  	_ =	shalt  }
0x59: {  	_ =	shalt  }
0x5a: {  	_ =	shalt  }
0x5b: {  	_ =	shalt  }
0x5c: {  	_ =	shalt  }
0x5d: {  	_ =	shalt  }
0x5e: {  	_ =	shalt  }
0x5f: {  	_ =	shalt  }
0x60: {  	_ =	shalt  }
0x61: {  	_ =	shalt  }
0x62: {  	_ =	shalt  }
0x63: {  	_ =	shalt  }
0x64: {  	_ =	shalt  }
0x65: {  	_ =	shalt  }
0x66: {  	_ =	shalt  }
0x67: {  	_ =	shalt  }
0x68: {  	_ =	shalt  }
0x69: {  	_ =	shalt  }
0x6a: {  	_ =	shalt  }
0x6b: {  	_ =	shalt  }
0x6c: {  	_ =	shalt  }
0x6d: {  	_ =	shalt  }
0x6e: {  	_ =	shalt  }
0x6f: {  	_ =	shalt  }
0x70: {  	_ =	shalt  }
0x71: {  	_ =	shalt  }
0x72: {  	_ =	shalt  }
0x73: {  	_ =	shalt  }
0x74: {  	_ =	shalt  }
0x75: {  	_ =	shalt  }
0x76: {  	_ =	shalt  }
0x77: {  	_ =	shalt  }
0x78: {  	_ =	shalt  }
0x79: {  	_ =	shalt  }
0x7a: {  	_ =	shalt  }
0x7b: {  	_ =	shalt  }
0x7c: {  	_ =	shalt  }
0x7d: {  	_ =	shalt  }
0x7e: {  	_ =	shalt  }
0x7f: {  	_ =	shalt  }
0x80: {  	_ =	shalt  }
0x81: {  	_ =	shalt  }
0x82: {  	_ =	shalt  }
0x83: {  	_ =	shalt  }
0x84: {  	_ =	shalt  }
0x85: {  	_ =	shalt  }
0x86: {  	_ =	shalt  }
0x87: {  	_ =	shalt  }
.Lfunc_end0:
.L_simem_size_0:
called_computation_lowered:
.L_overlay_start_0:
0x88: {  	s2 =	sld [smem:$0x3FD9]  }
0x89: {  	s3 =	sld [smem:$0x3FFE];
	_ =	sdelay $0x1  }
0x8a: {  	s1 =	srdreg.scid  }
0x8b: {  	s0 =	sand.u32 $0x1, s1  }
0x8c: {  	s17 =	sshll.u32 s0, $0xA;
	s2 =	sadd.s32 s3, s2  }
0x8d: {  	s2 =	sadd.s32 s2, s17  }
0x8e: {  	[smem:$0x3FB4] =	sst s2  }
0x8f: {  	_ = 	snop  }
0x90: {  	s2 =	sld [smem:$0x3FD0];
	(tm) =	ssettm $0x1  }
0x91: {  	s18 =	sld [smem:$0x3FFB];
	_ =	sdelay $0x3  }
0x92: {  	_ =	strace s18  }
0x93: {  	s3 =	sld [smem:$0x3FFC];
	_ =	sdelay $0x3  }
0x94: {  	_ =	strace s3  }
0x95: {  	s3 =	sld [smem:$0x3FFD];
	_ =	sdelay $0x3  }
0x96: {  	_ =	strace s3  }
0x97: {  	_ =	strace $0x8FFFFFFF  }
0x98: {  	s19 =	sld [smem:$0x3FDB];
	_ =	sdelay $0x1  }
0x99: {  	s4 =	simm.s32 $_scs_section_size  }
0x9a: {  	s5 =	simm.s32 $_size__tile_overlayer_lowered;
	s6 =	simm.s32 $_tile_overlayer_lowered  }
0x9b: {  	s22 =	simm.s32 $0x1BFF;
	s21 =	sshll.u32 s6, $0x1;
	s3 =	sadd.s32 s4, s19  }
0x9c: {  	s7 =	simm.s32 $0x0;
	s20 =	sshll.u32 s5, $0x1;
	s5 =	sadd.s32 s21, s3  }
0x9d: {  	[timem:s7], [sflag:s22] =	dma.local [hbm:s5], s20  }
0x9e: {  	_ =	swait.ge [sflag:s22], s20  }
0x9f: {  	s4 =	ssub.s32 $0x0, s20;
	[sflag:s22] =	ssyncset.done $0x0  }
0xa0: {  	[sflag:s22] =	ssyncadd.s32 s4;
	_ =	sdelay $0x1  }
0xa1: {  	s23 =	simm.s32 $0x1B8B  }
0xa2: {  	_ =	swait.ge [sflag:s23], $0x1  }
0xa3: {  	[sflag:s23] =	ssyncset.done $0x0  }
0xa4: {  	s25 =	simm.s32 $0x1B8E;
	s24 =	sld [smem:$0x3FFE];
	[sflag:s23] =	ssyncadd.s32 $0xFFFFFFFF  }
0xa5: {  	s26 =	simm.s32 $execute0_lowered;
	[smem:$0x3FD2] =	sst s25  }
0xa6: {  	s5 =	sshll.u32 s26, $0x1;
	_ =	strace $0x80000046;
	[dreg:$0x1] =	wrdreg $0xFFFFFFFF  }
0xa7: {  	s28 =	simm.s32 $_size_execute0_lowered;
	s3 =	sadd.s32 s3, s5;
	[dreg:$0x0] =	wrdreg $0x0  }
0xa8: {  	s5 =	sshll.u32 s28, $0x1;
	[dreg:$0x2] =	wrdreg s3  }
0xa9: {  	[dreg:$0x3] =	wrdreg s5  }
0xaa: {  	[dreg:$0x4] =	wrdreg $0xC0  }
0xab: {  	_ =	task [dreg:s7], $0x5FFFF  }
0xac: {  	[dreg:$0x1] =	wrdreg $0xFFFFFFFF  }
0xad: {  	[dreg:$0x0] =	wrdreg $0x60  }
0xae: {  	[dreg:$0x2] =	wrdreg s24  }
0xaf: {  	[dreg:$0x3] =	wrdreg s2  }
0xb0: {  	[dreg:$0x4] =	wrdreg $0xF8000  }
0xb1: {  	[dreg:$0x5] =	wrdreg $0x9  }
0xb2: {  	_ =	task.clear_ibuf [dreg:s7], $0x6FFFF;
	_ =	strace $0x90000046  }
0xb3: {  	s29 =	simm.s32 $0x9;
	_ =	strace $0x80000048  }
0xb4: {  	_ =	swait.ge [sflag:s29], $0x1  }
0xb5: {  	[sflag:s29] =	ssyncadd.s32 $0xFFFFFFFF  }
0xb6: {  	_ =	strace $0x90000048  }
0xb7: {  	_ =	sfence  }
0xb8: {  	s30 =	sld [smem:$0x0];
	_ =	sdelay $0x2  }
0xb9: {  	s31 =	sshll.u32 s1, $0xD;
	s1 =	sshrl.u32 s1, $0x2  }
0xba: {  	s3 =	sand.u32 $0x4000, s31;
	s1 =	sadd.s32 s1, s30  }
0xbb: {  	s0 =	sor.u32 s3, s0;
	s1 =	sshll.u32 s1, $0x11  }
0xbc: {  	s0 =	sor.u32 s1, s0  }
0xbd: {  	s0 =	sadd.s32 $0x8F2B, s0  }
0xbe: {  	[sflag:s0] =	ssyncadd.remote.s32 $0x1  }
0xbf: {  	_ =	sfence.sel $0xFFFF  }
0xc0: {  	[dreg:$0x0] =	wrdreg $0xFFFFFFFF;
	(pc) =	sbr.abs _section_cstart, $3  }
0xc1: {  	[dreg:$0x1] =	wrdreg $0xFFFFFFFF  }
0xc2: {  	_ =	task.clear_ibuf [dreg:s7], $0x2FFFF;
	_ =	strace $0x9FFFFFFF  }
0xc3: {  	(tm) =	ssettm $0x7FFFFFFF  }
tec
execute0_lowered:
.L_overlay_start_1:
0x0: {  	(tag) =	ssettag $0x1  }
0x1: {  	s0 =	rddreg [dreg:$0x0]  }
0x2: {  	s3 =	rddreg [dreg:$0x2]  }
0x3: {  	s1 =	srdreg.scid;
	s14 =	stileid.u32  }
0x4: {  	s4 =	simm.s32 $0x0;
	s18 =	simm.s32 $0x9;
	s28 =	simm.s32 $0xB800  }
0x5: {  	s29 =	simm.s32 $0x5;
	s30 =	simm.s32 $0x4;
	s31 =	simm.s32 $0xD800  }
0x6: {  	s1 =	sand.u32 $0x1, s1;
	s2 =	smul.u32 $0xA000, s14;
	[smem:$0x7FF] =	sst s4  }
0x7: {  	s5 =	sadd.s32 $0x2DC00, s0;
	s9 =	sadd.s32 $0x18C00, s0;
	s8 =	smul.u32 $0x2800, s14  }
0x8: {  	s10 =	sadd.s32 $0x3C00, s0;
	s11 =	sadd.s32 $0x41C00, s0;
	s20 =	smul.u32 $0x140, s14  }
0x9: {  	s22 =	sshll.u32 s14, $0x6;
	s6 =	smul.u32 $0xA0000, s1;
	_ =	strace $0x80000047  }
0xa: {  	s7 =	smul.u32 $0x28000, s1;
	[dreg:$0x4] =	wrdreg s11;
	s19 =	ssub.s32 $0x2, s1  }
0xb: {  	s13 =	smul.u32 $0xF0, s1;
	p0 =	seq.s32 s1, $0x0;
	s1 =	simm.s32 $0x7  }
0xc: {  	s12 =	sshrl.u32 s19, $0x1;
	s21 =	sadd.s32 s2, s3;
	s6 =	sadd.s32 s2, s6  }
0xd: {  	s7 =	sadd.s32 s8, s7;
	s15 =	ssub.s32 s19, s12;
	s11 =	sadd.s32 s13, s20  }
0xe: {  	s8 =	sor.u32 $0x1C09, s22;
	s17 =	sshrl.u32 s21, $0x3;
	s19 =	simm.s32 $0x19800  }
0xf: {  	s20 =	simm.s32 $0x3C00;
	s21 =	simm.s32 $0x80;
	s22 =	simm.s32 $0x7800  }
0x10: {  	s6 =	sshrl.u32 s6, $0x3;
	s7 =	sshrl.u32 s7, $0x3;
	s23 =	sshll.u32 s11, $0x4  }
0x11: {  	s15 =	smax.u32 s15, $0x1;
	s6 =	sadd.s32 s6, s0;
	s0 =	sadd.s32 s7, s0  }
0x12: {  	s7 =	simm.s32 $0x78;
	s24 =	sadd.s32 s9, s23;
	s2 =	sadd.s32 s10, s23  }
0x13: {  	s23 =	simm.s32 $0x9800;
	s7 =	simm.s32 @!p0 $0x28;
	[dreg:$0x5] =	wrdreg s24  }
0x14: {  	[dreg:$0x6] =	wrdreg s2;
	s26 =	sadd.s32 $0x4D000, s6;
	s0 =	sadd.s32 $0x43000, s0  }
0x15: {  	s24 =	simm.s32 $0x1;
	s11 =	sadd.s32 s7, s11;
	[dreg:$0x9] =	wrdreg s26  }
0x16: {  	s6 =	simm.s32 $0x0;
	[dreg:$0xa] =	wrdreg s0;
	s25 =	sshll.u32 s11, $0x4  }
0x17: {  	s16 =	sshll.u32 s7, $0x9;
	s26 =	simm.s32 $0x3;
	s9 =	sadd.s32 s9, s25  }
0x18: {  	s0 =	simm.s32 $0x6;
	s2 =	sadd.s32 s10, s25;
	[dreg:$0x7] =	wrdreg s9  }
0x19: {  	v0 =	vimm.f32 $1.000000000e+00;
	s25 =	simm.s32 $0x2;
	[dreg:$0x8] =	wrdreg s2;
	s2 =	simm.s32 $0x8  }
.LBB2_1:
0x1a: {  	s9 =	rddreg [dreg:$0x4]  }
0x1b: {  	[spmem:s17], [sflag:s8] =	dma.local [hbm:s9], $0x1400  }
0x1c: {  	_ =	swait.ge [sflag:s18], $0x1400  }
0x1d: {  	[sflag:s18] =	ssyncset.done $0x0  }
0x1e: {  	[sflag:s18] =	ssyncadd.s32 $0xFFFFEC00  }
0x1f: {  	s12 =	rddreg [dreg:$0x1]  }
0x20: {  	[tilespmem:s19], [sflag:$0x9] =	stream.linear.gather [hbm4b:s12+s4], $0x2800, $0x38;
	[tilespmem:$0x1C000] =	vst v63  }
0x21: {  	_ =	swait.ge [sflag:s18], $0x2800  }
0x22: {  	[sflag:s18] =	ssyncset.done $0x0  }
0x23: {  	s13 =	rddreg [dreg:$0x5];
	[sflag:s18] =	ssyncadd.s32 $0xFFFFD800  }
0x24: {  	[tilespmem:s4], [sflag:$0x9] =	stream.linear.gather [hbm4b:s13+s4], $0x3C00, $0x38;
	[tilespmem:$0x1C000] =	vst v63  }
0x25: {  	_ =	swait.ge [sflag:s18], $0x3C00  }
0x26: {  	[sflag:s18] =	ssyncset.done $0x0  }
0x27: {  	s14 =	rddreg [dreg:$0x6];
	[sflag:s18] =	ssyncadd.s32 $0xFFFFC400  }
0x28: {  	[tilespmem:s20], [sflag:$0x9] =	stream.linear.gather [hbm4b:s14+s4], $0x3C00, $0x38;
	[tilespmem:$0x1C000] =	vst v63  }
0x29: {  	_ =	swait.ge [sflag:s18], $0x3C00  }
0x2a: {  	[sflag:s18] =	ssyncset.done $0x0  }
0x2b: {  	[sflag:s18] =	ssyncadd.s32 $0xFFFFC400  }
0x2c: {  	[bflag:$0x0] =	sbarrier.arrive $0xFFFF  }
0x2d: {  	[tilespmem:s22], [sflag:$0x1] =	stream.indirect.gather [hbm4b:s5+s21], $0x40, s4, s21, $0xb8;
	[tilespmem:$0x1C000] =	vst v63  }
0x2e: {  	s10 =	simm.s32 $0x0;
	s9 =	simm.s32 $0x5  }
0x2f: {  	[tilespmem:s23], [sflag:$0x2] =	stream.indirect.gather [hbm4b:s5+s21], $0x40, s21, s21, $0xb8;
	[tilespmem:$0x1C000] =	vst v63  }
.LBB2_2:
0x30: {  	_ =	swait.ge [sflag:s24], $0x2000  }
0x31: {  	s11 =	sshra.s32 s10, $0x2;
	[sflag:s24] =	ssyncset.done $0x0  }
0x32: {  	s12 =	sadd.s32 $0x3C00, s11;
	[sflag:s24] =	ssyncadd.s32 $0xFFFFE000  }
0x33: {  	[spmem:s3] =	stream.indirect.scatter.add.f32 [tilespmem:s22], [sflag:$0x5], $0x40, s12, s21, $0xb8;
	[tilespmem:$0x1C000] =	vst v63  }
0x34: {  	v1 =	vld [tilespmem:s11+$0x3C00];
	_ =	sdelay $0x7  }
0x35: {  	[tilespmem:v1+s19+$0x0] =	vst.idx.add.f32.msk $0xffff, v0  }
0x36: {  	v1 =	vld [tilespmem:s11+$0x3C10];
	_ =	sdelay $0x7  }
0x37: {  	[tilespmem:v1+s19+$0x0] =	vst.idx.add.f32.msk $0xffff, v0  }
0x38: {  	v1 =	vld [tilespmem:s11+$0x3C20];
	_ =	sdelay $0x7  }
0x39: {  	[tilespmem:v1+s19+$0x0] =	vst.idx.add.f32.msk $0xffff, v0  }
0x3a: {  	v1 =	vld [tilespmem:s11+$0x3C30];
	_ =	sdelay $0x7  }
0x3b: {  	[tilespmem:v1+s19+$0x0] =	vst.idx.add.f32.msk $0xffff, v0  }
0x3c: {  	v1 =	vld [tilespmem:s11+$0x3C40];
	_ =	sdelay $0x7  }
0x3d: {  	[tilespmem:v1+s19+$0x0] =	vst.idx.add.f32.msk $0xffff, v0  }
0x3e: {  	v1 =	vld [tilespmem:s11+$0x3C50];
	_ =	sdelay $0x7  }
0x3f: {  	[tilespmem:v1+s19+$0x0] =	vst.idx.add.f32.msk $0xffff, v0  }
0x40: {  	v1 =	vld [tilespmem:s11+$0x3C60];
	_ =	sdelay $0x7  }
0x41: {  	[tilespmem:v1+s19+$0x0] =	vst.idx.add.f32.msk $0xffff, v0  }
0x42: {  	v1 =	vld [tilespmem:s11+$0x3C70];
	_ =	sdelay $0x5  }
0x43: {  	s14 =	sadd.s32 $0xFFFFFFFB, s9  }
0x44: {  	p0 =	slt.s32 s14, $0x4  }
0x45: {  	s12 =	simm.s32 @!p0 $0x7;
	[tilespmem:v1+s19+$0x0] =	vst.idx.add.f32.msk $0xffff, v0  }
0x46: {  	s13 =	sadd.s32 $0xFFFFFFFD, s9;
	_ =	swait.ge @!p0 [sflag:s12], $0x2000  }
0x47: {  	p1 =	sge.u32 s13, s7;
	[sflag:s12] =	ssyncset.done @!p0 $0x0  }
0x48: {  	[sflag:s12] =	ssyncadd.s32 @!p0 $0xFFFFE000;
	s12 =	sshra.s32 @!p1 s10, $0x2  }
0x49: {  	s13 =	simm.s32 @!p1 $0x80;
	s14 =	simm.s32 @!p1 $0xB800;
	s12 =	sadd.s32 @!p1 $0x100, s12  }
0x4a: {  	[tilespmem:s14], [sflag:$0x3] =	stream.indirect.gather @!p1 [hbm4b:s5+s13], $0x40, s12, s13, $0xb8;
	[tilespmem:$0x1C000] =	vst v63  }
0x4b: {  	_ =	swait.ge [sflag:s25], $0x2000  }
0x4c: {  	[sflag:s25] =	ssyncset.done $0x0  }
0x4d: {  	s13 =	sadd.s32 $0x3C80, s11;
	[sflag:s25] =	ssyncadd.s32 $0xFFFFE000  }
0x4e: {  	[spmem:s3] =	stream.indirect.scatter.add.f32 [tilespmem:s23], [sflag:$0x6], $0x40, s13, s21, $0xb8;
	[tilespmem:$0x1C000] =	vst v63  }
0x4f: {  	v1 =	vld [tilespmem:s11+$0x3C80];
	_ =	sdelay $0x7  }
0x50: {  	[tilespmem:v1+s19+$0x0] =	vst.idx.add.f32.msk $0xffff, v0  }
0x51: {  	v1 =	vld [tilespmem:s11+$0x3C90];
	_ =	sdelay $0x7  }
0x52: {  	[tilespmem:v1+s19+$0x0] =	vst.idx.add.f32.msk $0xffff, v0  }
0x53: {  	v1 =	vld [tilespmem:s11+$0x3CA0];
	_ =	sdelay $0x7  }
0x54: {  	[tilespmem:v1+s19+$0x0] =	vst.idx.add.f32.msk $0xffff, v0  }
0x55: {  	v1 =	vld [tilespmem:s11+$0x3CB0];
	_ =	sdelay $0x7  }
0x56: {  	[tilespmem:v1+s19+$0x0] =	vst.idx.add.f32.msk $0xffff, v0  }
0x57: {  	v1 =	vld [tilespmem:s11+$0x3CC0];
	_ =	sdelay $0x7  }
0x58: {  	[tilespmem:v1+s19+$0x0] =	vst.idx.add.f32.msk $0xffff, v0  }
0x59: {  	v1 =	vld [tilespmem:s11+$0x3CD0];
	_ =	sdelay $0x7  }
0x5a: {  	[tilespmem:v1+s19+$0x0] =	vst.idx.add.f32.msk $0xffff, v0  }
0x5b: {  	v1 =	vld [tilespmem:s11+$0x3CE0];
	_ =	sdelay $0x7  }
0x5c: {  	[tilespmem:v1+s19+$0x0] =	vst.idx.add.f32.msk $0xffff, v0  }
0x5d: {  	v1 =	vld [tilespmem:s11+$0x3CF0];
	_ =	sdelay $0x7  }
0x5e: {  	s12 =	simm.s32 @!p0 $0x8;
	[tilespmem:v1+s19+$0x0] =	vst.idx.add.f32.msk $0xffff, v0  }
0x5f: {  	s14 =	sadd.s32 $0xFFFFFFFE, s9;
	_ =	swait.ge @!p0 [sflag:s12], $0x2000  }
0x60: {  	p1 =	sge.u32 s14, s7;
	[sflag:s12] =	ssyncset.done @!p0 $0x0  }
0x61: {  	[sflag:s12] =	ssyncadd.s32 @!p0 $0xFFFFE000;
	s12 =	sshra.s32 @!p1 s10, $0x2  }
0x62: {  	s14 =	simm.s32 @!p1 $0xD800;
	s13 =	simm.s32 @!p1 $0x80;
	s12 =	sadd.s32 @!p1 $0x180, s12  }
0x63: {  	[tilespmem:s14], [sflag:$0x4] =	stream.indirect.gather @!p1 [hbm4b:s5+s13], $0x40, s12, s13, $0xb8;
	[tilespmem:$0x1C000] =	vst v63  }
0x64: {  	_ =	swait.ge [sflag:s26], $0x2000  }
0x65: {  	[sflag:s26] =	ssyncset.done $0x0  }
0x66: {  	s14 =	sadd.s32 $0x3D00, s11;
	[sflag:s26] =	ssyncadd.s32 $0xFFFFE000  }
0x67: {  	[spmem:s3] =	stream.indirect.scatter.add.f32 [tilespmem:s28], [sflag:$0x7], $0x40, s14, s21, $0xb8;
	[tilespmem:$0x1C000] =	vst v63  }
0x68: {  	v1 =	vld [tilespmem:s11+$0x3D00];
	_ =	sdelay $0x7  }
0x69: {  	[tilespmem:v1+s19+$0x0] =	vst.idx.add.f32.msk $0xffff, v0  }
0x6a: {  	v1 =	vld [tilespmem:s11+$0x3D10];
	_ =	sdelay $0x7  }
0x6b: {  	[tilespmem:v1+s19+$0x0] =	vst.idx.add.f32.msk $0xffff, v0  }
0x6c: {  	v1 =	vld [tilespmem:s11+$0x3D20];
	_ =	sdelay $0x7  }
0x6d: {  	[tilespmem:v1+s19+$0x0] =	vst.idx.add.f32.msk $0xffff, v0  }
0x6e: {  	v1 =	vld [tilespmem:s11+$0x3D30];
	_ =	sdelay $0x7  }
0x6f: {  	[tilespmem:v1+s19+$0x0] =	vst.idx.add.f32.msk $0xffff, v0  }
0x70: {  	v1 =	vld [tilespmem:s11+$0x3D40];
	_ =	sdelay $0x7  }
0x71: {  	[tilespmem:v1+s19+$0x0] =	vst.idx.add.f32.msk $0xffff, v0  }
0x72: {  	v1 =	vld [tilespmem:s11+$0x3D50];
	_ =	sdelay $0x7  }
0x73: {  	[tilespmem:v1+s19+$0x0] =	vst.idx.add.f32.msk $0xffff, v0  }
0x74: {  	v1 =	vld [tilespmem:s11+$0x3D60];
	_ =	sdelay $0x7  }
0x75: {  	[tilespmem:v1+s19+$0x0] =	vst.idx.add.f32.msk $0xffff, v0  }
0x76: {  	v1 =	vld [tilespmem:s11+$0x3D70];
	_ =	sdelay $0x7  }
0x77: {  	s13 =	sadd.s32 $0xFFFFFFFF, s9;
	[tilespmem:v1+s19+$0x0] =	vst.idx.add.f32.msk $0xffff, v0  }
0x78: {  	p0 =	sge.u32 s13, s7;
	_ =	swait.ge [sflag:s29], $0x2000  }
0x79: {  	s12 =	sshra.s32 @!p0 s10, $0x2;
	s13 =	simm.s32 @!p0 $0x80;
	[sflag:s29] =	ssyncset.done $0x0  }
0x7a: {  	s12 =	sadd.s32 @!p0 $0x200, s12;
	s14 =	simm.s32 @!p0 $0x7800;
	[sflag:s29] =	ssyncadd.s32 $0xFFFFE000  }
0x7b: {  	[tilespmem:s14], [sflag:$0x1] =	stream.indirect.gather @!p0 [hbm4b:s5+s13], $0x40, s12, s13, $0xb8;
	[tilespmem:$0x1C000] =	vst v63  }
0x7c: {  	_ =	swait.ge [sflag:s30], $0x2000  }
0x7d: {  	[sflag:s30] =	ssyncset.done $0x0  }
0x7e: {  	s14 =	sadd.s32 $0x3D80, s11;
	[sflag:s30] =	ssyncadd.s32 $0xFFFFE000  }
0x7f: {  	[spmem:s3] =	stream.indirect.scatter.add.f32 [tilespmem:s31], [sflag:$0x8], $0x40, s14, s21, $0xb8;
	[tilespmem:$0x1C000] =	vst v63  }
0x80: {  	v1 =	vld [tilespmem:s11+$0x3D80];
	_ =	sdelay $0x7  }
0x81: {  	[tilespmem:v1+s19+$0x0] =	vst.idx.add.f32.msk $0xffff, v0  }
0x82: {  	v1 =	vld [tilespmem:s11+$0x3D90];
	_ =	sdelay $0x7  }
0x83: {  	[tilespmem:v1+s19+$0x0] =	vst.idx.add.f32.msk $0xffff, v0  }
0x84: {  	v1 =	vld [tilespmem:s11+$0x3DA0];
	_ =	sdelay $0x7  }
0x85: {  	[tilespmem:v1+s19+$0x0] =	vst.idx.add.f32.msk $0xffff, v0  }
0x86: {  	v1 =	vld [tilespmem:s11+$0x3DB0];
	_ =	sdelay $0x7  }
0x87: {  	[tilespmem:v1+s19+$0x0] =	vst.idx.add.f32.msk $0xffff, v0  }
0x88: {  	v1 =	vld [tilespmem:s11+$0x3DC0];
	_ =	sdelay $0x7  }
0x89: {  	[tilespmem:v1+s19+$0x0] =	vst.idx.add.f32.msk $0xffff, v0  }
0x8a: {  	v1 =	vld [tilespmem:s11+$0x3DD0];
	_ =	sdelay $0x7  }
0x8b: {  	[tilespmem:v1+s19+$0x0] =	vst.idx.add.f32.msk $0xffff, v0  }
0x8c: {  	v1 =	vld [tilespmem:s11+$0x3DE0];
	_ =	sdelay $0x7  }
0x8d: {  	[tilespmem:v1+s19+$0x0] =	vst.idx.add.f32.msk $0xffff, v0  }
0x8e: {  	v1 =	vld [tilespmem:s11+$0x3DF0];
	_ =	sdelay $0x7  }
0x8f: {  	p0 =	sge.u32 s9, s7;
	[tilespmem:v1+s19+$0x0] =	vst.idx.add.f32.msk $0xffff, v0  }
0x90: {  	s12 =	simm.s32 @!p0 $0x80;
	_ =	swait.ge [sflag:s0], $0x2000  }
0x91: {  	s13 =	simm.s32 @!p0 $0x9800;
	s11 =	sshra.s32 @!p0 s10, $0x2;
	[sflag:s0] =	ssyncset.done $0x0  }
0x92: {  	s10 =	sadd.s32 $0x800, s10;
	s11 =	sadd.s32 @!p0 $0x280, s11;
	[sflag:s0] =	ssyncadd.s32 $0xFFFFE000  }
0x93: {  	[tilespmem:s13], [sflag:$0x2] =	stream.indirect.gather @!p0 [hbm4b:s5+s12], $0x40, s11, s12, $0xb8;
	[tilespmem:$0x1C000] =	vst v63  }
0x94: {  	p0 =	sne.s32 s16, s10  }
.Ltmp0:
0x95: {  	_ = 	snop;
	(pc) =	sbr.rel @p0 .LBB2_2-.Ltmp0, $2  }
0x96: {  	_ =	sdelay $0x2  }
0x97: {  	s9 =	sadd.s32 $0x4, s9  }
0x98: {  	_ =	swait.ge [sflag:s1], $0x2000  }
0x99: {  	[sflag:s1] =	ssyncset.done $0x0  }
0x9a: {  	[sflag:s1] =	ssyncadd.s32 $0xFFFFE000  }
0x9b: {  	_ =	swait.ge [sflag:s2], $0x2000  }
0x9c: {  	[sflag:s2] =	ssyncset.done $0x0  }
0x9d: {  	s9 =	simm.s32 $0x0;
	s10 =	rddreg [dreg:$0x7];
	[sflag:s2] =	ssyncadd.s32 $0xFFFFE000  }
0x9e: {  	[tilespmem:s9], [sflag:$0x9] =	stream.linear.gather [hbm4b:s10+s9], $0x3C00, $0x38;
	[tilespmem:$0x1C000] =	vst v63  }
0x9f: {  	_ =	swait.ge [sflag:s18], $0x3C00  }
0xa0: {  	[sflag:s18] =	ssyncset.done $0x0  }
0xa1: {  	s14 =	rddreg [dreg:$0x8];
	[sflag:s18] =	ssyncadd.s32 $0xFFFFC400  }
0xa2: {  	[tilespmem:s20], [sflag:$0x9] =	stream.linear.gather [hbm4b:s14+s9], $0x3C00, $0x38;
	[tilespmem:$0x1C000] =	vst v63  }
0xa3: {  	_ =	swait.ge [sflag:s18], $0x3C00  }
0xa4: {  	[sflag:s18] =	ssyncset.done $0x0  }
0xa5: {  	[sflag:s18] =	ssyncadd.s32 $0xFFFFC400  }
0xa6: {  	[tilespmem:s22], [sflag:$0x1] =	stream.indirect.gather [hbm4b:s5+s21], $0x40, s9, s21, $0xb8;
	[tilespmem:$0x1C000] =	vst v63  }
0xa7: {  	s10 =	simm.s32 $0x5  }
0xa8: {  	[tilespmem:s23], [sflag:$0x2] =	stream.indirect.gather [hbm4b:s5+s21], $0x40, s21, s21, $0xb8;
	[tilespmem:$0x1C000] =	vst v63  }
.LBB2_4:
0xa9: {  	_ =	swait.ge [sflag:s24], $0x2000  }
0xaa: {  	s11 =	sshra.s32 s9, $0x2;
	[sflag:s24] =	ssyncset.done $0x0  }
0xab: {  	s12 =	sadd.s32 $0x3C00, s11;
	[sflag:s24] =	ssyncadd.s32 $0xFFFFE000  }
0xac: {  	[spmem:s3] =	stream.indirect.scatter.add.f32 [tilespmem:s22], [sflag:$0x5], $0x40, s12, s21, $0xb8;
	[tilespmem:$0x1C000] =	vst v63  }
0xad: {  	v1 =	vld [tilespmem:s11+$0x3C00];
	_ =	sdelay $0x7  }
0xae: {  	[tilespmem:v1+s19+$0x0] =	vst.idx.add.f32.msk $0xffff, v0  }
0xaf: {  	v1 =	vld [tilespmem:s11+$0x3C10];
	_ =	sdelay $0x7  }
0xb0: {  	[tilespmem:v1+s19+$0x0] =	vst.idx.add.f32.msk $0xffff, v0  }
0xb1: {  	v1 =	vld [tilespmem:s11+$0x3C20];
	_ =	sdelay $0x7  }
0xb2: {  	[tilespmem:v1+s19+$0x0] =	vst.idx.add.f32.msk $0xffff, v0  }
0xb3: {  	v1 =	vld [tilespmem:s11+$0x3C30];
	_ =	sdelay $0x7  }
0xb4: {  	[tilespmem:v1+s19+$0x0] =	vst.idx.add.f32.msk $0xffff, v0  }
0xb5: {  	v1 =	vld [tilespmem:s11+$0x3C40];
	_ =	sdelay $0x7  }
0xb6: {  	[tilespmem:v1+s19+$0x0] =	vst.idx.add.f32.msk $0xffff, v0  }
0xb7: {  	v1 =	vld [tilespmem:s11+$0x3C50];
	_ =	sdelay $0x7  }
0xb8: {  	[tilespmem:v1+s19+$0x0] =	vst.idx.add.f32.msk $0xffff, v0  }
0xb9: {  	v1 =	vld [tilespmem:s11+$0x3C60];
	_ =	sdelay $0x7  }
0xba: {  	[tilespmem:v1+s19+$0x0] =	vst.idx.add.f32.msk $0xffff, v0  }
0xbb: {  	v1 =	vld [tilespmem:s11+$0x3C70];
	_ =	sdelay $0x5  }
0xbc: {  	s14 =	sadd.s32 $0xFFFFFFFB, s10  }
0xbd: {  	p0 =	slt.s32 s14, $0x4  }
0xbe: {  	s12 =	simm.s32 @!p0 $0x7;
	[tilespmem:v1+s19+$0x0] =	vst.idx.add.f32.msk $0xffff, v0  }
0xbf: {  	s13 =	sadd.s32 $0xFFFFFFFD, s10;
	_ =	swait.ge @!p0 [sflag:s12], $0x2000  }
0xc0: {  	p1 =	sge.u32 s13, s7;
	[sflag:s12] =	ssyncset.done @!p0 $0x0  }
0xc1: {  	[sflag:s12] =	ssyncadd.s32 @!p0 $0xFFFFE000;
	s12 =	sshra.s32 @!p1 s9, $0x2  }
0xc2: {  	s13 =	simm.s32 @!p1 $0x80;
	s14 =	simm.s32 @!p1 $0xB800;
	s12 =	sadd.s32 @!p1 $0x100, s12  }
0xc3: {  	[tilespmem:s14], [sflag:$0x3] =	stream.indirect.gather @!p1 [hbm4b:s5+s13], $0x40, s12, s13, $0xb8;
	[tilespmem:$0x1C000] =	vst v63  }
0xc4: {  	_ =	swait.ge [sflag:s25], $0x2000  }
0xc5: {  	[sflag:s25] =	ssyncset.done $0x0  }
0xc6: {  	s13 =	sadd.s32 $0x3C80, s11;
	[sflag:s25] =	ssyncadd.s32 $0xFFFFE000  }
0xc7: {  	[spmem:s3] =	stream.indirect.scatter.add.f32 [tilespmem:s23], [sflag:$0x6], $0x40, s13, s21, $0xb8;
	[tilespmem:$0x1C000] =	vst v63  }
0xc8: {  	v1 =	vld [tilespmem:s11+$0x3C80];
	_ =	sdelay $0x7  }
0xc9: {  	[tilespmem:v1+s19+$0x0] =	vst.idx.add.f32.msk $0xffff, v0  }
0xca: {  	v1 =	vld [tilespmem:s11+$0x3C90];
	_ =	sdelay $0x7  }
0xcb: {  	[tilespmem:v1+s19+$0x0] =	vst.idx.add.f32.msk $0xffff, v0  }
0xcc: {  	v1 =	vld [tilespmem:s11+$0x3CA0];
	_ =	sdelay $0x7  }
0xcd: {  	[tilespmem:v1+s19+$0x0] =	vst.idx.add.f32.msk $0xffff, v0  }
0xce: {  	v1 =	vld [tilespmem:s11+$0x3CB0];
	_ =	sdelay $0x7  }
0xcf: {  	[tilespmem:v1+s19+$0x0] =	vst.idx.add.f32.msk $0xffff, v0  }
0xd0: {  	v1 =	vld [tilespmem:s11+$0x3CC0];
	_ =	sdelay $0x7  }
0xd1: {  	[tilespmem:v1+s19+$0x0] =	vst.idx.add.f32.msk $0xffff, v0  }
0xd2: {  	v1 =	vld [tilespmem:s11+$0x3CD0];
	_ =	sdelay $0x7  }
0xd3: {  	[tilespmem:v1+s19+$0x0] =	vst.idx.add.f32.msk $0xffff, v0  }
0xd4: {  	v1 =	vld [tilespmem:s11+$0x3CE0];
	_ =	sdelay $0x7  }
0xd5: {  	[tilespmem:v1+s19+$0x0] =	vst.idx.add.f32.msk $0xffff, v0  }
0xd6: {  	v1 =	vld [tilespmem:s11+$0x3CF0];
	_ =	sdelay $0x7  }
0xd7: {  	s12 =	simm.s32 @!p0 $0x8;
	[tilespmem:v1+s19+$0x0] =	vst.idx.add.f32.msk $0xffff, v0  }
0xd8: {  	s14 =	sadd.s32 $0xFFFFFFFE, s10;
	_ =	swait.ge @!p0 [sflag:s12], $0x2000  }
0xd9: {  	p1 =	sge.u32 s14, s7;
	[sflag:s12] =	ssyncset.done @!p0 $0x0  }
0xda: {  	[sflag:s12] =	ssyncadd.s32 @!p0 $0xFFFFE000;
	s12 =	sshra.s32 @!p1 s9, $0x2  }
0xdb: {  	s14 =	simm.s32 @!p1 $0xD800;
	s13 =	simm.s32 @!p1 $0x80;
	s12 =	sadd.s32 @!p1 $0x180, s12  }
0xdc: {  	[tilespmem:s14], [sflag:$0x4] =	stream.indirect.gather @!p1 [hbm4b:s5+s13], $0x40, s12, s13, $0xb8;
	[tilespmem:$0x1C000] =	vst v63  }
0xdd: {  	_ =	swait.ge [sflag:s26], $0x2000  }
0xde: {  	[sflag:s26] =	ssyncset.done $0x0  }
0xdf: {  	s14 =	sadd.s32 $0x3D00, s11;
	[sflag:s26] =	ssyncadd.s32 $0xFFFFE000  }
0xe0: {  	[spmem:s3] =	stream.indirect.scatter.add.f32 [tilespmem:s28], [sflag:$0x7], $0x40, s14, s21, $0xb8;
	[tilespmem:$0x1C000] =	vst v63  }
0xe1: {  	v1 =	vld [tilespmem:s11+$0x3D00];
	_ =	sdelay $0x7  }
0xe2: {  	[tilespmem:v1+s19+$0x0] =	vst.idx.add.f32.msk $0xffff, v0  }
0xe3: {  	v1 =	vld [tilespmem:s11+$0x3D10];
	_ =	sdelay $0x7  }
0xe4: {  	[tilespmem:v1+s19+$0x0] =	vst.idx.add.f32.msk $0xffff, v0  }
0xe5: {  	v1 =	vld [tilespmem:s11+$0x3D20];
	_ =	sdelay $0x7  }
0xe6: {  	[tilespmem:v1+s19+$0x0] =	vst.idx.add.f32.msk $0xffff, v0  }
0xe7: {  	v1 =	vld [tilespmem:s11+$0x3D30];
	_ =	sdelay $0x7  }
0xe8: {  	[tilespmem:v1+s19+$0x0] =	vst.idx.add.f32.msk $0xffff, v0  }
0xe9: {  	v1 =	vld [tilespmem:s11+$0x3D40];
	_ =	sdelay $0x7  }
0xea: {  	[tilespmem:v1+s19+$0x0] =	vst.idx.add.f32.msk $0xffff, v0  }
0xeb: {  	v1 =	vld [tilespmem:s11+$0x3D50];
	_ =	sdelay $0x7  }
0xec: {  	[tilespmem:v1+s19+$0x0] =	vst.idx.add.f32.msk $0xffff, v0  }
0xed: {  	v1 =	vld [tilespmem:s11+$0x3D60];
	_ =	sdelay $0x7  }
0xee: {  	[tilespmem:v1+s19+$0x0] =	vst.idx.add.f32.msk $0xffff, v0  }
0xef: {  	v1 =	vld [tilespmem:s11+$0x3D70];
	_ =	sdelay $0x7  }
0xf0: {  	s13 =	sadd.s32 $0xFFFFFFFF, s10;
	[tilespmem:v1+s19+$0x0] =	vst.idx.add.f32.msk $0xffff, v0  }
0xf1: {  	p0 =	sge.u32 s13, s7;
	_ =	swait.ge [sflag:s29], $0x2000  }
0xf2: {  	s12 =	sshra.s32 @!p0 s9, $0x2;
	s13 =	simm.s32 @!p0 $0x80;
	[sflag:s29] =	ssyncset.done $0x0  }
0xf3: {  	s12 =	sadd.s32 @!p0 $0x200, s12;
	s14 =	simm.s32 @!p0 $0x7800;
	[sflag:s29] =	ssyncadd.s32 $0xFFFFE000  }
0xf4: {  	[tilespmem:s14], [sflag:$0x1] =	stream.indirect.gather @!p0 [hbm4b:s5+s13], $0x40, s12, s13, $0xb8;
	[tilespmem:$0x1C000] =	vst v63  }
0xf5: {  	_ =	swait.ge [sflag:s30], $0x2000  }
0xf6: {  	[sflag:s30] =	ssyncset.done $0x0  }
0xf7: {  	s14 =	sadd.s32 $0x3D80, s11;
	[sflag:s30] =	ssyncadd.s32 $0xFFFFE000  }
0xf8: {  	[spmem:s3] =	stream.indirect.scatter.add.f32 [tilespmem:s31], [sflag:$0x8], $0x40, s14, s21, $0xb8;
	[tilespmem:$0x1C000] =	vst v63  }
0xf9: {  	v1 =	vld [tilespmem:s11+$0x3D80];
	_ =	sdelay $0x7  }
0xfa: {  	[tilespmem:v1+s19+$0x0] =	vst.idx.add.f32.msk $0xffff, v0  }
0xfb: {  	v1 =	vld [tilespmem:s11+$0x3D90];
	_ =	sdelay $0x7  }
0xfc: {  	[tilespmem:v1+s19+$0x0] =	vst.idx.add.f32.msk $0xffff, v0  }
0xfd: {  	v1 =	vld [tilespmem:s11+$0x3DA0];
	_ =	sdelay $0x7  }
0xfe: {  	[tilespmem:v1+s19+$0x0] =	vst.idx.add.f32.msk $0xffff, v0  }
0xff: {  	v1 =	vld [tilespmem:s11+$0x3DB0];
	_ =	sdelay $0x7  }
0x100: {  	[tilespmem:v1+s19+$0x0] =	vst.idx.add.f32.msk $0xffff, v0  }
0x101: {  	v1 =	vld [tilespmem:s11+$0x3DC0];
	_ =	sdelay $0x7  }
0x102: {  	[tilespmem:v1+s19+$0x0] =	vst.idx.add.f32.msk $0xffff, v0  }
0x103: {  	v1 =	vld [tilespmem:s11+$0x3DD0];
	_ =	sdelay $0x7  }
0x104: {  	[tilespmem:v1+s19+$0x0] =	vst.idx.add.f32.msk $0xffff, v0  }
0x105: {  	v1 =	vld [tilespmem:s11+$0x3DE0];
	_ =	sdelay $0x7  }
0x106: {  	[tilespmem:v1+s19+$0x0] =	vst.idx.add.f32.msk $0xffff, v0  }
0x107: {  	v1 =	vld [tilespmem:s11+$0x3DF0];
	_ =	sdelay $0x7  }
0x108: {  	p0 =	sge.u32 s10, s7;
	[tilespmem:v1+s19+$0x0] =	vst.idx.add.f32.msk $0xffff, v0  }
0x109: {  	s12 =	simm.s32 @!p0 $0x80;
	_ =	swait.ge [sflag:s0], $0x2000  }
0x10a: {  	s13 =	simm.s32 @!p0 $0x9800;
	s11 =	sshra.s32 @!p0 s9, $0x2;
	[sflag:s0] =	ssyncset.done $0x0  }
0x10b: {  	s9 =	sadd.s32 $0x800, s9;
	s11 =	sadd.s32 @!p0 $0x280, s11;
	[sflag:s0] =	ssyncadd.s32 $0xFFFFE000  }
0x10c: {  	[tilespmem:s13], [sflag:$0x2] =	stream.indirect.gather @!p0 [hbm4b:s5+s12], $0x40, s11, s12, $0xb8;
	[tilespmem:$0x1C000] =	vst v63  }
0x10d: {  	p0 =	sne.s32 s16, s9  }
.Ltmp1:
0x10e: {  	_ = 	snop;
	(pc) =	sbr.rel @p0 .LBB2_4-.Ltmp1, $2  }
0x10f: {  	_ =	sdelay $0x2  }
0x110: {  	s10 =	sadd.s32 $0x4, s10  }
0x111: {  	_ =	swait.ge [sflag:s1], $0x2000  }
0x112: {  	[sflag:s1] =	ssyncset.done $0x0  }
0x113: {  	[sflag:s1] =	ssyncadd.s32 $0xFFFFE000  }
0x114: {  	_ =	swait.ge [sflag:s2], $0x2000  }
0x115: {  	[sflag:s2] =	ssyncset.done $0x0  }
0x116: {  	[sflag:s2] =	ssyncadd.s32 $0xFFFFE000  }
0x117: {  	[bflag:$0x0] =	sbarrier.arrive $0xFFFF  }
0x118: {  	s9 =	rddreg [dreg:$0x9]  }
0x119: {  	[hbm:s9], [sflag:s8] =	dma.local [spmem:s17], $0x1400  }
0x11a: {  	s6 =	sadd.s32 $0x1, s6;
	_ =	swait.ge [sflag:s18], $0x1400  }
0x11b: {  	p0 =	sne.s32 s6, s15;
	[sflag:s18] =	ssyncset.done $0x0  }
.Ltmp2:
0x11c: {  	s14 =	rddreg [dreg:$0xa];
	[sflag:s18] =	ssyncadd.s32 $0xFFFFEC00;
	(pc) =	sbr.rel @p0 .LBB2_1-.Ltmp2, $4  }
0x11d: {  	[hbm4b:s14+s4] =	stream.linear.scatter [tilespmem:s19], [sflag:$0x9], $0x2800, $0x38;
	[tilespmem:$0x1C000] =	vst v63  }
0x11e: {  	_ =	swait.ge [sflag:s18], $0x2800  }
0x11f: {  	[sflag:s18] =	ssyncset.done $0x0  }
0x120: {  	[sflag:s18] =	ssyncadd.s32 $0xFFFFD800  }
0x121: {  	_ =	sfence.sel $0x180000  }
0x122: {  	[bflag:$0x0] =	sbarrier.arrive $0xFFFF  }
0x123: {  	_ =	strace $0x90000047  }
0x124: {  	s0 =	stileid.u32;
	[bflag:$0x2] =	sbarrier.arrive $0xFFFF  }
0x125: {  	p0 =	sne.s32 s0, $0x0;
	s0 =	rddreg [dreg:$0x3]  }
0x126: {  	s0 =	sadd.s32 @!p0 $0x100000, s0  }
0x127: {  	[sflag:s0] =	ssyncadd.tile.s32 @!p0 $0x1;
	_ =	shalt  }
.Lfunc_end2:
_tile_overlayer_lowered:
.L_overlay_start_2:
0x128: {  	(tag) =	ssettag $0x2  }
0x129: {  	s0 =	rddreg [dreg:$0x0];
	s2 =	stileid.u32  }
0x12a: {  	s1 =	rddreg [dreg:$0x1];
	p0 =	sne.s32 s2, $0x0  }
0x12b: {  	s3 =	rddreg [dreg:$0x2];
	[bflag:$0x3] =	sbarrier.arrive $0xFFFF;
	s2 =	simm.s32 @!p0 $0x1C09  }
0x12c: {  	[timem:s3], [sflag:s2] =	dma.local @!p0 [hbm:s0], s1  }
0x12d: {  	s0 =	simm.s32 @!p0 $0x9  }
0x12e: {  	_ =	swait.ge @!p0 [sflag:s0], s1  }
0x12f: {  	s1 =	ssub.s32 @!p0 $0x0, s1;
	[sflag:s0] =	ssyncset.done @!p0 $0x0  }
0x130: {  	[sflag:s0] =	ssyncadd.s32 @!p0 s1  }
0x131: {  	[bflag:$0x3] =	sbarrier.arrive $0xFFFF  }
0x132: {  	_ =	shalt  }

</sc_bundles>
